<compile_context>
chip_gen: v7x
topology: tpu7x:2x2x1
jax: 0.10.2.dev20260603
libtpu: 0.0.44.dev20260713+nightly
codegen_flags: <defaults>
</compile_context>

<pallas_src>
import functools

import jax
import jax.numpy as jnp
from jax import lax
from jax.experimental import pallas as pl
from jax.experimental.pallas import tpu as pltpu
from jax.experimental.pallas import tpu_sc as plsc

_N = 10000
_E = 320000
_G = 64
_NTILES = 16
_K = 80
_NP = 10240
_RPT = _NP // _NTILES


@functools.cache
def _make_sc_agg(mode):
    nblk = _NTILES if mode == "col" else 2 * _NTILES
    ngrp = 25
    grows = _E // (nblk * _K * ngrp)
    mesh = plsc.VectorSubcoreMesh(core_axis_name="c", subcore_axis_name="s")

    @functools.partial(
        pl.kernel,
        out_type=jax.ShapeDtypeStruct((2, _NP, 128), jnp.float32),
        mesh=mesh,
        scratch_types=[
            pltpu.VMEM((grows, _K), jnp.int32),
            pltpu.VMEM((grows, _K), jnp.int32),
            pltpu.VMEM((2, _K), jnp.int32),
            pltpu.VMEM((2, _K, 128), jnp.float32),
            pltpu.VMEM_SHARED((_NP, 128), jnp.float32),
            pltpu.SemaphoreType.DMA,
            pltpu.SemaphoreType.DMA,
        ],
    )
    def k(h2, src_r, dst_r, out, src_v, dst_v, gv, buf, acc, gsem, ssem):
        c = lax.axis_index("c")
        s = lax.axis_index("s")
        blk = s if mode == "col" else c * _NTILES + s

        zeros16 = jnp.zeros((16,), jnp.float32)

        @pl.loop(0, _K)
        def _zero_row(r):
            for i in range(8):
                buf[0, r, pl.ds(i * 16, 16)] = zeros16

        r0 = s * _RPT

        @pl.loop(0, _RPT // _K)
        def _zero_acc(t):
            pltpu.sync_copy(buf.at[0], acc.at[pl.ds(r0 + t * _K, _K)])

        plsc.subcore_barrier()

        def fire_gather(j, b):
            if mode == "col":
                for i in range(_K // 16):
                    sl = pl.ds(i * 16, 16)
                    gv[b, sl] = src_v[j, sl] * 2 + c
                return pltpu.async_copy(h2.at[gv.at[b]], buf.at[b], gsem)
            return pltpu.async_copy(h2.at[src_v.at[j]], buf.at[b], gsem)

        def fire_scatter(j, b):
            return pltpu.async_copy(buf.at[b], acc.at[dst_v.at[j]], ssem,
                                    add=True)

        @pl.loop(0, ngrp)
        def _group(g):
            pltpu.sync_copy(src_r.at[blk, g], src_v)
            pltpu.sync_copy(dst_r.at[blk, g], dst_v)
            gathers = [None, None]
            scatters = [None, None]
            gathers[0] = fire_gather(0, 0)
            for j in range(grows):
                b = j % 2
                bn = 1 - b
                gathers[b].wait()
                scatters[b] = fire_scatter(j, b)
                if j + 1 < grows:
                    if scatters[bn] is not None:
                        scatters[bn].wait()
                    gathers[bn] = fire_gather(j + 1, bn)
            scatters[(grows - 1) % 2].wait()

        plsc.subcore_barrier()
        pltpu.sync_copy(acc.at[pl.ds(r0, _RPT)], out.at[c, pl.ds(r0, _RPT)])

    return k


def _mlp_body_edge(h_ref, a_ref, w1_ref, b1_ref, w2_ref, b2_ref, o_ref):
    _mlp_core(h_ref[...] + a_ref[0] + a_ref[1],
              w1_ref, b1_ref, w2_ref, b2_ref, o_ref)


def _mlp_body_col(h_ref, a_ref, w1_ref, b1_ref, w2_ref, b2_ref, o_ref):
    agg = jnp.concatenate([a_ref[0], a_ref[1]], axis=1)
    _mlp_core(h_ref[...] + agg, w1_ref, b1_ref, w2_ref, b2_ref, o_ref)


def _mlp_core(z, w1_ref, b1_ref, w2_ref, b2_ref, o_ref):
    z = jnp.dot(z, w1_ref[...], preferred_element_type=jnp.float32) + b1_ref[...]
    z = jnp.maximum(z, 0.0)
    z = jnp.dot(z, w2_ref[...], preferred_element_type=jnp.float32) + b2_ref[...]
    o_ref[...] = jnp.maximum(z, 0.0)


def _tc_mlp(h, agg2, mode, w1, b1, w2, b2, block=1000):
    n, d = h.shape
    dh = w1.shape[1]
    return pl.pallas_call(
        _mlp_body_col if mode == "col" else _mlp_body_edge,
        grid=(n // block,),
        in_specs=[
            pl.BlockSpec((block, d), lambda i: (i, 0)),
            pl.BlockSpec((2, block, 128), lambda i: (0, i, 0)),
            pl.BlockSpec((d, dh), lambda i: (0, 0)),
            pl.BlockSpec((1, dh), lambda i: (0, 0)),
            pl.BlockSpec((dh, dh), lambda i: (0, 0)),
            pl.BlockSpec((1, dh), lambda i: (0, 0)),
        ],
        out_specs=pl.BlockSpec((block, dh), lambda i: (i, 0)),
        out_shape=jax.ShapeDtypeStruct((n, dh), jnp.float32),
    )(h, agg2, w1, b1.reshape(1, -1), w2, b2.reshape(1, -1))


def _pool_body(b_ref, h_ref, wfc_ref, bfc_ref, o_ref, sums, counts):
    i = pl.program_id(0)
    nb = pl.num_programs(0)

    @pl.when(i == 0)
    def _():
        sums[...] = jnp.zeros_like(sums)
        counts[...] = jnp.zeros_like(counts)

    bvec = b_ref[0]
    gids = lax.broadcasted_iota(jnp.int32, (_G, bvec.shape[1]), 0)
    m = (bvec == gids).astype(jnp.float32)
    sums[...] += jnp.dot(m, h_ref[...], preferred_element_type=jnp.float32)
    counts[...] += jnp.sum(m, axis=1, keepdims=True)

    @pl.when(i == nb - 1)
    def _():
        pooled = sums[...] / jnp.maximum(counts[...], 1.0)
        o_ref[...] = (
            jnp.dot(pooled, wfc_ref[...], preferred_element_type=jnp.float32)
            + bfc_ref[...]
        )


def _tc_pool_fc(batch, h, w_fc, b_fc, block=1000):
    n, d = h.shape
    dout = w_fc.shape[1]
    nb = n // block
    batch_r = batch.reshape(nb, 1, block)
    return pl.pallas_call(
        _pool_body,
        grid=(nb,),
        in_specs=[
            pl.BlockSpec((1, 1, block), lambda i: (i, 0, 0)),
            pl.BlockSpec((block, d), lambda i: (i, 0)),
            pl.BlockSpec((d, dout), lambda i: (0, 0)),
            pl.BlockSpec((1, dout), lambda i: (0, 0)),
        ],
        out_specs=pl.BlockSpec((_G, dout), lambda i: (0, 0)),
        out_shape=jax.ShapeDtypeStruct((_G, dout), jnp.float32),
        scratch_shapes=[
            pltpu.VMEM((_G, d), jnp.float32),
            pltpu.VMEM((_G, 1), jnp.float32),
        ],
    )(batch_r, h, w_fc, b_fc.reshape(1, -1))


def kernel(x, edge_index, edge_attr, batch,
           W1_0, b1_0, W2_0, b2_0,
           W1_1, b1_1, W2_1, b2_1,
           W1_2, b1_2, W2_2, b2_2,
           W_fc, b_fc):
    del edge_attr
    src = edge_index[0]
    dst = edge_index[1]
    src_e = src.reshape(2 * _NTILES, 25, -1, _K)
    dst_e = dst.reshape(2 * _NTILES, 25, -1, _K)
    src_c = src.reshape(_NTILES, 25, -1, _K)
    dst_c = dst.reshape(_NTILES, 25, -1, _K)

    agg2 = _make_sc_agg("edge")(x, src_e, dst_e)
    h = _tc_mlp(x, agg2, "edge", W1_0, b1_0, W2_0, b2_0)

    for (w1, b1, w2, b2) in [(W1_1, b1_1, W2_1, b2_1), (W1_2, b1_2, W2_2, b2_2)]:
        h2 = h.reshape(2 * _N, 128)
        agg2 = _make_sc_agg("col")(h2, src_c, dst_c)
        h = _tc_mlp(h, agg2, "col", w1, b1, w2, b2)

    return _tc_pool_fc(batch, h, W_fc, b_fc)

# --- scband reference (transcript-rebuilt; emitter-appended) ---
"""Pipeline reference for scband-gin-20890720928312 (READ-ONLY COPY).

The authoritative reference and input builder live on the scoring server;
editing this copy changes nothing except your own understanding.
"""

import jax, jax.numpy as jnp
import numpy as np

N = 10000
E = 320000
D_IN = 128
D_H = 256
D_OUT = 128
D_EDGE = 16
G = 64


def setup_inputs(seed: int = 0) -> dict:
    key = jax.random.key(seed)
    ks = jax.random.split(key, 24)
    x = jax.random.normal(ks[0], (N, D_IN), dtype=jnp.float32)
    edge_index = jax.random.randint(ks[1], (2, E), 0, N, dtype=jnp.int32)
    edge_attr = jax.random.normal(ks[2], (E, D_EDGE), dtype=jnp.float32)
    batch = jnp.sort(jax.random.randint(ks[3], (N,), 0, G, dtype=jnp.int32))
    inp = {
        'x': x,
        'edge_index': edge_index,
        'edge_attr': edge_attr,
        'batch': batch,
    }
    dims = [(D_IN, D_H), (D_H, D_H), (D_H, D_H)]
    for li, (di, dh) in enumerate(dims):
        inp[f'W1_{li}'] = jax.random.normal(ks[4 + 4 * li], (di, dh), dtype=jnp.float32) * 0.05
        inp[f'b1_{li}'] = jnp.zeros((dh,), dtype=jnp.float32)
        inp[f'W2_{li}'] = jax.random.normal(ks[5 + 4 * li], (dh, dh), dtype=jnp.float32) * 0.05
        inp[f'b2_{li}'] = jnp.zeros((dh,), dtype=jnp.float32)
    inp['W_fc'] = jax.random.normal(ks[20], (D_H, D_OUT), dtype=jnp.float32) * 0.05
    inp['b_fc'] = jnp.zeros((D_OUT,), dtype=jnp.float32)
    return inp


def _gin_conv(h, edge_index, W1, b1, W2, b2):
    # PyG GINConv with default eps=0: nn((1+eps)*x + sum_{j in N(i)} x_j)
    src = edge_index[0]
    dst = edge_index[1]
    msgs = jnp.take(h, src, axis=0)
    agg = jax.ops.segment_sum(msgs, dst, num_segments=h.shape[0])
    z = h + agg
    z = jnp.maximum(z @ W1 + b1, 0.0)
    z = z @ W2 + b2
    return z


def reference(x, edge_index, edge_attr, batch,
              W1_0, b1_0, W2_0, b2_0,
              W1_1, b1_1, W2_1, b2_1,
              W1_2, b1_2, W2_2, b2_2,
              W_fc, b_fc):
    # edge_attr is accepted but unused by GINConv (matches the torch module)
    layers = [(W1_0, b1_0, W2_0, b2_0), (W1_1, b1_1, W2_1, b2_1), (W1_2, b1_2, W2_2, b2_2)]
    h = x
    for (W1, b1, W2, b2) in layers:
        h = jnp.maximum(_gin_conv(h, edge_index, W1, b1, W2, b2), 0.0)
        # dropout p=0.0 (eval): identity
    sums = jax.ops.segment_sum(h, batch, num_segments=G)
    counts = jax.ops.segment_sum(jnp.ones((h.shape[0], 1), h.dtype), batch, num_segments=G)
    pooled = sums / jnp.maximum(counts, 1.0)
    return pooled @ W_fc + b_fc

if __name__ == "__main__":
    import jax
    _d = setup_inputs()
    print(jax.jit(kernel)(*tuple(_d.values())))

</pallas_src>

<mosaic_0001>
#map = affine_map<(d0, d1) -> (0, 0)>
#map1 = affine_map<(d0, d1) -> (0, 0, 0, 0)>
#map2 = affine_map<(d0, d1) -> (0, 0, 0)>
module attributes {stable_mosaic.version = 14 : i64} {
  func.func @k(%arg0: i32, %arg1: i32, %arg2: memref<20000x128xf32, #tpu.memory_space<hbm>>, %arg3: memref<16x25x10x80xi32, #tpu.memory_space<hbm>>, %arg4: memref<16x25x10x80xi32, #tpu.memory_space<hbm>>, %arg5: memref<2x10240x128xf32, #tpu.memory_space<hbm>>, %arg6: memref<10x80xi32, #tpu.memory_space<vmem>>, %arg7: memref<10x80xi32, #tpu.memory_space<vmem>>, %arg8: memref<2x80xi32, #tpu.memory_space<vmem>>, %arg9: memref<2x80x128xf32, #tpu.memory_space<vmem>>, %arg10: memref<10240x128xf32, #tpu.memory_space<vmem_shared>>, %arg11: memref<!tpu.dma_semaphore, #tpu.memory_space<semaphore_mem>>, %arg12: memref<!tpu.dma_semaphore, #tpu.memory_space<semaphore_mem>>) attributes {dimension_semantics = [#tpu.dimension_semantics<core_parallel>, #tpu.dimension_semantics<subcore_parallel>], iteration_bounds = array<i64: 2, 16>, scalar_prefetch = 0 : i64, scratch_operands = 7 : i64, tpu.core_type = #tpu.core_type<sc_vector_subcore>, window_params = [{transform_indices = #map}, {transform_indices = #map1}, {transform_indices = #map1}, {transform_indices = #map2}]} {
    %broadcast_in_dim3A = arith.constant 0.000000e+00 : f32
    %broadcast_in_dim3A_0 = vector.broadcast %broadcast_in_dim3A : f32 to vector<16xf32>
    %scan3A = arith.constant 0 : i32
    %scan3A_1 = arith.constant 80 : i32
    %scan3A_2 = arith.addi %scan3A, %scan3A_1 : i32
    %scan3A_3 = arith.constant 1 : i32
    scf.for %scan3A_17 = %scan3A to %scan3A_2 step %scan3A_3  : i32 {
      %mul3A_18 = arith.constant 1 : i32
      %mul3A_19 = arith.muli %scan3A_17, %mul3A_18 : i32
      %add3A = arith.constant 0 : i32
      %add3A_20 = arith.addi %add3A, %mul3A_19 : i32
      %swap3A = arith.constant 0 : i32
      %swap3A_21 = arith.index_cast %swap3A : i32 to index
      %swap3A_22 = arith.index_cast %add3A_20 : i32 to index
      %swap3A_23 = arith.constant 0 : index
      %swap3A_24 = tpu.vector_load %arg9[%swap3A_21, %swap3A_22, %swap3A_23] {strides = array<i32>} : memref<2x80x128xf32, #tpu.memory_space<vmem>>, vector<1x1x16xf32>,
      %swap3A_25 = vector.shape_cast %swap3A_24 : vector<1x1x16xf32> to vector<16xf32>
      %swap3A_26 = vector.shape_cast %broadcast_in_dim3A_0 : vector<16xf32> to vector<1x1x16xf32>
      tpu.vector_store %arg9[%swap3A_21, %swap3A_22, %swap3A_23], %swap3A_26 {strides = array<i32>} : memref<2x80x128xf32, #tpu.memory_space<vmem>>, vector<1x1x16xf32>,
      %swap3A_27 = arith.constant 0 : i32
      %swap3A_28 = arith.index_cast %swap3A_27 : i32 to index
      %swap3A_29 = arith.index_cast %add3A_20 : i32 to index
      %swap3A_30 = arith.constant 16 : index
      %swap3A_31 = tpu.vector_load %arg9[%swap3A_28, %swap3A_29, %swap3A_30] {strides = array<i32>} : memref<2x80x128xf32, #tpu.memory_space<vmem>>, vector<1x1x16xf32>,
      %swap3A_32 = vector.shape_cast %swap3A_31 : vector<1x1x16xf32> to vector<16xf32>
      %swap3A_33 = vector.shape_cast %broadcast_in_dim3A_0 : vector<16xf32> to vector<1x1x16xf32>
      tpu.vector_store %arg9[%swap3A_28, %swap3A_29, %swap3A_30], %swap3A_33 {strides = array<i32>} : memref<2x80x128xf32, #tpu.memory_space<vmem>>, vector<1x1x16xf32>,
      %swap3A_34 = arith.constant 0 : i32
      %swap3A_35 = arith.index_cast %swap3A_34 : i32 to index
      %swap3A_36 = arith.index_cast %add3A_20 : i32 to index
      %swap3A_37 = arith.constant 32 : index
      %swap3A_38 = tpu.vector_load %arg9[%swap3A_35, %swap3A_36, %swap3A_37] {strides = array<i32>} : memref<2x80x128xf32, #tpu.memory_space<vmem>>, vector<1x1x16xf32>,
      %swap3A_39 = vector.shape_cast %swap3A_38 : vector<1x1x16xf32> to vector<16xf32>
      %swap3A_40 = vector.shape_cast %broadcast_in_dim3A_0 : vector<16xf32> to vector<1x1x16xf32>
      tpu.vector_store %arg9[%swap3A_35, %swap3A_36, %swap3A_37], %swap3A_40 {strides = array<i32>} : memref<2x80x128xf32, #tpu.memory_space<vmem>>, vector<1x1x16xf32>,
      %swap3A_41 = arith.constant 0 : i32
      %swap3A_42 = arith.index_cast %swap3A_41 : i32 to index
      %swap3A_43 = arith.index_cast %add3A_20 : i32 to index
      %swap3A_44 = arith.constant 48 : index
      %swap3A_45 = tpu.vector_load %arg9[%swap3A_42, %swap3A_43, %swap3A_44] {strides = array<i32>} : memref<2x80x128xf32, #tpu.memory_space<vmem>>, vector<1x1x16xf32>,
      %swap3A_46 = vector.shape_cast %swap3A_45 : vector<1x1x16xf32> to vector<16xf32>
      %swap3A_47 = vector.shape_cast %broadcast_in_dim3A_0 : vector<16xf32> to vector<1x1x16xf32>
      tpu.vector_store %arg9[%swap3A_42, %swap3A_43, %swap3A_44], %swap3A_47 {strides = array<i32>} : memref<2x80x128xf32, #tpu.memory_space<vmem>>, vector<1x1x16xf32>,
      %swap3A_48 = arith.constant 0 : i32
      %swap3A_49 = arith.index_cast %swap3A_48 : i32 to index
      %swap3A_50 = arith.index_cast %add3A_20 : i32 to index
      %swap3A_51 = arith.constant 64 : index
      %swap3A_52 = tpu.vector_load %arg9[%swap3A_49, %swap3A_50, %swap3A_51] {strides = array<i32>} : memref<2x80x128xf32, #tpu.memory_space<vmem>>, vector<1x1x16xf32>,
      %swap3A_53 = vector.shape_cast %swap3A_52 : vector<1x1x16xf32> to vector<16xf32>
      %swap3A_54 = vector.shape_cast %broadcast_in_dim3A_0 : vector<16xf32> to vector<1x1x16xf32>
      tpu.vector_store %arg9[%swap3A_49, %swap3A_50, %swap3A_51], %swap3A_54 {strides = array<i32>} : memref<2x80x128xf32, #tpu.memory_space<vmem>>, vector<1x1x16xf32>,
      %swap3A_55 = arith.constant 0 : i32
      %swap3A_56 = arith.index_cast %swap3A_55 : i32 to index
      %swap3A_57 = arith.index_cast %add3A_20 : i32 to index
      %swap3A_58 = arith.constant 80 : index
      %swap3A_59 = tpu.vector_load %arg9[%swap3A_56, %swap3A_57, %swap3A_58] {strides = array<i32>} : memref<2x80x128xf32, #tpu.memory_space<vmem>>, vector<1x1x16xf32>,
      %swap3A_60 = vector.shape_cast %swap3A_59 : vector<1x1x16xf32> to vector<16xf32>
      %swap3A_61 = vector.shape_cast %broadcast_in_dim3A_0 : vector<16xf32> to vector<1x1x16xf32>
      tpu.vector_store %arg9[%swap3A_56, %swap3A_57, %swap3A_58], %swap3A_61 {strides = array<i32>} : memref<2x80x128xf32, #tpu.memory_space<vmem>>, vector<1x1x16xf32>,
      %swap3A_62 = arith.constant 0 : i32
      %swap3A_63 = arith.index_cast %swap3A_62 : i32 to index
      %swap3A_64 = arith.index_cast %add3A_20 : i32 to index
      %swap3A_65 = arith.constant 96 : index
      %swap3A_66 = tpu.vector_load %arg9[%swap3A_63, %swap3A_64, %swap3A_65] {strides = array<i32>} : memref<2x80x128xf32, #tpu.memory_space<vmem>>, vector<1x1x16xf32>,
      %swap3A_67 = vector.shape_cast %swap3A_66 : vector<1x1x16xf32> to vector<16xf32>
      %swap3A_68 = vector.shape_cast %broadcast_in_dim3A_0 : vector<16xf32> to vector<1x1x16xf32>
      tpu.vector_store %arg9[%swap3A_63, %swap3A_64, %swap3A_65], %swap3A_68 {strides = array<i32>} : memref<2x80x128xf32, #tpu.memory_space<vmem>>, vector<1x1x16xf32>,
      %swap3A_69 = arith.constant 0 : i32
      %swap3A_70 = arith.index_cast %swap3A_69 : i32 to index
      %swap3A_71 = arith.index_cast %add3A_20 : i32 to index
      %swap3A_72 = arith.constant 112 : index
      %swap3A_73 = tpu.vector_load %arg9[%swap3A_70, %swap3A_71, %swap3A_72] {strides = array<i32>} : memref<2x80x128xf32, #tpu.memory_space<vmem>>, vector<1x1x16xf32>,
      %swap3A_74 = vector.shape_cast %swap3A_73 : vector<1x1x16xf32> to vector<16xf32>
      %swap3A_75 = vector.shape_cast %broadcast_in_dim3A_0 : vector<16xf32> to vector<1x1x16xf32>
      tpu.vector_store %arg9[%swap3A_70, %swap3A_71, %swap3A_72], %swap3A_75 {strides = array<i32>} : memref<2x80x128xf32, #tpu.memory_space<vmem>>, vector<1x1x16xf32>,
    }
    %scan3A_4 = arith.constant 80 : i32
    %mul3A = arith.constant 640 : i32
    %mul3A_5 = arith.muli %arg1, %mul3A : i32
    %scan3A_6 = arith.constant 0 : i32
    %scan3A_7 = arith.constant 8 : i32
    %scan3A_8 = arith.addi %scan3A_6, %scan3A_7 : i32
    %scan3A_9 = arith.constant 1 : i32
    scf.for %scan3A_17 = %scan3A_6 to %scan3A_8 step %scan3A_9  : i32 {
      %mul3A_18 = arith.constant 1 : i32
      %mul3A_19 = arith.muli %scan3A_17, %mul3A_18 : i32
      %add3A = arith.constant 0 : i32
      %add3A_20 = arith.addi %add3A, %mul3A_19 : i32
      %mul3A_21 = arith.constant 80 : i32
      %mul3A_22 = arith.muli %add3A_20, %mul3A_21 : i32
      %add3A_23 = arith.addi %mul3A_5, %mul3A_22 : i32
      %run_scoped3A = arith.constant 0 : i32
      "tpu.region"() ({
        %run_scoped3A_24 = tpu.sem_alloc : memref<!tpu.dma_semaphore, #tpu.memory_space<semaphore_mem>>
        %dma_start3A = arith.constant 0 : i32
        %dma_start3A_25 = arith.constant 0 : i32
        %dma_start3A_26 = tpu.memref_slice %arg9[%run_scoped3A, %dma_start3A, %dma_start3A_25] : memref<2x80x128xf32, #tpu.memory_space<vmem>> -> memref<1x80x128xf32, #tpu.memory_space<vmem>>
        %dma_start3A_27 = tpu.memref_squeeze %dma_start3A_26 : memref<1x80x128xf32, #tpu.memory_space<vmem>> -> memref<80x128xf32, #tpu.memory_space<vmem>>
        %dma_start3A_28 = arith.constant 0 : i32
        %dma_start3A_29 = tpu.memref_slice %arg10[%add3A_23, %dma_start3A_28] : memref<10240x128xf32, #tpu.memory_space<vmem_shared>> -> memref<80x128xf32, #tpu.memory_space<vmem_shared>>
        %dma_start3A_30 = arith.constant 0 : i32
        %dma_start3A_31 = tpu.memref_slice %arg10[%add3A_23, %dma_start3A_30] : memref<10240x128xf32, #tpu.memory_space<vmem_shared>> -> memref<80x128xf32, #tpu.memory_space<vmem_shared>>
        %dma_start3A_32 = arith.constant 0 : i32
        %dma_start3A_33 = arith.constant 0 : i32
        %dma_start3A_34 = tpu.memref_slice %arg9[%run_scoped3A, %dma_start3A_32, %dma_start3A_33] : memref<2x80x128xf32, #tpu.memory_space<vmem>> -> memref<1x80x128xf32, #tpu.memory_space<vmem>>
        %dma_start3A_35 = tpu.memref_squeeze %dma_start3A_34 : memref<1x80x128xf32, #tpu.memory_space<vmem>> -> memref<80x128xf32, #tpu.memory_space<vmem>>
        tpu.enqueue_dma source(%dma_start3A_35 : memref<80x128xf32, #tpu.memory_space<vmem>>) target(%dma_start3A_31 : memref<80x128xf32, #tpu.memory_space<vmem_shared>>) target_semaphore(%run_scoped3A_24 : memref<!tpu.dma_semaphore, #tpu.memory_space<semaphore_mem>>)
        %dma_wait3A = arith.constant 0 : i32
        %dma_wait3A_36 = arith.constant 0 : i32
        %dma_wait3A_37 = tpu.memref_slice %arg9[%run_scoped3A, %dma_wait3A, %dma_wait3A_36] : memref<2x80x128xf32, #tpu.memory_space<vmem>> -> memref<1x80x128xf32, #tpu.memory_space<vmem>>
        %dma_wait3A_38 = tpu.memref_squeeze %dma_wait3A_37 : memref<1x80x128xf32, #tpu.memory_space<vmem>> -> memref<80x128xf32, #tpu.memory_space<vmem>>
        %dma_wait3A_39 = arith.constant 0 : i32
        %dma_wait3A_40 = tpu.memref_slice %arg10[%add3A_23, %dma_wait3A_39] : memref<10240x128xf32, #tpu.memory_space<vmem_shared>> -> memref<80x128xf32, #tpu.memory_space<vmem_shared>>
        %dma_wait3A_41 = arith.constant 0 : i32
        %dma_wait3A_42 = tpu.memref_slice %arg10[%add3A_23, %dma_wait3A_41] : memref<10240x128xf32, #tpu.memory_space<vmem_shared>> -> memref<80x128xf32, #tpu.memory_space<vmem_shared>>
        %dma_wait3A_43 = arith.constant 0 : i32
        %dma_wait3A_44 = arith.constant 0 : i32
        %dma_wait3A_45 = tpu.memref_slice %arg9[%run_scoped3A, %dma_wait3A_43, %dma_wait3A_44] : memref<2x80x128xf32, #tpu.memory_space<vmem>> -> memref<1x80x128xf32, #tpu.memory_space<vmem>>
        %dma_wait3A_46 = tpu.memref_squeeze %dma_wait3A_45 : memref<1x80x128xf32, #tpu.memory_space<vmem>> -> memref<80x128xf32, #tpu.memory_space<vmem>>
        tpu.wait_dma2 semaphore(%run_scoped3A_24 : memref<!tpu.dma_semaphore, #tpu.memory_space<semaphore_mem>>) src(%dma_wait3A_46 : memref<80x128xf32, #tpu.memory_space<vmem>>) dst(%dma_wait3A_42 : memref<80x128xf32, #tpu.memory_space<vmem_shared>>)
        tpu.yield
      }) : () -> ()
    }
    %scan3A_10 = arith.constant 8 : i32
    %barrier3A = arith.constant 0 : index
    tpu.barrier barrier_id(%barrier3A)
    %scan3A_11 = arith.constant 0 : i32
    %scan3A_12 = arith.constant 25 : i32
    %scan3A_13 = arith.addi %scan3A_11, %scan3A_12 : i32
    %scan3A_14 = arith.constant 1 : i32
    scf.for %scan3A_17 = %scan3A_11 to %scan3A_13 step %scan3A_14  : i32 {
      %mul3A_18 = arith.constant 1 : i32
      %mul3A_19 = arith.muli %scan3A_17, %mul3A_18 : i32
      %add3A = arith.constant 0 : i32
      %add3A_20 = arith.addi %add3A, %mul3A_19 : i32
      "tpu.region"() ({
        %run_scoped3A = tpu.sem_alloc : memref<!tpu.dma_semaphore, #tpu.memory_space<semaphore_mem>>
        %dma_start3A_1285 = arith.constant 0 : i32
        %dma_start3A_1286 = arith.constant 0 : i32
        %dma_start3A_1287 = tpu.memref_slice %arg3[%arg1, %add3A_20, %dma_start3A_1285, %dma_start3A_1286] : memref<16x25x10x80xi32, #tpu.memory_space<hbm>> -> memref<1x1x10x80xi32, #tpu.memory_space<hbm>>
        %dma_start3A_1288 = tpu.memref_squeeze %dma_start3A_1287 : memref<1x1x10x80xi32, #tpu.memory_space<hbm>> -> memref<10x80xi32, #tpu.memory_space<hbm>>
        %dma_start3A_1289 = arith.constant 0 : i32
        %dma_start3A_1290 = arith.constant 0 : i32
        %dma_start3A_1291 = tpu.memref_slice %arg3[%arg1, %add3A_20, %dma_start3A_1289, %dma_start3A_1290] : memref<16x25x10x80xi32, #tpu.memory_space<hbm>> -> memref<1x1x10x80xi32, #tpu.memory_space<hbm>>
        %dma_start3A_1292 = tpu.memref_squeeze %dma_start3A_1291 : memref<1x1x10x80xi32, #tpu.memory_space<hbm>> -> memref<10x80xi32, #tpu.memory_space<hbm>>
        tpu.enqueue_dma source(%dma_start3A_1292 : memref<10x80xi32, #tpu.memory_space<hbm>>) target(%arg6 : memref<10x80xi32, #tpu.memory_space<vmem>>) target_semaphore(%run_scoped3A : memref<!tpu.dma_semaphore, #tpu.memory_space<semaphore_mem>>)
        %dma_wait3A_1293 = arith.constant 0 : i32
        %dma_wait3A_1294 = arith.constant 0 : i32
        %dma_wait3A_1295 = tpu.memref_slice %arg3[%arg1, %add3A_20, %dma_wait3A_1293, %dma_wait3A_1294] : memref<16x25x10x80xi32, #tpu.memory_space<hbm>> -> memref<1x1x10x80xi32, #tpu.memory_space<hbm>>
        %dma_wait3A_1296 = tpu.memref_squeeze %dma_wait3A_1295 : memref<1x1x10x80xi32, #tpu.memory_space<hbm>> -> memref<10x80xi32, #tpu.memory_space<hbm>>
        %dma_wait3A_1297 = arith.constant 0 : i32
        %dma_wait3A_1298 = arith.constant 0 : i32
        %dma_wait3A_1299 = tpu.memref_slice %arg3[%arg1, %add3A_20, %dma_wait3A_1297, %dma_wait3A_1298] : memref<16x25x10x80xi32, #tpu.memory_space<hbm>> -> memref<1x1x10x80xi32, #tpu.memory_space<hbm>>
        %dma_wait3A_1300 = tpu.memref_squeeze %dma_wait3A_1299 : memref<1x1x10x80xi32, #tpu.memory_space<hbm>> -> memref<10x80xi32, #tpu.memory_space<hbm>>
        tpu.wait_dma2 semaphore(%run_scoped3A : memref<!tpu.dma_semaphore, #tpu.memory_space<semaphore_mem>>) src(%dma_wait3A_1300 : memref<10x80xi32, #tpu.memory_space<hbm>>) dst(%arg6 : memref<10x80xi32, #tpu.memory_space<vmem>>)
        tpu.yield
      }) : () -> ()
      "tpu.region"() ({
        %run_scoped3A = tpu.sem_alloc : memref<!tpu.dma_semaphore, #tpu.memory_space<semaphore_mem>>
        %dma_start3A_1285 = arith.constant 0 : i32
        %dma_start3A_1286 = arith.constant 0 : i32
        %dma_start3A_1287 = tpu.memref_slice %arg4[%arg1, %add3A_20, %dma_start3A_1285, %dma_start3A_1286] : memref<16x25x10x80xi32, #tpu.memory_space<hbm>> -> memref<1x1x10x80xi32, #tpu.memory_space<hbm>>
        %dma_start3A_1288 = tpu.memref_squeeze %dma_start3A_1287 : memref<1x1x10x80xi32, #tpu.memory_space<hbm>> -> memref<10x80xi32, #tpu.memory_space<hbm>>
        %dma_start3A_1289 = arith.constant 0 : i32
        %dma_start3A_1290 = arith.constant 0 : i32
        %dma_start3A_1291 = tpu.memref_slice %arg4[%arg1, %add3A_20, %dma_start3A_1289, %dma_start3A_1290] : memref<16x25x10x80xi32, #tpu.memory_space<hbm>> -> memref<1x1x10x80xi32, #tpu.memory_space<hbm>>
        %dma_start3A_1292 = tpu.memref_squeeze %dma_start3A_1291 : memref<1x1x10x80xi32, #tpu.memory_space<hbm>> -> memref<10x80xi32, #tpu.memory_space<hbm>>
        tpu.enqueue_dma source(%dma_start3A_1292 : memref<10x80xi32, #tpu.memory_space<hbm>>) target(%arg7 : memref<10x80xi32, #tpu.memory_space<vmem>>) target_semaphore(%run_scoped3A : memref<!tpu.dma_semaphore, #tpu.memory_space<semaphore_mem>>)
        %dma_wait3A_1293 = arith.constant 0 : i32
        %dma_wait3A_1294 = arith.constant 0 : i32
        %dma_wait3A_1295 = tpu.memref_slice %arg4[%arg1, %add3A_20, %dma_wait3A_1293, %dma_wait3A_1294] : memref<16x25x10x80xi32, #tpu.memory_space<hbm>> -> memref<1x1x10x80xi32, #tpu.memory_space<hbm>>
        %dma_wait3A_1296 = tpu.memref_squeeze %dma_wait3A_1295 : memref<1x1x10x80xi32, #tpu.memory_space<hbm>> -> memref<10x80xi32, #tpu.memory_space<hbm>>
        %dma_wait3A_1297 = arith.constant 0 : i32
        %dma_wait3A_1298 = arith.constant 0 : i32
        %dma_wait3A_1299 = tpu.memref_slice %arg4[%arg1, %add3A_20, %dma_wait3A_1297, %dma_wait3A_1298] : memref<16x25x10x80xi32, #tpu.memory_space<hbm>> -> memref<1x1x10x80xi32, #tpu.memory_space<hbm>>
        %dma_wait3A_1300 = tpu.memref_squeeze %dma_wait3A_1299 : memref<1x1x10x80xi32, #tpu.memory_space<hbm>> -> memref<10x80xi32, #tpu.memory_space<hbm>>
        tpu.wait_dma2 semaphore(%run_scoped3A : memref<!tpu.dma_semaphore, #tpu.memory_space<semaphore_mem>>) src(%dma_wait3A_1300 : memref<10x80xi32, #tpu.memory_space<hbm>>) dst(%arg7 : memref<10x80xi32, #tpu.memory_space<vmem>>)
        tpu.yield
      }) : () -> ()
      %get3A = arith.constant 0 : i32
      %get3A_21 = arith.index_cast %get3A : i32 to index
      %get3A_22 = arith.constant 0 : index
      %get3A_23 = tpu.vector_load %arg6[%get3A_21, %get3A_22] {strides = array<i32>} : memref<10x80xi32, #tpu.memory_space<vmem>>, vector<1x16xi32>,
      %get3A_24 = vector.shape_cast %get3A_23 : vector<1x16xi32> to vector<16xi32>
      %mul3A_25 = arith.constant 2 : i32
      %mul3A_26 = vector.broadcast %mul3A_25 : i32 to vector<16xi32>
      %mul3A_27 = arith.muli %get3A_24, %mul3A_26 : vector<16xi32>
      %add3A_28 = vector.broadcast %arg0 : i32 to vector<16xi32>
      %add3A_29 = arith.addi %mul3A_27, %add3A_28 : vector<16xi32>
      %swap3A = arith.constant 0 : i32
      %swap3A_30 = arith.index_cast %swap3A : i32 to index
      %swap3A_31 = arith.constant 0 : index
      %swap3A_32 = tpu.vector_load %arg8[%swap3A_30, %swap3A_31] {strides = array<i32>} : memref<2x80xi32, #tpu.memory_space<vmem>>, vector<1x16xi32>,
      %swap3A_33 = vector.shape_cast %swap3A_32 : vector<1x16xi32> to vector<16xi32>
      %swap3A_34 = vector.shape_cast %add3A_29 : vector<16xi32> to vector<1x16xi32>
      tpu.vector_store %arg8[%swap3A_30, %swap3A_31], %swap3A_34 {strides = array<i32>} : memref<2x80xi32, #tpu.memory_space<vmem>>, vector<1x16xi32>,
      %get3A_35 = arith.constant 0 : i32
      %get3A_36 = arith.index_cast %get3A_35 : i32 to index
      %get3A_37 = arith.constant 16 : index
      %get3A_38 = tpu.vector_load %arg6[%get3A_36, %get3A_37] {strides = array<i32>} : memref<10x80xi32, #tpu.memory_space<vmem>>, vector<1x16xi32>,
      %get3A_39 = vector.shape_cast %get3A_38 : vector<1x16xi32> to vector<16xi32>
      %mul3A_40 = arith.constant 2 : i32
      %mul3A_41 = vector.broadcast %mul3A_40 : i32 to vector<16xi32>
      %mul3A_42 = arith.muli %get3A_39, %mul3A_41 : vector<16xi32>
      %add3A_43 = vector.broadcast %arg0 : i32 to vector<16xi32>
      %add3A_44 = arith.addi %mul3A_42, %add3A_43 : vector<16xi32>
      %swap3A_45 = arith.constant 0 : i32
      %swap3A_46 = arith.index_cast %swap3A_45 : i32 to index
      %swap3A_47 = arith.constant 16 : index
      %swap3A_48 = tpu.vector_load %arg8[%swap3A_46, %swap3A_47] {strides = array<i32>} : memref<2x80xi32, #tpu.memory_space<vmem>>, vector<1x16xi32>,
      %swap3A_49 = vector.shape_cast %swap3A_48 : vector<1x16xi32> to vector<16xi32>
      %swap3A_50 = vector.shape_cast %add3A_44 : vector<16xi32> to vector<1x16xi32>
      tpu.vector_store %arg8[%swap3A_46, %swap3A_47], %swap3A_50 {strides = array<i32>} : memref<2x80xi32, #tpu.memory_space<vmem>>, vector<1x16xi32>,
      %get3A_51 = arith.constant 0 : i32
      %get3A_52 = arith.index_cast %get3A_51 : i32 to index
      %get3A_53 = arith.constant 32 : index
      %get3A_54 = tpu.vector_load %arg6[%get3A_52, %get3A_53] {strides = array<i32>} : memref<10x80xi32, #tpu.memory_space<vmem>>, vector<1x16xi32>,
      %get3A_55 = vector.shape_cast %get3A_54 : vector<1x16xi32> to vector<16xi32>
      %mul3A_56 = arith.constant 2 : i32
      %mul3A_57 = vector.broadcast %mul3A_56 : i32 to vector<16xi32>
      %mul3A_58 = arith.muli %get3A_55, %mul3A_57 : vector<16xi32>
      %add3A_59 = vector.broadcast %arg0 : i32 to vector<16xi32>
      %add3A_60 = arith.addi %mul3A_58, %add3A_59 : vector<16xi32>
      %swap3A_61 = arith.constant 0 : i32
      %swap3A_62 = arith.index_cast %swap3A_61 : i32 to index
      %swap3A_63 = arith.constant 32 : index
      %swap3A_64 = tpu.vector_load %arg8[%swap3A_62, %swap3A_63] {strides = array<i32>} : memref<2x80xi32, #tpu.memory_space<vmem>>, vector<1x16xi32>,
      %swap3A_65 = vector.shape_cast %swap3A_64 : vector<1x16xi32> to vector<16xi32>
      %swap3A_66 = vector.shape_cast %add3A_60 : vector<16xi32> to vector<1x16xi32>
      tpu.vector_store %arg8[%swap3A_62, %swap3A_63], %swap3A_66 {strides = array<i32>} : memref<2x80xi32, #tpu.memory_space<vmem>>, vector<1x16xi32>,
      %get3A_67 = arith.constant 0 : i32
      %get3A_68 = arith.index_cast %get3A_67 : i32 to index
      %get3A_69 = arith.constant 48 : index
      %get3A_70 = tpu.vector_load %arg6[%get3A_68, %get3A_69] {strides = array<i32>} : memref<10x80xi32, #tpu.memory_space<vmem>>, vector<1x16xi32>,
      %get3A_71 = vector.shape_cast %get3A_70 : vector<1x16xi32> to vector<16xi32>
      %mul3A_72 = arith.constant 2 : i32
      %mul3A_73 = vector.broadcast %mul3A_72 : i32 to vector<16xi32>
      %mul3A_74 = arith.muli %get3A_71, %mul3A_73 : vector<16xi32>
      %add3A_75 = vector.broadcast %arg0 : i32 to vector<16xi32>
      %add3A_76 = arith.addi %mul3A_74, %add3A_75 : vector<16xi32>
      %swap3A_77 = arith.constant 0 : i32
      %swap3A_78 = arith.index_cast %swap3A_77 : i32 to index
      %swap3A_79 = arith.constant 48 : index
      %swap3A_80 = tpu.vector_load %arg8[%swap3A_78, %swap3A_79] {strides = array<i32>} : memref<2x80xi32, #tpu.memory_space<vmem>>, vector<1x16xi32>,
      %swap3A_81 = vector.shape_cast %swap3A_80 : vector<1x16xi32> to vector<16xi32>
      %swap3A_82 = vector.shape_cast %add3A_76 : vector<16xi32> to vector<1x16xi32>
      tpu.vector_store %arg8[%swap3A_78, %swap3A_79], %swap3A_82 {strides = array<i32>} : memref<2x80xi32, #tpu.memory_space<vmem>>, vector<1x16xi32>,
      %get3A_83 = arith.constant 0 : i32
      %get3A_84 = arith.index_cast %get3A_83 : i32 to index
      %get3A_85 = arith.constant 64 : index
      %get3A_86 = tpu.vector_load %arg6[%get3A_84, %get3A_85] {strides = array<i32>} : memref<10x80xi32, #tpu.memory_space<vmem>>, vector<1x16xi32>,
      %get3A_87 = vector.shape_cast %get3A_86 : vector<1x16xi32> to vector<16xi32>
      %mul3A_88 = arith.constant 2 : i32
      %mul3A_89 = vector.broadcast %mul3A_88 : i32 to vector<16xi32>
      %mul3A_90 = arith.muli %get3A_87, %mul3A_89 : vector<16xi32>
      %add3A_91 = vector.broadcast %arg0 : i32 to vector<16xi32>
      %add3A_92 = arith.addi %mul3A_90, %add3A_91 : vector<16xi32>
      %swap3A_93 = arith.constant 0 : i32
      %swap3A_94 = arith.index_cast %swap3A_93 : i32 to index
      %swap3A_95 = arith.constant 64 : index
      %swap3A_96 = tpu.vector_load %arg8[%swap3A_94, %swap3A_95] {strides = array<i32>} : memref<2x80xi32, #tpu.memory_space<vmem>>, vector<1x16xi32>,
      %swap3A_97 = vector.shape_cast %swap3A_96 : vector<1x16xi32> to vector<16xi32>
      %swap3A_98 = vector.shape_cast %add3A_92 : vector<16xi32> to vector<1x16xi32>
      tpu.vector_store %arg8[%swap3A_94, %swap3A_95], %swap3A_98 {strides = array<i32>} : memref<2x80xi32, #tpu.memory_space<vmem>>, vector<1x16xi32>,
      %dma_start3A = arith.constant 0 : i32
      %dma_start3A_99 = arith.constant 0 : i32
      %dma_start3A_100 = arith.constant 0 : i32
      %dma_start3A_101 = arith.constant 0 : i32
      %dma_start3A_102 = tpu.memref_slice %arg9[%dma_start3A_99, %dma_start3A_100, %dma_start3A_101] : memref<2x80x128xf32, #tpu.memory_space<vmem>> -> memref<1x80x128xf32, #tpu.memory_space<vmem>>
      %dma_start3A_103 = tpu.memref_squeeze %dma_start3A_102 : memref<1x80x128xf32, #tpu.memory_space<vmem>> -> memref<80x128xf32, #tpu.memory_space<vmem>>
      %dma_start3A_104 = arith.constant 0 : i32
      %dma_start3A_105 = tpu.memref_slice %arg8[%dma_start3A, %dma_start3A_104] : memref<2x80xi32, #tpu.memory_space<vmem>> -> memref<1x80xi32, #tpu.memory_space<vmem>>
      %dma_start3A_106 = tpu.memref_squeeze %dma_start3A_105 : memref<1x80xi32, #tpu.memory_space<vmem>> -> memref<80xi32, #tpu.memory_space<vmem>>
      %dma_start3A_107 = arith.constant 0 : i32
      %dma_start3A_108 = arith.constant 0 : i32
      %dma_start3A_109 = tpu.memref_slice %arg2[%dma_start3A_107, %dma_start3A_108] : memref<20000x128xf32, #tpu.memory_space<hbm>> -> memref<20000x128xf32, #tpu.memory_space<hbm>>
      tpu.enqueue_indirect_dma source(%dma_start3A_109 : memref<20000x128xf32, #tpu.memory_space<hbm>>) target(%dma_start3A_103 : memref<80x128xf32, #tpu.memory_space<vmem>>) offsets(%dma_start3A_106 : memref<80xi32, #tpu.memory_space<vmem>>) semaphore(%arg11 : memref<!tpu.dma_semaphore, #tpu.memory_space<semaphore_mem>>)
      %dma_wait3A = arith.constant 0 : i32
      %dma_wait3A_110 = arith.constant 0 : i32
      %dma_wait3A_111 = arith.constant 0 : i32
      %dma_wait3A_112 = arith.constant 0 : i32
      %dma_wait3A_113 = tpu.memref_slice %arg9[%dma_wait3A_110, %dma_wait3A_111, %dma_wait3A_112] : memref<2x80x128xf32, #tpu.memory_space<vmem>> -> memref<1x80x128xf32, #tpu.memory_space<vmem>>
      %dma_wait3A_114 = tpu.memref_squeeze %dma_wait3A_113 : memref<1x80x128xf32, #tpu.memory_space<vmem>> -> memref<80x128xf32, #tpu.memory_space<vmem>>
      %dma_wait3A_115 = arith.constant 0 : i32
      %dma_wait3A_116 = tpu.memref_slice %arg8[%dma_wait3A, %dma_wait3A_115] : memref<2x80xi32, #tpu.memory_space<vmem>> -> memref<1x80xi32, #tpu.memory_space<vmem>>
      %dma_wait3A_117 = tpu.memref_squeeze %dma_wait3A_116 : memref<1x80xi32, #tpu.memory_space<vmem>> -> memref<80xi32, #tpu.memory_space<vmem>>
      %dma_wait3A_118 = arith.constant 0 : i32
      %dma_wait3A_119 = arith.constant 0 : i32
      %dma_wait3A_120 = tpu.memref_slice %arg2[%dma_wait3A_118, %dma_wait3A_119] : memref<20000x128xf32, #tpu.memory_space<hbm>> -> memref<20000x128xf32, #tpu.memory_space<hbm>>
      tpu.wait_indirect_dma semaphore(%arg11 : memref<!tpu.dma_semaphore, #tpu.memory_space<semaphore_mem>>) src(%dma_wait3A_120 : memref<20000x128xf32, #tpu.memory_space<hbm>>) dst(%dma_wait3A_114 : memref<80x128xf32, #tpu.memory_space<vmem>>)
      %dma_start3A_121 = arith.constant 0 : i32
      %dma_start3A_122 = arith.constant 0 : i32
      %dma_start3A_123 = arith.constant 0 : i32
      %dma_start3A_124 = arith.constant 0 : i32
      %dma_start3A_125 = tpu.memref_slice %arg9[%dma_start3A_121, %dma_start3A_123, %dma_start3A_124] : memref<2x80x128xf32, #tpu.memory_space<vmem>> -> memref<1x80x128xf32, #tpu.memory_space<vmem>>
      %dma_start3A_126 = tpu.memref_squeeze %dma_start3A_125 : memref<1x80x128xf32, #tpu.memory_space<vmem>> -> memref<80x128xf32, #tpu.memory_space<vmem>>
      %dma_start3A_127 = arith.constant 0 : i32
      %dma_start3A_128 = tpu.memref_slice %arg7[%dma_start3A_122, %dma_start3A_127] : memref<10x80xi32, #tpu.memory_space<vmem>> -> memref<1x80xi32, #tpu.memory_space<vmem>>
      %dma_start3A_129 = tpu.memref_squeeze %dma_start3A_128 : memref<1x80xi32, #tpu.memory_space<vmem>> -> memref<80xi32, #tpu.memory_space<vmem>>
      %dma_start3A_130 = arith.constant 0 : i32
      %dma_start3A_131 = arith.constant 0 : i32
      %dma_start3A_132 = tpu.memref_slice %arg10[%dma_start3A_130, %dma_start3A_131] : memref<10240x128xf32, #tpu.memory_space<vmem_shared>> -> memref<10240x128xf32, #tpu.memory_space<vmem_shared>>
      tpu.enqueue_indirect_dma source(%dma_start3A_126 : memref<80x128xf32, #tpu.memory_space<vmem>>) target(%dma_start3A_132 : memref<10240x128xf32, #tpu.memory_space<vmem_shared>>) offsets(%dma_start3A_129 : memref<80xi32, #tpu.memory_space<vmem>>) semaphore(%arg12 : memref<!tpu.dma_semaphore, #tpu.memory_space<semaphore_mem>>) {add = true}
      %get3A_133 = arith.constant 1 : i32
      %get3A_134 = arith.index_cast %get3A_133 : i32 to index
      %get3A_135 = arith.constant 0 : index
      %get3A_136 = tpu.vector_load %arg6[%get3A_134, %get3A_135] {strides = array<i32>} : memref<10x80xi32, #tpu.memory_space<vmem>>, vector<1x16xi32>,
      %get3A_137 = vector.shape_cast %get3A_136 : vector<1x16xi32> to vector<16xi32>
      %mul3A_138 = arith.constant 2 : i32
      %mul3A_139 = vector.broadcast %mul3A_138 : i32 to vector<16xi32>
      %mul3A_140 = arith.muli %get3A_137, %mul3A_139 : vector<16xi32>
      %add3A_141 = vector.broadcast %arg0 : i32 to vector<16xi32>
      %add3A_142 = arith.addi %mul3A_140, %add3A_141 : vector<16xi32>
      %swap3A_143 = arith.constant 1 : i32
      %swap3A_144 = arith.index_cast %swap3A_143 : i32 to index
      %swap3A_145 = arith.constant 0 : index
      %swap3A_146 = tpu.vector_load %arg8[%swap3A_144, %swap3A_145] {strides = array<i32>} : memref<2x80xi32, #tpu.memory_space<vmem>>, vector<1x16xi32>,
      %swap3A_147 = vector.shape_cast %swap3A_146 : vector<1x16xi32> to vector<16xi32>
      %swap3A_148 = vector.shape_cast %add3A_142 : vector<16xi32> to vector<1x16xi32>
      tpu.vector_store %arg8[%swap3A_144, %swap3A_145], %swap3A_148 {strides = array<i32>} : memref<2x80xi32, #tpu.memory_space<vmem>>, vector<1x16xi32>,
      %get3A_149 = arith.constant 1 : i32
      %get3A_150 = arith.index_cast %get3A_149 : i32 to index
      %get3A_151 = arith.constant 16 : index
      %get3A_152 = tpu.vector_load %arg6[%get3A_150, %get3A_151] {strides = array<i32>} : memref<10x80xi32, #tpu.memory_space<vmem>>, vector<1x16xi32>,
      %get3A_153 = vector.shape_cast %get3A_152 : vector<1x16xi32> to vector<16xi32>
      %mul3A_154 = arith.constant 2 : i32
      %mul3A_155 = vector.broadcast %mul3A_154 : i32 to vector<16xi32>
      %mul3A_156 = arith.muli %get3A_153, %mul3A_155 : vector<16xi32>
      %add3A_157 = vector.broadcast %arg0 : i32 to vector<16xi32>
      %add3A_158 = arith.addi %mul3A_156, %add3A_157 : vector<16xi32>
      %swap3A_159 = arith.constant 1 : i32
      %swap3A_160 = arith.index_cast %swap3A_159 : i32 to index
      %swap3A_161 = arith.constant 16 : index
      %swap3A_162 = tpu.vector_load %arg8[%swap3A_160, %swap3A_161] {strides = array<i32>} : memref<2x80xi32, #tpu.memory_space<vmem>>, vector<1x16xi32>,
      %swap3A_163 = vector.shape_cast %swap3A_162 : vector<1x16xi32> to vector<16xi32>
      %swap3A_164 = vector.shape_cast %add3A_158 : vector<16xi32> to vector<1x16xi32>
      tpu.vector_store %arg8[%swap3A_160, %swap3A_161], %swap3A_164 {strides = array<i32>} : memref<2x80xi32, #tpu.memory_space<vmem>>, vector<1x16xi32>,
      %get3A_165 = arith.constant 1 : i32
      %get3A_166 = arith.index_cast %get3A_165 : i32 to index
      %get3A_167 = arith.constant 32 : index
      %get3A_168 = tpu.vector_load %arg6[%get3A_166, %get3A_167] {strides = array<i32>} : memref<10x80xi32, #tpu.memory_space<vmem>>, vector<1x16xi32>,
      %get3A_169 = vector.shape_cast %get3A_168 : vector<1x16xi32> to vector<16xi32>
      %mul3A_170 = arith.constant 2 : i32
      %mul3A_171 = vector.broadcast %mul3A_170 : i32 to vector<16xi32>
      %mul3A_172 = arith.muli %get3A_169, %mul3A_171 : vector<16xi32>
      %add3A_173 = vector.broadcast %arg0 : i32 to vector<16xi32>
      %add3A_174 = arith.addi %mul3A_172, %add3A_173 : vector<16xi32>
      %swap3A_175 = arith.constant 1 : i32
      %swap3A_176 = arith.index_cast %swap3A_175 : i32 to index
      %swap3A_177 = arith.constant 32 : index
      %swap3A_178 = tpu.vector_load %arg8[%swap3A_176, %swap3A_177] {strides = array<i32>} : memref<2x80xi32, #tpu.memory_space<vmem>>, vector<1x16xi32>,
      %swap3A_179 = vector.shape_cast %swap3A_178 : vector<1x16xi32> to vector<16xi32>
      %swap3A_180 = vector.shape_cast %add3A_174 : vector<16xi32> to vector<1x16xi32>
      tpu.vector_store %arg8[%swap3A_176, %swap3A_177], %swap3A_180 {strides = array<i32>} : memref<2x80xi32, #tpu.memory_space<vmem>>, vector<1x16xi32>,
      %get3A_181 = arith.constant 1 : i32
      %get3A_182 = arith.index_cast %get3A_181 : i32 to index
      %get3A_183 = arith.constant 48 : index
      %get3A_184 = tpu.vector_load %arg6[%get3A_182, %get3A_183] {strides = array<i32>} : memref<10x80xi32, #tpu.memory_space<vmem>>, vector<1x16xi32>,
      %get3A_185 = vector.shape_cast %get3A_184 : vector<1x16xi32> to vector<16xi32>
      %mul3A_186 = arith.constant 2 : i32
      %mul3A_187 = vector.broadcast %mul3A_186 : i32 to vector<16xi32>
      %mul3A_188 = arith.muli %get3A_185, %mul3A_187 : vector<16xi32>
      %add3A_189 = vector.broadcast %arg0 : i32 to vector<16xi32>
      %add3A_190 = arith.addi %mul3A_188, %add3A_189 : vector<16xi32>
      %swap3A_191 = arith.constant 1 : i32
      %swap3A_192 = arith.index_cast %swap3A_191 : i32 to index
      %swap3A_193 = arith.constant 48 : index
      %swap3A_194 = tpu.vector_load %arg8[%swap3A_192, %swap3A_193] {strides = array<i32>} : memref<2x80xi32, #tpu.memory_space<vmem>>, vector<1x16xi32>,
      %swap3A_195 = vector.shape_cast %swap3A_194 : vector<1x16xi32> to vector<16xi32>
      %swap3A_196 = vector.shape_cast %add3A_190 : vector<16xi32> to vector<1x16xi32>
      tpu.vector_store %arg8[%swap3A_192, %swap3A_193], %swap3A_196 {strides = array<i32>} : memref<2x80xi32, #tpu.memory_space<vmem>>, vector<1x16xi32>,
      %get3A_197 = arith.constant 1 : i32
      %get3A_198 = arith.index_cast %get3A_197 : i32 to index
      %get3A_199 = arith.constant 64 : index
      %get3A_200 = tpu.vector_load %arg6[%get3A_198, %get3A_199] {strides = array<i32>} : memref<10x80xi32, #tpu.memory_space<vmem>>, vector<1x16xi32>,
      %get3A_201 = vector.shape_cast %get3A_200 : vector<1x16xi32> to vector<16xi32>
      %mul3A_202 = arith.constant 2 : i32
      %mul3A_203 = vector.broadcast %mul3A_202 : i32 to vector<16xi32>
      %mul3A_204 = arith.muli %get3A_201, %mul3A_203 : vector<16xi32>
      %add3A_205 = vector.broadcast %arg0 : i32 to vector<16xi32>
      %add3A_206 = arith.addi %mul3A_204, %add3A_205 : vector<16xi32>
      %swap3A_207 = arith.constant 1 : i32
      %swap3A_208 = arith.index_cast %swap3A_207 : i32 to index
      %swap3A_209 = arith.constant 64 : index
      %swap3A_210 = tpu.vector_load %arg8[%swap3A_208, %swap3A_209] {strides = array<i32>} : memref<2x80xi32, #tpu.memory_space<vmem>>, vector<1x16xi32>,
      %swap3A_211 = vector.shape_cast %swap3A_210 : vector<1x16xi32> to vector<16xi32>
      %swap3A_212 = vector.shape_cast %add3A_206 : vector<16xi32> to vector<1x16xi32>
      tpu.vector_store %arg8[%swap3A_208, %swap3A_209], %swap3A_212 {strides = array<i32>} : memref<2x80xi32, #tpu.memory_space<vmem>>, vector<1x16xi32>,
      %dma_start3A_213 = arith.constant 1 : i32
      %dma_start3A_214 = arith.constant 1 : i32
      %dma_start3A_215 = arith.constant 0 : i32
      %dma_start3A_216 = arith.constant 0 : i32
      %dma_start3A_217 = tpu.memref_slice %arg9[%dma_start3A_214, %dma_start3A_215, %dma_start3A_216] : memref<2x80x128xf32, #tpu.memory_space<vmem>> -> memref<1x80x128xf32, #tpu.memory_space<vmem>>
      %dma_start3A_218 = tpu.memref_squeeze %dma_start3A_217 : memref<1x80x128xf32, #tpu.memory_space<vmem>> -> memref<80x128xf32, #tpu.memory_space<vmem>>
      %dma_start3A_219 = arith.constant 0 : i32
      %dma_start3A_220 = tpu.memref_slice %arg8[%dma_start3A_213, %dma_start3A_219] : memref<2x80xi32, #tpu.memory_space<vmem>> -> memref<1x80xi32, #tpu.memory_space<vmem>>
      %dma_start3A_221 = tpu.memref_squeeze %dma_start3A_220 : memref<1x80xi32, #tpu.memory_space<vmem>> -> memref<80xi32, #tpu.memory_space<vmem>>
      %dma_start3A_222 = arith.constant 0 : i32
      %dma_start3A_223 = arith.constant 0 : i32
      %dma_start3A_224 = tpu.memref_slice %arg2[%dma_start3A_222, %dma_start3A_223] : memref<20000x128xf32, #tpu.memory_space<hbm>> -> memref<20000x128xf32, #tpu.memory_space<hbm>>
      tpu.enqueue_indirect_dma source(%dma_start3A_224 : memref<20000x128xf32, #tpu.memory_space<hbm>>) target(%dma_start3A_218 : memref<80x128xf32, #tpu.memory_space<vmem>>) offsets(%dma_start3A_221 : memref<80xi32, #tpu.memory_space<vmem>>) semaphore(%arg11 : memref<!tpu.dma_semaphore, #tpu.memory_space<semaphore_mem>>)
      %dma_wait3A_225 = arith.constant 1 : i32
      %dma_wait3A_226 = arith.constant 1 : i32
      %dma_wait3A_227 = arith.constant 0 : i32
      %dma_wait3A_228 = arith.constant 0 : i32
      %dma_wait3A_229 = tpu.memref_slice %arg9[%dma_wait3A_226, %dma_wait3A_227, %dma_wait3A_228] : memref<2x80x128xf32, #tpu.memory_space<vmem>> -> memref<1x80x128xf32, #tpu.memory_space<vmem>>
      %dma_wait3A_230 = tpu.memref_squeeze %dma_wait3A_229 : memref<1x80x128xf32, #tpu.memory_space<vmem>> -> memref<80x128xf32, #tpu.memory_space<vmem>>
      %dma_wait3A_231 = arith.constant 0 : i32
      %dma_wait3A_232 = tpu.memref_slice %arg8[%dma_wait3A_225, %dma_wait3A_231] : memref<2x80xi32, #tpu.memory_space<vmem>> -> memref<1x80xi32, #tpu.memory_space<vmem>>
      %dma_wait3A_233 = tpu.memref_squeeze %dma_wait3A_232 : memref<1x80xi32, #tpu.memory_space<vmem>> -> memref<80xi32, #tpu.memory_space<vmem>>
      %dma_wait3A_234 = arith.constant 0 : i32
      %dma_wait3A_235 = arith.constant 0 : i32
      %dma_wait3A_236 = tpu.memref_slice %arg2[%dma_wait3A_234, %dma_wait3A_235] : memref<20000x128xf32, #tpu.memory_space<hbm>> -> memref<20000x128xf32, #tpu.memory_space<hbm>>
      tpu.wait_indirect_dma semaphore(%arg11 : memref<!tpu.dma_semaphore, #tpu.memory_space<semaphore_mem>>) src(%dma_wait3A_236 : memref<20000x128xf32, #tpu.memory_space<hbm>>) dst(%dma_wait3A_230 : memref<80x128xf32, #tpu.memory_space<vmem>>)
      %dma_start3A_237 = arith.constant 1 : i32
      %dma_start3A_238 = arith.constant 1 : i32
      %dma_start3A_239 = arith.constant 0 : i32
      %dma_start3A_240 = arith.constant 0 : i32
      %dma_start3A_241 = tpu.memref_slice %arg9[%dma_start3A_237, %dma_start3A_239, %dma_start3A_240] : memref<2x80x128xf32, #tpu.memory_space<vmem>> -> memref<1x80x128xf32, #tpu.memory_space<vmem>>
      %dma_start3A_242 = tpu.memref_squeeze %dma_start3A_241 : memref<1x80x128xf32, #tpu.memory_space<vmem>> -> memref<80x128xf32, #tpu.memory_space<vmem>>
      %dma_start3A_243 = arith.constant 0 : i32
      %dma_start3A_244 = tpu.memref_slice %arg7[%dma_start3A_238, %dma_start3A_243] : memref<10x80xi32, #tpu.memory_space<vmem>> -> memref<1x80xi32, #tpu.memory_space<vmem>>
      %dma_start3A_245 = tpu.memref_squeeze %dma_start3A_244 : memref<1x80xi32, #tpu.memory_space<vmem>> -> memref<80xi32, #tpu.memory_space<vmem>>
      %dma_start3A_246 = arith.constant 0 : i32
      %dma_start3A_247 = arith.constant 0 : i32
      %dma_start3A_248 = tpu.memref_slice %arg10[%dma_start3A_246, %dma_start3A_247] : memref<10240x128xf32, #tpu.memory_space<vmem_shared>> -> memref<10240x128xf32, #tpu.memory_space<vmem_shared>>
      tpu.enqueue_indirect_dma source(%dma_start3A_242 : memref<80x128xf32, #tpu.memory_space<vmem>>) target(%dma_start3A_248 : memref<10240x128xf32, #tpu.memory_space<vmem_shared>>) offsets(%dma_start3A_245 : memref<80xi32, #tpu.memory_space<vmem>>) semaphore(%arg12 : memref<!tpu.dma_semaphore, #tpu.memory_space<semaphore_mem>>) {add = true}
      %dma_wait3A_249 = arith.constant 0 : i32
      %dma_wait3A_250 = arith.constant 0 : i32
      %dma_wait3A_251 = arith.constant 0 : i32
      %dma_wait3A_252 = arith.constant 0 : i32
      %dma_wait3A_253 = tpu.memref_slice %arg9[%dma_wait3A_249, %dma_wait3A_251, %dma_wait3A_252] : memref<2x80x128xf32, #tpu.memory_space<vmem>> -> memref<1x80x128xf32, #tpu.memory_space<vmem>>
      %dma_wait3A_254 = tpu.memref_squeeze %dma_wait3A_253 : memref<1x80x128xf32, #tpu.memory_space<vmem>> -> memref<80x128xf32, #tpu.memory_space<vmem>>
      %dma_wait3A_255 = arith.constant 0 : i32
      %dma_wait3A_256 = tpu.memref_slice %arg7[%dma_wait3A_250, %dma_wait3A_255] : memref<10x80xi32, #tpu.memory_space<vmem>> -> memref<1x80xi32, #tpu.memory_space<vmem>>
      %dma_wait3A_257 = tpu.memref_squeeze %dma_wait3A_256 : memref<1x80xi32, #tpu.memory_space<vmem>> -> memref<80xi32, #tpu.memory_space<vmem>>
      %dma_wait3A_258 = arith.constant 0 : i32
      %dma_wait3A_259 = arith.constant 0 : i32
      %dma_wait3A_260 = tpu.memref_slice %arg10[%dma_wait3A_258, %dma_wait3A_259] : memref<10240x128xf32, #tpu.memory_space<vmem_shared>> -> memref<10240x128xf32, #tpu.memory_space<vmem_shared>>
      tpu.wait_indirect_dma semaphore(%arg12 : memref<!tpu.dma_semaphore, #tpu.memory_space<semaphore_mem>>) src(%dma_wait3A_254 : memref<80x128xf32, #tpu.memory_space<vmem>>) dst(%dma_wait3A_260 : memref<10240x128xf32, #tpu.memory_space<vmem_shared>>)
      %get3A_261 = arith.constant 2 : i32
      %get3A_262 = arith.index_cast %get3A_261 : i32 to index
      %get3A_263 = arith.constant 0 : index
      %get3A_264 = tpu.vector_load %arg6[%get3A_262, %get3A_263] {strides = array<i32>} : memref<10x80xi32, #tpu.memory_space<vmem>>, vector<1x16xi32>,
      %get3A_265 = vector.shape_cast %get3A_264 : vector<1x16xi32> to vector<16xi32>
      %mul3A_266 = arith.constant 2 : i32
      %mul3A_267 = vector.broadcast %mul3A_266 : i32 to vector<16xi32>
      %mul3A_268 = arith.muli %get3A_265, %mul3A_267 : vector<16xi32>
      %add3A_269 = vector.broadcast %arg0 : i32 to vector<16xi32>
      %add3A_270 = arith.addi %mul3A_268, %add3A_269 : vector<16xi32>
      %swap3A_271 = arith.constant 0 : i32
      %swap3A_272 = arith.index_cast %swap3A_271 : i32 to index
      %swap3A_273 = arith.constant 0 : index
      %swap3A_274 = tpu.vector_load %arg8[%swap3A_272, %swap3A_273] {strides = array<i32>} : memref<2x80xi32, #tpu.memory_space<vmem>>, vector<1x16xi32>,
      %swap3A_275 = vector.shape_cast %swap3A_274 : vector<1x16xi32> to vector<16xi32>
      %swap3A_276 = vector.shape_cast %add3A_270 : vector<16xi32> to vector<1x16xi32>
      tpu.vector_store %arg8[%swap3A_272, %swap3A_273], %swap3A_276 {strides = array<i32>} : memref<2x80xi32, #tpu.memory_space<vmem>>, vector<1x16xi32>,
      %get3A_277 = arith.constant 2 : i32
      %get3A_278 = arith.index_cast %get3A_277 : i32 to index
      %get3A_279 = arith.constant 16 : index
      %get3A_280 = tpu.vector_load %arg6[%get3A_278, %get3A_279] {strides = array<i32>} : memref<10x80xi32, #tpu.memory_space<vmem>>, vector<1x16xi32>,
      %get3A_281 = vector.shape_cast %get3A_280 : vector<1x16xi32> to vector<16xi32>
      %mul3A_282 = arith.constant 2 : i32
      %mul3A_283 = vector.broadcast %mul3A_282 : i32 to vector<16xi32>
      %mul3A_284 = arith.muli %get3A_281, %mul3A_283 : vector<16xi32>
      %add3A_285 = vector.broadcast %arg0 : i32 to vector<16xi32>
      %add3A_286 = arith.addi %mul3A_284, %add3A_285 : vector<16xi32>
      %swap3A_287 = arith.constant 0 : i32
      %swap3A_288 = arith.index_cast %swap3A_287 : i32 to index
      %swap3A_289 = arith.constant 16 : index
      %swap3A_290 = tpu.vector_load %arg8[%swap3A_288, %swap3A_289] {strides = array<i32>} : memref<2x80xi32, #tpu.memory_space<vmem>>, vector<1x16xi32>,
      %swap3A_291 = vector.shape_cast %swap3A_290 : vector<1x16xi32> to vector<16xi32>
      %swap3A_292 = vector.shape_cast %add3A_286 : vector<16xi32> to vector<1x16xi32>
      tpu.vector_store %arg8[%swap3A_288, %swap3A_289], %swap3A_292 {strides = array<i32>} : memref<2x80xi32, #tpu.memory_space<vmem>>, vector<1x16xi32>,
      %get3A_293 = arith.constant 2 : i32
      %get3A_294 = arith.index_cast %get3A_293 : i32 to index
      %get3A_295 = arith.constant 32 : index
      %get3A_296 = tpu.vector_load %arg6[%get3A_294, %get3A_295] {strides = array<i32>} : memref<10x80xi32, #tpu.memory_space<vmem>>, vector<1x16xi32>,
      %get3A_297 = vector.shape_cast %get3A_296 : vector<1x16xi32> to vector<16xi32>
      %mul3A_298 = arith.constant 2 : i32
      %mul3A_299 = vector.broadcast %mul3A_298 : i32 to vector<16xi32>
      %mul3A_300 = arith.muli %get3A_297, %mul3A_299 : vector<16xi32>
      %add3A_301 = vector.broadcast %arg0 : i32 to vector<16xi32>
      %add3A_302 = arith.addi %mul3A_300, %add3A_301 : vector<16xi32>
      %swap3A_303 = arith.constant 0 : i32
      %swap3A_304 = arith.index_cast %swap3A_303 : i32 to index
      %swap3A_305 = arith.constant 32 : index
      %swap3A_306 = tpu.vector_load %arg8[%swap3A_304, %swap3A_305] {strides = array<i32>} : memref<2x80xi32, #tpu.memory_space<vmem>>, vector<1x16xi32>,
      %swap3A_307 = vector.shape_cast %swap3A_306 : vector<1x16xi32> to vector<16xi32>
      %swap3A_308 = vector.shape_cast %add3A_302 : vector<16xi32> to vector<1x16xi32>
      tpu.vector_store %arg8[%swap3A_304, %swap3A_305], %swap3A_308 {strides = array<i32>} : memref<2x80xi32, #tpu.memory_space<vmem>>, vector<1x16xi32>,
      %get3A_309 = arith.constant 2 : i32
      %get3A_310 = arith.index_cast %get3A_309 : i32 to index
      %get3A_311 = arith.constant 48 : index
      %get3A_312 = tpu.vector_load %arg6[%get3A_310, %get3A_311] {strides = array<i32>} : memref<10x80xi32, #tpu.memory_space<vmem>>, vector<1x16xi32>,
      %get3A_313 = vector.shape_cast %get3A_312 : vector<1x16xi32> to vector<16xi32>
      %mul3A_314 = arith.constant 2 : i32
      %mul3A_315 = vector.broadcast %mul3A_314 : i32 to vector<16xi32>
      %mul3A_316 = arith.muli %get3A_313, %mul3A_315 : vector<16xi32>
      %add3A_317 = vector.broadcast %arg0 : i32 to vector<16xi32>
      %add3A_318 = arith.addi %mul3A_316, %add3A_317 : vector<16xi32>
      %swap3A_319 = arith.constant 0 : i32
      %swap3A_320 = arith.index_cast %swap3A_319 : i32 to index
      %swap3A_321 = arith.constant 48 : index
      %swap3A_322 = tpu.vector_load %arg8[%swap3A_320, %swap3A_321] {strides = array<i32>} : memref<2x80xi32, #tpu.memory_space<vmem>>, vector<1x16xi32>,
      %swap3A_323 = vector.shape_cast %swap3A_322 : vector<1x16xi32> to vector<16xi32>
      %swap3A_324 = vector.shape_cast %add3A_318 : vector<16xi32> to vector<1x16xi32>
      tpu.vector_store %arg8[%swap3A_320, %swap3A_321], %swap3A_324 {strides = array<i32>} : memref<2x80xi32, #tpu.memory_space<vmem>>, vector<1x16xi32>,
      %get3A_325 = arith.constant 2 : i32
      %get3A_326 = arith.index_cast %get3A_325 : i32 to index
      %get3A_327 = arith.constant 64 : index
      %get3A_328 = tpu.vector_load %arg6[%get3A_326, %get3A_327] {strides = array<i32>} : memref<10x80xi32, #tpu.memory_space<vmem>>, vector<1x16xi32>,
      %get3A_329 = vector.shape_cast %get3A_328 : vector<1x16xi32> to vector<16xi32>
      %mul3A_330 = arith.constant 2 : i32
      %mul3A_331 = vector.broadcast %mul3A_330 : i32 to vector<16xi32>
      %mul3A_332 = arith.muli %get3A_329, %mul3A_331 : vector<16xi32>
      %add3A_333 = vector.broadcast %arg0 : i32 to vector<16xi32>
      %add3A_334 = arith.addi %mul3A_332, %add3A_333 : vector<16xi32>
      %swap3A_335 = arith.constant 0 : i32
      %swap3A_336 = arith.index_cast %swap3A_335 : i32 to index
      %swap3A_337 = arith.constant 64 : index
      %swap3A_338 = tpu.vector_load %arg8[%swap3A_336, %swap3A_337] {strides = array<i32>} : memref<2x80xi32, #tpu.memory_space<vmem>>, vector<1x16xi32>,
      %swap3A_339 = vector.shape_cast %swap3A_338 : vector<1x16xi32> to vector<16xi32>
      %swap3A_340 = vector.shape_cast %add3A_334 : vector<16xi32> to vector<1x16xi32>
      tpu.vector_store %arg8[%swap3A_336, %swap3A_337], %swap3A_340 {strides = array<i32>} : memref<2x80xi32, #tpu.memory_space<vmem>>, vector<1x16xi32>,
      %dma_start3A_341 = arith.constant 0 : i32
      %dma_start3A_342 = arith.constant 0 : i32
      %dma_start3A_343 = arith.constant 0 : i32
      %dma_start3A_344 = arith.constant 0 : i32
      %dma_start3A_345 = tpu.memref_slice %arg9[%dma_start3A_342, %dma_start3A_343, %dma_start3A_344] : memref<2x80x128xf32, #tpu.memory_space<vmem>> -> memref<1x80x128xf32, #tpu.memory_space<vmem>>
      %dma_start3A_346 = tpu.memref_squeeze %dma_start3A_345 : memref<1x80x128xf32, #tpu.memory_space<vmem>> -> memref<80x128xf32, #tpu.memory_space<vmem>>
      %dma_start3A_347 = arith.constant 0 : i32
      %dma_start3A_348 = tpu.memref_slice %arg8[%dma_start3A_341, %dma_start3A_347] : memref<2x80xi32, #tpu.memory_space<vmem>> -> memref<1x80xi32, #tpu.memory_space<vmem>>
      %dma_start3A_349 = tpu.memref_squeeze %dma_start3A_348 : memref<1x80xi32, #tpu.memory_space<vmem>> -> memref<80xi32, #tpu.memory_space<vmem>>
      %dma_start3A_350 = arith.constant 0 : i32
      %dma_start3A_351 = arith.constant 0 : i32
      %dma_start3A_352 = tpu.memref_slice %arg2[%dma_start3A_350, %dma_start3A_351] : memref<20000x128xf32, #tpu.memory_space<hbm>> -> memref<20000x128xf32, #tpu.memory_space<hbm>>
      tpu.enqueue_indirect_dma source(%dma_start3A_352 : memref<20000x128xf32, #tpu.memory_space<hbm>>) target(%dma_start3A_346 : memref<80x128xf32, #tpu.memory_space<vmem>>) offsets(%dma_start3A_349 : memref<80xi32, #tpu.memory_space<vmem>>) semaphore(%arg11 : memref<!tpu.dma_semaphore, #tpu.memory_space<semaphore_mem>>)
      %dma_wait3A_353 = arith.constant 0 : i32
      %dma_wait3A_354 = arith.constant 0 : i32
      %dma_wait3A_355 = arith.constant 0 : i32
      %dma_wait3A_356 = arith.constant 0 : i32
      %dma_wait3A_357 = tpu.memref_slice %arg9[%dma_wait3A_354, %dma_wait3A_355, %dma_wait3A_356] : memref<2x80x128xf32, #tpu.memory_space<vmem>> -> memref<1x80x128xf32, #tpu.memory_space<vmem>>
      %dma_wait3A_358 = tpu.memref_squeeze %dma_wait3A_357 : memref<1x80x128xf32, #tpu.memory_space<vmem>> -> memref<80x128xf32, #tpu.memory_space<vmem>>
      %dma_wait3A_359 = arith.constant 0 : i32
      %dma_wait3A_360 = tpu.memref_slice %arg8[%dma_wait3A_353, %dma_wait3A_359] : memref<2x80xi32, #tpu.memory_space<vmem>> -> memref<1x80xi32, #tpu.memory_space<vmem>>
      %dma_wait3A_361 = tpu.memref_squeeze %dma_wait3A_360 : memref<1x80xi32, #tpu.memory_space<vmem>> -> memref<80xi32, #tpu.memory_space<vmem>>
      %dma_wait3A_362 = arith.constant 0 : i32
      %dma_wait3A_363 = arith.constant 0 : i32
      %dma_wait3A_364 = tpu.memref_slice %arg2[%dma_wait3A_362, %dma_wait3A_363] : memref<20000x128xf32, #tpu.memory_space<hbm>> -> memref<20000x128xf32, #tpu.memory_space<hbm>>
      tpu.wait_indirect_dma semaphore(%arg11 : memref<!tpu.dma_semaphore, #tpu.memory_space<semaphore_mem>>) src(%dma_wait3A_364 : memref<20000x128xf32, #tpu.memory_space<hbm>>) dst(%dma_wait3A_358 : memref<80x128xf32, #tpu.memory_space<vmem>>)
      %dma_start3A_365 = arith.constant 0 : i32
      %dma_start3A_366 = arith.constant 2 : i32
      %dma_start3A_367 = arith.constant 0 : i32
      %dma_start3A_368 = arith.constant 0 : i32
      %dma_start3A_369 = tpu.memref_slice %arg9[%dma_start3A_365, %dma_start3A_367, %dma_start3A_368] : memref<2x80x128xf32, #tpu.memory_space<vmem>> -> memref<1x80x128xf32, #tpu.memory_space<vmem>>
      %dma_start3A_370 = tpu.memref_squeeze %dma_start3A_369 : memref<1x80x128xf32, #tpu.memory_space<vmem>> -> memref<80x128xf32, #tpu.memory_space<vmem>>
      %dma_start3A_371 = arith.constant 0 : i32
      %dma_start3A_372 = tpu.memref_slice %arg7[%dma_start3A_366, %dma_start3A_371] : memref<10x80xi32, #tpu.memory_space<vmem>> -> memref<1x80xi32, #tpu.memory_space<vmem>>
      %dma_start3A_373 = tpu.memref_squeeze %dma_start3A_372 : memref<1x80xi32, #tpu.memory_space<vmem>> -> memref<80xi32, #tpu.memory_space<vmem>>
      %dma_start3A_374 = arith.constant 0 : i32
      %dma_start3A_375 = arith.constant 0 : i32
      %dma_start3A_376 = tpu.memref_slice %arg10[%dma_start3A_374, %dma_start3A_375] : memref<10240x128xf32, #tpu.memory_space<vmem_shared>> -> memref<10240x128xf32, #tpu.memory_space<vmem_shared>>
      tpu.enqueue_indirect_dma source(%dma_start3A_370 : memref<80x128xf32, #tpu.memory_space<vmem>>) target(%dma_start3A_376 : memref<10240x128xf32, #tpu.memory_space<vmem_shared>>) offsets(%dma_start3A_373 : memref<80xi32, #tpu.memory_space<vmem>>) semaphore(%arg12 : memref<!tpu.dma_semaphore, #tpu.memory_space<semaphore_mem>>) {add = true}
      %dma_wait3A_377 = arith.constant 1 : i32
      %dma_wait3A_378 = arith.constant 1 : i32
      %dma_wait3A_379 = arith.constant 0 : i32
      %dma_wait3A_380 = arith.constant 0 : i32
      %dma_wait3A_381 = tpu.memref_slice %arg9[%dma_wait3A_377, %dma_wait3A_379, %dma_wait3A_380] : memref<2x80x128xf32, #tpu.memory_space<vmem>> -> memref<1x80x128xf32, #tpu.memory_space<vmem>>
      %dma_wait3A_382 = tpu.memref_squeeze %dma_wait3A_381 : memref<1x80x128xf32, #tpu.memory_space<vmem>> -> memref<80x128xf32, #tpu.memory_space<vmem>>
      %dma_wait3A_383 = arith.constant 0 : i32
      %dma_wait3A_384 = tpu.memref_slice %arg7[%dma_wait3A_378, %dma_wait3A_383] : memref<10x80xi32, #tpu.memory_space<vmem>> -> memref<1x80xi32, #tpu.memory_space<vmem>>
      %dma_wait3A_385 = tpu.memref_squeeze %dma_wait3A_384 : memref<1x80xi32, #tpu.memory_space<vmem>> -> memref<80xi32, #tpu.memory_space<vmem>>
      %dma_wait3A_386 = arith.constant 0 : i32
      %dma_wait3A_387 = arith.constant 0 : i32
      %dma_wait3A_388 = tpu.memref_slice %arg10[%dma_wait3A_386, %dma_wait3A_387] : memref<10240x128xf32, #tpu.memory_space<vmem_shared>> -> memref<10240x128xf32, #tpu.memory_space<vmem_shared>>
      tpu.wait_indirect_dma semaphore(%arg12 : memref<!tpu.dma_semaphore, #tpu.memory_space<semaphore_mem>>) src(%dma_wait3A_382 : memref<80x128xf32, #tpu.memory_space<vmem>>) dst(%dma_wait3A_388 : memref<10240x128xf32, #tpu.memory_space<vmem_shared>>)
      %get3A_389 = arith.constant 3 : i32
      %get3A_390 = arith.index_cast %get3A_389 : i32 to index
      %get3A_391 = arith.constant 0 : index
      %get3A_392 = tpu.vector_load %arg6[%get3A_390, %get3A_391] {strides = array<i32>} : memref<10x80xi32, #tpu.memory_space<vmem>>, vector<1x16xi32>,
      %get3A_393 = vector.shape_cast %get3A_392 : vector<1x16xi32> to vector<16xi32>
      %mul3A_394 = arith.constant 2 : i32
      %mul3A_395 = vector.broadcast %mul3A_394 : i32 to vector<16xi32>
      %mul3A_396 = arith.muli %get3A_393, %mul3A_395 : vector<16xi32>
      %add3A_397 = vector.broadcast %arg0 : i32 to vector<16xi32>
      %add3A_398 = arith.addi %mul3A_396, %add3A_397 : vector<16xi32>
      %swap3A_399 = arith.constant 1 : i32
      %swap3A_400 = arith.index_cast %swap3A_399 : i32 to index
      %swap3A_401 = arith.constant 0 : index
      %swap3A_402 = tpu.vector_load %arg8[%swap3A_400, %swap3A_401] {strides = array<i32>} : memref<2x80xi32, #tpu.memory_space<vmem>>, vector<1x16xi32>,
      %swap3A_403 = vector.shape_cast %swap3A_402 : vector<1x16xi32> to vector<16xi32>
      %swap3A_404 = vector.shape_cast %add3A_398 : vector<16xi32> to vector<1x16xi32>
      tpu.vector_store %arg8[%swap3A_400, %swap3A_401], %swap3A_404 {strides = array<i32>} : memref<2x80xi32, #tpu.memory_space<vmem>>, vector<1x16xi32>,
      %get3A_405 = arith.constant 3 : i32
      %get3A_406 = arith.index_cast %get3A_405 : i32 to index
      %get3A_407 = arith.constant 16 : index
      %get3A_408 = tpu.vector_load %arg6[%get3A_406, %get3A_407] {strides = array<i32>} : memref<10x80xi32, #tpu.memory_space<vmem>>, vector<1x16xi32>,
      %get3A_409 = vector.shape_cast %get3A_408 : vector<1x16xi32> to vector<16xi32>
      %mul3A_410 = arith.constant 2 : i32
      %mul3A_411 = vector.broadcast %mul3A_410 : i32 to vector<16xi32>
      %mul3A_412 = arith.muli %get3A_409, %mul3A_411 : vector<16xi32>
      %add3A_413 = vector.broadcast %arg0 : i32 to vector<16xi32>
      %add3A_414 = arith.addi %mul3A_412, %add3A_413 : vector<16xi32>
      %swap3A_415 = arith.constant 1 : i32
      %swap3A_416 = arith.index_cast %swap3A_415 : i32 to index
      %swap3A_417 = arith.constant 16 : index
      %swap3A_418 = tpu.vector_load %arg8[%swap3A_416, %swap3A_417] {strides = array<i32>} : memref<2x80xi32, #tpu.memory_space<vmem>>, vector<1x16xi32>,
      %swap3A_419 = vector.shape_cast %swap3A_418 : vector<1x16xi32> to vector<16xi32>
      %swap3A_420 = vector.shape_cast %add3A_414 : vector<16xi32> to vector<1x16xi32>
      tpu.vector_store %arg8[%swap3A_416, %swap3A_417], %swap3A_420 {strides = array<i32>} : memref<2x80xi32, #tpu.memory_space<vmem>>, vector<1x16xi32>,
      %get3A_421 = arith.constant 3 : i32
      %get3A_422 = arith.index_cast %get3A_421 : i32 to index
      %get3A_423 = arith.constant 32 : index
      %get3A_424 = tpu.vector_load %arg6[%get3A_422, %get3A_423] {strides = array<i32>} : memref<10x80xi32, #tpu.memory_space<vmem>>, vector<1x16xi32>,
      %get3A_425 = vector.shape_cast %get3A_424 : vector<1x16xi32> to vector<16xi32>
      %mul3A_426 = arith.constant 2 : i32
      %mul3A_427 = vector.broadcast %mul3A_426 : i32 to vector<16xi32>
      %mul3A_428 = arith.muli %get3A_425, %mul3A_427 : vector<16xi32>
      %add3A_429 = vector.broadcast %arg0 : i32 to vector<16xi32>
      %add3A_430 = arith.addi %mul3A_428, %add3A_429 : vector<16xi32>
      %swap3A_431 = arith.constant 1 : i32
      %swap3A_432 = arith.index_cast %swap3A_431 : i32 to index
      %swap3A_433 = arith.constant 32 : index
      %swap3A_434 = tpu.vector_load %arg8[%swap3A_432, %swap3A_433] {strides = array<i32>} : memref<2x80xi32, #tpu.memory_space<vmem>>, vector<1x16xi32>,
      %swap3A_435 = vector.shape_cast %swap3A_434 : vector<1x16xi32> to vector<16xi32>
      %swap3A_436 = vector.shape_cast %add3A_430 : vector<16xi32> to vector<1x16xi32>
      tpu.vector_store %arg8[%swap3A_432, %swap3A_433], %swap3A_436 {strides = array<i32>} : memref<2x80xi32, #tpu.memory_space<vmem>>, vector<1x16xi32>,
      %get3A_437 = arith.constant 3 : i32
      %get3A_438 = arith.index_cast %get3A_437 : i32 to index
      %get3A_439 = arith.constant 48 : index
      %get3A_440 = tpu.vector_load %arg6[%get3A_438, %get3A_439] {strides = array<i32>} : memref<10x80xi32, #tpu.memory_space<vmem>>, vector<1x16xi32>,
      %get3A_441 = vector.shape_cast %get3A_440 : vector<1x16xi32> to vector<16xi32>
      %mul3A_442 = arith.constant 2 : i32
      %mul3A_443 = vector.broadcast %mul3A_442 : i32 to vector<16xi32>
      %mul3A_444 = arith.muli %get3A_441, %mul3A_443 : vector<16xi32>
      %add3A_445 = vector.broadcast %arg0 : i32 to vector<16xi32>
      %add3A_446 = arith.addi %mul3A_444, %add3A_445 : vector<16xi32>
      %swap3A_447 = arith.constant 1 : i32
      %swap3A_448 = arith.index_cast %swap3A_447 : i32 to index
      %swap3A_449 = arith.constant 48 : index
      %swap3A_450 = tpu.vector_load %arg8[%swap3A_448, %swap3A_449] {strides = array<i32>} : memref<2x80xi32, #tpu.memory_space<vmem>>, vector<1x16xi32>,
      %swap3A_451 = vector.shape_cast %swap3A_450 : vector<1x16xi32> to vector<16xi32>
      %swap3A_452 = vector.shape_cast %add3A_446 : vector<16xi32> to vector<1x16xi32>
      tpu.vector_store %arg8[%swap3A_448, %swap3A_449], %swap3A_452 {strides = array<i32>} : memref<2x80xi32, #tpu.memory_space<vmem>>, vector<1x16xi32>,
      %get3A_453 = arith.constant 3 : i32
      %get3A_454 = arith.index_cast %get3A_453 : i32 to index
      %get3A_455 = arith.constant 64 : index
      %get3A_456 = tpu.vector_load %arg6[%get3A_454, %get3A_455] {strides = array<i32>} : memref<10x80xi32, #tpu.memory_space<vmem>>, vector<1x16xi32>,
      %get3A_457 = vector.shape_cast %get3A_456 : vector<1x16xi32> to vector<16xi32>
      %mul3A_458 = arith.constant 2 : i32
      %mul3A_459 = vector.broadcast %mul3A_458 : i32 to vector<16xi32>
      %mul3A_460 = arith.muli %get3A_457, %mul3A_459 : vector<16xi32>
      %add3A_461 = vector.broadcast %arg0 : i32 to vector<16xi32>
      %add3A_462 = arith.addi %mul3A_460, %add3A_461 : vector<16xi32>
      %swap3A_463 = arith.constant 1 : i32
      %swap3A_464 = arith.index_cast %swap3A_463 : i32 to index
      %swap3A_465 = arith.constant 64 : index
      %swap3A_466 = tpu.vector_load %arg8[%swap3A_464, %swap3A_465] {strides = array<i32>} : memref<2x80xi32, #tpu.memory_space<vmem>>, vector<1x16xi32>,
      %swap3A_467 = vector.shape_cast %swap3A_466 : vector<1x16xi32> to vector<16xi32>
      %swap3A_468 = vector.shape_cast %add3A_462 : vector<16xi32> to vector<1x16xi32>
      tpu.vector_store %arg8[%swap3A_464, %swap3A_465], %swap3A_468 {strides = array<i32>} : memref<2x80xi32, #tpu.memory_space<vmem>>, vector<1x16xi32>,
      %dma_start3A_469 = arith.constant 1 : i32
      %dma_start3A_470 = arith.constant 1 : i32
      %dma_start3A_471 = arith.constant 0 : i32
      %dma_start3A_472 = arith.constant 0 : i32
      %dma_start3A_473 = tpu.memref_slice %arg9[%dma_start3A_470, %dma_start3A_471, %dma_start3A_472] : memref<2x80x128xf32, #tpu.memory_space<vmem>> -> memref<1x80x128xf32, #tpu.memory_space<vmem>>
      %dma_start3A_474 = tpu.memref_squeeze %dma_start3A_473 : memref<1x80x128xf32, #tpu.memory_space<vmem>> -> memref<80x128xf32, #tpu.memory_space<vmem>>
      %dma_start3A_475 = arith.constant 0 : i32
      %dma_start3A_476 = tpu.memref_slice %arg8[%dma_start3A_469, %dma_start3A_475] : memref<2x80xi32, #tpu.memory_space<vmem>> -> memref<1x80xi32, #tpu.memory_space<vmem>>
      %dma_start3A_477 = tpu.memref_squeeze %dma_start3A_476 : memref<1x80xi32, #tpu.memory_space<vmem>> -> memref<80xi32, #tpu.memory_space<vmem>>
      %dma_start3A_478 = arith.constant 0 : i32
      %dma_start3A_479 = arith.constant 0 : i32
      %dma_start3A_480 = tpu.memref_slice %arg2[%dma_start3A_478, %dma_start3A_479] : memref<20000x128xf32, #tpu.memory_space<hbm>> -> memref<20000x128xf32, #tpu.memory_space<hbm>>
      tpu.enqueue_indirect_dma source(%dma_start3A_480 : memref<20000x128xf32, #tpu.memory_space<hbm>>) target(%dma_start3A_474 : memref<80x128xf32, #tpu.memory_space<vmem>>) offsets(%dma_start3A_477 : memref<80xi32, #tpu.memory_space<vmem>>) semaphore(%arg11 : memref<!tpu.dma_semaphore, #tpu.memory_space<semaphore_mem>>)
      %dma_wait3A_481 = arith.constant 1 : i32
      %dma_wait3A_482 = arith.constant 1 : i32
      %dma_wait3A_483 = arith.constant 0 : i32
      %dma_wait3A_484 = arith.constant 0 : i32
      %dma_wait3A_485 = tpu.memref_slice %arg9[%dma_wait3A_482, %dma_wait3A_483, %dma_wait3A_484] : memref<2x80x128xf32, #tpu.memory_space<vmem>> -> memref<1x80x128xf32, #tpu.memory_space<vmem>>
      %dma_wait3A_486 = tpu.memref_squeeze %dma_wait3A_485 : memref<1x80x128xf32, #tpu.memory_space<vmem>> -> memref<80x128xf32, #tpu.memory_space<vmem>>
      %dma_wait3A_487 = arith.constant 0 : i32
      %dma_wait3A_488 = tpu.memref_slice %arg8[%dma_wait3A_481, %dma_wait3A_487] : memref<2x80xi32, #tpu.memory_space<vmem>> -> memref<1x80xi32, #tpu.memory_space<vmem>>
      %dma_wait3A_489 = tpu.memref_squeeze %dma_wait3A_488 : memref<1x80xi32, #tpu.memory_space<vmem>> -> memref<80xi32, #tpu.memory_space<vmem>>
      %dma_wait3A_490 = arith.constant 0 : i32
      %dma_wait3A_491 = arith.constant 0 : i32
      %dma_wait3A_492 = tpu.memref_slice %arg2[%dma_wait3A_490, %dma_wait3A_491] : memref<20000x128xf32, #tpu.memory_space<hbm>> -> memref<20000x128xf32, #tpu.memory_space<hbm>>
      tpu.wait_indirect_dma semaphore(%arg11 : memref<!tpu.dma_semaphore, #tpu.memory_space<semaphore_mem>>) src(%dma_wait3A_492 : memref<20000x128xf32, #tpu.memory_space<hbm>>) dst(%dma_wait3A_486 : memref<80x128xf32, #tpu.memory_space<vmem>>)
      %dma_start3A_493 = arith.constant 1 : i32
      %dma_start3A_494 = arith.constant 3 : i32
      %dma_start3A_495 = arith.constant 0 : i32
      %dma_start3A_496 = arith.constant 0 : i32
      %dma_start3A_497 = tpu.memref_slice %arg9[%dma_start3A_493, %dma_start3A_495, %dma_start3A_496] : memref<2x80x128xf32, #tpu.memory_space<vmem>> -> memref<1x80x128xf32, #tpu.memory_space<vmem>>
      %dma_start3A_498 = tpu.memref_squeeze %dma_start3A_497 : memref<1x80x128xf32, #tpu.memory_space<vmem>> -> memref<80x128xf32, #tpu.memory_space<vmem>>
      %dma_start3A_499 = arith.constant 0 : i32
      %dma_start3A_500 = tpu.memref_slice %arg7[%dma_start3A_494, %dma_start3A_499] : memref<10x80xi32, #tpu.memory_space<vmem>> -> memref<1x80xi32, #tpu.memory_space<vmem>>
      %dma_start3A_501 = tpu.memref_squeeze %dma_start3A_500 : memref<1x80xi32, #tpu.memory_space<vmem>> -> memref<80xi32, #tpu.memory_space<vmem>>
      %dma_start3A_502 = arith.constant 0 : i32
      %dma_start3A_503 = arith.constant 0 : i32
      %dma_start3A_504 = tpu.memref_slice %arg10[%dma_start3A_502, %dma_start3A_503] : memref<10240x128xf32, #tpu.memory_space<vmem_shared>> -> memref<10240x128xf32, #tpu.memory_space<vmem_shared>>
      tpu.enqueue_indirect_dma source(%dma_start3A_498 : memref<80x128xf32, #tpu.memory_space<vmem>>) target(%dma_start3A_504 : memref<10240x128xf32, #tpu.memory_space<vmem_shared>>) offsets(%dma_start3A_501 : memref<80xi32, #tpu.memory_space<vmem>>) semaphore(%arg12 : memref<!tpu.dma_semaphore, #tpu.memory_space<semaphore_mem>>) {add = true}
      %dma_wait3A_505 = arith.constant 0 : i32
      %dma_wait3A_506 = arith.constant 2 : i32
      %dma_wait3A_507 = arith.constant 0 : i32
      %dma_wait3A_508 = arith.constant 0 : i32
      %dma_wait3A_509 = tpu.memref_slice %arg9[%dma_wait3A_505, %dma_wait3A_507, %dma_wait3A_508] : memref<2x80x128xf32, #tpu.memory_space<vmem>> -> memref<1x80x128xf32, #tpu.memory_space<vmem>>
      %dma_wait3A_510 = tpu.memref_squeeze %dma_wait3A_509 : memref<1x80x128xf32, #tpu.memory_space<vmem>> -> memref<80x128xf32, #tpu.memory_space<vmem>>
      %dma_wait3A_511 = arith.constant 0 : i32
      %dma_wait3A_512 = tpu.memref_slice %arg7[%dma_wait3A_506, %dma_wait3A_511] : memref<10x80xi32, #tpu.memory_space<vmem>> -> memref<1x80xi32, #tpu.memory_space<vmem>>
      %dma_wait3A_513 = tpu.memref_squeeze %dma_wait3A_512 : memref<1x80xi32, #tpu.memory_space<vmem>> -> memref<80xi32, #tpu.memory_space<vmem>>
      %dma_wait3A_514 = arith.constant 0 : i32
      %dma_wait3A_515 = arith.constant 0 : i32
      %dma_wait3A_516 = tpu.memref_slice %arg10[%dma_wait3A_514, %dma_wait3A_515] : memref<10240x128xf32, #tpu.memory_space<vmem_shared>> -> memref<10240x128xf32, #tpu.memory_space<vmem_shared>>
      tpu.wait_indirect_dma semaphore(%arg12 : memref<!tpu.dma_semaphore, #tpu.memory_space<semaphore_mem>>) src(%dma_wait3A_510 : memref<80x128xf32, #tpu.memory_space<vmem>>) dst(%dma_wait3A_516 : memref<10240x128xf32, #tpu.memory_space<vmem_shared>>)
      %get3A_517 = arith.constant 4 : i32
      %get3A_518 = arith.index_cast %get3A_517 : i32 to index
      %get3A_519 = arith.constant 0 : index
      %get3A_520 = tpu.vector_load %arg6[%get3A_518, %get3A_519] {strides = array<i32>} : memref<10x80xi32, #tpu.memory_space<vmem>>, vector<1x16xi32>,
      %get3A_521 = vector.shape_cast %get3A_520 : vector<1x16xi32> to vector<16xi32>
      %mul3A_522 = arith.constant 2 : i32
      %mul3A_523 = vector.broadcast %mul3A_522 : i32 to vector<16xi32>
      %mul3A_524 = arith.muli %get3A_521, %mul3A_523 : vector<16xi32>
      %add3A_525 = vector.broadcast %arg0 : i32 to vector<16xi32>
      %add3A_526 = arith.addi %mul3A_524, %add3A_525 : vector<16xi32>
      %swap3A_527 = arith.constant 0 : i32
      %swap3A_528 = arith.index_cast %swap3A_527 : i32 to index
      %swap3A_529 = arith.constant 0 : index
      %swap3A_530 = tpu.vector_load %arg8[%swap3A_528, %swap3A_529] {strides = array<i32>} : memref<2x80xi32, #tpu.memory_space<vmem>>, vector<1x16xi32>,
      %swap3A_531 = vector.shape_cast %swap3A_530 : vector<1x16xi32> to vector<16xi32>
      %swap3A_532 = vector.shape_cast %add3A_526 : vector<16xi32> to vector<1x16xi32>
      tpu.vector_store %arg8[%swap3A_528, %swap3A_529], %swap3A_532 {strides = array<i32>} : memref<2x80xi32, #tpu.memory_space<vmem>>, vector<1x16xi32>,
      %get3A_533 = arith.constant 4 : i32
      %get3A_534 = arith.index_cast %get3A_533 : i32 to index
      %get3A_535 = arith.constant 16 : index
      %get3A_536 = tpu.vector_load %arg6[%get3A_534, %get3A_535] {strides = array<i32>} : memref<10x80xi32, #tpu.memory_space<vmem>>, vector<1x16xi32>,
      %get3A_537 = vector.shape_cast %get3A_536 : vector<1x16xi32> to vector<16xi32>
      %mul3A_538 = arith.constant 2 : i32
      %mul3A_539 = vector.broadcast %mul3A_538 : i32 to vector<16xi32>
      %mul3A_540 = arith.muli %get3A_537, %mul3A_539 : vector<16xi32>
      %add3A_541 = vector.broadcast %arg0 : i32 to vector<16xi32>
      %add3A_542 = arith.addi %mul3A_540, %add3A_541 : vector<16xi32>
      %swap3A_543 = arith.constant 0 : i32
      %swap3A_544 = arith.index_cast %swap3A_543 : i32 to index
      %swap3A_545 = arith.constant 16 : index
      %swap3A_546 = tpu.vector_load %arg8[%swap3A_544, %swap3A_545] {strides = array<i32>} : memref<2x80xi32, #tpu.memory_space<vmem>>, vector<1x16xi32>,
      %swap3A_547 = vector.shape_cast %swap3A_546 : vector<1x16xi32> to vector<16xi32>
      %swap3A_548 = vector.shape_cast %add3A_542 : vector<16xi32> to vector<1x16xi32>
      tpu.vector_store %arg8[%swap3A_544, %swap3A_545], %swap3A_548 {strides = array<i32>} : memref<2x80xi32, #tpu.memory_space<vmem>>, vector<1x16xi32>,
      %get3A_549 = arith.constant 4 : i32
      %get3A_550 = arith.index_cast %get3A_549 : i32 to index
      %get3A_551 = arith.constant 32 : index
      %get3A_552 = tpu.vector_load %arg6[%get3A_550, %get3A_551] {strides = array<i32>} : memref<10x80xi32, #tpu.memory_space<vmem>>, vector<1x16xi32>,
      %get3A_553 = vector.shape_cast %get3A_552 : vector<1x16xi32> to vector<16xi32>
      %mul3A_554 = arith.constant 2 : i32
      %mul3A_555 = vector.broadcast %mul3A_554 : i32 to vector<16xi32>
      %mul3A_556 = arith.muli %get3A_553, %mul3A_555 : vector<16xi32>
      %add3A_557 = vector.broadcast %arg0 : i32 to vector<16xi32>
      %add3A_558 = arith.addi %mul3A_556, %add3A_557 : vector<16xi32>
      %swap3A_559 = arith.constant 0 : i32
      %swap3A_560 = arith.index_cast %swap3A_559 : i32 to index
      %swap3A_561 = arith.constant 32 : index
      %swap3A_562 = tpu.vector_load %arg8[%swap3A_560, %swap3A_561] {strides = array<i32>} : memref<2x80xi32, #tpu.memory_space<vmem>>, vector<1x16xi32>,
      %swap3A_563 = vector.shape_cast %swap3A_562 : vector<1x16xi32> to vector<16xi32>
      %swap3A_564 = vector.shape_cast %add3A_558 : vector<16xi32> to vector<1x16xi32>
      tpu.vector_store %arg8[%swap3A_560, %swap3A_561], %swap3A_564 {strides = array<i32>} : memref<2x80xi32, #tpu.memory_space<vmem>>, vector<1x16xi32>,
      %get3A_565 = arith.constant 4 : i32
      %get3A_566 = arith.index_cast %get3A_565 : i32 to index
      %get3A_567 = arith.constant 48 : index
      %get3A_568 = tpu.vector_load %arg6[%get3A_566, %get3A_567] {strides = array<i32>} : memref<10x80xi32, #tpu.memory_space<vmem>>, vector<1x16xi32>,
      %get3A_569 = vector.shape_cast %get3A_568 : vector<1x16xi32> to vector<16xi32>
      %mul3A_570 = arith.constant 2 : i32
      %mul3A_571 = vector.broadcast %mul3A_570 : i32 to vector<16xi32>
      %mul3A_572 = arith.muli %get3A_569, %mul3A_571 : vector<16xi32>
      %add3A_573 = vector.broadcast %arg0 : i32 to vector<16xi32>
      %add3A_574 = arith.addi %mul3A_572, %add3A_573 : vector<16xi32>
      %swap3A_575 = arith.constant 0 : i32
      %swap3A_576 = arith.index_cast %swap3A_575 : i32 to index
      %swap3A_577 = arith.constant 48 : index
      %swap3A_578 = tpu.vector_load %arg8[%swap3A_576, %swap3A_577] {strides = array<i32>} : memref<2x80xi32, #tpu.memory_space<vmem>>, vector<1x16xi32>,
      %swap3A_579 = vector.shape_cast %swap3A_578 : vector<1x16xi32> to vector<16xi32>
      %swap3A_580 = vector.shape_cast %add3A_574 : vector<16xi32> to vector<1x16xi32>
      tpu.vector_store %arg8[%swap3A_576, %swap3A_577], %swap3A_580 {strides = array<i32>} : memref<2x80xi32, #tpu.memory_space<vmem>>, vector<1x16xi32>,
      %get3A_581 = arith.constant 4 : i32
      %get3A_582 = arith.index_cast %get3A_581 : i32 to index
      %get3A_583 = arith.constant 64 : index
      %get3A_584 = tpu.vector_load %arg6[%get3A_582, %get3A_583] {strides = array<i32>} : memref<10x80xi32, #tpu.memory_space<vmem>>, vector<1x16xi32>,
      %get3A_585 = vector.shape_cast %get3A_584 : vector<1x16xi32> to vector<16xi32>
      %mul3A_586 = arith.constant 2 : i32
      %mul3A_587 = vector.broadcast %mul3A_586 : i32 to vector<16xi32>
      %mul3A_588 = arith.muli %get3A_585, %mul3A_587 : vector<16xi32>
      %add3A_589 = vector.broadcast %arg0 : i32 to vector<16xi32>
      %add3A_590 = arith.addi %mul3A_588, %add3A_589 : vector<16xi32>
      %swap3A_591 = arith.constant 0 : i32
      %swap3A_592 = arith.index_cast %swap3A_591 : i32 to index
      %swap3A_593 = arith.constant 64 : index
      %swap3A_594 = tpu.vector_load %arg8[%swap3A_592, %swap3A_593] {strides = array<i32>} : memref<2x80xi32, #tpu.memory_space<vmem>>, vector<1x16xi32>,
      %swap3A_595 = vector.shape_cast %swap3A_594 : vector<1x16xi32> to vector<16xi32>
      %swap3A_596 = vector.shape_cast %add3A_590 : vector<16xi32> to vector<1x16xi32>
      tpu.vector_store %arg8[%swap3A_592, %swap3A_593], %swap3A_596 {strides = array<i32>} : memref<2x80xi32, #tpu.memory_space<vmem>>, vector<1x16xi32>,
      %dma_start3A_597 = arith.constant 0 : i32
      %dma_start3A_598 = arith.constant 0 : i32
      %dma_start3A_599 = arith.constant 0 : i32
      %dma_start3A_600 = arith.constant 0 : i32
      %dma_start3A_601 = tpu.memref_slice %arg9[%dma_start3A_598, %dma_start3A_599, %dma_start3A_600] : memref<2x80x128xf32, #tpu.memory_space<vmem>> -> memref<1x80x128xf32, #tpu.memory_space<vmem>>
      %dma_start3A_602 = tpu.memref_squeeze %dma_start3A_601 : memref<1x80x128xf32, #tpu.memory_space<vmem>> -> memref<80x128xf32, #tpu.memory_space<vmem>>
      %dma_start3A_603 = arith.constant 0 : i32
      %dma_start3A_604 = tpu.memref_slice %arg8[%dma_start3A_597, %dma_start3A_603] : memref<2x80xi32, #tpu.memory_space<vmem>> -> memref<1x80xi32, #tpu.memory_space<vmem>>
      %dma_start3A_605 = tpu.memref_squeeze %dma_start3A_604 : memref<1x80xi32, #tpu.memory_space<vmem>> -> memref<80xi32, #tpu.memory_space<vmem>>
      %dma_start3A_606 = arith.constant 0 : i32
      %dma_start3A_607 = arith.constant 0 : i32
      %dma_start3A_608 = tpu.memref_slice %arg2[%dma_start3A_606, %dma_start3A_607] : memref<20000x128xf32, #tpu.memory_space<hbm>> -> memref<20000x128xf32, #tpu.memory_space<hbm>>
      tpu.enqueue_indirect_dma source(%dma_start3A_608 : memref<20000x128xf32, #tpu.memory_space<hbm>>) target(%dma_start3A_602 : memref<80x128xf32, #tpu.memory_space<vmem>>) offsets(%dma_start3A_605 : memref<80xi32, #tpu.memory_space<vmem>>) semaphore(%arg11 : memref<!tpu.dma_semaphore, #tpu.memory_space<semaphore_mem>>)
      %dma_wait3A_609 = arith.constant 0 : i32
      %dma_wait3A_610 = arith.constant 0 : i32
      %dma_wait3A_611 = arith.constant 0 : i32
      %dma_wait3A_612 = arith.constant 0 : i32
      %dma_wait3A_613 = tpu.memref_slice %arg9[%dma_wait3A_610, %dma_wait3A_611, %dma_wait3A_612] : memref<2x80x128xf32, #tpu.memory_space<vmem>> -> memref<1x80x128xf32, #tpu.memory_space<vmem>>
      %dma_wait3A_614 = tpu.memref_squeeze %dma_wait3A_613 : memref<1x80x128xf32, #tpu.memory_space<vmem>> -> memref<80x128xf32, #tpu.memory_space<vmem>>
      %dma_wait3A_615 = arith.constant 0 : i32
      %dma_wait3A_616 = tpu.memref_slice %arg8[%dma_wait3A_609, %dma_wait3A_615] : memref<2x80xi32, #tpu.memory_space<vmem>> -> memref<1x80xi32, #tpu.memory_space<vmem>>
      %dma_wait3A_617 = tpu.memref_squeeze %dma_wait3A_616 : memref<1x80xi32, #tpu.memory_space<vmem>> -> memref<80xi32, #tpu.memory_space<vmem>>
      %dma_wait3A_618 = arith.constant 0 : i32
      %dma_wait3A_619 = arith.constant 0 : i32
      %dma_wait3A_620 = tpu.memref_slice %arg2[%dma_wait3A_618, %dma_wait3A_619] : memref<20000x128xf32, #tpu.memory_space<hbm>> -> memref<20000x128xf32, #tpu.memory_space<hbm>>
      tpu.wait_indirect_dma semaphore(%arg11 : memref<!tpu.dma_semaphore, #tpu.memory_space<semaphore_mem>>) src(%dma_wait3A_620 : memref<20000x128xf32, #tpu.memory_space<hbm>>) dst(%dma_wait3A_614 : memref<80x128xf32, #tpu.memory_space<vmem>>)
      %dma_start3A_621 = arith.constant 0 : i32
      %dma_start3A_622 = arith.constant 4 : i32
      %dma_start3A_623 = arith.constant 0 : i32
      %dma_start3A_624 = arith.constant 0 : i32
      %dma_start3A_625 = tpu.memref_slice %arg9[%dma_start3A_621, %dma_start3A_623, %dma_start3A_624] : memref<2x80x128xf32, #tpu.memory_space<vmem>> -> memref<1x80x128xf32, #tpu.memory_space<vmem>>
      %dma_start3A_626 = tpu.memref_squeeze %dma_start3A_625 : memref<1x80x128xf32, #tpu.memory_space<vmem>> -> memref<80x128xf32, #tpu.memory_space<vmem>>
      %dma_start3A_627 = arith.constant 0 : i32
      %dma_start3A_628 = tpu.memref_slice %arg7[%dma_start3A_622, %dma_start3A_627] : memref<10x80xi32, #tpu.memory_space<vmem>> -> memref<1x80xi32, #tpu.memory_space<vmem>>
      %dma_start3A_629 = tpu.memref_squeeze %dma_start3A_628 : memref<1x80xi32, #tpu.memory_space<vmem>> -> memref<80xi32, #tpu.memory_space<vmem>>
      %dma_start3A_630 = arith.constant 0 : i32
      %dma_start3A_631 = arith.constant 0 : i32
      %dma_start3A_632 = tpu.memref_slice %arg10[%dma_start3A_630, %dma_start3A_631] : memref<10240x128xf32, #tpu.memory_space<vmem_shared>> -> memref<10240x128xf32, #tpu.memory_space<vmem_shared>>
      tpu.enqueue_indirect_dma source(%dma_start3A_626 : memref<80x128xf32, #tpu.memory_space<vmem>>) target(%dma_start3A_632 : memref<10240x128xf32, #tpu.memory_space<vmem_shared>>) offsets(%dma_start3A_629 : memref<80xi32, #tpu.memory_space<vmem>>) semaphore(%arg12 : memref<!tpu.dma_semaphore, #tpu.memory_space<semaphore_mem>>) {add = true}
      %dma_wait3A_633 = arith.constant 1 : i32
      %dma_wait3A_634 = arith.constant 3 : i32
      %dma_wait3A_635 = arith.constant 0 : i32
      %dma_wait3A_636 = arith.constant 0 : i32
      %dma_wait3A_637 = tpu.memref_slice %arg9[%dma_wait3A_633, %dma_wait3A_635, %dma_wait3A_636] : memref<2x80x128xf32, #tpu.memory_space<vmem>> -> memref<1x80x128xf32, #tpu.memory_space<vmem>>
      %dma_wait3A_638 = tpu.memref_squeeze %dma_wait3A_637 : memref<1x80x128xf32, #tpu.memory_space<vmem>> -> memref<80x128xf32, #tpu.memory_space<vmem>>
      %dma_wait3A_639 = arith.constant 0 : i32
      %dma_wait3A_640 = tpu.memref_slice %arg7[%dma_wait3A_634, %dma_wait3A_639] : memref<10x80xi32, #tpu.memory_space<vmem>> -> memref<1x80xi32, #tpu.memory_space<vmem>>
      %dma_wait3A_641 = tpu.memref_squeeze %dma_wait3A_640 : memref<1x80xi32, #tpu.memory_space<vmem>> -> memref<80xi32, #tpu.memory_space<vmem>>
      %dma_wait3A_642 = arith.constant 0 : i32
      %dma_wait3A_643 = arith.constant 0 : i32
      %dma_wait3A_644 = tpu.memref_slice %arg10[%dma_wait3A_642, %dma_wait3A_643] : memref<10240x128xf32, #tpu.memory_space<vmem_shared>> -> memref<10240x128xf32, #tpu.memory_space<vmem_shared>>
      tpu.wait_indirect_dma semaphore(%arg12 : memref<!tpu.dma_semaphore, #tpu.memory_space<semaphore_mem>>) src(%dma_wait3A_638 : memref<80x128xf32, #tpu.memory_space<vmem>>) dst(%dma_wait3A_644 : memref<10240x128xf32, #tpu.memory_space<vmem_shared>>)
      %get3A_645 = arith.constant 5 : i32
      %get3A_646 = arith.index_cast %get3A_645 : i32 to index
      %get3A_647 = arith.constant 0 : index
      %get3A_648 = tpu.vector_load %arg6[%get3A_646, %get3A_647] {strides = array<i32>} : memref<10x80xi32, #tpu.memory_space<vmem>>, vector<1x16xi32>,
      %get3A_649 = vector.shape_cast %get3A_648 : vector<1x16xi32> to vector<16xi32>
      %mul3A_650 = arith.constant 2 : i32
      %mul3A_651 = vector.broadcast %mul3A_650 : i32 to vector<16xi32>
      %mul3A_652 = arith.muli %get3A_649, %mul3A_651 : vector<16xi32>
      %add3A_653 = vector.broadcast %arg0 : i32 to vector<16xi32>
      %add3A_654 = arith.addi %mul3A_652, %add3A_653 : vector<16xi32>
      %swap3A_655 = arith.constant 1 : i32
      %swap3A_656 = arith.index_cast %swap3A_655 : i32 to index
      %swap3A_657 = arith.constant 0 : index
      %swap3A_658 = tpu.vector_load %arg8[%swap3A_656, %swap3A_657] {strides = array<i32>} : memref<2x80xi32, #tpu.memory_space<vmem>>, vector<1x16xi32>,
      %swap3A_659 = vector.shape_cast %swap3A_658 : vector<1x16xi32> to vector<16xi32>
      %swap3A_660 = vector.shape_cast %add3A_654 : vector<16xi32> to vector<1x16xi32>
      tpu.vector_store %arg8[%swap3A_656, %swap3A_657], %swap3A_660 {strides = array<i32>} : memref<2x80xi32, #tpu.memory_space<vmem>>, vector<1x16xi32>,
      %get3A_661 = arith.constant 5 : i32
      %get3A_662 = arith.index_cast %get3A_661 : i32 to index
      %get3A_663 = arith.constant 16 : index
      %get3A_664 = tpu.vector_load %arg6[%get3A_662, %get3A_663] {strides = array<i32>} : memref<10x80xi32, #tpu.memory_space<vmem>>, vector<1x16xi32>,
      %get3A_665 = vector.shape_cast %get3A_664 : vector<1x16xi32> to vector<16xi32>
      %mul3A_666 = arith.constant 2 : i32
      %mul3A_667 = vector.broadcast %mul3A_666 : i32 to vector<16xi32>
      %mul3A_668 = arith.muli %get3A_665, %mul3A_667 : vector<16xi32>
      %add3A_669 = vector.broadcast %arg0 : i32 to vector<16xi32>
      %add3A_670 = arith.addi %mul3A_668, %add3A_669 : vector<16xi32>
      %swap3A_671 = arith.constant 1 : i32
      %swap3A_672 = arith.index_cast %swap3A_671 : i32 to index
      %swap3A_673 = arith.constant 16 : index
      %swap3A_674 = tpu.vector_load %arg8[%swap3A_672, %swap3A_673] {strides = array<i32>} : memref<2x80xi32, #tpu.memory_space<vmem>>, vector<1x16xi32>,
      %swap3A_675 = vector.shape_cast %swap3A_674 : vector<1x16xi32> to vector<16xi32>
      %swap3A_676 = vector.shape_cast %add3A_670 : vector<16xi32> to vector<1x16xi32>
      tpu.vector_store %arg8[%swap3A_672, %swap3A_673], %swap3A_676 {strides = array<i32>} : memref<2x80xi32, #tpu.memory_space<vmem>>, vector<1x16xi32>,
      %get3A_677 = arith.constant 5 : i32
      %get3A_678 = arith.index_cast %get3A_677 : i32 to index
      %get3A_679 = arith.constant 32 : index
      %get3A_680 = tpu.vector_load %arg6[%get3A_678, %get3A_679] {strides = array<i32>} : memref<10x80xi32, #tpu.memory_space<vmem>>, vector<1x16xi32>,
      %get3A_681 = vector.shape_cast %get3A_680 : vector<1x16xi32> to vector<16xi32>
      %mul3A_682 = arith.constant 2 : i32
      %mul3A_683 = vector.broadcast %mul3A_682 : i32 to vector<16xi32>
      %mul3A_684 = arith.muli %get3A_681, %mul3A_683 : vector<16xi32>
      %add3A_685 = vector.broadcast %arg0 : i32 to vector<16xi32>
      %add3A_686 = arith.addi %mul3A_684, %add3A_685 : vector<16xi32>
      %swap3A_687 = arith.constant 1 : i32
      %swap3A_688 = arith.index_cast %swap3A_687 : i32 to index
      %swap3A_689 = arith.constant 32 : index
      %swap3A_690 = tpu.vector_load %arg8[%swap3A_688, %swap3A_689] {strides = array<i32>} : memref<2x80xi32, #tpu.memory_space<vmem>>, vector<1x16xi32>,
      %swap3A_691 = vector.shape_cast %swap3A_690 : vector<1x16xi32> to vector<16xi32>
      %swap3A_692 = vector.shape_cast %add3A_686 : vector<16xi32> to vector<1x16xi32>
      tpu.vector_store %arg8[%swap3A_688, %swap3A_689], %swap3A_692 {strides = array<i32>} : memref<2x80xi32, #tpu.memory_space<vmem>>, vector<1x16xi32>,
      %get3A_693 = arith.constant 5 : i32
      %get3A_694 = arith.index_cast %get3A_693 : i32 to index
      %get3A_695 = arith.constant 48 : index
      %get3A_696 = tpu.vector_load %arg6[%get3A_694, %get3A_695] {strides = array<i32>} : memref<10x80xi32, #tpu.memory_space<vmem>>, vector<1x16xi32>,
      %get3A_697 = vector.shape_cast %get3A_696 : vector<1x16xi32> to vector<16xi32>
      %mul3A_698 = arith.constant 2 : i32
      %mul3A_699 = vector.broadcast %mul3A_698 : i32 to vector<16xi32>
      %mul3A_700 = arith.muli %get3A_697, %mul3A_699 : vector<16xi32>
      %add3A_701 = vector.broadcast %arg0 : i32 to vector<16xi32>
      %add3A_702 = arith.addi %mul3A_700, %add3A_701 : vector<16xi32>
      %swap3A_703 = arith.constant 1 : i32
      %swap3A_704 = arith.index_cast %swap3A_703 : i32 to index
      %swap3A_705 = arith.constant 48 : index
      %swap3A_706 = tpu.vector_load %arg8[%swap3A_704, %swap3A_705] {strides = array<i32>} : memref<2x80xi32, #tpu.memory_space<vmem>>, vector<1x16xi32>,
      %swap3A_707 = vector.shape_cast %swap3A_706 : vector<1x16xi32> to vector<16xi32>
      %swap3A_708 = vector.shape_cast %add3A_702 : vector<16xi32> to vector<1x16xi32>
      tpu.vector_store %arg8[%swap3A_704, %swap3A_705], %swap3A_708 {strides = array<i32>} : memref<2x80xi32, #tpu.memory_space<vmem>>, vector<1x16xi32>,
      %get3A_709 = arith.constant 5 : i32
      %get3A_710 = arith.index_cast %get3A_709 : i32 to index
      %get3A_711 = arith.constant 64 : index
      %get3A_712 = tpu.vector_load %arg6[%get3A_710, %get3A_711] {strides = array<i32>} : memref<10x80xi32, #tpu.memory_space<vmem>>, vector<1x16xi32>,
      %get3A_713 = vector.shape_cast %get3A_712 : vector<1x16xi32> to vector<16xi32>
      %mul3A_714 = arith.constant 2 : i32
      %mul3A_715 = vector.broadcast %mul3A_714 : i32 to vector<16xi32>
      %mul3A_716 = arith.muli %get3A_713, %mul3A_715 : vector<16xi32>
      %add3A_717 = vector.broadcast %arg0 : i32 to vector<16xi32>
      %add3A_718 = arith.addi %mul3A_716, %add3A_717 : vector<16xi32>
      %swap3A_719 = arith.constant 1 : i32
      %swap3A_720 = arith.index_cast %swap3A_719 : i32 to index
      %swap3A_721 = arith.constant 64 : index
      %swap3A_722 = tpu.vector_load %arg8[%swap3A_720, %swap3A_721] {strides = array<i32>} : memref<2x80xi32, #tpu.memory_space<vmem>>, vector<1x16xi32>,
      %swap3A_723 = vector.shape_cast %swap3A_722 : vector<1x16xi32> to vector<16xi32>
      %swap3A_724 = vector.shape_cast %add3A_718 : vector<16xi32> to vector<1x16xi32>
      tpu.vector_store %arg8[%swap3A_720, %swap3A_721], %swap3A_724 {strides = array<i32>} : memref<2x80xi32, #tpu.memory_space<vmem>>, vector<1x16xi32>,
      %dma_start3A_725 = arith.constant 1 : i32
      %dma_start3A_726 = arith.constant 1 : i32
      %dma_start3A_727 = arith.constant 0 : i32
      %dma_start3A_728 = arith.constant 0 : i32
      %dma_start3A_729 = tpu.memref_slice %arg9[%dma_start3A_726, %dma_start3A_727, %dma_start3A_728] : memref<2x80x128xf32, #tpu.memory_space<vmem>> -> memref<1x80x128xf32, #tpu.memory_space<vmem>>
      %dma_start3A_730 = tpu.memref_squeeze %dma_start3A_729 : memref<1x80x128xf32, #tpu.memory_space<vmem>> -> memref<80x128xf32, #tpu.memory_space<vmem>>
      %dma_start3A_731 = arith.constant 0 : i32
      %dma_start3A_732 = tpu.memref_slice %arg8[%dma_start3A_725, %dma_start3A_731] : memref<2x80xi32, #tpu.memory_space<vmem>> -> memref<1x80xi32, #tpu.memory_space<vmem>>
      %dma_start3A_733 = tpu.memref_squeeze %dma_start3A_732 : memref<1x80xi32, #tpu.memory_space<vmem>> -> memref<80xi32, #tpu.memory_space<vmem>>
      %dma_start3A_734 = arith.constant 0 : i32
      %dma_start3A_735 = arith.constant 0 : i32
      %dma_start3A_736 = tpu.memref_slice %arg2[%dma_start3A_734, %dma_start3A_735] : memref<20000x128xf32, #tpu.memory_space<hbm>> -> memref<20000x128xf32, #tpu.memory_space<hbm>>
      tpu.enqueue_indirect_dma source(%dma_start3A_736 : memref<20000x128xf32, #tpu.memory_space<hbm>>) target(%dma_start3A_730 : memref<80x128xf32, #tpu.memory_space<vmem>>) offsets(%dma_start3A_733 : memref<80xi32, #tpu.memory_space<vmem>>) semaphore(%arg11 : memref<!tpu.dma_semaphore, #tpu.memory_space<semaphore_mem>>)
      %dma_wait3A_737 = arith.constant 1 : i32
      %dma_wait3A_738 = arith.constant 1 : i32
      %dma_wait3A_739 = arith.constant 0 : i32
      %dma_wait3A_740 = arith.constant 0 : i32
      %dma_wait3A_741 = tpu.memref_slice %arg9[%dma_wait3A_738, %dma_wait3A_739, %dma_wait3A_740] : memref<2x80x128xf32, #tpu.memory_space<vmem>> -> memref<1x80x128xf32, #tpu.memory_space<vmem>>
      %dma_wait3A_742 = tpu.memref_squeeze %dma_wait3A_741 : memref<1x80x128xf32, #tpu.memory_space<vmem>> -> memref<80x128xf32, #tpu.memory_space<vmem>>
      %dma_wait3A_743 = arith.constant 0 : i32
      %dma_wait3A_744 = tpu.memref_slice %arg8[%dma_wait3A_737, %dma_wait3A_743] : memref<2x80xi32, #tpu.memory_space<vmem>> -> memref<1x80xi32, #tpu.memory_space<vmem>>
      %dma_wait3A_745 = tpu.memref_squeeze %dma_wait3A_744 : memref<1x80xi32, #tpu.memory_space<vmem>> -> memref<80xi32, #tpu.memory_space<vmem>>
      %dma_wait3A_746 = arith.constant 0 : i32
      %dma_wait3A_747 = arith.constant 0 : i32
      %dma_wait3A_748 = tpu.memref_slice %arg2[%dma_wait3A_746, %dma_wait3A_747] : memref<20000x128xf32, #tpu.memory_space<hbm>> -> memref<20000x128xf32, #tpu.memory_space<hbm>>
      tpu.wait_indirect_dma semaphore(%arg11 : memref<!tpu.dma_semaphore, #tpu.memory_space<semaphore_mem>>) src(%dma_wait3A_748 : memref<20000x128xf32, #tpu.memory_space<hbm>>) dst(%dma_wait3A_742 : memref<80x128xf32, #tpu.memory_space<vmem>>)
      %dma_start3A_749 = arith.constant 1 : i32
      %dma_start3A_750 = arith.constant 5 : i32
      %dma_start3A_751 = arith.constant 0 : i32
      %dma_start3A_752 = arith.constant 0 : i32
      %dma_start3A_753 = tpu.memref_slice %arg9[%dma_start3A_749, %dma_start3A_751, %dma_start3A_752] : memref<2x80x128xf32, #tpu.memory_space<vmem>> -> memref<1x80x128xf32, #tpu.memory_space<vmem>>
      %dma_start3A_754 = tpu.memref_squeeze %dma_start3A_753 : memref<1x80x128xf32, #tpu.memory_space<vmem>> -> memref<80x128xf32, #tpu.memory_space<vmem>>
      %dma_start3A_755 = arith.constant 0 : i32
      %dma_start3A_756 = tpu.memref_slice %arg7[%dma_start3A_750, %dma_start3A_755] : memref<10x80xi32, #tpu.memory_space<vmem>> -> memref<1x80xi32, #tpu.memory_space<vmem>>
      %dma_start3A_757 = tpu.memref_squeeze %dma_start3A_756 : memref<1x80xi32, #tpu.memory_space<vmem>> -> memref<80xi32, #tpu.memory_space<vmem>>
      %dma_start3A_758 = arith.constant 0 : i32
      %dma_start3A_759 = arith.constant 0 : i32
      %dma_start3A_760 = tpu.memref_slice %arg10[%dma_start3A_758, %dma_start3A_759] : memref<10240x128xf32, #tpu.memory_space<vmem_shared>> -> memref<10240x128xf32, #tpu.memory_space<vmem_shared>>
      tpu.enqueue_indirect_dma source(%dma_start3A_754 : memref<80x128xf32, #tpu.memory_space<vmem>>) target(%dma_start3A_760 : memref<10240x128xf32, #tpu.memory_space<vmem_shared>>) offsets(%dma_start3A_757 : memref<80xi32, #tpu.memory_space<vmem>>) semaphore(%arg12 : memref<!tpu.dma_semaphore, #tpu.memory_space<semaphore_mem>>) {add = true}
      %dma_wait3A_761 = arith.constant 0 : i32
      %dma_wait3A_762 = arith.constant 4 : i32
      %dma_wait3A_763 = arith.constant 0 : i32
      %dma_wait3A_764 = arith.constant 0 : i32
      %dma_wait3A_765 = tpu.memref_slice %arg9[%dma_wait3A_761, %dma_wait3A_763, %dma_wait3A_764] : memref<2x80x128xf32, #tpu.memory_space<vmem>> -> memref<1x80x128xf32, #tpu.memory_space<vmem>>
      %dma_wait3A_766 = tpu.memref_squeeze %dma_wait3A_765 : memref<1x80x128xf32, #tpu.memory_space<vmem>> -> memref<80x128xf32, #tpu.memory_space<vmem>>
      %dma_wait3A_767 = arith.constant 0 : i32
      %dma_wait3A_768 = tpu.memref_slice %arg7[%dma_wait3A_762, %dma_wait3A_767] : memref<10x80xi32, #tpu.memory_space<vmem>> -> memref<1x80xi32, #tpu.memory_space<vmem>>
      %dma_wait3A_769 = tpu.memref_squeeze %dma_wait3A_768 : memref<1x80xi32, #tpu.memory_space<vmem>> -> memref<80xi32, #tpu.memory_space<vmem>>
      %dma_wait3A_770 = arith.constant 0 : i32
      %dma_wait3A_771 = arith.constant 0 : i32
      %dma_wait3A_772 = tpu.memref_slice %arg10[%dma_wait3A_770, %dma_wait3A_771] : memref<10240x128xf32, #tpu.memory_space<vmem_shared>> -> memref<10240x128xf32, #tpu.memory_space<vmem_shared>>
      tpu.wait_indirect_dma semaphore(%arg12 : memref<!tpu.dma_semaphore, #tpu.memory_space<semaphore_mem>>) src(%dma_wait3A_766 : memref<80x128xf32, #tpu.memory_space<vmem>>) dst(%dma_wait3A_772 : memref<10240x128xf32, #tpu.memory_space<vmem_shared>>)
      %get3A_773 = arith.constant 6 : i32
      %get3A_774 = arith.index_cast %get3A_773 : i32 to index
      %get3A_775 = arith.constant 0 : index
      %get3A_776 = tpu.vector_load %arg6[%get3A_774, %get3A_775] {strides = array<i32>} : memref<10x80xi32, #tpu.memory_space<vmem>>, vector<1x16xi32>,
      %get3A_777 = vector.shape_cast %get3A_776 : vector<1x16xi32> to vector<16xi32>
      %mul3A_778 = arith.constant 2 : i32
      %mul3A_779 = vector.broadcast %mul3A_778 : i32 to vector<16xi32>
      %mul3A_780 = arith.muli %get3A_777, %mul3A_779 : vector<16xi32>
      %add3A_781 = vector.broadcast %arg0 : i32 to vector<16xi32>
      %add3A_782 = arith.addi %mul3A_780, %add3A_781 : vector<16xi32>
      %swap3A_783 = arith.constant 0 : i32
      %swap3A_784 = arith.index_cast %swap3A_783 : i32 to index
      %swap3A_785 = arith.constant 0 : index
      %swap3A_786 = tpu.vector_load %arg8[%swap3A_784, %swap3A_785] {strides = array<i32>} : memref<2x80xi32, #tpu.memory_space<vmem>>, vector<1x16xi32>,
      %swap3A_787 = vector.shape_cast %swap3A_786 : vector<1x16xi32> to vector<16xi32>
      %swap3A_788 = vector.shape_cast %add3A_782 : vector<16xi32> to vector<1x16xi32>
      tpu.vector_store %arg8[%swap3A_784, %swap3A_785], %swap3A_788 {strides = array<i32>} : memref<2x80xi32, #tpu.memory_space<vmem>>, vector<1x16xi32>,
      %get3A_789 = arith.constant 6 : i32
      %get3A_790 = arith.index_cast %get3A_789 : i32 to index
      %get3A_791 = arith.constant 16 : index
      %get3A_792 = tpu.vector_load %arg6[%get3A_790, %get3A_791] {strides = array<i32>} : memref<10x80xi32, #tpu.memory_space<vmem>>, vector<1x16xi32>,
      %get3A_793 = vector.shape_cast %get3A_792 : vector<1x16xi32> to vector<16xi32>
      %mul3A_794 = arith.constant 2 : i32
      %mul3A_795 = vector.broadcast %mul3A_794 : i32 to vector<16xi32>
      %mul3A_796 = arith.muli %get3A_793, %mul3A_795 : vector<16xi32>
      %add3A_797 = vector.broadcast %arg0 : i32 to vector<16xi32>
      %add3A_798 = arith.addi %mul3A_796, %add3A_797 : vector<16xi32>
      %swap3A_799 = arith.constant 0 : i32
      %swap3A_800 = arith.index_cast %swap3A_799 : i32 to index
      %swap3A_801 = arith.constant 16 : index
      %swap3A_802 = tpu.vector_load %arg8[%swap3A_800, %swap3A_801] {strides = array<i32>} : memref<2x80xi32, #tpu.memory_space<vmem>>, vector<1x16xi32>,
      %swap3A_803 = vector.shape_cast %swap3A_802 : vector<1x16xi32> to vector<16xi32>
      %swap3A_804 = vector.shape_cast %add3A_798 : vector<16xi32> to vector<1x16xi32>
      tpu.vector_store %arg8[%swap3A_800, %swap3A_801], %swap3A_804 {strides = array<i32>} : memref<2x80xi32, #tpu.memory_space<vmem>>, vector<1x16xi32>,
      %get3A_805 = arith.constant 6 : i32
      %get3A_806 = arith.index_cast %get3A_805 : i32 to index
      %get3A_807 = arith.constant 32 : index
      %get3A_808 = tpu.vector_load %arg6[%get3A_806, %get3A_807] {strides = array<i32>} : memref<10x80xi32, #tpu.memory_space<vmem>>, vector<1x16xi32>,
      %get3A_809 = vector.shape_cast %get3A_808 : vector<1x16xi32> to vector<16xi32>
      %mul3A_810 = arith.constant 2 : i32
      %mul3A_811 = vector.broadcast %mul3A_810 : i32 to vector<16xi32>
      %mul3A_812 = arith.muli %get3A_809, %mul3A_811 : vector<16xi32>
      %add3A_813 = vector.broadcast %arg0 : i32 to vector<16xi32>
      %add3A_814 = arith.addi %mul3A_812, %add3A_813 : vector<16xi32>
      %swap3A_815 = arith.constant 0 : i32
      %swap3A_816 = arith.index_cast %swap3A_815 : i32 to index
      %swap3A_817 = arith.constant 32 : index
      %swap3A_818 = tpu.vector_load %arg8[%swap3A_816, %swap3A_817] {strides = array<i32>} : memref<2x80xi32, #tpu.memory_space<vmem>>, vector<1x16xi32>,
      %swap3A_819 = vector.shape_cast %swap3A_818 : vector<1x16xi32> to vector<16xi32>
      %swap3A_820 = vector.shape_cast %add3A_814 : vector<16xi32> to vector<1x16xi32>
      tpu.vector_store %arg8[%swap3A_816, %swap3A_817], %swap3A_820 {strides = array<i32>} : memref<2x80xi32, #tpu.memory_space<vmem>>, vector<1x16xi32>,
      %get3A_821 = arith.constant 6 : i32
      %get3A_822 = arith.index_cast %get3A_821 : i32 to index
      %get3A_823 = arith.constant 48 : index
      %get3A_824 = tpu.vector_load %arg6[%get3A_822, %get3A_823] {strides = array<i32>} : memref<10x80xi32, #tpu.memory_space<vmem>>, vector<1x16xi32>,
      %get3A_825 = vector.shape_cast %get3A_824 : vector<1x16xi32> to vector<16xi32>
      %mul3A_826 = arith.constant 2 : i32
      %mul3A_827 = vector.broadcast %mul3A_826 : i32 to vector<16xi32>
      %mul3A_828 = arith.muli %get3A_825, %mul3A_827 : vector<16xi32>
      %add3A_829 = vector.broadcast %arg0 : i32 to vector<16xi32>
      %add3A_830 = arith.addi %mul3A_828, %add3A_829 : vector<16xi32>
      %swap3A_831 = arith.constant 0 : i32
      %swap3A_832 = arith.index_cast %swap3A_831 : i32 to index
      %swap3A_833 = arith.constant 48 : index
      %swap3A_834 = tpu.vector_load %arg8[%swap3A_832, %swap3A_833] {strides = array<i32>} : memref<2x80xi32, #tpu.memory_space<vmem>>, vector<1x16xi32>,
      %swap3A_835 = vector.shape_cast %swap3A_834 : vector<1x16xi32> to vector<16xi32>
      %swap3A_836 = vector.shape_cast %add3A_830 : vector<16xi32> to vector<1x16xi32>
      tpu.vector_store %arg8[%swap3A_832, %swap3A_833], %swap3A_836 {strides = array<i32>} : memref<2x80xi32, #tpu.memory_space<vmem>>, vector<1x16xi32>,
      %get3A_837 = arith.constant 6 : i32
      %get3A_838 = arith.index_cast %get3A_837 : i32 to index
      %get3A_839 = arith.constant 64 : index
      %get3A_840 = tpu.vector_load %arg6[%get3A_838, %get3A_839] {strides = array<i32>} : memref<10x80xi32, #tpu.memory_space<vmem>>, vector<1x16xi32>,
      %get3A_841 = vector.shape_cast %get3A_840 : vector<1x16xi32> to vector<16xi32>
      %mul3A_842 = arith.constant 2 : i32
      %mul3A_843 = vector.broadcast %mul3A_842 : i32 to vector<16xi32>
      %mul3A_844 = arith.muli %get3A_841, %mul3A_843 : vector<16xi32>
      %add3A_845 = vector.broadcast %arg0 : i32 to vector<16xi32>
      %add3A_846 = arith.addi %mul3A_844, %add3A_845 : vector<16xi32>
      %swap3A_847 = arith.constant 0 : i32
      %swap3A_848 = arith.index_cast %swap3A_847 : i32 to index
      %swap3A_849 = arith.constant 64 : index
      %swap3A_850 = tpu.vector_load %arg8[%swap3A_848, %swap3A_849] {strides = array<i32>} : memref<2x80xi32, #tpu.memory_space<vmem>>, vector<1x16xi32>,
      %swap3A_851 = vector.shape_cast %swap3A_850 : vector<1x16xi32> to vector<16xi32>
      %swap3A_852 = vector.shape_cast %add3A_846 : vector<16xi32> to vector<1x16xi32>
      tpu.vector_store %arg8[%swap3A_848, %swap3A_849], %swap3A_852 {strides = array<i32>} : memref<2x80xi32, #tpu.memory_space<vmem>>, vector<1x16xi32>,
      %dma_start3A_853 = arith.constant 0 : i32
      %dma_start3A_854 = arith.constant 0 : i32
      %dma_start3A_855 = arith.constant 0 : i32
      %dma_start3A_856 = arith.constant 0 : i32
      %dma_start3A_857 = tpu.memref_slice %arg9[%dma_start3A_854, %dma_start3A_855, %dma_start3A_856] : memref<2x80x128xf32, #tpu.memory_space<vmem>> -> memref<1x80x128xf32, #tpu.memory_space<vmem>>
      %dma_start3A_858 = tpu.memref_squeeze %dma_start3A_857 : memref<1x80x128xf32, #tpu.memory_space<vmem>> -> memref<80x128xf32, #tpu.memory_space<vmem>>
      %dma_start3A_859 = arith.constant 0 : i32
      %dma_start3A_860 = tpu.memref_slice %arg8[%dma_start3A_853, %dma_start3A_859] : memref<2x80xi32, #tpu.memory_space<vmem>> -> memref<1x80xi32, #tpu.memory_space<vmem>>
      %dma_start3A_861 = tpu.memref_squeeze %dma_start3A_860 : memref<1x80xi32, #tpu.memory_space<vmem>> -> memref<80xi32, #tpu.memory_space<vmem>>
      %dma_start3A_862 = arith.constant 0 : i32
      %dma_start3A_863 = arith.constant 0 : i32
      %dma_start3A_864 = tpu.memref_slice %arg2[%dma_start3A_862, %dma_start3A_863] : memref<20000x128xf32, #tpu.memory_space<hbm>> -> memref<20000x128xf32, #tpu.memory_space<hbm>>
      tpu.enqueue_indirect_dma source(%dma_start3A_864 : memref<20000x128xf32, #tpu.memory_space<hbm>>) target(%dma_start3A_858 : memref<80x128xf32, #tpu.memory_space<vmem>>) offsets(%dma_start3A_861 : memref<80xi32, #tpu.memory_space<vmem>>) semaphore(%arg11 : memref<!tpu.dma_semaphore, #tpu.memory_space<semaphore_mem>>)
      %dma_wait3A_865 = arith.constant 0 : i32
      %dma_wait3A_866 = arith.constant 0 : i32
      %dma_wait3A_867 = arith.constant 0 : i32
      %dma_wait3A_868 = arith.constant 0 : i32
      %dma_wait3A_869 = tpu.memref_slice %arg9[%dma_wait3A_866, %dma_wait3A_867, %dma_wait3A_868] : memref<2x80x128xf32, #tpu.memory_space<vmem>> -> memref<1x80x128xf32, #tpu.memory_space<vmem>>
      %dma_wait3A_870 = tpu.memref_squeeze %dma_wait3A_869 : memref<1x80x128xf32, #tpu.memory_space<vmem>> -> memref<80x128xf32, #tpu.memory_space<vmem>>
      %dma_wait3A_871 = arith.constant 0 : i32
      %dma_wait3A_872 = tpu.memref_slice %arg8[%dma_wait3A_865, %dma_wait3A_871] : memref<2x80xi32, #tpu.memory_space<vmem>> -> memref<1x80xi32, #tpu.memory_space<vmem>>
      %dma_wait3A_873 = tpu.memref_squeeze %dma_wait3A_872 : memref<1x80xi32, #tpu.memory_space<vmem>> -> memref<80xi32, #tpu.memory_space<vmem>>
      %dma_wait3A_874 = arith.constant 0 : i32
      %dma_wait3A_875 = arith.constant 0 : i32
      %dma_wait3A_876 = tpu.memref_slice %arg2[%dma_wait3A_874, %dma_wait3A_875] : memref<20000x128xf32, #tpu.memory_space<hbm>> -> memref<20000x128xf32, #tpu.memory_space<hbm>>
      tpu.wait_indirect_dma semaphore(%arg11 : memref<!tpu.dma_semaphore, #tpu.memory_space<semaphore_mem>>) src(%dma_wait3A_876 : memref<20000x128xf32, #tpu.memory_space<hbm>>) dst(%dma_wait3A_870 : memref<80x128xf32, #tpu.memory_space<vmem>>)
      %dma_start3A_877 = arith.constant 0 : i32
      %dma_start3A_878 = arith.constant 6 : i32
      %dma_start3A_879 = arith.constant 0 : i32
      %dma_start3A_880 = arith.constant 0 : i32
      %dma_start3A_881 = tpu.memref_slice %arg9[%dma_start3A_877, %dma_start3A_879, %dma_start3A_880] : memref<2x80x128xf32, #tpu.memory_space<vmem>> -> memref<1x80x128xf32, #tpu.memory_space<vmem>>
      %dma_start3A_882 = tpu.memref_squeeze %dma_start3A_881 : memref<1x80x128xf32, #tpu.memory_space<vmem>> -> memref<80x128xf32, #tpu.memory_space<vmem>>
      %dma_start3A_883 = arith.constant 0 : i32
      %dma_start3A_884 = tpu.memref_slice %arg7[%dma_start3A_878, %dma_start3A_883] : memref<10x80xi32, #tpu.memory_space<vmem>> -> memref<1x80xi32, #tpu.memory_space<vmem>>
      %dma_start3A_885 = tpu.memref_squeeze %dma_start3A_884 : memref<1x80xi32, #tpu.memory_space<vmem>> -> memref<80xi32, #tpu.memory_space<vmem>>
      %dma_start3A_886 = arith.constant 0 : i32
      %dma_start3A_887 = arith.constant 0 : i32
      %dma_start3A_888 = tpu.memref_slice %arg10[%dma_start3A_886, %dma_start3A_887] : memref<10240x128xf32, #tpu.memory_space<vmem_shared>> -> memref<10240x128xf32, #tpu.memory_space<vmem_shared>>
      tpu.enqueue_indirect_dma source(%dma_start3A_882 : memref<80x128xf32, #tpu.memory_space<vmem>>) target(%dma_start3A_888 : memref<10240x128xf32, #tpu.memory_space<vmem_shared>>) offsets(%dma_start3A_885 : memref<80xi32, #tpu.memory_space<vmem>>) semaphore(%arg12 : memref<!tpu.dma_semaphore, #tpu.memory_space<semaphore_mem>>) {add = true}
      %dma_wait3A_889 = arith.constant 1 : i32
      %dma_wait3A_890 = arith.constant 5 : i32
      %dma_wait3A_891 = arith.constant 0 : i32
      %dma_wait3A_892 = arith.constant 0 : i32
      %dma_wait3A_893 = tpu.memref_slice %arg9[%dma_wait3A_889, %dma_wait3A_891, %dma_wait3A_892] : memref<2x80x128xf32, #tpu.memory_space<vmem>> -> memref<1x80x128xf32, #tpu.memory_space<vmem>>
      %dma_wait3A_894 = tpu.memref_squeeze %dma_wait3A_893 : memref<1x80x128xf32, #tpu.memory_space<vmem>> -> memref<80x128xf32, #tpu.memory_space<vmem>>
      %dma_wait3A_895 = arith.constant 0 : i32
      %dma_wait3A_896 = tpu.memref_slice %arg7[%dma_wait3A_890, %dma_wait3A_895] : memref<10x80xi32, #tpu.memory_space<vmem>> -> memref<1x80xi32, #tpu.memory_space<vmem>>
      %dma_wait3A_897 = tpu.memref_squeeze %dma_wait3A_896 : memref<1x80xi32, #tpu.memory_space<vmem>> -> memref<80xi32, #tpu.memory_space<vmem>>
      %dma_wait3A_898 = arith.constant 0 : i32
      %dma_wait3A_899 = arith.constant 0 : i32
      %dma_wait3A_900 = tpu.memref_slice %arg10[%dma_wait3A_898, %dma_wait3A_899] : memref<10240x128xf32, #tpu.memory_space<vmem_shared>> -> memref<10240x128xf32, #tpu.memory_space<vmem_shared>>
      tpu.wait_indirect_dma semaphore(%arg12 : memref<!tpu.dma_semaphore, #tpu.memory_space<semaphore_mem>>) src(%dma_wait3A_894 : memref<80x128xf32, #tpu.memory_space<vmem>>) dst(%dma_wait3A_900 : memref<10240x128xf32, #tpu.memory_space<vmem_shared>>)
      %get3A_901 = arith.constant 7 : i32
      %get3A_902 = arith.index_cast %get3A_901 : i32 to index
      %get3A_903 = arith.constant 0 : index
      %get3A_904 = tpu.vector_load %arg6[%get3A_902, %get3A_903] {strides = array<i32>} : memref<10x80xi32, #tpu.memory_space<vmem>>, vector<1x16xi32>,
      %get3A_905 = vector.shape_cast %get3A_904 : vector<1x16xi32> to vector<16xi32>
      %mul3A_906 = arith.constant 2 : i32
      %mul3A_907 = vector.broadcast %mul3A_906 : i32 to vector<16xi32>
      %mul3A_908 = arith.muli %get3A_905, %mul3A_907 : vector<16xi32>
      %add3A_909 = vector.broadcast %arg0 : i32 to vector<16xi32>
      %add3A_910 = arith.addi %mul3A_908, %add3A_909 : vector<16xi32>
      %swap3A_911 = arith.constant 1 : i32
      %swap3A_912 = arith.index_cast %swap3A_911 : i32 to index
      %swap3A_913 = arith.constant 0 : index
      %swap3A_914 = tpu.vector_load %arg8[%swap3A_912, %swap3A_913] {strides = array<i32>} : memref<2x80xi32, #tpu.memory_space<vmem>>, vector<1x16xi32>,
      %swap3A_915 = vector.shape_cast %swap3A_914 : vector<1x16xi32> to vector<16xi32>
      %swap3A_916 = vector.shape_cast %add3A_910 : vector<16xi32> to vector<1x16xi32>
      tpu.vector_store %arg8[%swap3A_912, %swap3A_913], %swap3A_916 {strides = array<i32>} : memref<2x80xi32, #tpu.memory_space<vmem>>, vector<1x16xi32>,
      %get3A_917 = arith.constant 7 : i32
      %get3A_918 = arith.index_cast %get3A_917 : i32 to index
      %get3A_919 = arith.constant 16 : index
      %get3A_920 = tpu.vector_load %arg6[%get3A_918, %get3A_919] {strides = array<i32>} : memref<10x80xi32, #tpu.memory_space<vmem>>, vector<1x16xi32>,
      %get3A_921 = vector.shape_cast %get3A_920 : vector<1x16xi32> to vector<16xi32>
      %mul3A_922 = arith.constant 2 : i32
      %mul3A_923 = vector.broadcast %mul3A_922 : i32 to vector<16xi32>
      %mul3A_924 = arith.muli %get3A_921, %mul3A_923 : vector<16xi32>
      %add3A_925 = vector.broadcast %arg0 : i32 to vector<16xi32>
      %add3A_926 = arith.addi %mul3A_924, %add3A_925 : vector<16xi32>
      %swap3A_927 = arith.constant 1 : i32
      %swap3A_928 = arith.index_cast %swap3A_927 : i32 to index
      %swap3A_929 = arith.constant 16 : index
      %swap3A_930 = tpu.vector_load %arg8[%swap3A_928, %swap3A_929] {strides = array<i32>} : memref<2x80xi32, #tpu.memory_space<vmem>>, vector<1x16xi32>,
      %swap3A_931 = vector.shape_cast %swap3A_930 : vector<1x16xi32> to vector<16xi32>
      %swap3A_932 = vector.shape_cast %add3A_926 : vector<16xi32> to vector<1x16xi32>
      tpu.vector_store %arg8[%swap3A_928, %swap3A_929], %swap3A_932 {strides = array<i32>} : memref<2x80xi32, #tpu.memory_space<vmem>>, vector<1x16xi32>,
      %get3A_933 = arith.constant 7 : i32
      %get3A_934 = arith.index_cast %get3A_933 : i32 to index
      %get3A_935 = arith.constant 32 : index
      %get3A_936 = tpu.vector_load %arg6[%get3A_934, %get3A_935] {strides = array<i32>} : memref<10x80xi32, #tpu.memory_space<vmem>>, vector<1x16xi32>,
      %get3A_937 = vector.shape_cast %get3A_936 : vector<1x16xi32> to vector<16xi32>
      %mul3A_938 = arith.constant 2 : i32
      %mul3A_939 = vector.broadcast %mul3A_938 : i32 to vector<16xi32>
      %mul3A_940 = arith.muli %get3A_937, %mul3A_939 : vector<16xi32>
      %add3A_941 = vector.broadcast %arg0 : i32 to vector<16xi32>
      %add3A_942 = arith.addi %mul3A_940, %add3A_941 : vector<16xi32>
      %swap3A_943 = arith.constant 1 : i32
      %swap3A_944 = arith.index_cast %swap3A_943 : i32 to index
      %swap3A_945 = arith.constant 32 : index
      %swap3A_946 = tpu.vector_load %arg8[%swap3A_944, %swap3A_945] {strides = array<i32>} : memref<2x80xi32, #tpu.memory_space<vmem>>, vector<1x16xi32>,
      %swap3A_947 = vector.shape_cast %swap3A_946 : vector<1x16xi32> to vector<16xi32>
      %swap3A_948 = vector.shape_cast %add3A_942 : vector<16xi32> to vector<1x16xi32>
      tpu.vector_store %arg8[%swap3A_944, %swap3A_945], %swap3A_948 {strides = array<i32>} : memref<2x80xi32, #tpu.memory_space<vmem>>, vector<1x16xi32>,
      %get3A_949 = arith.constant 7 : i32
      %get3A_950 = arith.index_cast %get3A_949 : i32 to index
      %get3A_951 = arith.constant 48 : index
      %get3A_952 = tpu.vector_load %arg6[%get3A_950, %get3A_951] {strides = array<i32>} : memref<10x80xi32, #tpu.memory_space<vmem>>, vector<1x16xi32>,
      %get3A_953 = vector.shape_cast %get3A_952 : vector<1x16xi32> to vector<16xi32>
      %mul3A_954 = arith.constant 2 : i32
      %mul3A_955 = vector.broadcast %mul3A_954 : i32 to vector<16xi32>
      %mul3A_956 = arith.muli %get3A_953, %mul3A_955 : vector<16xi32>
      %add3A_957 = vector.broadcast %arg0 : i32 to vector<16xi32>
      %add3A_958 = arith.addi %mul3A_956, %add3A_957 : vector<16xi32>
      %swap3A_959 = arith.constant 1 : i32
      %swap3A_960 = arith.index_cast %swap3A_959 : i32 to index
      %swap3A_961 = arith.constant 48 : index
      %swap3A_962 = tpu.vector_load %arg8[%swap3A_960, %swap3A_961] {strides = array<i32>} : memref<2x80xi32, #tpu.memory_space<vmem>>, vector<1x16xi32>,
      %swap3A_963 = vector.shape_cast %swap3A_962 : vector<1x16xi32> to vector<16xi32>
      %swap3A_964 = vector.shape_cast %add3A_958 : vector<16xi32> to vector<1x16xi32>
      tpu.vector_store %arg8[%swap3A_960, %swap3A_961], %swap3A_964 {strides = array<i32>} : memref<2x80xi32, #tpu.memory_space<vmem>>, vector<1x16xi32>,
      %get3A_965 = arith.constant 7 : i32
      %get3A_966 = arith.index_cast %get3A_965 : i32 to index
      %get3A_967 = arith.constant 64 : index
      %get3A_968 = tpu.vector_load %arg6[%get3A_966, %get3A_967] {strides = array<i32>} : memref<10x80xi32, #tpu.memory_space<vmem>>, vector<1x16xi32>,
      %get3A_969 = vector.shape_cast %get3A_968 : vector<1x16xi32> to vector<16xi32>
      %mul3A_970 = arith.constant 2 : i32
      %mul3A_971 = vector.broadcast %mul3A_970 : i32 to vector<16xi32>
      %mul3A_972 = arith.muli %get3A_969, %mul3A_971 : vector<16xi32>
      %add3A_973 = vector.broadcast %arg0 : i32 to vector<16xi32>
      %add3A_974 = arith.addi %mul3A_972, %add3A_973 : vector<16xi32>
      %swap3A_975 = arith.constant 1 : i32
      %swap3A_976 = arith.index_cast %swap3A_975 : i32 to index
      %swap3A_977 = arith.constant 64 : index
      %swap3A_978 = tpu.vector_load %arg8[%swap3A_976, %swap3A_977] {strides = array<i32>} : memref<2x80xi32, #tpu.memory_space<vmem>>, vector<1x16xi32>,
      %swap3A_979 = vector.shape_cast %swap3A_978 : vector<1x16xi32> to vector<16xi32>
      %swap3A_980 = vector.shape_cast %add3A_974 : vector<16xi32> to vector<1x16xi32>
      tpu.vector_store %arg8[%swap3A_976, %swap3A_977], %swap3A_980 {strides = array<i32>} : memref<2x80xi32, #tpu.memory_space<vmem>>, vector<1x16xi32>,
      %dma_start3A_981 = arith.constant 1 : i32
      %dma_start3A_982 = arith.constant 1 : i32
      %dma_start3A_983 = arith.constant 0 : i32
      %dma_start3A_984 = arith.constant 0 : i32
      %dma_start3A_985 = tpu.memref_slice %arg9[%dma_start3A_982, %dma_start3A_983, %dma_start3A_984] : memref<2x80x128xf32, #tpu.memory_space<vmem>> -> memref<1x80x128xf32, #tpu.memory_space<vmem>>
      %dma_start3A_986 = tpu.memref_squeeze %dma_start3A_985 : memref<1x80x128xf32, #tpu.memory_space<vmem>> -> memref<80x128xf32, #tpu.memory_space<vmem>>
      %dma_start3A_987 = arith.constant 0 : i32
      %dma_start3A_988 = tpu.memref_slice %arg8[%dma_start3A_981, %dma_start3A_987] : memref<2x80xi32, #tpu.memory_space<vmem>> -> memref<1x80xi32, #tpu.memory_space<vmem>>
      %dma_start3A_989 = tpu.memref_squeeze %dma_start3A_988 : memref<1x80xi32, #tpu.memory_space<vmem>> -> memref<80xi32, #tpu.memory_space<vmem>>
      %dma_start3A_990 = arith.constant 0 : i32
      %dma_start3A_991 = arith.constant 0 : i32
      %dma_start3A_992 = tpu.memref_slice %arg2[%dma_start3A_990, %dma_start3A_991] : memref<20000x128xf32, #tpu.memory_space<hbm>> -> memref<20000x128xf32, #tpu.memory_space<hbm>>
      tpu.enqueue_indirect_dma source(%dma_start3A_992 : memref<20000x128xf32, #tpu.memory_space<hbm>>) target(%dma_start3A_986 : memref<80x128xf32, #tpu.memory_space<vmem>>) offsets(%dma_start3A_989 : memref<80xi32, #tpu.memory_space<vmem>>) semaphore(%arg11 : memref<!tpu.dma_semaphore, #tpu.memory_space<semaphore_mem>>)
      %dma_wait3A_993 = arith.constant 1 : i32
      %dma_wait3A_994 = arith.constant 1 : i32
      %dma_wait3A_995 = arith.constant 0 : i32
      %dma_wait3A_996 = arith.constant 0 : i32
      %dma_wait3A_997 = tpu.memref_slice %arg9[%dma_wait3A_994, %dma_wait3A_995, %dma_wait3A_996] : memref<2x80x128xf32, #tpu.memory_space<vmem>> -> memref<1x80x128xf32, #tpu.memory_space<vmem>>
      %dma_wait3A_998 = tpu.memref_squeeze %dma_wait3A_997 : memref<1x80x128xf32, #tpu.memory_space<vmem>> -> memref<80x128xf32, #tpu.memory_space<vmem>>
      %dma_wait3A_999 = arith.constant 0 : i32
      %dma_wait3A_1000 = tpu.memref_slice %arg8[%dma_wait3A_993, %dma_wait3A_999] : memref<2x80xi32, #tpu.memory_space<vmem>> -> memref<1x80xi32, #tpu.memory_space<vmem>>
      %dma_wait3A_1001 = tpu.memref_squeeze %dma_wait3A_1000 : memref<1x80xi32, #tpu.memory_space<vmem>> -> memref<80xi32, #tpu.memory_space<vmem>>
      %dma_wait3A_1002 = arith.constant 0 : i32
      %dma_wait3A_1003 = arith.constant 0 : i32
      %dma_wait3A_1004 = tpu.memref_slice %arg2[%dma_wait3A_1002, %dma_wait3A_1003] : memref<20000x128xf32, #tpu.memory_space<hbm>> -> memref<20000x128xf32, #tpu.memory_space<hbm>>
      tpu.wait_indirect_dma semaphore(%arg11 : memref<!tpu.dma_semaphore, #tpu.memory_space<semaphore_mem>>) src(%dma_wait3A_1004 : memref<20000x128xf32, #tpu.memory_space<hbm>>) dst(%dma_wait3A_998 : memref<80x128xf32, #tpu.memory_space<vmem>>)
      %dma_start3A_1005 = arith.constant 1 : i32
      %dma_start3A_1006 = arith.constant 7 : i32
      %dma_start3A_1007 = arith.constant 0 : i32
      %dma_start3A_1008 = arith.constant 0 : i32
      %dma_start3A_1009 = tpu.memref_slice %arg9[%dma_start3A_1005, %dma_start3A_1007, %dma_start3A_1008] : memref<2x80x128xf32, #tpu.memory_space<vmem>> -> memref<1x80x128xf32, #tpu.memory_space<vmem>>
      %dma_start3A_1010 = tpu.memref_squeeze %dma_start3A_1009 : memref<1x80x128xf32, #tpu.memory_space<vmem>> -> memref<80x128xf32, #tpu.memory_space<vmem>>
      %dma_start3A_1011 = arith.constant 0 : i32
      %dma_start3A_1012 = tpu.memref_slice %arg7[%dma_start3A_1006, %dma_start3A_1011] : memref<10x80xi32, #tpu.memory_space<vmem>> -> memref<1x80xi32, #tpu.memory_space<vmem>>
      %dma_start3A_1013 = tpu.memref_squeeze %dma_start3A_1012 : memref<1x80xi32, #tpu.memory_space<vmem>> -> memref<80xi32, #tpu.memory_space<vmem>>
      %dma_start3A_1014 = arith.constant 0 : i32
      %dma_start3A_1015 = arith.constant 0 : i32
      %dma_start3A_1016 = tpu.memref_slice %arg10[%dma_start3A_1014, %dma_start3A_1015] : memref<10240x128xf32, #tpu.memory_space<vmem_shared>> -> memref<10240x128xf32, #tpu.memory_space<vmem_shared>>
      tpu.enqueue_indirect_dma source(%dma_start3A_1010 : memref<80x128xf32, #tpu.memory_space<vmem>>) target(%dma_start3A_1016 : memref<10240x128xf32, #tpu.memory_space<vmem_shared>>) offsets(%dma_start3A_1013 : memref<80xi32, #tpu.memory_space<vmem>>) semaphore(%arg12 : memref<!tpu.dma_semaphore, #tpu.memory_space<semaphore_mem>>) {add = true}
      %dma_wait3A_1017 = arith.constant 0 : i32
      %dma_wait3A_1018 = arith.constant 6 : i32
      %dma_wait3A_1019 = arith.constant 0 : i32
      %dma_wait3A_1020 = arith.constant 0 : i32
      %dma_wait3A_1021 = tpu.memref_slice %arg9[%dma_wait3A_1017, %dma_wait3A_1019, %dma_wait3A_1020] : memref<2x80x128xf32, #tpu.memory_space<vmem>> -> memref<1x80x128xf32, #tpu.memory_space<vmem>>
      %dma_wait3A_1022 = tpu.memref_squeeze %dma_wait3A_1021 : memref<1x80x128xf32, #tpu.memory_space<vmem>> -> memref<80x128xf32, #tpu.memory_space<vmem>>
      %dma_wait3A_1023 = arith.constant 0 : i32
      %dma_wait3A_1024 = tpu.memref_slice %arg7[%dma_wait3A_1018, %dma_wait3A_1023] : memref<10x80xi32, #tpu.memory_space<vmem>> -> memref<1x80xi32, #tpu.memory_space<vmem>>
      %dma_wait3A_1025 = tpu.memref_squeeze %dma_wait3A_1024 : memref<1x80xi32, #tpu.memory_space<vmem>> -> memref<80xi32, #tpu.memory_space<vmem>>
      %dma_wait3A_1026 = arith.constant 0 : i32
      %dma_wait3A_1027 = arith.constant 0 : i32
      %dma_wait3A_1028 = tpu.memref_slice %arg10[%dma_wait3A_1026, %dma_wait3A_1027] : memref<10240x128xf32, #tpu.memory_space<vmem_shared>> -> memref<10240x128xf32, #tpu.memory_space<vmem_shared>>
      tpu.wait_indirect_dma semaphore(%arg12 : memref<!tpu.dma_semaphore, #tpu.memory_space<semaphore_mem>>) src(%dma_wait3A_1022 : memref<80x128xf32, #tpu.memory_space<vmem>>) dst(%dma_wait3A_1028 : memref<10240x128xf32, #tpu.memory_space<vmem_shared>>)
      %get3A_1029 = arith.constant 8 : i32
      %get3A_1030 = arith.index_cast %get3A_1029 : i32 to index
      %get3A_1031 = arith.constant 0 : index
      %get3A_1032 = tpu.vector_load %arg6[%get3A_1030, %get3A_1031] {strides = array<i32>} : memref<10x80xi32, #tpu.memory_space<vmem>>, vector<1x16xi32>,
      %get3A_1033 = vector.shape_cast %get3A_1032 : vector<1x16xi32> to vector<16xi32>
      %mul3A_1034 = arith.constant 2 : i32
      %mul3A_1035 = vector.broadcast %mul3A_1034 : i32 to vector<16xi32>
      %mul3A_1036 = arith.muli %get3A_1033, %mul3A_1035 : vector<16xi32>
      %add3A_1037 = vector.broadcast %arg0 : i32 to vector<16xi32>
      %add3A_1038 = arith.addi %mul3A_1036, %add3A_1037 : vector<16xi32>
      %swap3A_1039 = arith.constant 0 : i32
      %swap3A_1040 = arith.index_cast %swap3A_1039 : i32 to index
      %swap3A_1041 = arith.constant 0 : index
      %swap3A_1042 = tpu.vector_load %arg8[%swap3A_1040, %swap3A_1041] {strides = array<i32>} : memref<2x80xi32, #tpu.memory_space<vmem>>, vector<1x16xi32>,
      %swap3A_1043 = vector.shape_cast %swap3A_1042 : vector<1x16xi32> to vector<16xi32>
      %swap3A_1044 = vector.shape_cast %add3A_1038 : vector<16xi32> to vector<1x16xi32>
      tpu.vector_store %arg8[%swap3A_1040, %swap3A_1041], %swap3A_1044 {strides = array<i32>} : memref<2x80xi32, #tpu.memory_space<vmem>>, vector<1x16xi32>,
      %get3A_1045 = arith.constant 8 : i32
      %get3A_1046 = arith.index_cast %get3A_1045 : i32 to index
      %get3A_1047 = arith.constant 16 : index
      %get3A_1048 = tpu.vector_load %arg6[%get3A_1046, %get3A_1047] {strides = array<i32>} : memref<10x80xi32, #tpu.memory_space<vmem>>, vector<1x16xi32>,
      %get3A_1049 = vector.shape_cast %get3A_1048 : vector<1x16xi32> to vector<16xi32>
      %mul3A_1050 = arith.constant 2 : i32
      %mul3A_1051 = vector.broadcast %mul3A_1050 : i32 to vector<16xi32>
      %mul3A_1052 = arith.muli %get3A_1049, %mul3A_1051 : vector<16xi32>
      %add3A_1053 = vector.broadcast %arg0 : i32 to vector<16xi32>
      %add3A_1054 = arith.addi %mul3A_1052, %add3A_1053 : vector<16xi32>
      %swap3A_1055 = arith.constant 0 : i32
      %swap3A_1056 = arith.index_cast %swap3A_1055 : i32 to index
      %swap3A_1057 = arith.constant 16 : index
      %swap3A_1058 = tpu.vector_load %arg8[%swap3A_1056, %swap3A_1057] {strides = array<i32>} : memref<2x80xi32, #tpu.memory_space<vmem>>, vector<1x16xi32>,
      %swap3A_1059 = vector.shape_cast %swap3A_1058 : vector<1x16xi32> to vector<16xi32>
      %swap3A_1060 = vector.shape_cast %add3A_1054 : vector<16xi32> to vector<1x16xi32>
      tpu.vector_store %arg8[%swap3A_1056, %swap3A_1057], %swap3A_1060 {strides = array<i32>} : memref<2x80xi32, #tpu.memory_space<vmem>>, vector<1x16xi32>,
      %get3A_1061 = arith.constant 8 : i32
      %get3A_1062 = arith.index_cast %get3A_1061 : i32 to index
      %get3A_1063 = arith.constant 32 : index
      %get3A_1064 = tpu.vector_load %arg6[%get3A_1062, %get3A_1063] {strides = array<i32>} : memref<10x80xi32, #tpu.memory_space<vmem>>, vector<1x16xi32>,
      %get3A_1065 = vector.shape_cast %get3A_1064 : vector<1x16xi32> to vector<16xi32>
      %mul3A_1066 = arith.constant 2 : i32
      %mul3A_1067 = vector.broadcast %mul3A_1066 : i32 to vector<16xi32>
      %mul3A_1068 = arith.muli %get3A_1065, %mul3A_1067 : vector<16xi32>
      %add3A_1069 = vector.broadcast %arg0 : i32 to vector<16xi32>
      %add3A_1070 = arith.addi %mul3A_1068, %add3A_1069 : vector<16xi32>
      %swap3A_1071 = arith.constant 0 : i32
      %swap3A_1072 = arith.index_cast %swap3A_1071 : i32 to index
      %swap3A_1073 = arith.constant 32 : index
      %swap3A_1074 = tpu.vector_load %arg8[%swap3A_1072, %swap3A_1073] {strides = array<i32>} : memref<2x80xi32, #tpu.memory_space<vmem>>, vector<1x16xi32>,
      %swap3A_1075 = vector.shape_cast %swap3A_1074 : vector<1x16xi32> to vector<16xi32>
      %swap3A_1076 = vector.shape_cast %add3A_1070 : vector<16xi32> to vector<1x16xi32>
      tpu.vector_store %arg8[%swap3A_1072, %swap3A_1073], %swap3A_1076 {strides = array<i32>} : memref<2x80xi32, #tpu.memory_space<vmem>>, vector<1x16xi32>,
      %get3A_1077 = arith.constant 8 : i32
      %get3A_1078 = arith.index_cast %get3A_1077 : i32 to index
      %get3A_1079 = arith.constant 48 : index
      %get3A_1080 = tpu.vector_load %arg6[%get3A_1078, %get3A_1079] {strides = array<i32>} : memref<10x80xi32, #tpu.memory_space<vmem>>, vector<1x16xi32>,
      %get3A_1081 = vector.shape_cast %get3A_1080 : vector<1x16xi32> to vector<16xi32>
      %mul3A_1082 = arith.constant 2 : i32
      %mul3A_1083 = vector.broadcast %mul3A_1082 : i32 to vector<16xi32>
      %mul3A_1084 = arith.muli %get3A_1081, %mul3A_1083 : vector<16xi32>
      %add3A_1085 = vector.broadcast %arg0 : i32 to vector<16xi32>
      %add3A_1086 = arith.addi %mul3A_1084, %add3A_1085 : vector<16xi32>
      %swap3A_1087 = arith.constant 0 : i32
      %swap3A_1088 = arith.index_cast %swap3A_1087 : i32 to index
      %swap3A_1089 = arith.constant 48 : index
      %swap3A_1090 = tpu.vector_load %arg8[%swap3A_1088, %swap3A_1089] {strides = array<i32>} : memref<2x80xi32, #tpu.memory_space<vmem>>, vector<1x16xi32>,
      %swap3A_1091 = vector.shape_cast %swap3A_1090 : vector<1x16xi32> to vector<16xi32>
      %swap3A_1092 = vector.shape_cast %add3A_1086 : vector<16xi32> to vector<1x16xi32>
      tpu.vector_store %arg8[%swap3A_1088, %swap3A_1089], %swap3A_1092 {strides = array<i32>} : memref<2x80xi32, #tpu.memory_space<vmem>>, vector<1x16xi32>,
      %get3A_1093 = arith.constant 8 : i32
      %get3A_1094 = arith.index_cast %get3A_1093 : i32 to index
      %get3A_1095 = arith.constant 64 : index
      %get3A_1096 = tpu.vector_load %arg6[%get3A_1094, %get3A_1095] {strides = array<i32>} : memref<10x80xi32, #tpu.memory_space<vmem>>, vector<1x16xi32>,
      %get3A_1097 = vector.shape_cast %get3A_1096 : vector<1x16xi32> to vector<16xi32>
      %mul3A_1098 = arith.constant 2 : i32
      %mul3A_1099 = vector.broadcast %mul3A_1098 : i32 to vector<16xi32>
      %mul3A_1100 = arith.muli %get3A_1097, %mul3A_1099 : vector<16xi32>
      %add3A_1101 = vector.broadcast %arg0 : i32 to vector<16xi32>
      %add3A_1102 = arith.addi %mul3A_1100, %add3A_1101 : vector<16xi32>
      %swap3A_1103 = arith.constant 0 : i32
      %swap3A_1104 = arith.index_cast %swap3A_1103 : i32 to index
      %swap3A_1105 = arith.constant 64 : index
      %swap3A_1106 = tpu.vector_load %arg8[%swap3A_1104, %swap3A_1105] {strides = array<i32>} : memref<2x80xi32, #tpu.memory_space<vmem>>, vector<1x16xi32>,
      %swap3A_1107 = vector.shape_cast %swap3A_1106 : vector<1x16xi32> to vector<16xi32>
      %swap3A_1108 = vector.shape_cast %add3A_1102 : vector<16xi32> to vector<1x16xi32>
      tpu.vector_store %arg8[%swap3A_1104, %swap3A_1105], %swap3A_1108 {strides = array<i32>} : memref<2x80xi32, #tpu.memory_space<vmem>>, vector<1x16xi32>,
      %dma_start3A_1109 = arith.constant 0 : i32
      %dma_start3A_1110 = arith.constant 0 : i32
      %dma_start3A_1111 = arith.constant 0 : i32
      %dma_start3A_1112 = arith.constant 0 : i32
      %dma_start3A_1113 = tpu.memref_slice %arg9[%dma_start3A_1110, %dma_start3A_1111, %dma_start3A_1112] : memref<2x80x128xf32, #tpu.memory_space<vmem>> -> memref<1x80x128xf32, #tpu.memory_space<vmem>>
      %dma_start3A_1114 = tpu.memref_squeeze %dma_start3A_1113 : memref<1x80x128xf32, #tpu.memory_space<vmem>> -> memref<80x128xf32, #tpu.memory_space<vmem>>
      %dma_start3A_1115 = arith.constant 0 : i32
      %dma_start3A_1116 = tpu.memref_slice %arg8[%dma_start3A_1109, %dma_start3A_1115] : memref<2x80xi32, #tpu.memory_space<vmem>> -> memref<1x80xi32, #tpu.memory_space<vmem>>
      %dma_start3A_1117 = tpu.memref_squeeze %dma_start3A_1116 : memref<1x80xi32, #tpu.memory_space<vmem>> -> memref<80xi32, #tpu.memory_space<vmem>>
      %dma_start3A_1118 = arith.constant 0 : i32
      %dma_start3A_1119 = arith.constant 0 : i32
      %dma_start3A_1120 = tpu.memref_slice %arg2[%dma_start3A_1118, %dma_start3A_1119] : memref<20000x128xf32, #tpu.memory_space<hbm>> -> memref<20000x128xf32, #tpu.memory_space<hbm>>
      tpu.enqueue_indirect_dma source(%dma_start3A_1120 : memref<20000x128xf32, #tpu.memory_space<hbm>>) target(%dma_start3A_1114 : memref<80x128xf32, #tpu.memory_space<vmem>>) offsets(%dma_start3A_1117 : memref<80xi32, #tpu.memory_space<vmem>>) semaphore(%arg11 : memref<!tpu.dma_semaphore, #tpu.memory_space<semaphore_mem>>)
      %dma_wait3A_1121 = arith.constant 0 : i32
      %dma_wait3A_1122 = arith.constant 0 : i32
      %dma_wait3A_1123 = arith.constant 0 : i32
      %dma_wait3A_1124 = arith.constant 0 : i32
      %dma_wait3A_1125 = tpu.memref_slice %arg9[%dma_wait3A_1122, %dma_wait3A_1123, %dma_wait3A_1124] : memref<2x80x128xf32, #tpu.memory_space<vmem>> -> memref<1x80x128xf32, #tpu.memory_space<vmem>>
      %dma_wait3A_1126 = tpu.memref_squeeze %dma_wait3A_1125 : memref<1x80x128xf32, #tpu.memory_space<vmem>> -> memref<80x128xf32, #tpu.memory_space<vmem>>
      %dma_wait3A_1127 = arith.constant 0 : i32
      %dma_wait3A_1128 = tpu.memref_slice %arg8[%dma_wait3A_1121, %dma_wait3A_1127] : memref<2x80xi32, #tpu.memory_space<vmem>> -> memref<1x80xi32, #tpu.memory_space<vmem>>
      %dma_wait3A_1129 = tpu.memref_squeeze %dma_wait3A_1128 : memref<1x80xi32, #tpu.memory_space<vmem>> -> memref<80xi32, #tpu.memory_space<vmem>>
      %dma_wait3A_1130 = arith.constant 0 : i32
      %dma_wait3A_1131 = arith.constant 0 : i32
      %dma_wait3A_1132 = tpu.memref_slice %arg2[%dma_wait3A_1130, %dma_wait3A_1131] : memref<20000x128xf32, #tpu.memory_space<hbm>> -> memref<20000x128xf32, #tpu.memory_space<hbm>>
      tpu.wait_indirect_dma semaphore(%arg11 : memref<!tpu.dma_semaphore, #tpu.memory_space<semaphore_mem>>) src(%dma_wait3A_1132 : memref<20000x128xf32, #tpu.memory_space<hbm>>) dst(%dma_wait3A_1126 : memref<80x128xf32, #tpu.memory_space<vmem>>)
      %dma_start3A_1133 = arith.constant 0 : i32
      %dma_start3A_1134 = arith.constant 8 : i32
      %dma_start3A_1135 = arith.constant 0 : i32
      %dma_start3A_1136 = arith.constant 0 : i32
      %dma_start3A_1137 = tpu.memref_slice %arg9[%dma_start3A_1133, %dma_start3A_1135, %dma_start3A_1136] : memref<2x80x128xf32, #tpu.memory_space<vmem>> -> memref<1x80x128xf32, #tpu.memory_space<vmem>>
      %dma_start3A_1138 = tpu.memref_squeeze %dma_start3A_1137 : memref<1x80x128xf32, #tpu.memory_space<vmem>> -> memref<80x128xf32, #tpu.memory_space<vmem>>
      %dma_start3A_1139 = arith.constant 0 : i32
      %dma_start3A_1140 = tpu.memref_slice %arg7[%dma_start3A_1134, %dma_start3A_1139] : memref<10x80xi32, #tpu.memory_space<vmem>> -> memref<1x80xi32, #tpu.memory_space<vmem>>
      %dma_start3A_1141 = tpu.memref_squeeze %dma_start3A_1140 : memref<1x80xi32, #tpu.memory_space<vmem>> -> memref<80xi32, #tpu.memory_space<vmem>>
      %dma_start3A_1142 = arith.constant 0 : i32
      %dma_start3A_1143 = arith.constant 0 : i32
      %dma_start3A_1144 = tpu.memref_slice %arg10[%dma_start3A_1142, %dma_start3A_1143] : memref<10240x128xf32, #tpu.memory_space<vmem_shared>> -> memref<10240x128xf32, #tpu.memory_space<vmem_shared>>
      tpu.enqueue_indirect_dma source(%dma_start3A_1138 : memref<80x128xf32, #tpu.memory_space<vmem>>) target(%dma_start3A_1144 : memref<10240x128xf32, #tpu.memory_space<vmem_shared>>) offsets(%dma_start3A_1141 : memref<80xi32, #tpu.memory_space<vmem>>) semaphore(%arg12 : memref<!tpu.dma_semaphore, #tpu.memory_space<semaphore_mem>>) {add = true}
      %dma_wait3A_1145 = arith.constant 1 : i32
      %dma_wait3A_1146 = arith.constant 7 : i32
      %dma_wait3A_1147 = arith.constant 0 : i32
      %dma_wait3A_1148 = arith.constant 0 : i32
      %dma_wait3A_1149 = tpu.memref_slice %arg9[%dma_wait3A_1145, %dma_wait3A_1147, %dma_wait3A_1148] : memref<2x80x128xf32, #tpu.memory_space<vmem>> -> memref<1x80x128xf32, #tpu.memory_space<vmem>>
      %dma_wait3A_1150 = tpu.memref_squeeze %dma_wait3A_1149 : memref<1x80x128xf32, #tpu.memory_space<vmem>> -> memref<80x128xf32, #tpu.memory_space<vmem>>
      %dma_wait3A_1151 = arith.constant 0 : i32
      %dma_wait3A_1152 = tpu.memref_slice %arg7[%dma_wait3A_1146, %dma_wait3A_1151] : memref<10x80xi32, #tpu.memory_space<vmem>> -> memref<1x80xi32, #tpu.memory_space<vmem>>
      %dma_wait3A_1153 = tpu.memref_squeeze %dma_wait3A_1152 : memref<1x80xi32, #tpu.memory_space<vmem>> -> memref<80xi32, #tpu.memory_space<vmem>>
      %dma_wait3A_1154 = arith.constant 0 : i32
      %dma_wait3A_1155 = arith.constant 0 : i32
      %dma_wait3A_1156 = tpu.memref_slice %arg10[%dma_wait3A_1154, %dma_wait3A_1155] : memref<10240x128xf32, #tpu.memory_space<vmem_shared>> -> memref<10240x128xf32, #tpu.memory_space<vmem_shared>>
      tpu.wait_indirect_dma semaphore(%arg12 : memref<!tpu.dma_semaphore, #tpu.memory_space<semaphore_mem>>) src(%dma_wait3A_1150 : memref<80x128xf32, #tpu.memory_space<vmem>>) dst(%dma_wait3A_1156 : memref<10240x128xf32, #tpu.memory_space<vmem_shared>>)
      %get3A_1157 = arith.constant 9 : i32
      %get3A_1158 = arith.index_cast %get3A_1157 : i32 to index
      %get3A_1159 = arith.constant 0 : index
      %get3A_1160 = tpu.vector_load %arg6[%get3A_1158, %get3A_1159] {strides = array<i32>} : memref<10x80xi32, #tpu.memory_space<vmem>>, vector<1x16xi32>,
      %get3A_1161 = vector.shape_cast %get3A_1160 : vector<1x16xi32> to vector<16xi32>
      %mul3A_1162 = arith.constant 2 : i32
      %mul3A_1163 = vector.broadcast %mul3A_1162 : i32 to vector<16xi32>
      %mul3A_1164 = arith.muli %get3A_1161, %mul3A_1163 : vector<16xi32>
      %add3A_1165 = vector.broadcast %arg0 : i32 to vector<16xi32>
      %add3A_1166 = arith.addi %mul3A_1164, %add3A_1165 : vector<16xi32>
      %swap3A_1167 = arith.constant 1 : i32
      %swap3A_1168 = arith.index_cast %swap3A_1167 : i32 to index
      %swap3A_1169 = arith.constant 0 : index
      %swap3A_1170 = tpu.vector_load %arg8[%swap3A_1168, %swap3A_1169] {strides = array<i32>} : memref<2x80xi32, #tpu.memory_space<vmem>>, vector<1x16xi32>,
      %swap3A_1171 = vector.shape_cast %swap3A_1170 : vector<1x16xi32> to vector<16xi32>
      %swap3A_1172 = vector.shape_cast %add3A_1166 : vector<16xi32> to vector<1x16xi32>
      tpu.vector_store %arg8[%swap3A_1168, %swap3A_1169], %swap3A_1172 {strides = array<i32>} : memref<2x80xi32, #tpu.memory_space<vmem>>, vector<1x16xi32>,
      %get3A_1173 = arith.constant 9 : i32
      %get3A_1174 = arith.index_cast %get3A_1173 : i32 to index
      %get3A_1175 = arith.constant 16 : index
      %get3A_1176 = tpu.vector_load %arg6[%get3A_1174, %get3A_1175] {strides = array<i32>} : memref<10x80xi32, #tpu.memory_space<vmem>>, vector<1x16xi32>,
      %get3A_1177 = vector.shape_cast %get3A_1176 : vector<1x16xi32> to vector<16xi32>
      %mul3A_1178 = arith.constant 2 : i32
      %mul3A_1179 = vector.broadcast %mul3A_1178 : i32 to vector<16xi32>
      %mul3A_1180 = arith.muli %get3A_1177, %mul3A_1179 : vector<16xi32>
      %add3A_1181 = vector.broadcast %arg0 : i32 to vector<16xi32>
      %add3A_1182 = arith.addi %mul3A_1180, %add3A_1181 : vector<16xi32>
      %swap3A_1183 = arith.constant 1 : i32
      %swap3A_1184 = arith.index_cast %swap3A_1183 : i32 to index
      %swap3A_1185 = arith.constant 16 : index
      %swap3A_1186 = tpu.vector_load %arg8[%swap3A_1184, %swap3A_1185] {strides = array<i32>} : memref<2x80xi32, #tpu.memory_space<vmem>>, vector<1x16xi32>,
      %swap3A_1187 = vector.shape_cast %swap3A_1186 : vector<1x16xi32> to vector<16xi32>
      %swap3A_1188 = vector.shape_cast %add3A_1182 : vector<16xi32> to vector<1x16xi32>
      tpu.vector_store %arg8[%swap3A_1184, %swap3A_1185], %swap3A_1188 {strides = array<i32>} : memref<2x80xi32, #tpu.memory_space<vmem>>, vector<1x16xi32>,
      %get3A_1189 = arith.constant 9 : i32
      %get3A_1190 = arith.index_cast %get3A_1189 : i32 to index
      %get3A_1191 = arith.constant 32 : index
      %get3A_1192 = tpu.vector_load %arg6[%get3A_1190, %get3A_1191] {strides = array<i32>} : memref<10x80xi32, #tpu.memory_space<vmem>>, vector<1x16xi32>,
      %get3A_1193 = vector.shape_cast %get3A_1192 : vector<1x16xi32> to vector<16xi32>
      %mul3A_1194 = arith.constant 2 : i32
      %mul3A_1195 = vector.broadcast %mul3A_1194 : i32 to vector<16xi32>
      %mul3A_1196 = arith.muli %get3A_1193, %mul3A_1195 : vector<16xi32>
      %add3A_1197 = vector.broadcast %arg0 : i32 to vector<16xi32>
      %add3A_1198 = arith.addi %mul3A_1196, %add3A_1197 : vector<16xi32>
      %swap3A_1199 = arith.constant 1 : i32
      %swap3A_1200 = arith.index_cast %swap3A_1199 : i32 to index
      %swap3A_1201 = arith.constant 32 : index
      %swap3A_1202 = tpu.vector_load %arg8[%swap3A_1200, %swap3A_1201] {strides = array<i32>} : memref<2x80xi32, #tpu.memory_space<vmem>>, vector<1x16xi32>,
      %swap3A_1203 = vector.shape_cast %swap3A_1202 : vector<1x16xi32> to vector<16xi32>
      %swap3A_1204 = vector.shape_cast %add3A_1198 : vector<16xi32> to vector<1x16xi32>
      tpu.vector_store %arg8[%swap3A_1200, %swap3A_1201], %swap3A_1204 {strides = array<i32>} : memref<2x80xi32, #tpu.memory_space<vmem>>, vector<1x16xi32>,
      %get3A_1205 = arith.constant 9 : i32
      %get3A_1206 = arith.index_cast %get3A_1205 : i32 to index
      %get3A_1207 = arith.constant 48 : index
      %get3A_1208 = tpu.vector_load %arg6[%get3A_1206, %get3A_1207] {strides = array<i32>} : memref<10x80xi32, #tpu.memory_space<vmem>>, vector<1x16xi32>,
      %get3A_1209 = vector.shape_cast %get3A_1208 : vector<1x16xi32> to vector<16xi32>
      %mul3A_1210 = arith.constant 2 : i32
      %mul3A_1211 = vector.broadcast %mul3A_1210 : i32 to vector<16xi32>
      %mul3A_1212 = arith.muli %get3A_1209, %mul3A_1211 : vector<16xi32>
      %add3A_1213 = vector.broadcast %arg0 : i32 to vector<16xi32>
      %add3A_1214 = arith.addi %mul3A_1212, %add3A_1213 : vector<16xi32>
      %swap3A_1215 = arith.constant 1 : i32
      %swap3A_1216 = arith.index_cast %swap3A_1215 : i32 to index
      %swap3A_1217 = arith.constant 48 : index
      %swap3A_1218 = tpu.vector_load %arg8[%swap3A_1216, %swap3A_1217] {strides = array<i32>} : memref<2x80xi32, #tpu.memory_space<vmem>>, vector<1x16xi32>,
      %swap3A_1219 = vector.shape_cast %swap3A_1218 : vector<1x16xi32> to vector<16xi32>
      %swap3A_1220 = vector.shape_cast %add3A_1214 : vector<16xi32> to vector<1x16xi32>
      tpu.vector_store %arg8[%swap3A_1216, %swap3A_1217], %swap3A_1220 {strides = array<i32>} : memref<2x80xi32, #tpu.memory_space<vmem>>, vector<1x16xi32>,
      %get3A_1221 = arith.constant 9 : i32
      %get3A_1222 = arith.index_cast %get3A_1221 : i32 to index
      %get3A_1223 = arith.constant 64 : index
      %get3A_1224 = tpu.vector_load %arg6[%get3A_1222, %get3A_1223] {strides = array<i32>} : memref<10x80xi32, #tpu.memory_space<vmem>>, vector<1x16xi32>,
      %get3A_1225 = vector.shape_cast %get3A_1224 : vector<1x16xi32> to vector<16xi32>
      %mul3A_1226 = arith.constant 2 : i32
      %mul3A_1227 = vector.broadcast %mul3A_1226 : i32 to vector<16xi32>
      %mul3A_1228 = arith.muli %get3A_1225, %mul3A_1227 : vector<16xi32>
      %add3A_1229 = vector.broadcast %arg0 : i32 to vector<16xi32>
      %add3A_1230 = arith.addi %mul3A_1228, %add3A_1229 : vector<16xi32>
      %swap3A_1231 = arith.constant 1 : i32
      %swap3A_1232 = arith.index_cast %swap3A_1231 : i32 to index
      %swap3A_1233 = arith.constant 64 : index
      %swap3A_1234 = tpu.vector_load %arg8[%swap3A_1232, %swap3A_1233] {strides = array<i32>} : memref<2x80xi32, #tpu.memory_space<vmem>>, vector<1x16xi32>,
      %swap3A_1235 = vector.shape_cast %swap3A_1234 : vector<1x16xi32> to vector<16xi32>
      %swap3A_1236 = vector.shape_cast %add3A_1230 : vector<16xi32> to vector<1x16xi32>
      tpu.vector_store %arg8[%swap3A_1232, %swap3A_1233], %swap3A_1236 {strides = array<i32>} : memref<2x80xi32, #tpu.memory_space<vmem>>, vector<1x16xi32>,
      %dma_start3A_1237 = arith.constant 1 : i32
      %dma_start3A_1238 = arith.constant 1 : i32
      %dma_start3A_1239 = arith.constant 0 : i32
      %dma_start3A_1240 = arith.constant 0 : i32
      %dma_start3A_1241 = tpu.memref_slice %arg9[%dma_start3A_1238, %dma_start3A_1239, %dma_start3A_1240] : memref<2x80x128xf32, #tpu.memory_space<vmem>> -> memref<1x80x128xf32, #tpu.memory_space<vmem>>
      %dma_start3A_1242 = tpu.memref_squeeze %dma_start3A_1241 : memref<1x80x128xf32, #tpu.memory_space<vmem>> -> memref<80x128xf32, #tpu.memory_space<vmem>>
      %dma_start3A_1243 = arith.constant 0 : i32
      %dma_start3A_1244 = tpu.memref_slice %arg8[%dma_start3A_1237, %dma_start3A_1243] : memref<2x80xi32, #tpu.memory_space<vmem>> -> memref<1x80xi32, #tpu.memory_space<vmem>>
      %dma_start3A_1245 = tpu.memref_squeeze %dma_start3A_1244 : memref<1x80xi32, #tpu.memory_space<vmem>> -> memref<80xi32, #tpu.memory_space<vmem>>
      %dma_start3A_1246 = arith.constant 0 : i32
      %dma_start3A_1247 = arith.constant 0 : i32
      %dma_start3A_1248 = tpu.memref_slice %arg2[%dma_start3A_1246, %dma_start3A_1247] : memref<20000x128xf32, #tpu.memory_space<hbm>> -> memref<20000x128xf32, #tpu.memory_space<hbm>>
      tpu.enqueue_indirect_dma source(%dma_start3A_1248 : memref<20000x128xf32, #tpu.memory_space<hbm>>) target(%dma_start3A_1242 : memref<80x128xf32, #tpu.memory_space<vmem>>) offsets(%dma_start3A_1245 : memref<80xi32, #tpu.memory_space<vmem>>) semaphore(%arg11 : memref<!tpu.dma_semaphore, #tpu.memory_space<semaphore_mem>>)
      %dma_wait3A_1249 = arith.constant 1 : i32
      %dma_wait3A_1250 = arith.constant 1 : i32
      %dma_wait3A_1251 = arith.constant 0 : i32
      %dma_wait3A_1252 = arith.constant 0 : i32
      %dma_wait3A_1253 = tpu.memref_slice %arg9[%dma_wait3A_1250, %dma_wait3A_1251, %dma_wait3A_1252] : memref<2x80x128xf32, #tpu.memory_space<vmem>> -> memref<1x80x128xf32, #tpu.memory_space<vmem>>
      %dma_wait3A_1254 = tpu.memref_squeeze %dma_wait3A_1253 : memref<1x80x128xf32, #tpu.memory_space<vmem>> -> memref<80x128xf32, #tpu.memory_space<vmem>>
      %dma_wait3A_1255 = arith.constant 0 : i32
      %dma_wait3A_1256 = tpu.memref_slice %arg8[%dma_wait3A_1249, %dma_wait3A_1255] : memref<2x80xi32, #tpu.memory_space<vmem>> -> memref<1x80xi32, #tpu.memory_space<vmem>>
      %dma_wait3A_1257 = tpu.memref_squeeze %dma_wait3A_1256 : memref<1x80xi32, #tpu.memory_space<vmem>> -> memref<80xi32, #tpu.memory_space<vmem>>
      %dma_wait3A_1258 = arith.constant 0 : i32
      %dma_wait3A_1259 = arith.constant 0 : i32
      %dma_wait3A_1260 = tpu.memref_slice %arg2[%dma_wait3A_1258, %dma_wait3A_1259] : memref<20000x128xf32, #tpu.memory_space<hbm>> -> memref<20000x128xf32, #tpu.memory_space<hbm>>
      tpu.wait_indirect_dma semaphore(%arg11 : memref<!tpu.dma_semaphore, #tpu.memory_space<semaphore_mem>>) src(%dma_wait3A_1260 : memref<20000x128xf32, #tpu.memory_space<hbm>>) dst(%dma_wait3A_1254 : memref<80x128xf32, #tpu.memory_space<vmem>>)
      %dma_start3A_1261 = arith.constant 1 : i32
      %dma_start3A_1262 = arith.constant 9 : i32
      %dma_start3A_1263 = arith.constant 0 : i32
      %dma_start3A_1264 = arith.constant 0 : i32
      %dma_start3A_1265 = tpu.memref_slice %arg9[%dma_start3A_1261, %dma_start3A_1263, %dma_start3A_1264] : memref<2x80x128xf32, #tpu.memory_space<vmem>> -> memref<1x80x128xf32, #tpu.memory_space<vmem>>
      %dma_start3A_1266 = tpu.memref_squeeze %dma_start3A_1265 : memref<1x80x128xf32, #tpu.memory_space<vmem>> -> memref<80x128xf32, #tpu.memory_space<vmem>>
      %dma_start3A_1267 = arith.constant 0 : i32
      %dma_start3A_1268 = tpu.memref_slice %arg7[%dma_start3A_1262, %dma_start3A_1267] : memref<10x80xi32, #tpu.memory_space<vmem>> -> memref<1x80xi32, #tpu.memory_space<vmem>>
      %dma_start3A_1269 = tpu.memref_squeeze %dma_start3A_1268 : memref<1x80xi32, #tpu.memory_space<vmem>> -> memref<80xi32, #tpu.memory_space<vmem>>
      %dma_start3A_1270 = arith.constant 0 : i32
      %dma_start3A_1271 = arith.constant 0 : i32
      %dma_start3A_1272 = tpu.memref_slice %arg10[%dma_start3A_1270, %dma_start3A_1271] : memref<10240x128xf32, #tpu.memory_space<vmem_shared>> -> memref<10240x128xf32, #tpu.memory_space<vmem_shared>>
      tpu.enqueue_indirect_dma source(%dma_start3A_1266 : memref<80x128xf32, #tpu.memory_space<vmem>>) target(%dma_start3A_1272 : memref<10240x128xf32, #tpu.memory_space<vmem_shared>>) offsets(%dma_start3A_1269 : memref<80xi32, #tpu.memory_space<vmem>>) semaphore(%arg12 : memref<!tpu.dma_semaphore, #tpu.memory_space<semaphore_mem>>) {add = true}
      %dma_wait3A_1273 = arith.constant 1 : i32
      %dma_wait3A_1274 = arith.constant 9 : i32
      %dma_wait3A_1275 = arith.constant 0 : i32
      %dma_wait3A_1276 = arith.constant 0 : i32
      %dma_wait3A_1277 = tpu.memref_slice %arg9[%dma_wait3A_1273, %dma_wait3A_1275, %dma_wait3A_1276] : memref<2x80x128xf32, #tpu.memory_space<vmem>> -> memref<1x80x128xf32, #tpu.memory_space<vmem>>
      %dma_wait3A_1278 = tpu.memref_squeeze %dma_wait3A_1277 : memref<1x80x128xf32, #tpu.memory_space<vmem>> -> memref<80x128xf32, #tpu.memory_space<vmem>>
      %dma_wait3A_1279 = arith.constant 0 : i32
      %dma_wait3A_1280 = tpu.memref_slice %arg7[%dma_wait3A_1274, %dma_wait3A_1279] : memref<10x80xi32, #tpu.memory_space<vmem>> -> memref<1x80xi32, #tpu.memory_space<vmem>>
      %dma_wait3A_1281 = tpu.memref_squeeze %dma_wait3A_1280 : memref<1x80xi32, #tpu.memory_space<vmem>> -> memref<80xi32, #tpu.memory_space<vmem>>
      %dma_wait3A_1282 = arith.constant 0 : i32
      %dma_wait3A_1283 = arith.constant 0 : i32
      %dma_wait3A_1284 = tpu.memref_slice %arg10[%dma_wait3A_1282, %dma_wait3A_1283] : memref<10240x128xf32, #tpu.memory_space<vmem_shared>> -> memref<10240x128xf32, #tpu.memory_space<vmem_shared>>
      tpu.wait_indirect_dma semaphore(%arg12 : memref<!tpu.dma_semaphore, #tpu.memory_space<semaphore_mem>>) src(%dma_wait3A_1278 : memref<80x128xf32, #tpu.memory_space<vmem>>) dst(%dma_wait3A_1284 : memref<10240x128xf32, #tpu.memory_space<vmem_shared>>)
    }
    %scan3A_15 = arith.constant 25 : i32
    %barrier3A_16 = arith.constant 0 : index
    tpu.barrier barrier_id(%barrier3A_16)
    "tpu.region"() ({
      %run_scoped3A = tpu.sem_alloc : memref<!tpu.dma_semaphore, #tpu.memory_space<semaphore_mem>>
      %dma_start3A = arith.constant 0 : i32
      %dma_start3A_17 = tpu.memref_slice %arg5[%arg0, %mul3A_5, %dma_start3A] : memref<2x10240x128xf32, #tpu.memory_space<hbm>> -> memref<1x640x128xf32, #tpu.memory_space<hbm>>
      %dma_start3A_18 = tpu.memref_squeeze %dma_start3A_17 : memref<1x640x128xf32, #tpu.memory_space<hbm>> -> memref<640x128xf32, #tpu.memory_space<hbm>>
      %dma_start3A_19 = arith.constant 0 : i32
      %dma_start3A_20 = tpu.memref_slice %arg10[%mul3A_5, %dma_start3A_19] : memref<10240x128xf32, #tpu.memory_space<vmem_shared>> -> memref<640x128xf32, #tpu.memory_space<vmem_shared>>
      tpu.enqueue_dma source(%dma_start3A_20 : memref<640x128xf32, #tpu.memory_space<vmem_shared>>) target(%dma_start3A_18 : memref<640x128xf32, #tpu.memory_space<hbm>>) target_semaphore(%run_scoped3A : memref<!tpu.dma_semaphore, #tpu.memory_space<semaphore_mem>>)
      %dma_wait3A = arith.constant 0 : i32
      %dma_wait3A_21 = tpu.memref_slice %arg5[%arg0, %mul3A_5, %dma_wait3A] : memref<2x10240x128xf32, #tpu.memory_space<hbm>> -> memref<1x640x128xf32, #tpu.memory_space<hbm>>
      %dma_wait3A_22 = tpu.memref_squeeze %dma_wait3A_21 : memref<1x640x128xf32, #tpu.memory_space<hbm>> -> memref<640x128xf32, #tpu.memory_space<hbm>>
      %dma_wait3A_23 = arith.constant 0 : i32
      %dma_wait3A_24 = tpu.memref_slice %arg10[%mul3A_5, %dma_wait3A_23] : memref<10240x128xf32, #tpu.memory_space<vmem_shared>> -> memref<640x128xf32, #tpu.memory_space<vmem_shared>>
      tpu.wait_dma2 semaphore(%run_scoped3A : memref<!tpu.dma_semaphore, #tpu.memory_space<semaphore_mem>>) src(%dma_wait3A_24 : memref<640x128xf32, #tpu.memory_space<vmem_shared>>) dst(%dma_wait3A_22 : memref<640x128xf32, #tpu.memory_space<hbm>>)
      tpu.yield
    }) : () -> ()
    return
  }
}

#map = affine_map<(d0, d1) -> (0, 0)>
#map1 = affine_map<(d0, d1) -> (0, 0, 0, 0)>
#map2 = affine_map<(d0, d1) -> (0, 0, 0)>
module attributes {stable_mosaic.version = 14 : i64} {
  func.func @k(%arg0: i32, %arg1: i32, %arg2: memref<20000x128xf32, #tpu.memory_space<hbm>>, %arg3: memref<16x25x10x80xi32, #tpu.memory_space<hbm>>, %arg4: memref<16x25x10x80xi32, #tpu.memory_space<hbm>>, %arg5: memref<2x10240x128xf32, #tpu.memory_space<hbm>>, %arg6: memref<10x80xi32, #tpu.memory_space<vmem>>, %arg7: memref<10x80xi32, #tpu.memory_space<vmem>>, %arg8: memref<2x80xi32, #tpu.memory_space<vmem>>, %arg9: memref<2x80x128xf32, #tpu.memory_space<vmem>>, %arg10: memref<10240x128xf32, #tpu.memory_space<vmem_shared>>, %arg11: memref<!tpu.dma_semaphore, #tpu.memory_space<semaphore_mem>>, %arg12: memref<!tpu.dma_semaphore, #tpu.memory_space<semaphore_mem>>) attributes {dimension_semantics = [#tpu.dimension_semantics<core_parallel>, #tpu.dimension_semantics<subcore_parallel>], iteration_bounds = array<i64: 2, 16>, scalar_prefetch = 0 : i64, scratch_operands = 7 : i64, tpu.core_type = #tpu.core_type<sc_vector_subcore>, window_params = [{transform_indices = #map}, {transform_indices = #map1}, {transform_indices = #map1}, {transform_indices = #map2}]} {
    %broadcast_in_dim3A = arith.constant 0.000000e+00 : f32
    %broadcast_in_dim3A_0 = vector.broadcast %broadcast_in_dim3A : f32 to vector<16xf32>
    %scan3A = arith.constant 0 : i32
    %scan3A_1 = arith.constant 80 : i32
    %scan3A_2 = arith.addi %scan3A, %scan3A_1 : i32
    %scan3A_3 = arith.constant 1 : i32
    scf.for %scan3A_17 = %scan3A to %scan3A_2 step %scan3A_3  : i32 {
      %mul3A_18 = arith.constant 1 : i32
      %mul3A_19 = arith.muli %scan3A_17, %mul3A_18 : i32
      %add3A = arith.constant 0 : i32
      %add3A_20 = arith.addi %add3A, %mul3A_19 : i32
      %swap3A = arith.constant 0 : i32
      %swap3A_21 = arith.index_cast %swap3A : i32 to index
      %swap3A_22 = arith.index_cast %add3A_20 : i32 to index
      %swap3A_23 = arith.constant 0 : index
      %swap3A_24 = tpu.vector_load %arg9[%swap3A_21, %swap3A_22, %swap3A_23] {strides = array<i32>} : memref<2x80x128xf32, #tpu.memory_space<vmem>>, vector<1x1x16xf32>,
      %swap3A_25 = vector.shape_cast %swap3A_24 : vector<1x1x16xf32> to vector<16xf32>
      %swap3A_26 = vector.shape_cast %broadcast_in_dim3A_0 : vector<16xf32> to vector<1x1x16xf32>
      tpu.vector_store %arg9[%swap3A_21, %swap3A_22, %swap3A_23], %swap3A_26 {strides = array<i32>} : memref<2x80x128xf32, #tpu.memory_space<vmem>>, vector<1x1x16xf32>,
      %swap3A_27 = arith.constant 0 : i32
      %swap3A_28 = arith.index_cast %swap3A_27 : i32 to index
      %swap3A_29 = arith.index_cast %add3A_20 : i32 to index
      %swap3A_30 = arith.constant 16 : index
      %swap3A_31 = tpu.vector_load %arg9[%swap3A_28, %swap3A_29, %swap3A_30] {strides = array<i32>} : memref<2x80x128xf32, #tpu.memory_space<vmem>>, vector<1x1x16xf32>,
      %swap3A_32 = vector.shape_cast %swap3A_31 : vector<1x1x16xf32> to vector<16xf32>
      %swap3A_33 = vector.shape_cast %broadcast_in_dim3A_0 : vector<16xf32> to vector<1x1x16xf32>
      tpu.vector_store %arg9[%swap3A_28, %swap3A_29, %swap3A_30], %swap3A_33 {strides = array<i32>} : memref<2x80x128xf32, #tpu.memory_space<vmem>>, vector<1x1x16xf32>,
      %swap3A_34 = arith.constant 0 : i32
      %swap3A_35 = arith.index_cast %swap3A_34 : i32 to index
      %swap3A_36 = arith.index_cast %add3A_20 : i32 to index
      %swap3A_37 = arith.constant 32 : index
      %swap3A_38 = tpu.vector_load %arg9[%swap3A_35, %swap3A_36, %swap3A_37] {strides = array<i32>} : memref<2x80x128xf32, #tpu.memory_space<vmem>>, vector<1x1x16xf32>,
      %swap3A_39 = vector.shape_cast %swap3A_38 : vector<1x1x16xf32> to vector<16xf32>
      %swap3A_40 = vector.shape_cast %broadcast_in_dim3A_0 : vector<16xf32> to vector<1x1x16xf32>
      tpu.vector_store %arg9[%swap3A_35, %swap3A_36, %swap3A_37], %swap3A_40 {strides = array<i32>} : memref<2x80x128xf32, #tpu.memory_space<vmem>>, vector<1x1x16xf32>,
      %swap3A_41 = arith.constant 0 : i32
      %swap3A_42 = arith.index_cast %swap3A_41 : i32 to index
      %swap3A_43 = arith.index_cast %add3A_20 : i32 to index
      %swap3A_44 = arith.constant 48 : index
      %swap3A_45 = tpu.vector_load %arg9[%swap3A_42, %swap3A_43, %swap3A_44] {strides = array<i32>} : memref<2x80x128xf32, #tpu.memory_space<vmem>>, vector<1x1x16xf32>,
      %swap3A_46 = vector.shape_cast %swap3A_45 : vector<1x1x16xf32> to vector<16xf32>
      %swap3A_47 = vector.shape_cast %broadcast_in_dim3A_0 : vector<16xf32> to vector<1x1x16xf32>
      tpu.vector_store %arg9[%swap3A_42, %swap3A_43, %swap3A_44], %swap3A_47 {strides = array<i32>} : memref<2x80x128xf32, #tpu.memory_space<vmem>>, vector<1x1x16xf32>,
      %swap3A_48 = arith.constant 0 : i32
      %swap3A_49 = arith.index_cast %swap3A_48 : i32 to index
      %swap3A_50 = arith.index_cast %add3A_20 : i32 to index
      %swap3A_51 = arith.constant 64 : index
      %swap3A_52 = tpu.vector_load %arg9[%swap3A_49, %swap3A_50, %swap3A_51] {strides = array<i32>} : memref<2x80x128xf32, #tpu.memory_space<vmem>>, vector<1x1x16xf32>,
      %swap3A_53 = vector.shape_cast %swap3A_52 : vector<1x1x16xf32> to vector<16xf32>
      %swap3A_54 = vector.shape_cast %broadcast_in_dim3A_0 : vector<16xf32> to vector<1x1x16xf32>
      tpu.vector_store %arg9[%swap3A_49, %swap3A_50, %swap3A_51], %swap3A_54 {strides = array<i32>} : memref<2x80x128xf32, #tpu.memory_space<vmem>>, vector<1x1x16xf32>,
      %swap3A_55 = arith.constant 0 : i32
      %swap3A_56 = arith.index_cast %swap3A_55 : i32 to index
      %swap3A_57 = arith.index_cast %add3A_20 : i32 to index
      %swap3A_58 = arith.constant 80 : index
      %swap3A_59 = tpu.vector_load %arg9[%swap3A_56, %swap3A_57, %swap3A_58] {strides = array<i32>} : memref<2x80x128xf32, #tpu.memory_space<vmem>>, vector<1x1x16xf32>,
      %swap3A_60 = vector.shape_cast %swap3A_59 : vector<1x1x16xf32> to vector<16xf32>
      %swap3A_61 = vector.shape_cast %broadcast_in_dim3A_0 : vector<16xf32> to vector<1x1x16xf32>
      tpu.vector_store %arg9[%swap3A_56, %swap3A_57, %swap3A_58], %swap3A_61 {strides = array<i32>} : memref<2x80x128xf32, #tpu.memory_space<vmem>>, vector<1x1x16xf32>,
      %swap3A_62 = arith.constant 0 : i32
      %swap3A_63 = arith.index_cast %swap3A_62 : i32 to index
      %swap3A_64 = arith.index_cast %add3A_20 : i32 to index
      %swap3A_65 = arith.constant 96 : index
      %swap3A_66 = tpu.vector_load %arg9[%swap3A_63, %swap3A_64, %swap3A_65] {strides = array<i32>} : memref<2x80x128xf32, #tpu.memory_space<vmem>>, vector<1x1x16xf32>,
      %swap3A_67 = vector.shape_cast %swap3A_66 : vector<1x1x16xf32> to vector<16xf32>
      %swap3A_68 = vector.shape_cast %broadcast_in_dim3A_0 : vector<16xf32> to vector<1x1x16xf32>
      tpu.vector_store %arg9[%swap3A_63, %swap3A_64, %swap3A_65], %swap3A_68 {strides = array<i32>} : memref<2x80x128xf32, #tpu.memory_space<vmem>>, vector<1x1x16xf32>,
      %swap3A_69 = arith.constant 0 : i32
      %swap3A_70 = arith.index_cast %swap3A_69 : i32 to index
      %swap3A_71 = arith.index_cast %add3A_20 : i32 to index
      %swap3A_72 = arith.constant 112 : index
      %swap3A_73 = tpu.vector_load %arg9[%swap3A_70, %swap3A_71, %swap3A_72] {strides = array<i32>} : memref<2x80x128xf32, #tpu.memory_space<vmem>>, vector<1x1x16xf32>,
      %swap3A_74 = vector.shape_cast %swap3A_73 : vector<1x1x16xf32> to vector<16xf32>
      %swap3A_75 = vector.shape_cast %broadcast_in_dim3A_0 : vector<16xf32> to vector<1x1x16xf32>
      tpu.vector_store %arg9[%swap3A_70, %swap3A_71, %swap3A_72], %swap3A_75 {strides = array<i32>} : memref<2x80x128xf32, #tpu.memory_space<vmem>>, vector<1x1x16xf32>,
    }
    %scan3A_4 = arith.constant 80 : i32
    %mul3A = arith.constant 640 : i32
    %mul3A_5 = arith.muli %arg1, %mul3A : i32
    %scan3A_6 = arith.constant 0 : i32
    %scan3A_7 = arith.constant 8 : i32
    %scan3A_8 = arith.addi %scan3A_6, %scan3A_7 : i32
    %scan3A_9 = arith.constant 1 : i32
    scf.for %scan3A_17 = %scan3A_6 to %scan3A_8 step %scan3A_9  : i32 {
      %mul3A_18 = arith.constant 1 : i32
      %mul3A_19 = arith.muli %scan3A_17, %mul3A_18 : i32
      %add3A = arith.constant 0 : i32
      %add3A_20 = arith.addi %add3A, %mul3A_19 : i32
      %mul3A_21 = arith.constant 80 : i32
      %mul3A_22 = arith.muli %add3A_20, %mul3A_21 : i32
      %add3A_23 = arith.addi %mul3A_5, %mul3A_22 : i32
      %run_scoped3A = arith.constant 0 : i32
      "tpu.region"() ({
        %run_scoped3A_24 = tpu.sem_alloc : memref<!tpu.dma_semaphore, #tpu.memory_space<semaphore_mem>>
        %dma_start3A = arith.constant 0 : i32
        %dma_start3A_25 = arith.constant 0 : i32
        %dma_start3A_26 = tpu.memref_slice %arg9[%run_scoped3A, %dma_start3A, %dma_start3A_25] : memref<2x80x128xf32, #tpu.memory_space<vmem>> -> memref<1x80x128xf32, #tpu.memory_space<vmem>>
        %dma_start3A_27 = tpu.memref_squeeze %dma_start3A_26 : memref<1x80x128xf32, #tpu.memory_space<vmem>> -> memref<80x128xf32, #tpu.memory_space<vmem>>
        %dma_start3A_28 = arith.constant 0 : i32
        %dma_start3A_29 = tpu.memref_slice %arg10[%add3A_23, %dma_start3A_28] : memref<10240x128xf32, #tpu.memory_space<vmem_shared>> -> memref<80x128xf32, #tpu.memory_space<vmem_shared>>
        %dma_start3A_30 = arith.constant 0 : i32
        %dma_start3A_31 = tpu.memref_slice %arg10[%add3A_23, %dma_start3A_30] : memref<10240x128xf32, #tpu.memory_space<vmem_shared>> -> memref<80x128xf32, #tpu.memory_space<vmem_shared>>
        %dma_start3A_32 = arith.constant 0 : i32
        %dma_start3A_33 = arith.constant 0 : i32
        %dma_start3A_34 = tpu.memref_slice %arg9[%run_scoped3A, %dma_start3A_32, %dma_start3A_33] : memref<2x80x128xf32, #tpu.memory_space<vmem>> -> memref<1x80x128xf32, #tpu.memory_space<vmem>>
        %dma_start3A_35 = tpu.memref_squeeze %dma_start3A_34 : memref<1x80x128xf32, #tpu.memory_space<vmem>> -> memref<80x128xf32, #tpu.memory_space<vmem>>
        tpu.enqueue_dma source(%dma_start3A_35 : memref<80x128xf32, #tpu.memory_space<vmem>>) target(%dma_start3A_31 : memref<80x128xf32, #tpu.memory_space<vmem_shared>>) target_semaphore(%run_scoped3A_24 : memref<!tpu.dma_semaphore, #tpu.memory_space<semaphore_mem>>)
        %dma_wait3A = arith.constant 0 : i32
        %dma_wait3A_36 = arith.constant 0 : i32
        %dma_wait3A_37 = tpu.memref_slice %arg9[%run_scoped3A, %dma_wait3A, %dma_wait3A_36] : memref<2x80x128xf32, #tpu.memory_space<vmem>> -> memref<1x80x128xf32, #tpu.memory_space<vmem>>
        %dma_wait3A_38 = tpu.memref_squeeze %dma_wait3A_37 : memref<1x80x128xf32, #tpu.memory_space<vmem>> -> memref<80x128xf32, #tpu.memory_space<vmem>>
        %dma_wait3A_39 = arith.constant 0 : i32
        %dma_wait3A_40 = tpu.memref_slice %arg10[%add3A_23, %dma_wait3A_39] : memref<10240x128xf32, #tpu.memory_space<vmem_shared>> -> memref<80x128xf32, #tpu.memory_space<vmem_shared>>
        %dma_wait3A_41 = arith.constant 0 : i32
        %dma_wait3A_42 = tpu.memref_slice %arg10[%add3A_23, %dma_wait3A_41] : memref<10240x128xf32, #tpu.memory_space<vmem_shared>> -> memref<80x128xf32, #tpu.memory_space<vmem_shared>>
        %dma_wait3A_43 = arith.constant 0 : i32
        %dma_wait3A_44 = arith.constant 0 : i32
        %dma_wait3A_45 = tpu.memref_slice %arg9[%run_scoped3A, %dma_wait3A_43, %dma_wait3A_44] : memref<2x80x128xf32, #tpu.memory_space<vmem>> -> memref<1x80x128xf32, #tpu.memory_space<vmem>>
        %dma_wait3A_46 = tpu.memref_squeeze %dma_wait3A_45 : memref<1x80x128xf32, #tpu.memory_space<vmem>> -> memref<80x128xf32, #tpu.memory_space<vmem>>
        tpu.wait_dma2 semaphore(%run_scoped3A_24 : memref<!tpu.dma_semaphore, #tpu.memory_space<semaphore_mem>>) src(%dma_wait3A_46 : memref<80x128xf32, #tpu.memory_space<vmem>>) dst(%dma_wait3A_42 : memref<80x128xf32, #tpu.memory_space<vmem_shared>>)
        tpu.yield
      }) : () -> ()
    }
    %scan3A_10 = arith.constant 8 : i32
    %barrier3A = arith.constant 0 : index
    tpu.barrier barrier_id(%barrier3A)
    %scan3A_11 = arith.constant 0 : i32
    %scan3A_12 = arith.constant 25 : i32
    %scan3A_13 = arith.addi %scan3A_11, %scan3A_12 : i32
    %scan3A_14 = arith.constant 1 : i32
    scf.for %scan3A_17 = %scan3A_11 to %scan3A_13 step %scan3A_14  : i32 {
      %mul3A_18 = arith.constant 1 : i32
      %mul3A_19 = arith.muli %scan3A_17, %mul3A_18 : i32
      %add3A = arith.constant 0 : i32
      %add3A_20 = arith.addi %add3A, %mul3A_19 : i32
      "tpu.region"() ({
        %run_scoped3A = tpu.sem_alloc : memref<!tpu.dma_semaphore, #tpu.memory_space<semaphore_mem>>
        %dma_start3A_1285 = arith.constant 0 : i32
        %dma_start3A_1286 = arith.constant 0 : i32
        %dma_start3A_1287 = tpu.memref_slice %arg3[%arg1, %add3A_20, %dma_start3A_1285, %dma_start3A_1286] : memref<16x25x10x80xi32, #tpu.memory_space<hbm>> -> memref<1x1x10x80xi32, #tpu.memory_space<hbm>>
        %dma_start3A_1288 = tpu.memref_squeeze %dma_start3A_1287 : memref<1x1x10x80xi32, #tpu.memory_space<hbm>> -> memref<10x80xi32, #tpu.memory_space<hbm>>
        %dma_start3A_1289 = arith.constant 0 : i32
        %dma_start3A_1290 = arith.constant 0 : i32
        %dma_start3A_1291 = tpu.memref_slice %arg3[%arg1, %add3A_20, %dma_start3A_1289, %dma_start3A_1290] : memref<16x25x10x80xi32, #tpu.memory_space<hbm>> -> memref<1x1x10x80xi32, #tpu.memory_space<hbm>>
        %dma_start3A_1292 = tpu.memref_squeeze %dma_start3A_1291 : memref<1x1x10x80xi32, #tpu.memory_space<hbm>> -> memref<10x80xi32, #tpu.memory_space<hbm>>
        tpu.enqueue_dma source(%dma_start3A_1292 : memref<10x80xi32, #tpu.memory_space<hbm>>) target(%arg6 : memref<10x80xi32, #tpu.memory_space<vmem>>) target_semaphore(%run_scoped3A : memref<!tpu.dma_semaphore, #tpu.memory_space<semaphore_mem>>)
        %dma_wait3A_1293 = arith.constant 0 : i32
        %dma_wait3A_1294 = arith.constant 0 : i32
        %dma_wait3A_1295 = tpu.memref_slice %arg3[%arg1, %add3A_20, %dma_wait3A_1293, %dma_wait3A_1294] : memref<16x25x10x80xi32, #tpu.memory_space<hbm>> -> memref<1x1x10x80xi32, #tpu.memory_space<hbm>>
        %dma_wait3A_1296 = tpu.memref_squeeze %dma_wait3A_1295 : memref<1x1x10x80xi32, #tpu.memory_space<hbm>> -> memref<10x80xi32, #tpu.memory_space<hbm>>
        %dma_wait3A_1297 = arith.constant 0 : i32
        %dma_wait3A_1298 = arith.constant 0 : i32
        %dma_wait3A_1299 = tpu.memref_slice %arg3[%arg1, %add3A_20, %dma_wait3A_1297, %dma_wait3A_1298] : memref<16x25x10x80xi32, #tpu.memory_space<hbm>> -> memref<1x1x10x80xi32, #tpu.memory_space<hbm>>
        %dma_wait3A_1300 = tpu.memref_squeeze %dma_wait3A_1299 : memref<1x1x10x80xi32, #tpu.memory_space<hbm>> -> memref<10x80xi32, #tpu.memory_space<hbm>>
        tpu.wait_dma2 semaphore(%run_scoped3A : memref<!tpu.dma_semaphore, #tpu.memory_space<semaphore_mem>>) src(%dma_wait3A_1300 : memref<10x80xi32, #tpu.memory_space<hbm>>) dst(%arg6 : memref<10x80xi32, #tpu.memory_space<vmem>>)
        tpu.yield
      }) : () -> ()
      "tpu.region"() ({
        %run_scoped3A = tpu.sem_alloc : memref<!tpu.dma_semaphore, #tpu.memory_space<semaphore_mem>>
        %dma_start3A_1285 = arith.constant 0 : i32
        %dma_start3A_1286 = arith.constant 0 : i32
        %dma_start3A_1287 = tpu.memref_slice %arg4[%arg1, %add3A_20, %dma_start3A_1285, %dma_start3A_1286] : memref<16x25x10x80xi32, #tpu.memory_space<hbm>> -> memref<1x1x10x80xi32, #tpu.memory_space<hbm>>
        %dma_start3A_1288 = tpu.memref_squeeze %dma_start3A_1287 : memref<1x1x10x80xi32, #tpu.memory_space<hbm>> -> memref<10x80xi32, #tpu.memory_space<hbm>>
        %dma_start3A_1289 = arith.constant 0 : i32
        %dma_start3A_1290 = arith.constant 0 : i32
        %dma_start3A_1291 = tpu.memref_slice %arg4[%arg1, %add3A_20, %dma_start3A_1289, %dma_start3A_1290] : memref<16x25x10x80xi32, #tpu.memory_space<hbm>> -> memref<1x1x10x80xi32, #tpu.memory_space<hbm>>
        %dma_start3A_1292 = tpu.memref_squeeze %dma_start3A_1291 : memref<1x1x10x80xi32, #tpu.memory_space<hbm>> -> memref<10x80xi32, #tpu.memory_space<hbm>>
        tpu.enqueue_dma source(%dma_start3A_1292 : memref<10x80xi32, #tpu.memory_space<hbm>>) target(%arg7 : memref<10x80xi32, #tpu.memory_space<vmem>>) target_semaphore(%run_scoped3A : memref<!tpu.dma_semaphore, #tpu.memory_space<semaphore_mem>>)
        %dma_wait3A_1293 = arith.constant 0 : i32
        %dma_wait3A_1294 = arith.constant 0 : i32
        %dma_wait3A_1295 = tpu.memref_slice %arg4[%arg1, %add3A_20, %dma_wait3A_1293, %dma_wait3A_1294] : memref<16x25x10x80xi32, #tpu.memory_space<hbm>> -> memref<1x1x10x80xi32, #tpu.memory_space<hbm>>
        %dma_wait3A_1296 = tpu.memref_squeeze %dma_wait3A_1295 : memref<1x1x10x80xi32, #tpu.memory_space<hbm>> -> memref<10x80xi32, #tpu.memory_space<hbm>>
        %dma_wait3A_1297 = arith.constant 0 : i32
        %dma_wait3A_1298 = arith.constant 0 : i32
        %dma_wait3A_1299 = tpu.memref_slice %arg4[%arg1, %add3A_20, %dma_wait3A_1297, %dma_wait3A_1298] : memref<16x25x10x80xi32, #tpu.memory_space<hbm>> -> memref<1x1x10x80xi32, #tpu.memory_space<hbm>>
        %dma_wait3A_1300 = tpu.memref_squeeze %dma_wait3A_1299 : memref<1x1x10x80xi32, #tpu.memory_space<hbm>> -> memref<10x80xi32, #tpu.memory_space<hbm>>
        tpu.wait_dma2 semaphore(%run_scoped3A : memref<!tpu.dma_semaphore, #tpu.memory_space<semaphore_mem>>) src(%dma_wait3A_1300 : memref<10x80xi32, #tpu.memory_space<hbm>>) dst(%arg7 : memref<10x80xi32, #tpu.memory_space<vmem>>)
        tpu.yield
      }) : () -> ()
      %get3A = arith.constant 0 : i32
      %get3A_21 = arith.index_cast %get3A : i32 to index
      %get3A_22 = arith.constant 0 : index
      %get3A_23 = tpu.vector_load %arg6[%get3A_21, %get3A_22] {strides = array<i32>} : memref<10x80xi32, #tpu.memory_space<vmem>>, vector<1x16xi32>,
      %get3A_24 = vector.shape_cast %get3A_23 : vector<1x16xi32> to vector<16xi32>
      %mul3A_25 = arith.constant 2 : i32
      %mul3A_26 = vector.broadcast %mul3A_25 : i32 to vector<16xi32>
      %mul3A_27 = arith.muli %get3A_24, %mul3A_26 : vector<16xi32>
      %add3A_28 = vector.broadcast %arg0 : i32 to vector<16xi32>
      %add3A_29 = arith.addi %mul3A_27, %add3A_28 : vector<16xi32>
      %swap3A = arith.constant 0 : i32
      %swap3A_30 = arith.index_cast %swap3A : i32 to index
      %swap3A_31 = arith.constant 0 : index
      %swap3A_32 = tpu.vector_load %arg8[%swap3A_30, %swap3A_31] {strides = array<i32>} : memref<2x80xi32, #tpu.memory_space<vmem>>, vector<1x16xi32>,
      %swap3A_33 = vector.shape_cast %swap3A_32 : vector<1x16xi32> to vector<16xi32>
      %swap3A_34 = vector.shape_cast %add3A_29 : vector<16xi32> to vector<1x16xi32>
      tpu.vector_store %arg8[%swap3A_30, %swap3A_31], %swap3A_34 {strides = array<i32>} : memref<2x80xi32, #tpu.memory_space<vmem>>, vector<1x16xi32>,
      %get3A_35 = arith.constant 0 : i32
      %get3A_36 = arith.index_cast %get3A_35 : i32 to index
      %get3A_37 = arith.constant 16 : index
      %get3A_38 = tpu.vector_load %arg6[%get3A_36, %get3A_37] {strides = array<i32>} : memref<10x80xi32, #tpu.memory_space<vmem>>, vector<1x16xi32>,
      %get3A_39 = vector.shape_cast %get3A_38 : vector<1x16xi32> to vector<16xi32>
      %mul3A_40 = arith.constant 2 : i32
      %mul3A_41 = vector.broadcast %mul3A_40 : i32 to vector<16xi32>
      %mul3A_42 = arith.muli %get3A_39, %mul3A_41 : vector<16xi32>
      %add3A_43 = vector.broadcast %arg0 : i32 to vector<16xi32>
      %add3A_44 = arith.addi %mul3A_42, %add3A_43 : vector<16xi32>
      %swap3A_45 = arith.constant 0 : i32
      %swap3A_46 = arith.index_cast %swap3A_45 : i32 to index
      %swap3A_47 = arith.constant 16 : index
      %swap3A_48 = tpu.vector_load %arg8[%swap3A_46, %swap3A_47] {strides = array<i32>} : memref<2x80xi32, #tpu.memory_space<vmem>>, vector<1x16xi32>,
      %swap3A_49 = vector.shape_cast %swap3A_48 : vector<1x16xi32> to vector<16xi32>
      %swap3A_50 = vector.shape_cast %add3A_44 : vector<16xi32> to vector<1x16xi32>
      tpu.vector_store %arg8[%swap3A_46, %swap3A_47], %swap3A_50 {strides = array<i32>} : memref<2x80xi32, #tpu.memory_space<vmem>>, vector<1x16xi32>,
      %get3A_51 = arith.constant 0 : i32
      %get3A_52 = arith.index_cast %get3A_51 : i32 to index
      %get3A_53 = arith.constant 32 : index
      %get3A_54 = tpu.vector_load %arg6[%get3A_52, %get3A_53] {strides = array<i32>} : memref<10x80xi32, #tpu.memory_space<vmem>>, vector<1x16xi32>,
      %get3A_55 = vector.shape_cast %get3A_54 : vector<1x16xi32> to vector<16xi32>
      %mul3A_56 = arith.constant 2 : i32
      %mul3A_57 = vector.broadcast %mul3A_56 : i32 to vector<16xi32>
      %mul3A_58 = arith.muli %get3A_55, %mul3A_57 : vector<16xi32>
      %add3A_59 = vector.broadcast %arg0 : i32 to vector<16xi32>
      %add3A_60 = arith.addi %mul3A_58, %add3A_59 : vector<16xi32>
      %swap3A_61 = arith.constant 0 : i32
      %swap3A_62 = arith.index_cast %swap3A_61 : i32 to index
      %swap3A_63 = arith.constant 32 : index
      %swap3A_64 = tpu.vector_load %arg8[%swap3A_62, %swap3A_63] {strides = array<i32>} : memref<2x80xi32, #tpu.memory_space<vmem>>, vector<1x16xi32>,
      %swap3A_65 = vector.shape_cast %swap3A_64 : vector<1x16xi32> to vector<16xi32>
      %swap3A_66 = vector.shape_cast %add3A_60 : vector<16xi32> to vector<1x16xi32>
      tpu.vector_store %arg8[%swap3A_62, %swap3A_63], %swap3A_66 {strides = array<i32>} : memref<2x80xi32, #tpu.memory_space<vmem>>, vector<1x16xi32>,
      %get3A_67 = arith.constant 0 : i32
      %get3A_68 = arith.index_cast %get3A_67 : i32 to index
      %get3A_69 = arith.constant 48 : index
      %get3A_70 = tpu.vector_load %arg6[%get3A_68, %get3A_69] {strides = array<i32>} : memref<10x80xi32, #tpu.memory_space<vmem>>, vector<1x16xi32>,
      %get3A_71 = vector.shape_cast %get3A_70 : vector<1x16xi32> to vector<16xi32>
      %mul3A_72 = arith.constant 2 : i32
      %mul3A_73 = vector.broadcast %mul3A_72 : i32 to vector<16xi32>
      %mul3A_74 = arith.muli %get3A_71, %mul3A_73 : vector<16xi32>
      %add3A_75 = vector.broadcast %arg0 : i32 to vector<16xi32>
      %add3A_76 = arith.addi %mul3A_74, %add3A_75 : vector<16xi32>
      %swap3A_77 = arith.constant 0 : i32
      %swap3A_78 = arith.index_cast %swap3A_77 : i32 to index
      %swap3A_79 = arith.constant 48 : index
      %swap3A_80 = tpu.vector_load %arg8[%swap3A_78, %swap3A_79] {strides = array<i32>} : memref<2x80xi32, #tpu.memory_space<vmem>>, vector<1x16xi32>,
      %swap3A_81 = vector.shape_cast %swap3A_80 : vector<1x16xi32> to vector<16xi32>
      %swap3A_82 = vector.shape_cast %add3A_76 : vector<16xi32> to vector<1x16xi32>
      tpu.vector_store %arg8[%swap3A_78, %swap3A_79], %swap3A_82 {strides = array<i32>} : memref<2x80xi32, #tpu.memory_space<vmem>>, vector<1x16xi32>,
      %get3A_83 = arith.constant 0 : i32
      %get3A_84 = arith.index_cast %get3A_83 : i32 to index
      %get3A_85 = arith.constant 64 : index
      %get3A_86 = tpu.vector_load %arg6[%get3A_84, %get3A_85] {strides = array<i32>} : memref<10x80xi32, #tpu.memory_space<vmem>>, vector<1x16xi32>,
      %get3A_87 = vector.shape_cast %get3A_86 : vector<1x16xi32> to vector<16xi32>
      %mul3A_88 = arith.constant 2 : i32
      %mul3A_89 = vector.broadcast %mul3A_88 : i32 to vector<16xi32>
      %mul3A_90 = arith.muli %get3A_87, %mul3A_89 : vector<16xi32>
      %add3A_91 = vector.broadcast %arg0 : i32 to vector<16xi32>
      %add3A_92 = arith.addi %mul3A_90, %add3A_91 : vector<16xi32>
      %swap3A_93 = arith.constant 0 : i32
      %swap3A_94 = arith.index_cast %swap3A_93 : i32 to index
      %swap3A_95 = arith.constant 64 : index
      %swap3A_96 = tpu.vector_load %arg8[%swap3A_94, %swap3A_95] {strides = array<i32>} : memref<2x80xi32, #tpu.memory_space<vmem>>, vector<1x16xi32>,
      %swap3A_97 = vector.shape_cast %swap3A_96 : vector<1x16xi32> to vector<16xi32>
      %swap3A_98 = vector.shape_cast %add3A_92 : vector<16xi32> to vector<1x16xi32>
      tpu.vector_store %arg8[%swap3A_94, %swap3A_95], %swap3A_98 {strides = array<i32>} : memref<2x80xi32, #tpu.memory_space<vmem>>, vector<1x16xi32>,
      %dma_start3A = arith.constant 0 : i32
      %dma_start3A_99 = arith.constant 0 : i32
      %dma_start3A_100 = arith.constant 0 : i32
      %dma_start3A_101 = arith.constant 0 : i32
      %dma_start3A_102 = tpu.memref_slice %arg9[%dma_start3A_99, %dma_start3A_100, %dma_start3A_101] : memref<2x80x128xf32, #tpu.memory_space<vmem>> -> memref<1x80x128xf32, #tpu.memory_space<vmem>>
      %dma_start3A_103 = tpu.memref_squeeze %dma_start3A_102 : memref<1x80x128xf32, #tpu.memory_space<vmem>> -> memref<80x128xf32, #tpu.memory_space<vmem>>
      %dma_start3A_104 = arith.constant 0 : i32
      %dma_start3A_105 = tpu.memref_slice %arg8[%dma_start3A, %dma_start3A_104] : memref<2x80xi32, #tpu.memory_space<vmem>> -> memref<1x80xi32, #tpu.memory_space<vmem>>
      %dma_start3A_106 = tpu.memref_squeeze %dma_start3A_105 : memref<1x80xi32, #tpu.memory_space<vmem>> -> memref<80xi32, #tpu.memory_space<vmem>>
      %dma_start3A_107 = arith.constant 0 : i32
      %dma_start3A_108 = arith.constant 0 : i32
      %dma_start3A_109 = tpu.memref_slice %arg2[%dma_start3A_107, %dma_start3A_108] : memref<20000x128xf32, #tpu.memory_space<hbm>> -> memref<20000x128xf32, #tpu.memory_space<hbm>>
      tpu.enqueue_indirect_dma source(%dma_start3A_109 : memref<20000x128xf32, #tpu.memory_space<hbm>>) target(%dma_start3A_103 : memref<80x128xf32, #tpu.memory_space<vmem>>) offsets(%dma_start3A_106 : memref<80xi32, #tpu.memory_space<vmem>>) semaphore(%arg11 : memref<!tpu.dma_semaphore, #tpu.memory_space<semaphore_mem>>)
      %dma_wait3A = arith.constant 0 : i32
      %dma_wait3A_110 = arith.constant 0 : i32
      %dma_wait3A_111 = arith.constant 0 : i32
      %dma_wait3A_112 = arith.constant 0 : i32
      %dma_wait3A_113 = tpu.memref_slice %arg9[%dma_wait3A_110, %dma_wait3A_111, %dma_wait3A_112] : memref<2x80x128xf32, #tpu.memory_space<vmem>> -> memref<1x80x128xf32, #tpu.memory_space<vmem>>
      %dma_wait3A_114 = tpu.memref_squeeze %dma_wait3A_113 : memref<1x80x128xf32, #tpu.memory_space<vmem>> -> memref<80x128xf32, #tpu.memory_space<vmem>>
      %dma_wait3A_115 = arith.constant 0 : i32
      %dma_wait3A_116 = tpu.memref_slice %arg8[%dma_wait3A, %dma_wait3A_115] : memref<2x80xi32, #tpu.memory_space<vmem>> -> memref<1x80xi32, #tpu.memory_space<vmem>>
      %dma_wait3A_117 = tpu.memref_squeeze %dma_wait3A_116 : memref<1x80xi32, #tpu.memory_space<vmem>> -> memref<80xi32, #tpu.memory_space<vmem>>
      %dma_wait3A_118 = arith.constant 0 : i32
      %dma_wait3A_119 = arith.constant 0 : i32
      %dma_wait3A_120 = tpu.memref_slice %arg2[%dma_wait3A_118, %dma_wait3A_119] : memref<20000x128xf32, #tpu.memory_space<hbm>> -> memref<20000x128xf32, #tpu.memory_space<hbm>>
      tpu.wait_indirect_dma semaphore(%arg11 : memref<!tpu.dma_semaphore, #tpu.memory_space<semaphore_mem>>) src(%dma_wait3A_120 : memref<20000x128xf32, #tpu.memory_space<hbm>>) dst(%dma_wait3A_114 : memref<80x128xf32, #tpu.memory_space<vmem>>)
      %dma_start3A_121 = arith.constant 0 : i32
      %dma_start3A_122 = arith.constant 0 : i32
      %dma_start3A_123 = arith.constant 0 : i32
      %dma_start3A_124 = arith.constant 0 : i32
      %dma_start3A_125 = tpu.memref_slice %arg9[%dma_start3A_121, %dma_start3A_123, %dma_start3A_124] : memref<2x80x128xf32, #tpu.memory_space<vmem>> -> memref<1x80x128xf32, #tpu.memory_space<vmem>>
      %dma_start3A_126 = tpu.memref_squeeze %dma_start3A_125 : memref<1x80x128xf32, #tpu.memory_space<vmem>> -> memref<80x128xf32, #tpu.memory_space<vmem>>
      %dma_start3A_127 = arith.constant 0 : i32
      %dma_start3A_128 = tpu.memref_slice %arg7[%dma_start3A_122, %dma_start3A_127] : memref<10x80xi32, #tpu.memory_space<vmem>> -> memref<1x80xi32, #tpu.memory_space<vmem>>
      %dma_start3A_129 = tpu.memref_squeeze %dma_start3A_128 : memref<1x80xi32, #tpu.memory_space<vmem>> -> memref<80xi32, #tpu.memory_space<vmem>>
      %dma_start3A_130 = arith.constant 0 : i32
      %dma_start3A_131 = arith.constant 0 : i32
      %dma_start3A_132 = tpu.memref_slice %arg10[%dma_start3A_130, %dma_start3A_131] : memref<10240x128xf32, #tpu.memory_space<vmem_shared>> -> memref<10240x128xf32, #tpu.memory_space<vmem_shared>>
      tpu.enqueue_indirect_dma source(%dma_start3A_126 : memref<80x128xf32, #tpu.memory_space<vmem>>) target(%dma_start3A_132 : memref<10240x128xf32, #tpu.memory_space<vmem_shared>>) offsets(%dma_start3A_129 : memref<80xi32, #tpu.memory_space<vmem>>) semaphore(%arg12 : memref<!tpu.dma_semaphore, #tpu.memory_space<semaphore_mem>>) {add = true}
      %get3A_133 = arith.constant 1 : i32
      %get3A_134 = arith.index_cast %get3A_133 : i32 to index
      %get3A_135 = arith.constant 0 : index
      %get3A_136 = tpu.vector_load %arg6[%get3A_134, %get3A_135] {strides = array<i32>} : memref<10x80xi32, #tpu.memory_space<vmem>>, vector<1x16xi32>,
      %get3A_137 = vector.shape_cast %get3A_136 : vector<1x16xi32> to vector<16xi32>
      %mul3A_138 = arith.constant 2 : i32
      %mul3A_139 = vector.broadcast %mul3A_138 : i32 to vector<16xi32>
      %mul3A_140 = arith.muli %get3A_137, %mul3A_139 : vector<16xi32>
      %add3A_141 = vector.broadcast %arg0 : i32 to vector<16xi32>
      %add3A_142 = arith.addi %mul3A_140, %add3A_141 : vector<16xi32>
      %swap3A_143 = arith.constant 1 : i32
      %swap3A_144 = arith.index_cast %swap3A_143 : i32 to index
      %swap3A_145 = arith.constant 0 : index
      %swap3A_146 = tpu.vector_load %arg8[%swap3A_144, %swap3A_145] {strides = array<i32>} : memref<2x80xi32, #tpu.memory_space<vmem>>, vector<1x16xi32>,
      %swap3A_147 = vector.shape_cast %swap3A_146 : vector<1x16xi32> to vector<16xi32>
      %swap3A_148 = vector.shape_cast %add3A_142 : vector<16xi32> to vector<1x16xi32>
      tpu.vector_store %arg8[%swap3A_144, %swap3A_145], %swap3A_148 {strides = array<i32>} : memref<2x80xi32, #tpu.memory_space<vmem>>, vector<1x16xi32>,
      %get3A_149 = arith.constant 1 : i32
      %get3A_150 = arith.index_cast %get3A_149 : i32 to index
      %get3A_151 = arith.constant 16 : index
      %get3A_152 = tpu.vector_load %arg6[%get3A_150, %get3A_151] {strides = array<i32>} : memref<10x80xi32, #tpu.memory_space<vmem>>, vector<1x16xi32>,
      %get3A_153 = vector.shape_cast %get3A_152 : vector<1x16xi32> to vector<16xi32>
      %mul3A_154 = arith.constant 2 : i32
      %mul3A_155 = vector.broadcast %mul3A_154 : i32 to vector<16xi32>
      %mul3A_156 = arith.muli %get3A_153, %mul3A_155 : vector<16xi32>
      %add3A_157 = vector.broadcast %arg0 : i32 to vector<16xi32>
      %add3A_158 = arith.addi %mul3A_156, %add3A_157 : vector<16xi32>
      %swap3A_159 = arith.constant 1 : i32
      %swap3A_160 = arith.index_cast %swap3A_159 : i32 to index
      %swap3A_161 = arith.constant 16 : index
      %swap3A_162 = tpu.vector_load %arg8[%swap3A_160, %swap3A_161] {strides = array<i32>} : memref<2x80xi32, #tpu.memory_space<vmem>>, vector<1x16xi32>,
      %swap3A_163 = vector.shape_cast %swap3A_162 : vector<1x16xi32> to vector<16xi32>
      %swap3A_164 = vector.shape_cast %add3A_158 : vector<16xi32> to vector<1x16xi32>
      tpu.vector_store %arg8[%swap3A_160, %swap3A_161], %swap3A_164 {strides = array<i32>} : memref<2x80xi32, #tpu.memory_space<vmem>>, vector<1x16xi32>,
      %get3A_165 = arith.constant 1 : i32
      %get3A_166 = arith.index_cast %get3A_165 : i32 to index
      %get3A_167 = arith.constant 32 : index
      %get3A_168 = tpu.vector_load %arg6[%get3A_166, %get3A_167] {strides = array<i32>} : memref<10x80xi32, #tpu.memory_space<vmem>>, vector<1x16xi32>,
      %get3A_169 = vector.shape_cast %get3A_168 : vector<1x16xi32> to vector<16xi32>
      %mul3A_170 = arith.constant 2 : i32
      %mul3A_171 = vector.broadcast %mul3A_170 : i32 to vector<16xi32>
      %mul3A_172 = arith.muli %get3A_169, %mul3A_171 : vector<16xi32>
      %add3A_173 = vector.broadcast %arg0 : i32 to vector<16xi32>
      %add3A_174 = arith.addi %mul3A_172, %add3A_173 : vector<16xi32>
      %swap3A_175 = arith.constant 1 : i32
      %swap3A_176 = arith.index_cast %swap3A_175 : i32 to index
      %swap3A_177 = arith.constant 32 : index
      %swap3A_178 = tpu.vector_load %arg8[%swap3A_176, %swap3A_177] {strides = array<i32>} : memref<2x80xi32, #tpu.memory_space<vmem>>, vector<1x16xi32>,
      %swap3A_179 = vector.shape_cast %swap3A_178 : vector<1x16xi32> to vector<16xi32>
      %swap3A_180 = vector.shape_cast %add3A_174 : vector<16xi32> to vector<1x16xi32>
      tpu.vector_store %arg8[%swap3A_176, %swap3A_177], %swap3A_180 {strides = array<i32>} : memref<2x80xi32, #tpu.memory_space<vmem>>, vector<1x16xi32>,
      %get3A_181 = arith.constant 1 : i32
      %get3A_182 = arith.index_cast %get3A_181 : i32 to index
      %get3A_183 = arith.constant 48 : index
      %get3A_184 = tpu.vector_load %arg6[%get3A_182, %get3A_183] {strides = array<i32>} : memref<10x80xi32, #tpu.memory_space<vmem>>, vector<1x16xi32>,
      %get3A_185 = vector.shape_cast %get3A_184 : vector<1x16xi32> to vector<16xi32>
      %mul3A_186 = arith.constant 2 : i32
      %mul3A_187 = vector.broadcast %mul3A_186 : i32 to vector<16xi32>
      %mul3A_188 = arith.muli %get3A_185, %mul3A_187 : vector<16xi32>
      %add3A_189 = vector.broadcast %arg0 : i32 to vector<16xi32>
      %add3A_190 = arith.addi %mul3A_188, %add3A_189 : vector<16xi32>
      %swap3A_191 = arith.constant 1 : i32
      %swap3A_192 = arith.index_cast %swap3A_191 : i32 to index
      %swap3A_193 = arith.constant 48 : index
      %swap3A_194 = tpu.vector_load %arg8[%swap3A_192, %swap3A_193] {strides = array<i32>} : memref<2x80xi32, #tpu.memory_space<vmem>>, vector<1x16xi32>,
      %swap3A_195 = vector.shape_cast %swap3A_194 : vector<1x16xi32> to vector<16xi32>
      %swap3A_196 = vector.shape_cast %add3A_190 : vector<16xi32> to vector<1x16xi32>
      tpu.vector_store %arg8[%swap3A_192, %swap3A_193], %swap3A_196 {strides = array<i32>} : memref<2x80xi32, #tpu.memory_space<vmem>>, vector<1x16xi32>,
      %get3A_197 = arith.constant 1 : i32
      %get3A_198 = arith.index_cast %get3A_197 : i32 to index
      %get3A_199 = arith.constant 64 : index
      %get3A_200 = tpu.vector_load %arg6[%get3A_198, %get3A_199] {strides = array<i32>} : memref<10x80xi32, #tpu.memory_space<vmem>>, vector<1x16xi32>,
      %get3A_201 = vector.shape_cast %get3A_200 : vector<1x16xi32> to vector<16xi32>
      %mul3A_202 = arith.constant 2 : i32
      %mul3A_203 = vector.broadcast %mul3A_202 : i32 to vector<16xi32>
      %mul3A_204 = arith.muli %get3A_201, %mul3A_203 : vector<16xi32>
      %add3A_205 = vector.broadcast %arg0 : i32 to vector<16xi32>
      %add3A_206 = arith.addi %mul3A_204, %add3A_205 : vector<16xi32>
      %swap3A_207 = arith.constant 1 : i32
      %swap3A_208 = arith.index_cast %swap3A_207 : i32 to index
      %swap3A_209 = arith.constant 64 : index
      %swap3A_210 = tpu.vector_load %arg8[%swap3A_208, %swap3A_209] {strides = array<i32>} : memref<2x80xi32, #tpu.memory_space<vmem>>, vector<1x16xi32>,
      %swap3A_211 = vector.shape_cast %swap3A_210 : vector<1x16xi32> to vector<16xi32>
      %swap3A_212 = vector.shape_cast %add3A_206 : vector<16xi32> to vector<1x16xi32>
      tpu.vector_store %arg8[%swap3A_208, %swap3A_209], %swap3A_212 {strides = array<i32>} : memref<2x80xi32, #tpu.memory_space<vmem>>, vector<1x16xi32>,
      %dma_start3A_213 = arith.constant 1 : i32
      %dma_start3A_214 = arith.constant 1 : i32
      %dma_start3A_215 = arith.constant 0 : i32
      %dma_start3A_216 = arith.constant 0 : i32
      %dma_start3A_217 = tpu.memref_slice %arg9[%dma_start3A_214, %dma_start3A_215, %dma_start3A_216] : memref<2x80x128xf32, #tpu.memory_space<vmem>> -> memref<1x80x128xf32, #tpu.memory_space<vmem>>
      %dma_start3A_218 = tpu.memref_squeeze %dma_start3A_217 : memref<1x80x128xf32, #tpu.memory_space<vmem>> -> memref<80x128xf32, #tpu.memory_space<vmem>>
      %dma_start3A_219 = arith.constant 0 : i32
      %dma_start3A_220 = tpu.memref_slice %arg8[%dma_start3A_213, %dma_start3A_219] : memref<2x80xi32, #tpu.memory_space<vmem>> -> memref<1x80xi32, #tpu.memory_space<vmem>>
      %dma_start3A_221 = tpu.memref_squeeze %dma_start3A_220 : memref<1x80xi32, #tpu.memory_space<vmem>> -> memref<80xi32, #tpu.memory_space<vmem>>
      %dma_start3A_222 = arith.constant 0 : i32
      %dma_start3A_223 = arith.constant 0 : i32
      %dma_start3A_224 = tpu.memref_slice %arg2[%dma_start3A_222, %dma_start3A_223] : memref<20000x128xf32, #tpu.memory_space<hbm>> -> memref<20000x128xf32, #tpu.memory_space<hbm>>
      tpu.enqueue_indirect_dma source(%dma_start3A_224 : memref<20000x128xf32, #tpu.memory_space<hbm>>) target(%dma_start3A_218 : memref<80x128xf32, #tpu.memory_space<vmem>>) offsets(%dma_start3A_221 : memref<80xi32, #tpu.memory_space<vmem>>) semaphore(%arg11 : memref<!tpu.dma_semaphore, #tpu.memory_space<semaphore_mem>>)
      %dma_wait3A_225 = arith.constant 1 : i32
      %dma_wait3A_226 = arith.constant 1 : i32
      %dma_wait3A_227 = arith.constant 0 : i32
      %dma_wait3A_228 = arith.constant 0 : i32
      %dma_wait3A_229 = tpu.memref_slice %arg9[%dma_wait3A_226, %dma_wait3A_227, %dma_wait3A_228] : memref<2x80x128xf32, #tpu.memory_space<vmem>> -> memref<1x80x128xf32, #tpu.memory_space<vmem>>
      %dma_wait3A_230 = tpu.memref_squeeze %dma_wait3A_229 : memref<1x80x128xf32, #tpu.memory_space<vmem>> -> memref<80x128xf32, #tpu.memory_space<vmem>>
      %dma_wait3A_231 = arith.constant 0 : i32
      %dma_wait3A_232 = tpu.memref_slice %arg8[%dma_wait3A_225, %dma_wait3A_231] : memref<2x80xi32, #tpu.memory_space<vmem>> -> memref<1x80xi32, #tpu.memory_space<vmem>>
      %dma_wait3A_233 = tpu.memref_squeeze %dma_wait3A_232 : memref<1x80xi32, #tpu.memory_space<vmem>> -> memref<80xi32, #tpu.memory_space<vmem>>
      %dma_wait3A_234 = arith.constant 0 : i32
      %dma_wait3A_235 = arith.constant 0 : i32
      %dma_wait3A_236 = tpu.memref_slice %arg2[%dma_wait3A_234, %dma_wait3A_235] : memref<20000x128xf32, #tpu.memory_space<hbm>> -> memref<20000x128xf32, #tpu.memory_space<hbm>>
      tpu.wait_indirect_dma semaphore(%arg11 : memref<!tpu.dma_semaphore, #tpu.memory_space<semaphore_mem>>) src(%dma_wait3A_236 : memref<20000x128xf32, #tpu.memory_space<hbm>>) dst(%dma_wait3A_230 : memref<80x128xf32, #tpu.memory_space<vmem>>)
      %dma_start3A_237 = arith.constant 1 : i32
      %dma_start3A_238 = arith.constant 1 : i32
      %dma_start3A_239 = arith.constant 0 : i32
      %dma_start3A_240 = arith.constant 0 : i32
      %dma_start3A_241 = tpu.memref_slice %arg9[%dma_start3A_237, %dma_start3A_239, %dma_start3A_240] : memref<2x80x128xf32, #tpu.memory_space<vmem>> -> memref<1x80x128xf32, #tpu.memory_space<vmem>>
      %dma_start3A_242 = tpu.memref_squeeze %dma_start3A_241 : memref<1x80x128xf32, #tpu.memory_space<vmem>> -> memref<80x128xf32, #tpu.memory_space<vmem>>
      %dma_start3A_243 = arith.constant 0 : i32
      %dma_start3A_244 = tpu.memref_slice %arg7[%dma_start3A_238, %dma_start3A_243] : memref<10x80xi32, #tpu.memory_space<vmem>> -> memref<1x80xi32, #tpu.memory_space<vmem>>
      %dma_start3A_245 = tpu.memref_squeeze %dma_start3A_244 : memref<1x80xi32, #tpu.memory_space<vmem>> -> memref<80xi32, #tpu.memory_space<vmem>>
      %dma_start3A_246 = arith.constant 0 : i32
      %dma_start3A_247 = arith.constant 0 : i32
      %dma_start3A_248 = tpu.memref_slice %arg10[%dma_start3A_246, %dma_start3A_247] : memref<10240x128xf32, #tpu.memory_space<vmem_shared>> -> memref<10240x128xf32, #tpu.memory_space<vmem_shared>>
      tpu.enqueue_indirect_dma source(%dma_start3A_242 : memref<80x128xf32, #tpu.memory_space<vmem>>) target(%dma_start3A_248 : memref<10240x128xf32, #tpu.memory_space<vmem_shared>>) offsets(%dma_start3A_245 : memref<80xi32, #tpu.memory_space<vmem>>) semaphore(%arg12 : memref<!tpu.dma_semaphore, #tpu.memory_space<semaphore_mem>>) {add = true}
      %dma_wait3A_249 = arith.constant 0 : i32
      %dma_wait3A_250 = arith.constant 0 : i32
      %dma_wait3A_251 = arith.constant 0 : i32
      %dma_wait3A_252 = arith.constant 0 : i32
      %dma_wait3A_253 = tpu.memref_slice %arg9[%dma_wait3A_249, %dma_wait3A_251, %dma_wait3A_252] : memref<2x80x128xf32, #tpu.memory_space<vmem>> -> memref<1x80x128xf32, #tpu.memory_space<vmem>>
      %dma_wait3A_254 = tpu.memref_squeeze %dma_wait3A_253 : memref<1x80x128xf32, #tpu.memory_space<vmem>> -> memref<80x128xf32, #tpu.memory_space<vmem>>
      %dma_wait3A_255 = arith.constant 0 : i32
      %dma_wait3A_256 = tpu.memref_slice %arg7[%dma_wait3A_250, %dma_wait3A_255] : memref<10x80xi32, #tpu.memory_space<vmem>> -> memref<1x80xi32, #tpu.memory_space<vmem>>
      %dma_wait3A_257 = tpu.memref_squeeze %dma_wait3A_256 : memref<1x80xi32, #tpu.memory_space<vmem>> -> memref<80xi32, #tpu.memory_space<vmem>>
      %dma_wait3A_258 = arith.constant 0 : i32
      %dma_wait3A_259 = arith.constant 0 : i32
      %dma_wait3A_260 = tpu.memref_slice %arg10[%dma_wait3A_258, %dma_wait3A_259] : memref<10240x128xf32, #tpu.memory_space<vmem_shared>> -> memref<10240x128xf32, #tpu.memory_space<vmem_shared>>
      tpu.wait_indirect_dma semaphore(%arg12 : memref<!tpu.dma_semaphore, #tpu.memory_space<semaphore_mem>>) src(%dma_wait3A_254 : memref<80x128xf32, #tpu.memory_space<vmem>>) dst(%dma_wait3A_260 : memref<10240x128xf32, #tpu.memory_space<vmem_shared>>)
      %get3A_261 = arith.constant 2 : i32
      %get3A_262 = arith.index_cast %get3A_261 : i32 to index
      %get3A_263 = arith.constant 0 : index
      %get3A_264 = tpu.vector_load %arg6[%get3A_262, %get3A_263] {strides = array<i32>} : memref<10x80xi32, #tpu.memory_space<vmem>>, vector<1x16xi32>,
      %get3A_265 = vector.shape_cast %get3A_264 : vector<1x16xi32> to vector<16xi32>
      %mul3A_266 = arith.constant 2 : i32
      %mul3A_267 = vector.broadcast %mul3A_266 : i32 to vector<16xi32>
      %mul3A_268 = arith.muli %get3A_265, %mul3A_267 : vector<16xi32>
      %add3A_269 = vector.broadcast %arg0 : i32 to vector<16xi32>
      %add3A_270 = arith.addi %mul3A_268, %add3A_269 : vector<16xi32>
      %swap3A_271 = arith.constant 0 : i32
      %swap3A_272 = arith.index_cast %swap3A_271 : i32 to index
      %swap3A_273 = arith.constant 0 : index
      %swap3A_274 = tpu.vector_load %arg8[%swap3A_272, %swap3A_273] {strides = array<i32>} : memref<2x80xi32, #tpu.memory_space<vmem>>, vector<1x16xi32>,
      %swap3A_275 = vector.shape_cast %swap3A_274 : vector<1x16xi32> to vector<16xi32>
      %swap3A_276 = vector.shape_cast %add3A_270 : vector<16xi32> to vector<1x16xi32>
      tpu.vector_store %arg8[%swap3A_272, %swap3A_273], %swap3A_276 {strides = array<i32>} : memref<2x80xi32, #tpu.memory_space<vmem>>, vector<1x16xi32>,
      %get3A_277 = arith.constant 2 : i32
      %get3A_278 = arith.index_cast %get3A_277 : i32 to index
      %get3A_279 = arith.constant 16 : index
      %get3A_280 = tpu.vector_load %arg6[%get3A_278, %get3A_279] {strides = array<i32>} : memref<10x80xi32, #tpu.memory_space<vmem>>, vector<1x16xi32>,
      %get3A_281 = vector.shape_cast %get3A_280 : vector<1x16xi32> to vector<16xi32>
      %mul3A_282 = arith.constant 2 : i32
      %mul3A_283 = vector.broadcast %mul3A_282 : i32 to vector<16xi32>
      %mul3A_284 = arith.muli %get3A_281, %mul3A_283 : vector<16xi32>
      %add3A_285 = vector.broadcast %arg0 : i32 to vector<16xi32>
      %add3A_286 = arith.addi %mul3A_284, %add3A_285 : vector<16xi32>
      %swap3A_287 = arith.constant 0 : i32
      %swap3A_288 = arith.index_cast %swap3A_287 : i32 to index
      %swap3A_289 = arith.constant 16 : index
      %swap3A_290 = tpu.vector_load %arg8[%swap3A_288, %swap3A_289] {strides = array<i32>} : memref<2x80xi32, #tpu.memory_space<vmem>>, vector<1x16xi32>,
      %swap3A_291 = vector.shape_cast %swap3A_290 : vector<1x16xi32> to vector<16xi32>
      %swap3A_292 = vector.shape_cast %add3A_286 : vector<16xi32> to vector<1x16xi32>
      tpu.vector_store %arg8[%swap3A_288, %swap3A_289], %swap3A_292 {strides = array<i32>} : memref<2x80xi32, #tpu.memory_space<vmem>>, vector<1x16xi32>,
      %get3A_293 = arith.constant 2 : i32
      %get3A_294 = arith.index_cast %get3A_293 : i32 to index
      %get3A_295 = arith.constant 32 : index
      %get3A_296 = tpu.vector_load %arg6[%get3A_294, %get3A_295] {strides = array<i32>} : memref<10x80xi32, #tpu.memory_space<vmem>>, vector<1x16xi32>,
      %get3A_297 = vector.shape_cast %get3A_296 : vector<1x16xi32> to vector<16xi32>
      %mul3A_298 = arith.constant 2 : i32
      %mul3A_299 = vector.broadcast %mul3A_298 : i32 to vector<16xi32>
      %mul3A_300 = arith.muli %get3A_297, %mul3A_299 : vector<16xi32>
      %add3A_301 = vector.broadcast %arg0 : i32 to vector<16xi32>
      %add3A_302 = arith.addi %mul3A_300, %add3A_301 : vector<16xi32>
      %swap3A_303 = arith.constant 0 : i32
      %swap3A_304 = arith.index_cast %swap3A_303 : i32 to index
      %swap3A_305 = arith.constant 32 : index
      %swap3A_306 = tpu.vector_load %arg8[%swap3A_304, %swap3A_305] {strides = array<i32>} : memref<2x80xi32, #tpu.memory_space<vmem>>, vector<1x16xi32>,
      %swap3A_307 = vector.shape_cast %swap3A_306 : vector<1x16xi32> to vector<16xi32>
      %swap3A_308 = vector.shape_cast %add3A_302 : vector<16xi32> to vector<1x16xi32>
      tpu.vector_store %arg8[%swap3A_304, %swap3A_305], %swap3A_308 {strides = array<i32>} : memref<2x80xi32, #tpu.memory_space<vmem>>, vector<1x16xi32>,
      %get3A_309 = arith.constant 2 : i32
      %get3A_310 = arith.index_cast %get3A_309 : i32 to index
      %get3A_311 = arith.constant 48 : index
      %get3A_312 = tpu.vector_load %arg6[%get3A_310, %get3A_311] {strides = array<i32>} : memref<10x80xi32, #tpu.memory_space<vmem>>, vector<1x16xi32>,
      %get3A_313 = vector.shape_cast %get3A_312 : vector<1x16xi32> to vector<16xi32>
      %mul3A_314 = arith.constant 2 : i32
      %mul3A_315 = vector.broadcast %mul3A_314 : i32 to vector<16xi32>
      %mul3A_316 = arith.muli %get3A_313, %mul3A_315 : vector<16xi32>
      %add3A_317 = vector.broadcast %arg0 : i32 to vector<16xi32>
      %add3A_318 = arith.addi %mul3A_316, %add3A_317 : vector<16xi32>
      %swap3A_319 = arith.constant 0 : i32
      %swap3A_320 = arith.index_cast %swap3A_319 : i32 to index
      %swap3A_321 = arith.constant 48 : index
      %swap3A_322 = tpu.vector_load %arg8[%swap3A_320, %swap3A_321] {strides = array<i32>} : memref<2x80xi32, #tpu.memory_space<vmem>>, vector<1x16xi32>,
      %swap3A_323 = vector.shape_cast %swap3A_322 : vector<1x16xi32> to vector<16xi32>
      %swap3A_324 = vector.shape_cast %add3A_318 : vector<16xi32> to vector<1x16xi32>
      tpu.vector_store %arg8[%swap3A_320, %swap3A_321], %swap3A_324 {strides = array<i32>} : memref<2x80xi32, #tpu.memory_space<vmem>>, vector<1x16xi32>,
      %get3A_325 = arith.constant 2 : i32
      %get3A_326 = arith.index_cast %get3A_325 : i32 to index
      %get3A_327 = arith.constant 64 : index
      %get3A_328 = tpu.vector_load %arg6[%get3A_326, %get3A_327] {strides = array<i32>} : memref<10x80xi32, #tpu.memory_space<vmem>>, vector<1x16xi32>,
      %get3A_329 = vector.shape_cast %get3A_328 : vector<1x16xi32> to vector<16xi32>
      %mul3A_330 = arith.constant 2 : i32
      %mul3A_331 = vector.broadcast %mul3A_330 : i32 to vector<16xi32>
      %mul3A_332 = arith.muli %get3A_329, %mul3A_331 : vector<16xi32>
      %add3A_333 = vector.broadcast %arg0 : i32 to vector<16xi32>
      %add3A_334 = arith.addi %mul3A_332, %add3A_333 : vector<16xi32>
      %swap3A_335 = arith.constant 0 : i32
      %swap3A_336 = arith.index_cast %swap3A_335 : i32 to index
      %swap3A_337 = arith.constant 64 : index
      %swap3A_338 = tpu.vector_load %arg8[%swap3A_336, %swap3A_337] {strides = array<i32>} : memref<2x80xi32, #tpu.memory_space<vmem>>, vector<1x16xi32>,
      %swap3A_339 = vector.shape_cast %swap3A_338 : vector<1x16xi32> to vector<16xi32>
      %swap3A_340 = vector.shape_cast %add3A_334 : vector<16xi32> to vector<1x16xi32>
      tpu.vector_store %arg8[%swap3A_336, %swap3A_337], %swap3A_340 {strides = array<i32>} : memref<2x80xi32, #tpu.memory_space<vmem>>, vector<1x16xi32>,
      %dma_start3A_341 = arith.constant 0 : i32
      %dma_start3A_342 = arith.constant 0 : i32
      %dma_start3A_343 = arith.constant 0 : i32
      %dma_start3A_344 = arith.constant 0 : i32
      %dma_start3A_345 = tpu.memref_slice %arg9[%dma_start3A_342, %dma_start3A_343, %dma_start3A_344] : memref<2x80x128xf32, #tpu.memory_space<vmem>> -> memref<1x80x128xf32, #tpu.memory_space<vmem>>
      %dma_start3A_346 = tpu.memref_squeeze %dma_start3A_345 : memref<1x80x128xf32, #tpu.memory_space<vmem>> -> memref<80x128xf32, #tpu.memory_space<vmem>>
      %dma_start3A_347 = arith.constant 0 : i32
      %dma_start3A_348 = tpu.memref_slice %arg8[%dma_start3A_341, %dma_start3A_347] : memref<2x80xi32, #tpu.memory_space<vmem>> -> memref<1x80xi32, #tpu.memory_space<vmem>>
      %dma_start3A_349 = tpu.memref_squeeze %dma_start3A_348 : memref<1x80xi32, #tpu.memory_space<vmem>> -> memref<80xi32, #tpu.memory_space<vmem>>
      %dma_start3A_350 = arith.constant 0 : i32
      %dma_start3A_351 = arith.constant 0 : i32
      %dma_start3A_352 = tpu.memref_slice %arg2[%dma_start3A_350, %dma_start3A_351] : memref<20000x128xf32, #tpu.memory_space<hbm>> -> memref<20000x128xf32, #tpu.memory_space<hbm>>
      tpu.enqueue_indirect_dma source(%dma_start3A_352 : memref<20000x128xf32, #tpu.memory_space<hbm>>) target(%dma_start3A_346 : memref<80x128xf32, #tpu.memory_space<vmem>>) offsets(%dma_start3A_349 : memref<80xi32, #tpu.memory_space<vmem>>) semaphore(%arg11 : memref<!tpu.dma_semaphore, #tpu.memory_space<semaphore_mem>>)
      %dma_wait3A_353 = arith.constant 0 : i32
      %dma_wait3A_354 = arith.constant 0 : i32
      %dma_wait3A_355 = arith.constant 0 : i32
      %dma_wait3A_356 = arith.constant 0 : i32
      %dma_wait3A_357 = tpu.memref_slice %arg9[%dma_wait3A_354, %dma_wait3A_355, %dma_wait3A_356] : memref<2x80x128xf32, #tpu.memory_space<vmem>> -> memref<1x80x128xf32, #tpu.memory_space<vmem>>
      %dma_wait3A_358 = tpu.memref_squeeze %dma_wait3A_357 : memref<1x80x128xf32, #tpu.memory_space<vmem>> -> memref<80x128xf32, #tpu.memory_space<vmem>>
      %dma_wait3A_359 = arith.constant 0 : i32
      %dma_wait3A_360 = tpu.memref_slice %arg8[%dma_wait3A_353, %dma_wait3A_359] : memref<2x80xi32, #tpu.memory_space<vmem>> -> memref<1x80xi32, #tpu.memory_space<vmem>>
      %dma_wait3A_361 = tpu.memref_squeeze %dma_wait3A_360 : memref<1x80xi32, #tpu.memory_space<vmem>> -> memref<80xi32, #tpu.memory_space<vmem>>
      %dma_wait3A_362 = arith.constant 0 : i32
      %dma_wait3A_363 = arith.constant 0 : i32
      %dma_wait3A_364 = tpu.memref_slice %arg2[%dma_wait3A_362, %dma_wait3A_363] : memref<20000x128xf32, #tpu.memory_space<hbm>> -> memref<20000x128xf32, #tpu.memory_space<hbm>>
      tpu.wait_indirect_dma semaphore(%arg11 : memref<!tpu.dma_semaphore, #tpu.memory_space<semaphore_mem>>) src(%dma_wait3A_364 : memref<20000x128xf32, #tpu.memory_space<hbm>>) dst(%dma_wait3A_358 : memref<80x128xf32, #tpu.memory_space<vmem>>)
      %dma_start3A_365 = arith.constant 0 : i32
      %dma_start3A_366 = arith.constant 2 : i32
      %dma_start3A_367 = arith.constant 0 : i32
      %dma_start3A_368 = arith.constant 0 : i32
      %dma_start3A_369 = tpu.memref_slice %arg9[%dma_start3A_365, %dma_start3A_367, %dma_start3A_368] : memref<2x80x128xf32, #tpu.memory_space<vmem>> -> memref<1x80x128xf32, #tpu.memory_space<vmem>>
      %dma_start3A_370 = tpu.memref_squeeze %dma_start3A_369 : memref<1x80x128xf32, #tpu.memory_space<vmem>> -> memref<80x128xf32, #tpu.memory_space<vmem>>
      %dma_start3A_371 = arith.constant 0 : i32
      %dma_start3A_372 = tpu.memref_slice %arg7[%dma_start3A_366, %dma_start3A_371] : memref<10x80xi32, #tpu.memory_space<vmem>> -> memref<1x80xi32, #tpu.memory_space<vmem>>
      %dma_start3A_373 = tpu.memref_squeeze %dma_start3A_372 : memref<1x80xi32, #tpu.memory_space<vmem>> -> memref<80xi32, #tpu.memory_space<vmem>>
      %dma_start3A_374 = arith.constant 0 : i32
      %dma_start3A_375 = arith.constant 0 : i32
      %dma_start3A_376 = tpu.memref_slice %arg10[%dma_start3A_374, %dma_start3A_375] : memref<10240x128xf32, #tpu.memory_space<vmem_shared>> -> memref<10240x128xf32, #tpu.memory_space<vmem_shared>>
      tpu.enqueue_indirect_dma source(%dma_start3A_370 : memref<80x128xf32, #tpu.memory_space<vmem>>) target(%dma_start3A_376 : memref<10240x128xf32, #tpu.memory_space<vmem_shared>>) offsets(%dma_start3A_373 : memref<80xi32, #tpu.memory_space<vmem>>) semaphore(%arg12 : memref<!tpu.dma_semaphore, #tpu.memory_space<semaphore_mem>>) {add = true}
      %dma_wait3A_377 = arith.constant 1 : i32
      %dma_wait3A_378 = arith.constant 1 : i32
      %dma_wait3A_379 = arith.constant 0 : i32
      %dma_wait3A_380 = arith.constant 0 : i32
      %dma_wait3A_381 = tpu.memref_slice %arg9[%dma_wait3A_377, %dma_wait3A_379, %dma_wait3A_380] : memref<2x80x128xf32, #tpu.memory_space<vmem>> -> memref<1x80x128xf32, #tpu.memory_space<vmem>>
      %dma_wait3A_382 = tpu.memref_squeeze %dma_wait3A_381 : memref<1x80x128xf32, #tpu.memory_space<vmem>> -> memref<80x128xf32, #tpu.memory_space<vmem>>
      %dma_wait3A_383 = arith.constant 0 : i32
      %dma_wait3A_384 = tpu.memref_slice %arg7[%dma_wait3A_378, %dma_wait3A_383] : memref<10x80xi32, #tpu.memory_space<vmem>> -> memref<1x80xi32, #tpu.memory_space<vmem>>
      %dma_wait3A_385 = tpu.memref_squeeze %dma_wait3A_384 : memref<1x80xi32, #tpu.memory_space<vmem>> -> memref<80xi32, #tpu.memory_space<vmem>>
      %dma_wait3A_386 = arith.constant 0 : i32
      %dma_wait3A_387 = arith.constant 0 : i32
      %dma_wait3A_388 = tpu.memref_slice %arg10[%dma_wait3A_386, %dma_wait3A_387] : memref<10240x128xf32, #tpu.memory_space<vmem_shared>> -> memref<10240x128xf32, #tpu.memory_space<vmem_shared>>
      tpu.wait_indirect_dma semaphore(%arg12 : memref<!tpu.dma_semaphore, #tpu.memory_space<semaphore_mem>>) src(%dma_wait3A_382 : memref<80x128xf32, #tpu.memory_space<vmem>>) dst(%dma_wait3A_388 : memref<10240x128xf32, #tpu.memory_space<vmem_shared>>)
      %get3A_389 = arith.constant 3 : i32
      %get3A_390 = arith.index_cast %get3A_389 : i32 to index
      %get3A_391 = arith.constant 0 : index
      %get3A_392 = tpu.vector_load %arg6[%get3A_390, %get3A_391] {strides = array<i32>} : memref<10x80xi32, #tpu.memory_space<vmem>>, vector<1x16xi32>,
      %get3A_393 = vector.shape_cast %get3A_392 : vector<1x16xi32> to vector<16xi32>
      %mul3A_394 = arith.constant 2 : i32
      %mul3A_395 = vector.broadcast %mul3A_394 : i32 to vector<16xi32>
      %mul3A_396 = arith.muli %get3A_393, %mul3A_395 : vector<16xi32>
      %add3A_397 = vector.broadcast %arg0 : i32 to vector<16xi32>
      %add3A_398 = arith.addi %mul3A_396, %add3A_397 : vector<16xi32>
      %swap3A_399 = arith.constant 1 : i32
      %swap3A_400 = arith.index_cast %swap3A_399 : i32 to index
      %swap3A_401 = arith.constant 0 : index
      %swap3A_402 = tpu.vector_load %arg8[%swap3A_400, %swap3A_401] {strides = array<i32>} : memref<2x80xi32, #tpu.memory_space<vmem>>, vector<1x16xi32>,
      %swap3A_403 = vector.shape_cast %swap3A_402 : vector<1x16xi32> to vector<16xi32>
      %swap3A_404 = vector.shape_cast %add3A_398 : vector<16xi32> to vector<1x16xi32>
      tpu.vector_store %arg8[%swap3A_400, %swap3A_401], %swap3A_404 {strides = array<i32>} : memref<2x80xi32, #tpu.memory_space<vmem>>, vector<1x16xi32>,
      %get3A_405 = arith.constant 3 : i32
      %get3A_406 = arith.index_cast %get3A_405 : i32 to index
      %get3A_407 = arith.constant 16 : index
      %get3A_408 = tpu.vector_load %arg6[%get3A_406, %get3A_407] {strides = array<i32>} : memref<10x80xi32, #tpu.memory_space<vmem>>, vector<1x16xi32>,
      %get3A_409 = vector.shape_cast %get3A_408 : vector<1x16xi32> to vector<16xi32>
      %mul3A_410 = arith.constant 2 : i32
      %mul3A_411 = vector.broadcast %mul3A_410 : i32 to vector<16xi32>
      %mul3A_412 = arith.muli %get3A_409, %mul3A_411 : vector<16xi32>
      %add3A_413 = vector.broadcast %arg0 : i32 to vector<16xi32>
      %add3A_414 = arith.addi %mul3A_412, %add3A_413 : vector<16xi32>
      %swap3A_415 = arith.constant 1 : i32
      %swap3A_416 = arith.index_cast %swap3A_415 : i32 to index
      %swap3A_417 = arith.constant 16 : index
      %swap3A_418 = tpu.vector_load %arg8[%swap3A_416, %swap3A_417] {strides = array<i32>} : memref<2x80xi32, #tpu.memory_space<vmem>>, vector<1x16xi32>,
      %swap3A_419 = vector.shape_cast %swap3A_418 : vector<1x16xi32> to vector<16xi32>
      %swap3A_420 = vector.shape_cast %add3A_414 : vector<16xi32> to vector<1x16xi32>
      tpu.vector_store %arg8[%swap3A_416, %swap3A_417], %swap3A_420 {strides = array<i32>} : memref<2x80xi32, #tpu.memory_space<vmem>>, vector<1x16xi32>,
      %get3A_421 = arith.constant 3 : i32
      %get3A_422 = arith.index_cast %get3A_421 : i32 to index
      %get3A_423 = arith.constant 32 : index
      %get3A_424 = tpu.vector_load %arg6[%get3A_422, %get3A_423] {strides = array<i32>} : memref<10x80xi32, #tpu.memory_space<vmem>>, vector<1x16xi32>,
      %get3A_425 = vector.shape_cast %get3A_424 : vector<1x16xi32> to vector<16xi32>
      %mul3A_426 = arith.constant 2 : i32
      %mul3A_427 = vector.broadcast %mul3A_426 : i32 to vector<16xi32>
      %mul3A_428 = arith.muli %get3A_425, %mul3A_427 : vector<16xi32>
      %add3A_429 = vector.broadcast %arg0 : i32 to vector<16xi32>
      %add3A_430 = arith.addi %mul3A_428, %add3A_429 : vector<16xi32>
      %swap3A_431 = arith.constant 1 : i32
      %swap3A_432 = arith.index_cast %swap3A_431 : i32 to index
      %swap3A_433 = arith.constant 32 : index
      %swap3A_434 = tpu.vector_load %arg8[%swap3A_432, %swap3A_433] {strides = array<i32>} : memref<2x80xi32, #tpu.memory_space<vmem>>, vector<1x16xi32>,
      %swap3A_435 = vector.shape_cast %swap3A_434 : vector<1x16xi32> to vector<16xi32>
      %swap3A_436 = vector.shape_cast %add3A_430 : vector<16xi32> to vector<1x16xi32>
      tpu.vector_store %arg8[%swap3A_432, %swap3A_433], %swap3A_436 {strides = array<i32>} : memref<2x80xi32, #tpu.memory_space<vmem>>, vector<1x16xi32>,
      %get3A_437 = arith.constant 3 : i32
      %get3A_438 = arith.index_cast %get3A_437 : i32 to index
      %get3A_439 = arith.constant 48 : index
      %get3A_440 = tpu.vector_load %arg6[%get3A_438, %get3A_439] {strides = array<i32>} : memref<10x80xi32, #tpu.memory_space<vmem>>, vector<1x16xi32>,
      %get3A_441 = vector.shape_cast %get3A_440 : vector<1x16xi32> to vector<16xi32>
      %mul3A_442 = arith.constant 2 : i32
      %mul3A_443 = vector.broadcast %mul3A_442 : i32 to vector<16xi32>
      %mul3A_444 = arith.muli %get3A_441, %mul3A_443 : vector<16xi32>
      %add3A_445 = vector.broadcast %arg0 : i32 to vector<16xi32>
      %add3A_446 = arith.addi %mul3A_444, %add3A_445 : vector<16xi32>
      %swap3A_447 = arith.constant 1 : i32
      %swap3A_448 = arith.index_cast %swap3A_447 : i32 to index
      %swap3A_449 = arith.constant 48 : index
      %swap3A_450 = tpu.vector_load %arg8[%swap3A_448, %swap3A_449] {strides = array<i32>} : memref<2x80xi32, #tpu.memory_space<vmem>>, vector<1x16xi32>,
      %swap3A_451 = vector.shape_cast %swap3A_450 : vector<1x16xi32> to vector<16xi32>
      %swap3A_452 = vector.shape_cast %add3A_446 : vector<16xi32> to vector<1x16xi32>
      tpu.vector_store %arg8[%swap3A_448, %swap3A_449], %swap3A_452 {strides = array<i32>} : memref<2x80xi32, #tpu.memory_space<vmem>>, vector<1x16xi32>,
      %get3A_453 = arith.constant 3 : i32
      %get3A_454 = arith.index_cast %get3A_453 : i32 to index
      %get3A_455 = arith.constant 64 : index
      %get3A_456 = tpu.vector_load %arg6[%get3A_454, %get3A_455] {strides = array<i32>} : memref<10x80xi32, #tpu.memory_space<vmem>>, vector<1x16xi32>,
      %get3A_457 = vector.shape_cast %get3A_456 : vector<1x16xi32> to vector<16xi32>
      %mul3A_458 = arith.constant 2 : i32
      %mul3A_459 = vector.broadcast %mul3A_458 : i32 to vector<16xi32>
      %mul3A_460 = arith.muli %get3A_457, %mul3A_459 : vector<16xi32>
      %add3A_461 = vector.broadcast %arg0 : i32 to vector<16xi32>
      %add3A_462 = arith.addi %mul3A_460, %add3A_461 : vector<16xi32>
      %swap3A_463 = arith.constant 1 : i32
      %swap3A_464 = arith.index_cast %swap3A_463 : i32 to index
      %swap3A_465 = arith.constant 64 : index
      %swap3A_466 = tpu.vector_load %arg8[%swap3A_464, %swap3A_465] {strides = array<i32>} : memref<2x80xi32, #tpu.memory_space<vmem>>, vector<1x16xi32>,
      %swap3A_467 = vector.shape_cast %swap3A_466 : vector<1x16xi32> to vector<16xi32>
      %swap3A_468 = vector.shape_cast %add3A_462 : vector<16xi32> to vector<1x16xi32>
      tpu.vector_store %arg8[%swap3A_464, %swap3A_465], %swap3A_468 {strides = array<i32>} : memref<2x80xi32, #tpu.memory_space<vmem>>, vector<1x16xi32>,
      %dma_start3A_469 = arith.constant 1 : i32
      %dma_start3A_470 = arith.constant 1 : i32
      %dma_start3A_471 = arith.constant 0 : i32
      %dma_start3A_472 = arith.constant 0 : i32
      %dma_start3A_473 = tpu.memref_slice %arg9[%dma_start3A_470, %dma_start3A_471, %dma_start3A_472] : memref<2x80x128xf32, #tpu.memory_space<vmem>> -> memref<1x80x128xf32, #tpu.memory_space<vmem>>
      %dma_start3A_474 = tpu.memref_squeeze %dma_start3A_473 : memref<1x80x128xf32, #tpu.memory_space<vmem>> -> memref<80x128xf32, #tpu.memory_space<vmem>>
      %dma_start3A_475 = arith.constant 0 : i32
      %dma_start3A_476 = tpu.memref_slice %arg8[%dma_start3A_469, %dma_start3A_475] : memref<2x80xi32, #tpu.memory_space<vmem>> -> memref<1x80xi32, #tpu.memory_space<vmem>>
      %dma_start3A_477 = tpu.memref_squeeze %dma_start3A_476 : memref<1x80xi32, #tpu.memory_space<vmem>> -> memref<80xi32, #tpu.memory_space<vmem>>
      %dma_start3A_478 = arith.constant 0 : i32
      %dma_start3A_479 = arith.constant 0 : i32
      %dma_start3A_480 = tpu.memref_slice %arg2[%dma_start3A_478, %dma_start3A_479] : memref<20000x128xf32, #tpu.memory_space<hbm>> -> memref<20000x128xf32, #tpu.memory_space<hbm>>
      tpu.enqueue_indirect_dma source(%dma_start3A_480 : memref<20000x128xf32, #tpu.memory_space<hbm>>) target(%dma_start3A_474 : memref<80x128xf32, #tpu.memory_space<vmem>>) offsets(%dma_start3A_477 : memref<80xi32, #tpu.memory_space<vmem>>) semaphore(%arg11 : memref<!tpu.dma_semaphore, #tpu.memory_space<semaphore_mem>>)
      %dma_wait3A_481 = arith.constant 1 : i32
      %dma_wait3A_482 = arith.constant 1 : i32
      %dma_wait3A_483 = arith.constant 0 : i32
      %dma_wait3A_484 = arith.constant 0 : i32
      %dma_wait3A_485 = tpu.memref_slice %arg9[%dma_wait3A_482, %dma_wait3A_483, %dma_wait3A_484] : memref<2x80x128xf32, #tpu.memory_space<vmem>> -> memref<1x80x128xf32, #tpu.memory_space<vmem>>
      %dma_wait3A_486 = tpu.memref_squeeze %dma_wait3A_485 : memref<1x80x128xf32, #tpu.memory_space<vmem>> -> memref<80x128xf32, #tpu.memory_space<vmem>>
      %dma_wait3A_487 = arith.constant 0 : i32
      %dma_wait3A_488 = tpu.memref_slice %arg8[%dma_wait3A_481, %dma_wait3A_487] : memref<2x80xi32, #tpu.memory_space<vmem>> -> memref<1x80xi32, #tpu.memory_space<vmem>>
      %dma_wait3A_489 = tpu.memref_squeeze %dma_wait3A_488 : memref<1x80xi32, #tpu.memory_space<vmem>> -> memref<80xi32, #tpu.memory_space<vmem>>
      %dma_wait3A_490 = arith.constant 0 : i32
      %dma_wait3A_491 = arith.constant 0 : i32
      %dma_wait3A_492 = tpu.memref_slice %arg2[%dma_wait3A_490, %dma_wait3A_491] : memref<20000x128xf32, #tpu.memory_space<hbm>> -> memref<20000x128xf32, #tpu.memory_space<hbm>>
      tpu.wait_indirect_dma semaphore(%arg11 : memref<!tpu.dma_semaphore, #tpu.memory_space<semaphore_mem>>) src(%dma_wait3A_492 : memref<20000x128xf32, #tpu.memory_space<hbm>>) dst(%dma_wait3A_486 : memref<80x128xf32, #tpu.memory_space<vmem>>)
      %dma_start3A_493 = arith.constant 1 : i32
      %dma_start3A_494 = arith.constant 3 : i32
      %dma_start3A_495 = arith.constant 0 : i32
      %dma_start3A_496 = arith.constant 0 : i32
      %dma_start3A_497 = tpu.memref_slice %arg9[%dma_start3A_493, %dma_start3A_495, %dma_start3A_496] : memref<2x80x128xf32, #tpu.memory_space<vmem>> -> memref<1x80x128xf32, #tpu.memory_space<vmem>>
      %dma_start3A_498 = tpu.memref_squeeze %dma_start3A_497 : memref<1x80x128xf32, #tpu.memory_space<vmem>> -> memref<80x128xf32, #tpu.memory_space<vmem>>
      %dma_start3A_499 = arith.constant 0 : i32
      %dma_start3A_500 = tpu.memref_slice %arg7[%dma_start3A_494, %dma_start3A_499] : memref<10x80xi32, #tpu.memory_space<vmem>> -> memref<1x80xi32, #tpu.memory_space<vmem>>
      %dma_start3A_501 = tpu.memref_squeeze %dma_start3A_500 : memref<1x80xi32, #tpu.memory_space<vmem>> -> memref<80xi32, #tpu.memory_space<vmem>>
      %dma_start3A_502 = arith.constant 0 : i32
      %dma_start3A_503 = arith.constant 0 : i32
      %dma_start3A_504 = tpu.memref_slice %arg10[%dma_start3A_502, %dma_start3A_503] : memref<10240x128xf32, #tpu.memory_space<vmem_shared>> -> memref<10240x128xf32, #tpu.memory_space<vmem_shared>>
      tpu.enqueue_indirect_dma source(%dma_start3A_498 : memref<80x128xf32, #tpu.memory_space<vmem>>) target(%dma_start3A_504 : memref<10240x128xf32, #tpu.memory_space<vmem_shared>>) offsets(%dma_start3A_501 : memref<80xi32, #tpu.memory_space<vmem>>) semaphore(%arg12 : memref<!tpu.dma_semaphore, #tpu.memory_space<semaphore_mem>>) {add = true}
      %dma_wait3A_505 = arith.constant 0 : i32
      %dma_wait3A_506 = arith.constant 2 : i32
      %dma_wait3A_507 = arith.constant 0 : i32
      %dma_wait3A_508 = arith.constant 0 : i32
      %dma_wait3A_509 = tpu.memref_slice %arg9[%dma_wait3A_505, %dma_wait3A_507, %dma_wait3A_508] : memref<2x80x128xf32, #tpu.memory_space<vmem>> -> memref<1x80x128xf32, #tpu.memory_space<vmem>>
      %dma_wait3A_510 = tpu.memref_squeeze %dma_wait3A_509 : memref<1x80x128xf32, #tpu.memory_space<vmem>> -> memref<80x128xf32, #tpu.memory_space<vmem>>
      %dma_wait3A_511 = arith.constant 0 : i32
      %dma_wait3A_512 = tpu.memref_slice %arg7[%dma_wait3A_506, %dma_wait3A_511] : memref<10x80xi32, #tpu.memory_space<vmem>> -> memref<1x80xi32, #tpu.memory_space<vmem>>
      %dma_wait3A_513 = tpu.memref_squeeze %dma_wait3A_512 : memref<1x80xi32, #tpu.memory_space<vmem>> -> memref<80xi32, #tpu.memory_space<vmem>>
      %dma_wait3A_514 = arith.constant 0 : i32
      %dma_wait3A_515 = arith.constant 0 : i32
      %dma_wait3A_516 = tpu.memref_slice %arg10[%dma_wait3A_514, %dma_wait3A_515] : memref<10240x128xf32, #tpu.memory_space<vmem_shared>> -> memref<10240x128xf32, #tpu.memory_space<vmem_shared>>
      tpu.wait_indirect_dma semaphore(%arg12 : memref<!tpu.dma_semaphore, #tpu.memory_space<semaphore_mem>>) src(%dma_wait3A_510 : memref<80x128xf32, #tpu.memory_space<vmem>>) dst(%dma_wait3A_516 : memref<10240x128xf32, #tpu.memory_space<vmem_shared>>)
      %get3A_517 = arith.constant 4 : i32
      %get3A_518 = arith.index_cast %get3A_517 : i32 to index
      %get3A_519 = arith.constant 0 : index
      %get3A_520 = tpu.vector_load %arg6[%get3A_518, %get3A_519] {strides = array<i32>} : memref<10x80xi32, #tpu.memory_space<vmem>>, vector<1x16xi32>,
      %get3A_521 = vector.shape_cast %get3A_520 : vector<1x16xi32> to vector<16xi32>
      %mul3A_522 = arith.constant 2 : i32
      %mul3A_523 = vector.broadcast %mul3A_522 : i32 to vector<16xi32>
      %mul3A_524 = arith.muli %get3A_521, %mul3A_523 : vector<16xi32>
      %add3A_525 = vector.broadcast %arg0 : i32 to vector<16xi32>
      %add3A_526 = arith.addi %mul3A_524, %add3A_525 : vector<16xi32>
      %swap3A_527 = arith.constant 0 : i32
      %swap3A_528 = arith.index_cast %swap3A_527 : i32 to index
      %swap3A_529 = arith.constant 0 : index
      %swap3A_530 = tpu.vector_load %arg8[%swap3A_528, %swap3A_529] {strides = array<i32>} : memref<2x80xi32, #tpu.memory_space<vmem>>, vector<1x16xi32>,
      %swap3A_531 = vector.shape_cast %swap3A_530 : vector<1x16xi32> to vector<16xi32>
      %swap3A_532 = vector.shape_cast %add3A_526 : vector<16xi32> to vector<1x16xi32>
      tpu.vector_store %arg8[%swap3A_528, %swap3A_529], %swap3A_532 {strides = array<i32>} : memref<2x80xi32, #tpu.memory_space<vmem>>, vector<1x16xi32>,
      %get3A_533 = arith.constant 4 : i32
      %get3A_534 = arith.index_cast %get3A_533 : i32 to index
      %get3A_535 = arith.constant 16 : index
      %get3A_536 = tpu.vector_load %arg6[%get3A_534, %get3A_535] {strides = array<i32>} : memref<10x80xi32, #tpu.memory_space<vmem>>, vector<1x16xi32>,
      %get3A_537 = vector.shape_cast %get3A_536 : vector<1x16xi32> to vector<16xi32>
      %mul3A_538 = arith.constant 2 : i32
      %mul3A_539 = vector.broadcast %mul3A_538 : i32 to vector<16xi32>
      %mul3A_540 = arith.muli %get3A_537, %mul3A_539 : vector<16xi32>
      %add3A_541 = vector.broadcast %arg0 : i32 to vector<16xi32>
      %add3A_542 = arith.addi %mul3A_540, %add3A_541 : vector<16xi32>
      %swap3A_543 = arith.constant 0 : i32
      %swap3A_544 = arith.index_cast %swap3A_543 : i32 to index
      %swap3A_545 = arith.constant 16 : index
      %swap3A_546 = tpu.vector_load %arg8[%swap3A_544, %swap3A_545] {strides = array<i32>} : memref<2x80xi32, #tpu.memory_space<vmem>>, vector<1x16xi32>,
      %swap3A_547 = vector.shape_cast %swap3A_546 : vector<1x16xi32> to vector<16xi32>
      %swap3A_548 = vector.shape_cast %add3A_542 : vector<16xi32> to vector<1x16xi32>
      tpu.vector_store %arg8[%swap3A_544, %swap3A_545], %swap3A_548 {strides = array<i32>} : memref<2x80xi32, #tpu.memory_space<vmem>>, vector<1x16xi32>,
      %get3A_549 = arith.constant 4 : i32
      %get3A_550 = arith.index_cast %get3A_549 : i32 to index
      %get3A_551 = arith.constant 32 : index
      %get3A_552 = tpu.vector_load %arg6[%get3A_550, %get3A_551] {strides = array<i32>} : memref<10x80xi32, #tpu.memory_space<vmem>>, vector<1x16xi32>,
      %get3A_553 = vector.shape_cast %get3A_552 : vector<1x16xi32> to vector<16xi32>
      %mul3A_554 = arith.constant 2 : i32
      %mul3A_555 = vector.broadcast %mul3A_554 : i32 to vector<16xi32>
      %mul3A_556 = arith.muli %get3A_553, %mul3A_555 : vector<16xi32>
      %add3A_557 = vector.broadcast %arg0 : i32 to vector<16xi32>
      %add3A_558 = arith.addi %mul3A_556, %add3A_557 : vector<16xi32>
      %swap3A_559 = arith.constant 0 : i32
      %swap3A_560 = arith.index_cast %swap3A_559 : i32 to index
      %swap3A_561 = arith.constant 32 : index
      %swap3A_562 = tpu.vector_load %arg8[%swap3A_560, %swap3A_561] {strides = array<i32>} : memref<2x80xi32, #tpu.memory_space<vmem>>, vector<1x16xi32>,
      %swap3A_563 = vector.shape_cast %swap3A_562 : vector<1x16xi32> to vector<16xi32>
      %swap3A_564 = vector.shape_cast %add3A_558 : vector<16xi32> to vector<1x16xi32>
      tpu.vector_store %arg8[%swap3A_560, %swap3A_561], %swap3A_564 {strides = array<i32>} : memref<2x80xi32, #tpu.memory_space<vmem>>, vector<1x16xi32>,
      %get3A_565 = arith.constant 4 : i32
      %get3A_566 = arith.index_cast %get3A_565 : i32 to index
      %get3A_567 = arith.constant 48 : index
      %get3A_568 = tpu.vector_load %arg6[%get3A_566, %get3A_567] {strides = array<i32>} : memref<10x80xi32, #tpu.memory_space<vmem>>, vector<1x16xi32>,
      %get3A_569 = vector.shape_cast %get3A_568 : vector<1x16xi32> to vector<16xi32>
      %mul3A_570 = arith.constant 2 : i32
      %mul3A_571 = vector.broadcast %mul3A_570 : i32 to vector<16xi32>
      %mul3A_572 = arith.muli %get3A_569, %mul3A_571 : vector<16xi32>
      %add3A_573 = vector.broadcast %arg0 : i32 to vector<16xi32>
      %add3A_574 = arith.addi %mul3A_572, %add3A_573 : vector<16xi32>
      %swap3A_575 = arith.constant 0 : i32
      %swap3A_576 = arith.index_cast %swap3A_575 : i32 to index
      %swap3A_577 = arith.constant 48 : index
      %swap3A_578 = tpu.vector_load %arg8[%swap3A_576, %swap3A_577] {strides = array<i32>} : memref<2x80xi32, #tpu.memory_space<vmem>>, vector<1x16xi32>,
      %swap3A_579 = vector.shape_cast %swap3A_578 : vector<1x16xi32> to vector<16xi32>
      %swap3A_580 = vector.shape_cast %add3A_574 : vector<16xi32> to vector<1x16xi32>
      tpu.vector_store %arg8[%swap3A_576, %swap3A_577], %swap3A_580 {strides = array<i32>} : memref<2x80xi32, #tpu.memory_space<vmem>>, vector<1x16xi32>,
      %get3A_581 = arith.constant 4 : i32
      %get3A_582 = arith.index_cast %get3A_581 : i32 to index
      %get3A_583 = arith.constant 64 : index
      %get3A_584 = tpu.vector_load %arg6[%get3A_582, %get3A_583] {strides = array<i32>} : memref<10x80xi32, #tpu.memory_space<vmem>>, vector<1x16xi32>,
      %get3A_585 = vector.shape_cast %get3A_584 : vector<1x16xi32> to vector<16xi32>
      %mul3A_586 = arith.constant 2 : i32
      %mul3A_587 = vector.broadcast %mul3A_586 : i32 to vector<16xi32>
      %mul3A_588 = arith.muli %get3A_585, %mul3A_587 : vector<16xi32>
      %add3A_589 = vector.broadcast %arg0 : i32 to vector<16xi32>
      %add3A_590 = arith.addi %mul3A_588, %add3A_589 : vector<16xi32>
      %swap3A_591 = arith.constant 0 : i32
      %swap3A_592 = arith.index_cast %swap3A_591 : i32 to index
      %swap3A_593 = arith.constant 64 : index
      %swap3A_594 = tpu.vector_load %arg8[%swap3A_592, %swap3A_593] {strides = array<i32>} : memref<2x80xi32, #tpu.memory_space<vmem>>, vector<1x16xi32>,
      %swap3A_595 = vector.shape_cast %swap3A_594 : vector<1x16xi32> to vector<16xi32>
      %swap3A_596 = vector.shape_cast %add3A_590 : vector<16xi32> to vector<1x16xi32>
      tpu.vector_store %arg8[%swap3A_592, %swap3A_593], %swap3A_596 {strides = array<i32>} : memref<2x80xi32, #tpu.memory_space<vmem>>, vector<1x16xi32>,
      %dma_start3A_597 = arith.constant 0 : i32
      %dma_start3A_598 = arith.constant 0 : i32
      %dma_start3A_599 = arith.constant 0 : i32
      %dma_start3A_600 = arith.constant 0 : i32
      %dma_start3A_601 = tpu.memref_slice %arg9[%dma_start3A_598, %dma_start3A_599, %dma_start3A_600] : memref<2x80x128xf32, #tpu.memory_space<vmem>> -> memref<1x80x128xf32, #tpu.memory_space<vmem>>
      %dma_start3A_602 = tpu.memref_squeeze %dma_start3A_601 : memref<1x80x128xf32, #tpu.memory_space<vmem>> -> memref<80x128xf32, #tpu.memory_space<vmem>>
      %dma_start3A_603 = arith.constant 0 : i32
      %dma_start3A_604 = tpu.memref_slice %arg8[%dma_start3A_597, %dma_start3A_603] : memref<2x80xi32, #tpu.memory_space<vmem>> -> memref<1x80xi32, #tpu.memory_space<vmem>>
      %dma_start3A_605 = tpu.memref_squeeze %dma_start3A_604 : memref<1x80xi32, #tpu.memory_space<vmem>> -> memref<80xi32, #tpu.memory_space<vmem>>
      %dma_start3A_606 = arith.constant 0 : i32
      %dma_start3A_607 = arith.constant 0 : i32
      %dma_start3A_608 = tpu.memref_slice %arg2[%dma_start3A_606, %dma_start3A_607] : memref<20000x128xf32, #tpu.memory_space<hbm>> -> memref<20000x128xf32, #tpu.memory_space<hbm>>
      tpu.enqueue_indirect_dma source(%dma_start3A_608 : memref<20000x128xf32, #tpu.memory_space<hbm>>) target(%dma_start3A_602 : memref<80x128xf32, #tpu.memory_space<vmem>>) offsets(%dma_start3A_605 : memref<80xi32, #tpu.memory_space<vmem>>) semaphore(%arg11 : memref<!tpu.dma_semaphore, #tpu.memory_space<semaphore_mem>>)
      %dma_wait3A_609 = arith.constant 0 : i32
      %dma_wait3A_610 = arith.constant 0 : i32
      %dma_wait3A_611 = arith.constant 0 : i32
      %dma_wait3A_612 = arith.constant 0 : i32
      %dma_wait3A_613 = tpu.memref_slice %arg9[%dma_wait3A_610, %dma_wait3A_611, %dma_wait3A_612] : memref<2x80x128xf32, #tpu.memory_space<vmem>> -> memref<1x80x128xf32, #tpu.memory_space<vmem>>
      %dma_wait3A_614 = tpu.memref_squeeze %dma_wait3A_613 : memref<1x80x128xf32, #tpu.memory_space<vmem>> -> memref<80x128xf32, #tpu.memory_space<vmem>>
      %dma_wait3A_615 = arith.constant 0 : i32
      %dma_wait3A_616 = tpu.memref_slice %arg8[%dma_wait3A_609, %dma_wait3A_615] : memref<2x80xi32, #tpu.memory_space<vmem>> -> memref<1x80xi32, #tpu.memory_space<vmem>>
      %dma_wait3A_617 = tpu.memref_squeeze %dma_wait3A_616 : memref<1x80xi32, #tpu.memory_space<vmem>> -> memref<80xi32, #tpu.memory_space<vmem>>
      %dma_wait3A_618 = arith.constant 0 : i32
      %dma_wait3A_619 = arith.constant 0 : i32
      %dma_wait3A_620 = tpu.memref_slice %arg2[%dma_wait3A_618, %dma_wait3A_619] : memref<20000x128xf32, #tpu.memory_space<hbm>> -> memref<20000x128xf32, #tpu.memory_space<hbm>>
      tpu.wait_indirect_dma semaphore(%arg11 : memref<!tpu.dma_semaphore, #tpu.memory_space<semaphore_mem>>) src(%dma_wait3A_620 : memref<20000x128xf32, #tpu.memory_space<hbm>>) dst(%dma_wait3A_614 : memref<80x128xf32, #tpu.memory_space<vmem>>)
      %dma_start3A_621 = arith.constant 0 : i32
      %dma_start3A_622 = arith.constant 4 : i32
      %dma_start3A_623 = arith.constant 0 : i32
      %dma_start3A_624 = arith.constant 0 : i32
      %dma_start3A_625 = tpu.memref_slice %arg9[%dma_start3A_621, %dma_start3A_623, %dma_start3A_624] : memref<2x80x128xf32, #tpu.memory_space<vmem>> -> memref<1x80x128xf32, #tpu.memory_space<vmem>>
      %dma_start3A_626 = tpu.memref_squeeze %dma_start3A_625 : memref<1x80x128xf32, #tpu.memory_space<vmem>> -> memref<80x128xf32, #tpu.memory_space<vmem>>
      %dma_start3A_627 = arith.constant 0 : i32
      %dma_start3A_628 = tpu.memref_slice %arg7[%dma_start3A_622, %dma_start3A_627] : memref<10x80xi32, #tpu.memory_space<vmem>> -> memref<1x80xi32, #tpu.memory_space<vmem>>
      %dma_start3A_629 = tpu.memref_squeeze %dma_start3A_628 : memref<1x80xi32, #tpu.memory_space<vmem>> -> memref<80xi32, #tpu.memory_space<vmem>>
      %dma_start3A_630 = arith.constant 0 : i32
      %dma_start3A_631 = arith.constant 0 : i32
      %dma_start3A_632 = tpu.memref_slice %arg10[%dma_start3A_630, %dma_start3A_631] : memref<10240x128xf32, #tpu.memory_space<vmem_shared>> -> memref<10240x128xf32, #tpu.memory_space<vmem_shared>>
      tpu.enqueue_indirect_dma source(%dma_start3A_626 : memref<80x128xf32, #tpu.memory_space<vmem>>) target(%dma_start3A_632 : memref<10240x128xf32, #tpu.memory_space<vmem_shared>>) offsets(%dma_start3A_629 : memref<80xi32, #tpu.memory_space<vmem>>) semaphore(%arg12 : memref<!tpu.dma_semaphore, #tpu.memory_space<semaphore_mem>>) {add = true}
      %dma_wait3A_633 = arith.constant 1 : i32
      %dma_wait3A_634 = arith.constant 3 : i32
      %dma_wait3A_635 = arith.constant 0 : i32
      %dma_wait3A_636 = arith.constant 0 : i32
      %dma_wait3A_637 = tpu.memref_slice %arg9[%dma_wait3A_633, %dma_wait3A_635, %dma_wait3A_636] : memref<2x80x128xf32, #tpu.memory_space<vmem>> -> memref<1x80x128xf32, #tpu.memory_space<vmem>>
      %dma_wait3A_638 = tpu.memref_squeeze %dma_wait3A_637 : memref<1x80x128xf32, #tpu.memory_space<vmem>> -> memref<80x128xf32, #tpu.memory_space<vmem>>
      %dma_wait3A_639 = arith.constant 0 : i32
      %dma_wait3A_640 = tpu.memref_slice %arg7[%dma_wait3A_634, %dma_wait3A_639] : memref<10x80xi32, #tpu.memory_space<vmem>> -> memref<1x80xi32, #tpu.memory_space<vmem>>
      %dma_wait3A_641 = tpu.memref_squeeze %dma_wait3A_640 : memref<1x80xi32, #tpu.memory_space<vmem>> -> memref<80xi32, #tpu.memory_space<vmem>>
      %dma_wait3A_642 = arith.constant 0 : i32
      %dma_wait3A_643 = arith.constant 0 : i32
      %dma_wait3A_644 = tpu.memref_slice %arg10[%dma_wait3A_642, %dma_wait3A_643] : memref<10240x128xf32, #tpu.memory_space<vmem_shared>> -> memref<10240x128xf32, #tpu.memory_space<vmem_shared>>
      tpu.wait_indirect_dma semaphore(%arg12 : memref<!tpu.dma_semaphore, #tpu.memory_space<semaphore_mem>>) src(%dma_wait3A_638 : memref<80x128xf32, #tpu.memory_space<vmem>>) dst(%dma_wait3A_644 : memref<10240x128xf32, #tpu.memory_space<vmem_shared>>)
      %get3A_645 = arith.constant 5 : i32
      %get3A_646 = arith.index_cast %get3A_645 : i32 to index
      %get3A_647 = arith.constant 0 : index
      %get3A_648 = tpu.vector_load %arg6[%get3A_646, %get3A_647] {strides = array<i32>} : memref<10x80xi32, #tpu.memory_space<vmem>>, vector<1x16xi32>,
      %get3A_649 = vector.shape_cast %get3A_648 : vector<1x16xi32> to vector<16xi32>
      %mul3A_650 = arith.constant 2 : i32
      %mul3A_651 = vector.broadcast %mul3A_650 : i32 to vector<16xi32>
      %mul3A_652 = arith.muli %get3A_649, %mul3A_651 : vector<16xi32>
      %add3A_653 = vector.broadcast %arg0 : i32 to vector<16xi32>
      %add3A_654 = arith.addi %mul3A_652, %add3A_653 : vector<16xi32>
      %swap3A_655 = arith.constant 1 : i32
      %swap3A_656 = arith.index_cast %swap3A_655 : i32 to index
      %swap3A_657 = arith.constant 0 : index
      %swap3A_658 = tpu.vector_load %arg8[%swap3A_656, %swap3A_657] {strides = array<i32>} : memref<2x80xi32, #tpu.memory_space<vmem>>, vector<1x16xi32>,
      %swap3A_659 = vector.shape_cast %swap3A_658 : vector<1x16xi32> to vector<16xi32>
      %swap3A_660 = vector.shape_cast %add3A_654 : vector<16xi32> to vector<1x16xi32>
      tpu.vector_store %arg8[%swap3A_656, %swap3A_657], %swap3A_660 {strides = array<i32>} : memref<2x80xi32, #tpu.memory_space<vmem>>, vector<1x16xi32>,
      %get3A_661 = arith.constant 5 : i32
      %get3A_662 = arith.index_cast %get3A_661 : i32 to index
      %get3A_663 = arith.constant 16 : index
      %get3A_664 = tpu.vector_load %arg6[%get3A_662, %get3A_663] {strides = array<i32>} : memref<10x80xi32, #tpu.memory_space<vmem>>, vector<1x16xi32>,
      %get3A_665 = vector.shape_cast %get3A_664 : vector<1x16xi32> to vector<16xi32>
      %mul3A_666 = arith.constant 2 : i32
      %mul3A_667 = vector.broadcast %mul3A_666 : i32 to vector<16xi32>
      %mul3A_668 = arith.muli %get3A_665, %mul3A_667 : vector<16xi32>
      %add3A_669 = vector.broadcast %arg0 : i32 to vector<16xi32>
      %add3A_670 = arith.addi %mul3A_668, %add3A_669 : vector<16xi32>
      %swap3A_671 = arith.constant 1 : i32
      %swap3A_672 = arith.index_cast %swap3A_671 : i32 to index
      %swap3A_673 = arith.constant 16 : index
      %swap3A_674 = tpu.vector_load %arg8[%swap3A_672, %swap3A_673] {strides = array<i32>} : memref<2x80xi32, #tpu.memory_space<vmem>>, vector<1x16xi32>,
      %swap3A_675 = vector.shape_cast %swap3A_674 : vector<1x16xi32> to vector<16xi32>
      %swap3A_676 = vector.shape_cast %add3A_670 : vector<16xi32> to vector<1x16xi32>
      tpu.vector_store %arg8[%swap3A_672, %swap3A_673], %swap3A_676 {strides = array<i32>} : memref<2x80xi32, #tpu.memory_space<vmem>>, vector<1x16xi32>,
      %get3A_677 = arith.constant 5 : i32
      %get3A_678 = arith.index_cast %get3A_677 : i32 to index
      %get3A_679 = arith.constant 32 : index
      %get3A_680 = tpu.vector_load %arg6[%get3A_678, %get3A_679] {strides = array<i32>} : memref<10x80xi32, #tpu.memory_space<vmem>>, vector<1x16xi32>,
      %get3A_681 = vector.shape_cast %get3A_680 : vector<1x16xi32> to vector<16xi32>
      %mul3A_682 = arith.constant 2 : i32
      %mul3A_683 = vector.broadcast %mul3A_682 : i32 to vector<16xi32>
      %mul3A_684 = arith.muli %get3A_681, %mul3A_683 : vector<16xi32>
      %add3A_685 = vector.broadcast %arg0 : i32 to vector<16xi32>
      %add3A_686 = arith.addi %mul3A_684, %add3A_685 : vector<16xi32>
      %swap3A_687 = arith.constant 1 : i32
      %swap3A_688 = arith.index_cast %swap3A_687 : i32 to index
      %swap3A_689 = arith.constant 32 : index
      %swap3A_690 = tpu.vector_load %arg8[%swap3A_688, %swap3A_689] {strides = array<i32>} : memref<2x80xi32, #tpu.memory_space<vmem>>, vector<1x16xi32>,
      %swap3A_691 = vector.shape_cast %swap3A_690 : vector<1x16xi32> to vector<16xi32>
      %swap3A_692 = vector.shape_cast %add3A_686 : vector<16xi32> to vector<1x16xi32>
      tpu.vector_store %arg8[%swap3A_688, %swap3A_689], %swap3A_692 {strides = array<i32>} : memref<2x80xi32, #tpu.memory_space<vmem>>, vector<1x16xi32>,
      %get3A_693 = arith.constant 5 : i32
      %get3A_694 = arith.index_cast %get3A_693 : i32 to index
      %get3A_695 = arith.constant 48 : index
      %get3A_696 = tpu.vector_load %arg6[%get3A_694, %get3A_695] {strides = array<i32>} : memref<10x80xi32, #tpu.memory_space<vmem>>, vector<1x16xi32>,
      %get3A_697 = vector.shape_cast %get3A_696 : vector<1x16xi32> to vector<16xi32>
      %mul3A_698 = arith.constant 2 : i32
      %mul3A_699 = vector.broadcast %mul3A_698 : i32 to vector<16xi32>
      %mul3A_700 = arith.muli %get3A_697, %mul3A_699 : vector<16xi32>
      %add3A_701 = vector.broadcast %arg0 : i32 to vector<16xi32>
      %add3A_702 = arith.addi %mul3A_700, %add3A_701 : vector<16xi32>
      %swap3A_703 = arith.constant 1 : i32
      %swap3A_704 = arith.index_cast %swap3A_703 : i32 to index
      %swap3A_705 = arith.constant 48 : index
      %swap3A_706 = tpu.vector_load %arg8[%swap3A_704, %swap3A_705] {strides = array<i32>} : memref<2x80xi32, #tpu.memory_space<vmem>>, vector<1x16xi32>,
      %swap3A_707 = vector.shape_cast %swap3A_706 : vector<1x16xi32> to vector<16xi32>
      %swap3A_708 = vector.shape_cast %add3A_702 : vector<16xi32> to vector<1x16xi32>
      tpu.vector_store %arg8[%swap3A_704, %swap3A_705], %swap3A_708 {strides = array<i32>} : memref<2x80xi32, #tpu.memory_space<vmem>>, vector<1x16xi32>,
      %get3A_709 = arith.constant 5 : i32
      %get3A_710 = arith.index_cast %get3A_709 : i32 to index
      %get3A_711 = arith.constant 64 : index
      %get3A_712 = tpu.vector_load %arg6[%get3A_710, %get3A_711] {strides = array<i32>} : memref<10x80xi32, #tpu.memory_space<vmem>>, vector<1x16xi32>,
      %get3A_713 = vector.shape_cast %get3A_712 : vector<1x16xi32> to vector<16xi32>
      %mul3A_714 = arith.constant 2 : i32
      %mul3A_715 = vector.broadcast %mul3A_714 : i32 to vector<16xi32>
      %mul3A_716 = arith.muli %get3A_713, %mul3A_715 : vector<16xi32>
      %add3A_717 = vector.broadcast %arg0 : i32 to vector<16xi32>
      %add3A_718 = arith.addi %mul3A_716, %add3A_717 : vector<16xi32>
      %swap3A_719 = arith.constant 1 : i32
      %swap3A_720 = arith.index_cast %swap3A_719 : i32 to index
      %swap3A_721 = arith.constant 64 : index
      %swap3A_722 = tpu.vector_load %arg8[%swap3A_720, %swap3A_721] {strides = array<i32>} : memref<2x80xi32, #tpu.memory_space<vmem>>, vector<1x16xi32>,
      %swap3A_723 = vector.shape_cast %swap3A_722 : vector<1x16xi32> to vector<16xi32>
      %swap3A_724 = vector.shape_cast %add3A_718 : vector<16xi32> to vector<1x16xi32>
      tpu.vector_store %arg8[%swap3A_720, %swap3A_721], %swap3A_724 {strides = array<i32>} : memref<2x80xi32, #tpu.memory_space<vmem>>, vector<1x16xi32>,
      %dma_start3A_725 = arith.constant 1 : i32
      %dma_start3A_726 = arith.constant 1 : i32
      %dma_start3A_727 = arith.constant 0 : i32
      %dma_start3A_728 = arith.constant 0 : i32
      %dma_start3A_729 = tpu.memref_slice %arg9[%dma_start3A_726, %dma_start3A_727, %dma_start3A_728] : memref<2x80x128xf32, #tpu.memory_space<vmem>> -> memref<1x80x128xf32, #tpu.memory_space<vmem>>
      %dma_start3A_730 = tpu.memref_squeeze %dma_start3A_729 : memref<1x80x128xf32, #tpu.memory_space<vmem>> -> memref<80x128xf32, #tpu.memory_space<vmem>>
      %dma_start3A_731 = arith.constant 0 : i32
      %dma_start3A_732 = tpu.memref_slice %arg8[%dma_start3A_725, %dma_start3A_731] : memref<2x80xi32, #tpu.memory_space<vmem>> -> memref<1x80xi32, #tpu.memory_space<vmem>>
      %dma_start3A_733 = tpu.memref_squeeze %dma_start3A_732 : memref<1x80xi32, #tpu.memory_space<vmem>> -> memref<80xi32, #tpu.memory_space<vmem>>
      %dma_start3A_734 = arith.constant 0 : i32
      %dma_start3A_735 = arith.constant 0 : i32
      %dma_start3A_736 = tpu.memref_slice %arg2[%dma_start3A_734, %dma_start3A_735] : memref<20000x128xf32, #tpu.memory_space<hbm>> -> memref<20000x128xf32, #tpu.memory_space<hbm>>
      tpu.enqueue_indirect_dma source(%dma_start3A_736 : memref<20000x128xf32, #tpu.memory_space<hbm>>) target(%dma_start3A_730 : memref<80x128xf32, #tpu.memory_space<vmem>>) offsets(%dma_start3A_733 : memref<80xi32, #tpu.memory_space<vmem>>) semaphore(%arg11 : memref<!tpu.dma_semaphore, #tpu.memory_space<semaphore_mem>>)
      %dma_wait3A_737 = arith.constant 1 : i32
      %dma_wait3A_738 = arith.constant 1 : i32
      %dma_wait3A_739 = arith.constant 0 : i32
      %dma_wait3A_740 = arith.constant 0 : i32
      %dma_wait3A_741 = tpu.memref_slice %arg9[%dma_wait3A_738, %dma_wait3A_739, %dma_wait3A_740] : memref<2x80x128xf32, #tpu.memory_space<vmem>> -> memref<1x80x128xf32, #tpu.memory_space<vmem>>
      %dma_wait3A_742 = tpu.memref_squeeze %dma_wait3A_741 : memref<1x80x128xf32, #tpu.memory_space<vmem>> -> memref<80x128xf32, #tpu.memory_space<vmem>>
      %dma_wait3A_743 = arith.constant 0 : i32
      %dma_wait3A_744 = tpu.memref_slice %arg8[%dma_wait3A_737, %dma_wait3A_743] : memref<2x80xi32, #tpu.memory_space<vmem>> -> memref<1x80xi32, #tpu.memory_space<vmem>>
      %dma_wait3A_745 = tpu.memref_squeeze %dma_wait3A_744 : memref<1x80xi32, #tpu.memory_space<vmem>> -> memref<80xi32, #tpu.memory_space<vmem>>
      %dma_wait3A_746 = arith.constant 0 : i32
      %dma_wait3A_747 = arith.constant 0 : i32
      %dma_wait3A_748 = tpu.memref_slice %arg2[%dma_wait3A_746, %dma_wait3A_747] : memref<20000x128xf32, #tpu.memory_space<hbm>> -> memref<20000x128xf32, #tpu.memory_space<hbm>>
      tpu.wait_indirect_dma semaphore(%arg11 : memref<!tpu.dma_semaphore, #tpu.memory_space<semaphore_mem>>) src(%dma_wait3A_748 : memref<20000x128xf32, #tpu.memory_space<hbm>>) dst(%dma_wait3A_742 : memref<80x128xf32, #tpu.memory_space<vmem>>)
      %dma_start3A_749 = arith.constant 1 : i32
      %dma_start3A_750 = arith.constant 5 : i32
      %dma_start3A_751 = arith.constant 0 : i32
      %dma_start3A_752 = arith.constant 0 : i32
      %dma_start3A_753 = tpu.memref_slice %arg9[%dma_start3A_749, %dma_start3A_751, %dma_start3A_752] : memref<2x80x128xf32, #tpu.memory_space<vmem>> -> memref<1x80x128xf32, #tpu.memory_space<vmem>>
      %dma_start3A_754 = tpu.memref_squeeze %dma_start3A_753 : memref<1x80x128xf32, #tpu.memory_space<vmem>> -> memref<80x128xf32, #tpu.memory_space<vmem>>
      %dma_start3A_755 = arith.constant 0 : i32
      %dma_start3A_756 = tpu.memref_slice %arg7[%dma_start3A_750, %dma_start3A_755] : memref<10x80xi32, #tpu.memory_space<vmem>> -> memref<1x80xi32, #tpu.memory_space<vmem>>
      %dma_start3A_757 = tpu.memref_squeeze %dma_start3A_756 : memref<1x80xi32, #tpu.memory_space<vmem>> -> memref<80xi32, #tpu.memory_space<vmem>>
      %dma_start3A_758 = arith.constant 0 : i32
      %dma_start3A_759 = arith.constant 0 : i32
      %dma_start3A_760 = tpu.memref_slice %arg10[%dma_start3A_758, %dma_start3A_759] : memref<10240x128xf32, #tpu.memory_space<vmem_shared>> -> memref<10240x128xf32, #tpu.memory_space<vmem_shared>>
      tpu.enqueue_indirect_dma source(%dma_start3A_754 : memref<80x128xf32, #tpu.memory_space<vmem>>) target(%dma_start3A_760 : memref<10240x128xf32, #tpu.memory_space<vmem_shared>>) offsets(%dma_start3A_757 : memref<80xi32, #tpu.memory_space<vmem>>) semaphore(%arg12 : memref<!tpu.dma_semaphore, #tpu.memory_space<semaphore_mem>>) {add = true}
      %dma_wait3A_761 = arith.constant 0 : i32
      %dma_wait3A_762 = arith.constant 4 : i32
      %dma_wait3A_763 = arith.constant 0 : i32
      %dma_wait3A_764 = arith.constant 0 : i32
      %dma_wait3A_765 = tpu.memref_slice %arg9[%dma_wait3A_761, %dma_wait3A_763, %dma_wait3A_764] : memref<2x80x128xf32, #tpu.memory_space<vmem>> -> memref<1x80x128xf32, #tpu.memory_space<vmem>>
      %dma_wait3A_766 = tpu.memref_squeeze %dma_wait3A_765 : memref<1x80x128xf32, #tpu.memory_space<vmem>> -> memref<80x128xf32, #tpu.memory_space<vmem>>
      %dma_wait3A_767 = arith.constant 0 : i32
      %dma_wait3A_768 = tpu.memref_slice %arg7[%dma_wait3A_762, %dma_wait3A_767] : memref<10x80xi32, #tpu.memory_space<vmem>> -> memref<1x80xi32, #tpu.memory_space<vmem>>
      %dma_wait3A_769 = tpu.memref_squeeze %dma_wait3A_768 : memref<1x80xi32, #tpu.memory_space<vmem>> -> memref<80xi32, #tpu.memory_space<vmem>>
      %dma_wait3A_770 = arith.constant 0 : i32
      %dma_wait3A_771 = arith.constant 0 : i32
      %dma_wait3A_772 = tpu.memref_slice %arg10[%dma_wait3A_770, %dma_wait3A_771] : memref<10240x128xf32, #tpu.memory_space<vmem_shared>> -> memref<10240x128xf32, #tpu.memory_space<vmem_shared>>
      tpu.wait_indirect_dma semaphore(%arg12 : memref<!tpu.dma_semaphore, #tpu.memory_space<semaphore_mem>>) src(%dma_wait3A_766 : memref<80x128xf32, #tpu.memory_space<vmem>>) dst(%dma_wait3A_772 : memref<10240x128xf32, #tpu.memory_space<vmem_shared>>)
      %get3A_773 = arith.constant 6 : i32
      %get3A_774 = arith.index_cast %get3A_773 : i32 to index
      %get3A_775 = arith.constant 0 : index
      %get3A_776 = tpu.vector_load %arg6[%get3A_774, %get3A_775] {strides = array<i32>} : memref<10x80xi32, #tpu.memory_space<vmem>>, vector<1x16xi32>,
      %get3A_777 = vector.shape_cast %get3A_776 : vector<1x16xi32> to vector<16xi32>
      %mul3A_778 = arith.constant 2 : i32
      %mul3A_779 = vector.broadcast %mul3A_778 : i32 to vector<16xi32>
      %mul3A_780 = arith.muli %get3A_777, %mul3A_779 : vector<16xi32>
      %add3A_781 = vector.broadcast %arg0 : i32 to vector<16xi32>
      %add3A_782 = arith.addi %mul3A_780, %add3A_781 : vector<16xi32>
      %swap3A_783 = arith.constant 0 : i32
      %swap3A_784 = arith.index_cast %swap3A_783 : i32 to index
      %swap3A_785 = arith.constant 0 : index
      %swap3A_786 = tpu.vector_load %arg8[%swap3A_784, %swap3A_785] {strides = array<i32>} : memref<2x80xi32, #tpu.memory_space<vmem>>, vector<1x16xi32>,
      %swap3A_787 = vector.shape_cast %swap3A_786 : vector<1x16xi32> to vector<16xi32>
      %swap3A_788 = vector.shape_cast %add3A_782 : vector<16xi32> to vector<1x16xi32>
      tpu.vector_store %arg8[%swap3A_784, %swap3A_785], %swap3A_788 {strides = array<i32>} : memref<2x80xi32, #tpu.memory_space<vmem>>, vector<1x16xi32>,
      %get3A_789 = arith.constant 6 : i32
      %get3A_790 = arith.index_cast %get3A_789 : i32 to index
      %get3A_791 = arith.constant 16 : index
      %get3A_792 = tpu.vector_load %arg6[%get3A_790, %get3A_791] {strides = array<i32>} : memref<10x80xi32, #tpu.memory_space<vmem>>, vector<1x16xi32>,
      %get3A_793 = vector.shape_cast %get3A_792 : vector<1x16xi32> to vector<16xi32>
      %mul3A_794 = arith.constant 2 : i32
      %mul3A_795 = vector.broadcast %mul3A_794 : i32 to vector<16xi32>
      %mul3A_796 = arith.muli %get3A_793, %mul3A_795 : vector<16xi32>
      %add3A_797 = vector.broadcast %arg0 : i32 to vector<16xi32>
      %add3A_798 = arith.addi %mul3A_796, %add3A_797 : vector<16xi32>
      %swap3A_799 = arith.constant 0 : i32
      %swap3A_800 = arith.index_cast %swap3A_799 : i32 to index
      %swap3A_801 = arith.constant 16 : index
      %swap3A_802 = tpu.vector_load %arg8[%swap3A_800, %swap3A_801] {strides = array<i32>} : memref<2x80xi32, #tpu.memory_space<vmem>>, vector<1x16xi32>,
      %swap3A_803 = vector.shape_cast %swap3A_802 : vector<1x16xi32> to vector<16xi32>
      %swap3A_804 = vector.shape_cast %add3A_798 : vector<16xi32> to vector<1x16xi32>
      tpu.vector_store %arg8[%swap3A_800, %swap3A_801], %swap3A_804 {strides = array<i32>} : memref<2x80xi32, #tpu.memory_space<vmem>>, vector<1x16xi32>,
      %get3A_805 = arith.constant 6 : i32
      %get3A_806 = arith.index_cast %get3A_805 : i32 to index
      %get3A_807 = arith.constant 32 : index
      %get3A_808 = tpu.vector_load %arg6[%get3A_806, %get3A_807] {strides = array<i32>} : memref<10x80xi32, #tpu.memory_space<vmem>>, vector<1x16xi32>,
      %get3A_809 = vector.shape_cast %get3A_808 : vector<1x16xi32> to vector<16xi32>
      %mul3A_810 = arith.constant 2 : i32
      %mul3A_811 = vector.broadcast %mul3A_810 : i32 to vector<16xi32>
      %mul3A_812 = arith.muli %get3A_809, %mul3A_811 : vector<16xi32>
      %add3A_813 = vector.broadcast %arg0 : i32 to vector<16xi32>
      %add3A_814 = arith.addi %mul3A_812, %add3A_813 : vector<16xi32>
      %swap3A_815 = arith.constant 0 : i32
      %swap3A_816 = arith.index_cast %swap3A_815 : i32 to index
      %swap3A_817 = arith.constant 32 : index
      %swap3A_818 = tpu.vector_load %arg8[%swap3A_816, %swap3A_817] {strides = array<i32>} : memref<2x80xi32, #tpu.memory_space<vmem>>, vector<1x16xi32>,
      %swap3A_819 = vector.shape_cast %swap3A_818 : vector<1x16xi32> to vector<16xi32>
      %swap3A_820 = vector.shape_cast %add3A_814 : vector<16xi32> to vector<1x16xi32>
      tpu.vector_store %arg8[%swap3A_816, %swap3A_817], %swap3A_820 {strides = array<i32>} : memref<2x80xi32, #tpu.memory_space<vmem>>, vector<1x16xi32>,
      %get3A_821 = arith.constant 6 : i32
      %get3A_822 = arith.index_cast %get3A_821 : i32 to index
      %get3A_823 = arith.constant 48 : index
      %get3A_824 = tpu.vector_load %arg6[%get3A_822, %get3A_823] {strides = array<i32>} : memref<10x80xi32, #tpu.memory_space<vmem>>, vector<1x16xi32>,
      %get3A_825 = vector.shape_cast %get3A_824 : vector<1x16xi32> to vector<16xi32>
      %mul3A_826 = arith.constant 2 : i32
      %mul3A_827 = vector.broadcast %mul3A_826 : i32 to vector<16xi32>
      %mul3A_828 = arith.muli %get3A_825, %mul3A_827 : vector<16xi32>
      %add3A_829 = vector.broadcast %arg0 : i32 to vector<16xi32>
      %add3A_830 = arith.addi %mul3A_828, %add3A_829 : vector<16xi32>
      %swap3A_831 = arith.constant 0 : i32
      %swap3A_832 = arith.index_cast %swap3A_831 : i32 to index
      %swap3A_833 = arith.constant 48 : index
      %swap3A_834 = tpu.vector_load %arg8[%swap3A_832, %swap3A_833] {strides = array<i32>} : memref<2x80xi32, #tpu.memory_space<vmem>>, vector<1x16xi32>,
      %swap3A_835 = vector.shape_cast %swap3A_834 : vector<1x16xi32> to vector<16xi32>
      %swap3A_836 = vector.shape_cast %add3A_830 : vector<16xi32> to vector<1x16xi32>
      tpu.vector_store %arg8[%swap3A_832, %swap3A_833], %swap3A_836 {strides = array<i32>} : memref<2x80xi32, #tpu.memory_space<vmem>>, vector<1x16xi32>,
      %get3A_837 = arith.constant 6 : i32
      %get3A_838 = arith.index_cast %get3A_837 : i32 to index
      %get3A_839 = arith.constant 64 : index
      %get3A_840 = tpu.vector_load %arg6[%get3A_838, %get3A_839] {strides = array<i32>} : memref<10x80xi32, #tpu.memory_space<vmem>>, vector<1x16xi32>,
      %get3A_841 = vector.shape_cast %get3A_840 : vector<1x16xi32> to vector<16xi32>
      %mul3A_842 = arith.constant 2 : i32
      %mul3A_843 = vector.broadcast %mul3A_842 : i32 to vector<16xi32>
      %mul3A_844 = arith.muli %get3A_841, %mul3A_843 : vector<16xi32>
      %add3A_845 = vector.broadcast %arg0 : i32 to vector<16xi32>
      %add3A_846 = arith.addi %mul3A_844, %add3A_845 : vector<16xi32>
      %swap3A_847 = arith.constant 0 : i32
      %swap3A_848 = arith.index_cast %swap3A_847 : i32 to index
      %swap3A_849 = arith.constant 64 : index
      %swap3A_850 = tpu.vector_load %arg8[%swap3A_848, %swap3A_849] {strides = array<i32>} : memref<2x80xi32, #tpu.memory_space<vmem>>, vector<1x16xi32>,
      %swap3A_851 = vector.shape_cast %swap3A_850 : vector<1x16xi32> to vector<16xi32>
      %swap3A_852 = vector.shape_cast %add3A_846 : vector<16xi32> to vector<1x16xi32>
      tpu.vector_store %arg8[%swap3A_848, %swap3A_849], %swap3A_852 {strides = array<i32>} : memref<2x80xi32, #tpu.memory_space<vmem>>, vector<1x16xi32>,
      %dma_start3A_853 = arith.constant 0 : i32
      %dma_start3A_854 = arith.constant 0 : i32
      %dma_start3A_855 = arith.constant 0 : i32
      %dma_start3A_856 = arith.constant 0 : i32
      %dma_start3A_857 = tpu.memref_slice %arg9[%dma_start3A_854, %dma_start3A_855, %dma_start3A_856] : memref<2x80x128xf32, #tpu.memory_space<vmem>> -> memref<1x80x128xf32, #tpu.memory_space<vmem>>
      %dma_start3A_858 = tpu.memref_squeeze %dma_start3A_857 : memref<1x80x128xf32, #tpu.memory_space<vmem>> -> memref<80x128xf32, #tpu.memory_space<vmem>>
      %dma_start3A_859 = arith.constant 0 : i32
      %dma_start3A_860 = tpu.memref_slice %arg8[%dma_start3A_853, %dma_start3A_859] : memref<2x80xi32, #tpu.memory_space<vmem>> -> memref<1x80xi32, #tpu.memory_space<vmem>>
      %dma_start3A_861 = tpu.memref_squeeze %dma_start3A_860 : memref<1x80xi32, #tpu.memory_space<vmem>> -> memref<80xi32, #tpu.memory_space<vmem>>
      %dma_start3A_862 = arith.constant 0 : i32
      %dma_start3A_863 = arith.constant 0 : i32
      %dma_start3A_864 = tpu.memref_slice %arg2[%dma_start3A_862, %dma_start3A_863] : memref<20000x128xf32, #tpu.memory_space<hbm>> -> memref<20000x128xf32, #tpu.memory_space<hbm>>
      tpu.enqueue_indirect_dma source(%dma_start3A_864 : memref<20000x128xf32, #tpu.memory_space<hbm>>) target(%dma_start3A_858 : memref<80x128xf32, #tpu.memory_space<vmem>>) offsets(%dma_start3A_861 : memref<80xi32, #tpu.memory_space<vmem>>) semaphore(%arg11 : memref<!tpu.dma_semaphore, #tpu.memory_space<semaphore_mem>>)
      %dma_wait3A_865 = arith.constant 0 : i32
      %dma_wait3A_866 = arith.constant 0 : i32
      %dma_wait3A_867 = arith.constant 0 : i32
      %dma_wait3A_868 = arith.constant 0 : i32
      %dma_wait3A_869 = tpu.memref_slice %arg9[%dma_wait3A_866, %dma_wait3A_867, %dma_wait3A_868] : memref<2x80x128xf32, #tpu.memory_space<vmem>> -> memref<1x80x128xf32, #tpu.memory_space<vmem>>
      %dma_wait3A_870 = tpu.memref_squeeze %dma_wait3A_869 : memref<1x80x128xf32, #tpu.memory_space<vmem>> -> memref<80x128xf32, #tpu.memory_space<vmem>>
      %dma_wait3A_871 = arith.constant 0 : i32
      %dma_wait3A_872 = tpu.memref_slice %arg8[%dma_wait3A_865, %dma_wait3A_871] : memref<2x80xi32, #tpu.memory_space<vmem>> -> memref<1x80xi32, #tpu.memory_space<vmem>>
      %dma_wait3A_873 = tpu.memref_squeeze %dma_wait3A_872 : memref<1x80xi32, #tpu.memory_space<vmem>> -> memref<80xi32, #tpu.memory_space<vmem>>
      %dma_wait3A_874 = arith.constant 0 : i32
      %dma_wait3A_875 = arith.constant 0 : i32
      %dma_wait3A_876 = tpu.memref_slice %arg2[%dma_wait3A_874, %dma_wait3A_875] : memref<20000x128xf32, #tpu.memory_space<hbm>> -> memref<20000x128xf32, #tpu.memory_space<hbm>>
      tpu.wait_indirect_dma semaphore(%arg11 : memref<!tpu.dma_semaphore, #tpu.memory_space<semaphore_mem>>) src(%dma_wait3A_876 : memref<20000x128xf32, #tpu.memory_space<hbm>>) dst(%dma_wait3A_870 : memref<80x128xf32, #tpu.memory_space<vmem>>)
      %dma_start3A_877 = arith.constant 0 : i32
      %dma_start3A_878 = arith.constant 6 : i32
      %dma_start3A_879 = arith.constant 0 : i32
      %dma_start3A_880 = arith.constant 0 : i32
      %dma_start3A_881 = tpu.memref_slice %arg9[%dma_start3A_877, %dma_start3A_879, %dma_start3A_880] : memref<2x80x128xf32, #tpu.memory_space<vmem>> -> memref<1x80x128xf32, #tpu.memory_space<vmem>>
      %dma_start3A_882 = tpu.memref_squeeze %dma_start3A_881 : memref<1x80x128xf32, #tpu.memory_space<vmem>> -> memref<80x128xf32, #tpu.memory_space<vmem>>
      %dma_start3A_883 = arith.constant 0 : i32
      %dma_start3A_884 = tpu.memref_slice %arg7[%dma_start3A_878, %dma_start3A_883] : memref<10x80xi32, #tpu.memory_space<vmem>> -> memref<1x80xi32, #tpu.memory_space<vmem>>
      %dma_start3A_885 = tpu.memref_squeeze %dma_start3A_884 : memref<1x80xi32, #tpu.memory_space<vmem>> -> memref<80xi32, #tpu.memory_space<vmem>>
      %dma_start3A_886 = arith.constant 0 : i32
      %dma_start3A_887 = arith.constant 0 : i32
      %dma_start3A_888 = tpu.memref_slice %arg10[%dma_start3A_886, %dma_start3A_887] : memref<10240x128xf32, #tpu.memory_space<vmem_shared>> -> memref<10240x128xf32, #tpu.memory_space<vmem_shared>>
      tpu.enqueue_indirect_dma source(%dma_start3A_882 : memref<80x128xf32, #tpu.memory_space<vmem>>) target(%dma_start3A_888 : memref<10240x128xf32, #tpu.memory_space<vmem_shared>>) offsets(%dma_start3A_885 : memref<80xi32, #tpu.memory_space<vmem>>) semaphore(%arg12 : memref<!tpu.dma_semaphore, #tpu.memory_space<semaphore_mem>>) {add = true}
      %dma_wait3A_889 = arith.constant 1 : i32
      %dma_wait3A_890 = arith.constant 5 : i32
      %dma_wait3A_891 = arith.constant 0 : i32
      %dma_wait3A_892 = arith.constant 0 : i32
      %dma_wait3A_893 = tpu.memref_slice %arg9[%dma_wait3A_889, %dma_wait3A_891, %dma_wait3A_892] : memref<2x80x128xf32, #tpu.memory_space<vmem>> -> memref<1x80x128xf32, #tpu.memory_space<vmem>>
      %dma_wait3A_894 = tpu.memref_squeeze %dma_wait3A_893 : memref<1x80x128xf32, #tpu.memory_space<vmem>> -> memref<80x128xf32, #tpu.memory_space<vmem>>
      %dma_wait3A_895 = arith.constant 0 : i32
      %dma_wait3A_896 = tpu.memref_slice %arg7[%dma_wait3A_890, %dma_wait3A_895] : memref<10x80xi32, #tpu.memory_space<vmem>> -> memref<1x80xi32, #tpu.memory_space<vmem>>
      %dma_wait3A_897 = tpu.memref_squeeze %dma_wait3A_896 : memref<1x80xi32, #tpu.memory_space<vmem>> -> memref<80xi32, #tpu.memory_space<vmem>>
      %dma_wait3A_898 = arith.constant 0 : i32
      %dma_wait3A_899 = arith.constant 0 : i32
      %dma_wait3A_900 = tpu.memref_slice %arg10[%dma_wait3A_898, %dma_wait3A_899] : memref<10240x128xf32, #tpu.memory_space<vmem_shared>> -> memref<10240x128xf32, #tpu.memory_space<vmem_shared>>
      tpu.wait_indirect_dma semaphore(%arg12 : memref<!tpu.dma_semaphore, #tpu.memory_space<semaphore_mem>>) src(%dma_wait3A_894 : memref<80x128xf32, #tpu.memory_space<vmem>>) dst(%dma_wait3A_900 : memref<10240x128xf32, #tpu.memory_space<vmem_shared>>)
      %get3A_901 = arith.constant 7 : i32
      %get3A_902 = arith.index_cast %get3A_901 : i32 to index
      %get3A_903 = arith.constant 0 : index
      %get3A_904 = tpu.vector_load %arg6[%get3A_902, %get3A_903] {strides = array<i32>} : memref<10x80xi32, #tpu.memory_space<vmem>>, vector<1x16xi32>,
      %get3A_905 = vector.shape_cast %get3A_904 : vector<1x16xi32> to vector<16xi32>
      %mul3A_906 = arith.constant 2 : i32
      %mul3A_907 = vector.broadcast %mul3A_906 : i32 to vector<16xi32>
      %mul3A_908 = arith.muli %get3A_905, %mul3A_907 : vector<16xi32>
      %add3A_909 = vector.broadcast %arg0 : i32 to vector<16xi32>
      %add3A_910 = arith.addi %mul3A_908, %add3A_909 : vector<16xi32>
      %swap3A_911 = arith.constant 1 : i32
      %swap3A_912 = arith.index_cast %swap3A_911 : i32 to index
      %swap3A_913 = arith.constant 0 : index
      %swap3A_914 = tpu.vector_load %arg8[%swap3A_912, %swap3A_913] {strides = array<i32>} : memref<2x80xi32, #tpu.memory_space<vmem>>, vector<1x16xi32>,
      %swap3A_915 = vector.shape_cast %swap3A_914 : vector<1x16xi32> to vector<16xi32>
      %swap3A_916 = vector.shape_cast %add3A_910 : vector<16xi32> to vector<1x16xi32>
      tpu.vector_store %arg8[%swap3A_912, %swap3A_913], %swap3A_916 {strides = array<i32>} : memref<2x80xi32, #tpu.memory_space<vmem>>, vector<1x16xi32>,
      %get3A_917 = arith.constant 7 : i32
      %get3A_918 = arith.index_cast %get3A_917 : i32 to index
      %get3A_919 = arith.constant 16 : index
      %get3A_920 = tpu.vector_load %arg6[%get3A_918, %get3A_919] {strides = array<i32>} : memref<10x80xi32, #tpu.memory_space<vmem>>, vector<1x16xi32>,
      %get3A_921 = vector.shape_cast %get3A_920 : vector<1x16xi32> to vector<16xi32>
      %mul3A_922 = arith.constant 2 : i32
      %mul3A_923 = vector.broadcast %mul3A_922 : i32 to vector<16xi32>
      %mul3A_924 = arith.muli %get3A_921, %mul3A_923 : vector<16xi32>
      %add3A_925 = vector.broadcast %arg0 : i32 to vector<16xi32>
      %add3A_926 = arith.addi %mul3A_924, %add3A_925 : vector<16xi32>
      %swap3A_927 = arith.constant 1 : i32
      %swap3A_928 = arith.index_cast %swap3A_927 : i32 to index
      %swap3A_929 = arith.constant 16 : index
      %swap3A_930 = tpu.vector_load %arg8[%swap3A_928, %swap3A_929] {strides = array<i32>} : memref<2x80xi32, #tpu.memory_space<vmem>>, vector<1x16xi32>,
      %swap3A_931 = vector.shape_cast %swap3A_930 : vector<1x16xi32> to vector<16xi32>
      %swap3A_932 = vector.shape_cast %add3A_926 : vector<16xi32> to vector<1x16xi32>
      tpu.vector_store %arg8[%swap3A_928, %swap3A_929], %swap3A_932 {strides = array<i32>} : memref<2x80xi32, #tpu.memory_space<vmem>>, vector<1x16xi32>,
      %get3A_933 = arith.constant 7 : i32
      %get3A_934 = arith.index_cast %get3A_933 : i32 to index
      %get3A_935 = arith.constant 32 : index
      %get3A_936 = tpu.vector_load %arg6[%get3A_934, %get3A_935] {strides = array<i32>} : memref<10x80xi32, #tpu.memory_space<vmem>>, vector<1x16xi32>,
      %get3A_937 = vector.shape_cast %get3A_936 : vector<1x16xi32> to vector<16xi32>
      %mul3A_938 = arith.constant 2 : i32
      %mul3A_939 = vector.broadcast %mul3A_938 : i32 to vector<16xi32>
      %mul3A_940 = arith.muli %get3A_937, %mul3A_939 : vector<16xi32>
      %add3A_941 = vector.broadcast %arg0 : i32 to vector<16xi32>
      %add3A_942 = arith.addi %mul3A_940, %add3A_941 : vector<16xi32>
      %swap3A_943 = arith.constant 1 : i32
      %swap3A_944 = arith.index_cast %swap3A_943 : i32 to index
      %swap3A_945 = arith.constant 32 : index
      %swap3A_946 = tpu.vector_load %arg8[%swap3A_944, %swap3A_945] {strides = array<i32>} : memref<2x80xi32, #tpu.memory_space<vmem>>, vector<1x16xi32>,
      %swap3A_947 = vector.shape_cast %swap3A_946 : vector<1x16xi32> to vector<16xi32>
      %swap3A_948 = vector.shape_cast %add3A_942 : vector<16xi32> to vector<1x16xi32>
      tpu.vector_store %arg8[%swap3A_944, %swap3A_945], %swap3A_948 {strides = array<i32>} : memref<2x80xi32, #tpu.memory_space<vmem>>, vector<1x16xi32>,
      %get3A_949 = arith.constant 7 : i32
      %get3A_950 = arith.index_cast %get3A_949 : i32 to index
      %get3A_951 = arith.constant 48 : index
      %get3A_952 = tpu.vector_load %arg6[%get3A_950, %get3A_951] {strides = array<i32>} : memref<10x80xi32, #tpu.memory_space<vmem>>, vector<1x16xi32>,
      %get3A_953 = vector.shape_cast %get3A_952 : vector<1x16xi32> to vector<16xi32>
      %mul3A_954 = arith.constant 2 : i32
      %mul3A_955 = vector.broadcast %mul3A_954 : i32 to vector<16xi32>
      %mul3A_956 = arith.muli %get3A_953, %mul3A_955 : vector<16xi32>
      %add3A_957 = vector.broadcast %arg0 : i32 to vector<16xi32>
      %add3A_958 = arith.addi %mul3A_956, %add3A_957 : vector<16xi32>
      %swap3A_959 = arith.constant 1 : i32
      %swap3A_960 = arith.index_cast %swap3A_959 : i32 to index
      %swap3A_961 = arith.constant 48 : index
      %swap3A_962 = tpu.vector_load %arg8[%swap3A_960, %swap3A_961] {strides = array<i32>} : memref<2x80xi32, #tpu.memory_space<vmem>>, vector<1x16xi32>,
      %swap3A_963 = vector.shape_cast %swap3A_962 : vector<1x16xi32> to vector<16xi32>
      %swap3A_964 = vector.shape_cast %add3A_958 : vector<16xi32> to vector<1x16xi32>
      tpu.vector_store %arg8[%swap3A_960, %swap3A_961], %swap3A_964 {strides = array<i32>} : memref<2x80xi32, #tpu.memory_space<vmem>>, vector<1x16xi32>,
      %get3A_965 = arith.constant 7 : i32
      %get3A_966 = arith.index_cast %get3A_965 : i32 to index
      %get3A_967 = arith.constant 64 : index
      %get3A_968 = tpu.vector_load %arg6[%get3A_966, %get3A_967] {strides = array<i32>} : memref<10x80xi32, #tpu.memory_space<vmem>>, vector<1x16xi32>,
      %get3A_969 = vector.shape_cast %get3A_968 : vector<1x16xi32> to vector<16xi32>
      %mul3A_970 = arith.constant 2 : i32
      %mul3A_971 = vector.broadcast %mul3A_970 : i32 to vector<16xi32>
      %mul3A_972 = arith.muli %get3A_969, %mul3A_971 : vector<16xi32>
      %add3A_973 = vector.broadcast %arg0 : i32 to vector<16xi32>
      %add3A_974 = arith.addi %mul3A_972, %add3A_973 : vector<16xi32>
      %swap3A_975 = arith.constant 1 : i32
      %swap3A_976 = arith.index_cast %swap3A_975 : i32 to index
      %swap3A_977 = arith.constant 64 : index
      %swap3A_978 = tpu.vector_load %arg8[%swap3A_976, %swap3A_977] {strides = array<i32>} : memref<2x80xi32, #tpu.memory_space<vmem>>, vector<1x16xi32>,
      %swap3A_979 = vector.shape_cast %swap3A_978 : vector<1x16xi32> to vector<16xi32>
      %swap3A_980 = vector.shape_cast %add3A_974 : vector<16xi32> to vector<1x16xi32>
      tpu.vector_store %arg8[%swap3A_976, %swap3A_977], %swap3A_980 {strides = array<i32>} : memref<2x80xi32, #tpu.memory_space<vmem>>, vector<1x16xi32>,
      %dma_start3A_981 = arith.constant 1 : i32
      %dma_start3A_982 = arith.constant 1 : i32
      %dma_start3A_983 = arith.constant 0 : i32
      %dma_start3A_984 = arith.constant 0 : i32
      %dma_start3A_985 = tpu.memref_slice %arg9[%dma_start3A_982, %dma_start3A_983, %dma_start3A_984] : memref<2x80x128xf32, #tpu.memory_space<vmem>> -> memref<1x80x128xf32, #tpu.memory_space<vmem>>
      %dma_start3A_986 = tpu.memref_squeeze %dma_start3A_985 : memref<1x80x128xf32, #tpu.memory_space<vmem>> -> memref<80x128xf32, #tpu.memory_space<vmem>>
      %dma_start3A_987 = arith.constant 0 : i32
      %dma_start3A_988 = tpu.memref_slice %arg8[%dma_start3A_981, %dma_start3A_987] : memref<2x80xi32, #tpu.memory_space<vmem>> -> memref<1x80xi32, #tpu.memory_space<vmem>>
      %dma_start3A_989 = tpu.memref_squeeze %dma_start3A_988 : memref<1x80xi32, #tpu.memory_space<vmem>> -> memref<80xi32, #tpu.memory_space<vmem>>
      %dma_start3A_990 = arith.constant 0 : i32
      %dma_start3A_991 = arith.constant 0 : i32
      %dma_start3A_992 = tpu.memref_slice %arg2[%dma_start3A_990, %dma_start3A_991] : memref<20000x128xf32, #tpu.memory_space<hbm>> -> memref<20000x128xf32, #tpu.memory_space<hbm>>
      tpu.enqueue_indirect_dma source(%dma_start3A_992 : memref<20000x128xf32, #tpu.memory_space<hbm>>) target(%dma_start3A_986 : memref<80x128xf32, #tpu.memory_space<vmem>>) offsets(%dma_start3A_989 : memref<80xi32, #tpu.memory_space<vmem>>) semaphore(%arg11 : memref<!tpu.dma_semaphore, #tpu.memory_space<semaphore_mem>>)
      %dma_wait3A_993 = arith.constant 1 : i32
      %dma_wait3A_994 = arith.constant 1 : i32
      %dma_wait3A_995 = arith.constant 0 : i32
      %dma_wait3A_996 = arith.constant 0 : i32
      %dma_wait3A_997 = tpu.memref_slice %arg9[%dma_wait3A_994, %dma_wait3A_995, %dma_wait3A_996] : memref<2x80x128xf32, #tpu.memory_space<vmem>> -> memref<1x80x128xf32, #tpu.memory_space<vmem>>
      %dma_wait3A_998 = tpu.memref_squeeze %dma_wait3A_997 : memref<1x80x128xf32, #tpu.memory_space<vmem>> -> memref<80x128xf32, #tpu.memory_space<vmem>>
      %dma_wait3A_999 = arith.constant 0 : i32
      %dma_wait3A_1000 = tpu.memref_slice %arg8[%dma_wait3A_993, %dma_wait3A_999] : memref<2x80xi32, #tpu.memory_space<vmem>> -> memref<1x80xi32, #tpu.memory_space<vmem>>
      %dma_wait3A_1001 = tpu.memref_squeeze %dma_wait3A_1000 : memref<1x80xi32, #tpu.memory_space<vmem>> -> memref<80xi32, #tpu.memory_space<vmem>>
      %dma_wait3A_1002 = arith.constant 0 : i32
      %dma_wait3A_1003 = arith.constant 0 : i32
      %dma_wait3A_1004 = tpu.memref_slice %arg2[%dma_wait3A_1002, %dma_wait3A_1003] : memref<20000x128xf32, #tpu.memory_space<hbm>> -> memref<20000x128xf32, #tpu.memory_space<hbm>>
      tpu.wait_indirect_dma semaphore(%arg11 : memref<!tpu.dma_semaphore, #tpu.memory_space<semaphore_mem>>) src(%dma_wait3A_1004 : memref<20000x128xf32, #tpu.memory_space<hbm>>) dst(%dma_wait3A_998 : memref<80x128xf32, #tpu.memory_space<vmem>>)
      %dma_start3A_1005 = arith.constant 1 : i32
      %dma_start3A_1006 = arith.constant 7 : i32
      %dma_start3A_1007 = arith.constant 0 : i32
      %dma_start3A_1008 = arith.constant 0 : i32
      %dma_start3A_1009 = tpu.memref_slice %arg9[%dma_start3A_1005, %dma_start3A_1007, %dma_start3A_1008] : memref<2x80x128xf32, #tpu.memory_space<vmem>> -> memref<1x80x128xf32, #tpu.memory_space<vmem>>
      %dma_start3A_1010 = tpu.memref_squeeze %dma_start3A_1009 : memref<1x80x128xf32, #tpu.memory_space<vmem>> -> memref<80x128xf32, #tpu.memory_space<vmem>>
      %dma_start3A_1011 = arith.constant 0 : i32
      %dma_start3A_1012 = tpu.memref_slice %arg7[%dma_start3A_1006, %dma_start3A_1011] : memref<10x80xi32, #tpu.memory_space<vmem>> -> memref<1x80xi32, #tpu.memory_space<vmem>>
      %dma_start3A_1013 = tpu.memref_squeeze %dma_start3A_1012 : memref<1x80xi32, #tpu.memory_space<vmem>> -> memref<80xi32, #tpu.memory_space<vmem>>
      %dma_start3A_1014 = arith.constant 0 : i32
      %dma_start3A_1015 = arith.constant 0 : i32
      %dma_start3A_1016 = tpu.memref_slice %arg10[%dma_start3A_1014, %dma_start3A_1015] : memref<10240x128xf32, #tpu.memory_space<vmem_shared>> -> memref<10240x128xf32, #tpu.memory_space<vmem_shared>>
      tpu.enqueue_indirect_dma source(%dma_start3A_1010 : memref<80x128xf32, #tpu.memory_space<vmem>>) target(%dma_start3A_1016 : memref<10240x128xf32, #tpu.memory_space<vmem_shared>>) offsets(%dma_start3A_1013 : memref<80xi32, #tpu.memory_space<vmem>>) semaphore(%arg12 : memref<!tpu.dma_semaphore, #tpu.memory_space<semaphore_mem>>) {add = true}
      %dma_wait3A_1017 = arith.constant 0 : i32
      %dma_wait3A_1018 = arith.constant 6 : i32
      %dma_wait3A_1019 = arith.constant 0 : i32
      %dma_wait3A_1020 = arith.constant 0 : i32
      %dma_wait3A_1021 = tpu.memref_slice %arg9[%dma_wait3A_1017, %dma_wait3A_1019, %dma_wait3A_1020] : memref<2x80x128xf32, #tpu.memory_space<vmem>> -> memref<1x80x128xf32, #tpu.memory_space<vmem>>
      %dma_wait3A_1022 = tpu.memref_squeeze %dma_wait3A_1021 : memref<1x80x128xf32, #tpu.memory_space<vmem>> -> memref<80x128xf32, #tpu.memory_space<vmem>>
      %dma_wait3A_1023 = arith.constant 0 : i32
      %dma_wait3A_1024 = tpu.memref_slice %arg7[%dma_wait3A_1018, %dma_wait3A_1023] : memref<10x80xi32, #tpu.memory_space<vmem>> -> memref<1x80xi32, #tpu.memory_space<vmem>>
      %dma_wait3A_1025 = tpu.memref_squeeze %dma_wait3A_1024 : memref<1x80xi32, #tpu.memory_space<vmem>> -> memref<80xi32, #tpu.memory_space<vmem>>
      %dma_wait3A_1026 = arith.constant 0 : i32
      %dma_wait3A_1027 = arith.constant 0 : i32
      %dma_wait3A_1028 = tpu.memref_slice %arg10[%dma_wait3A_1026, %dma_wait3A_1027] : memref<10240x128xf32, #tpu.memory_space<vmem_shared>> -> memref<10240x128xf32, #tpu.memory_space<vmem_shared>>
      tpu.wait_indirect_dma semaphore(%arg12 : memref<!tpu.dma_semaphore, #tpu.memory_space<semaphore_mem>>) src(%dma_wait3A_1022 : memref<80x128xf32, #tpu.memory_space<vmem>>) dst(%dma_wait3A_1028 : memref<10240x128xf32, #tpu.memory_space<vmem_shared>>)
      %get3A_1029 = arith.constant 8 : i32
      %get3A_1030 = arith.index_cast %get3A_1029 : i32 to index
      %get3A_1031 = arith.constant 0 : index
      %get3A_1032 = tpu.vector_load %arg6[%get3A_1030, %get3A_1031] {strides = array<i32>} : memref<10x80xi32, #tpu.memory_space<vmem>>, vector<1x16xi32>,
      %get3A_1033 = vector.shape_cast %get3A_1032 : vector<1x16xi32> to vector<16xi32>
      %mul3A_1034 = arith.constant 2 : i32
      %mul3A_1035 = vector.broadcast %mul3A_1034 : i32 to vector<16xi32>
      %mul3A_1036 = arith.muli %get3A_1033, %mul3A_1035 : vector<16xi32>
      %add3A_1037 = vector.broadcast %arg0 : i32 to vector<16xi32>
      %add3A_1038 = arith.addi %mul3A_1036, %add3A_1037 : vector<16xi32>
      %swap3A_1039 = arith.constant 0 : i32
      %swap3A_1040 = arith.index_cast %swap3A_1039 : i32 to index
      %swap3A_1041 = arith.constant 0 : index
      %swap3A_1042 = tpu.vector_load %arg8[%swap3A_1040, %swap3A_1041] {strides = array<i32>} : memref<2x80xi32, #tpu.memory_space<vmem>>, vector<1x16xi32>,
      %swap3A_1043 = vector.shape_cast %swap3A_1042 : vector<1x16xi32> to vector<16xi32>
      %swap3A_1044 = vector.shape_cast %add3A_1038 : vector<16xi32> to vector<1x16xi32>
      tpu.vector_store %arg8[%swap3A_1040, %swap3A_1041], %swap3A_1044 {strides = array<i32>} : memref<2x80xi32, #tpu.memory_space<vmem>>, vector<1x16xi32>,
      %get3A_1045 = arith.constant 8 : i32
      %get3A_1046 = arith.index_cast %get3A_1045 : i32 to index
      %get3A_1047 = arith.constant 16 : index
      %get3A_1048 = tpu.vector_load %arg6[%get3A_1046, %get3A_1047] {strides = array<i32>} : memref<10x80xi32, #tpu.memory_space<vmem>>, vector<1x16xi32>,
      %get3A_1049 = vector.shape_cast %get3A_1048 : vector<1x16xi32> to vector<16xi32>
      %mul3A_1050 = arith.constant 2 : i32
      %mul3A_1051 = vector.broadcast %mul3A_1050 : i32 to vector<16xi32>
      %mul3A_1052 = arith.muli %get3A_1049, %mul3A_1051 : vector<16xi32>
      %add3A_1053 = vector.broadcast %arg0 : i32 to vector<16xi32>
      %add3A_1054 = arith.addi %mul3A_1052, %add3A_1053 : vector<16xi32>
      %swap3A_1055 = arith.constant 0 : i32
      %swap3A_1056 = arith.index_cast %swap3A_1055 : i32 to index
      %swap3A_1057 = arith.constant 16 : index
      %swap3A_1058 = tpu.vector_load %arg8[%swap3A_1056, %swap3A_1057] {strides = array<i32>} : memref<2x80xi32, #tpu.memory_space<vmem>>, vector<1x16xi32>,
      %swap3A_1059 = vector.shape_cast %swap3A_1058 : vector<1x16xi32> to vector<16xi32>
      %swap3A_1060 = vector.shape_cast %add3A_1054 : vector<16xi32> to vector<1x16xi32>
      tpu.vector_store %arg8[%swap3A_1056, %swap3A_1057], %swap3A_1060 {strides = array<i32>} : memref<2x80xi32, #tpu.memory_space<vmem>>, vector<1x16xi32>,
      %get3A_1061 = arith.constant 8 : i32
      %get3A_1062 = arith.index_cast %get3A_1061 : i32 to index
      %get3A_1063 = arith.constant 32 : index
      %get3A_1064 = tpu.vector_load %arg6[%get3A_1062, %get3A_1063] {strides = array<i32>} : memref<10x80xi32, #tpu.memory_space<vmem>>, vector<1x16xi32>,
      %get3A_1065 = vector.shape_cast %get3A_1064 : vector<1x16xi32> to vector<16xi32>
      %mul3A_1066 = arith.constant 2 : i32
      %mul3A_1067 = vector.broadcast %mul3A_1066 : i32 to vector<16xi32>
      %mul3A_1068 = arith.muli %get3A_1065, %mul3A_1067 : vector<16xi32>
      %add3A_1069 = vector.broadcast %arg0 : i32 to vector<16xi32>
      %add3A_1070 = arith.addi %mul3A_1068, %add3A_1069 : vector<16xi32>
      %swap3A_1071 = arith.constant 0 : i32
      %swap3A_1072 = arith.index_cast %swap3A_1071 : i32 to index
      %swap3A_1073 = arith.constant 32 : index
      %swap3A_1074 = tpu.vector_load %arg8[%swap3A_1072, %swap3A_1073] {strides = array<i32>} : memref<2x80xi32, #tpu.memory_space<vmem>>, vector<1x16xi32>,
      %swap3A_1075 = vector.shape_cast %swap3A_1074 : vector<1x16xi32> to vector<16xi32>
      %swap3A_1076 = vector.shape_cast %add3A_1070 : vector<16xi32> to vector<1x16xi32>
      tpu.vector_store %arg8[%swap3A_1072, %swap3A_1073], %swap3A_1076 {strides = array<i32>} : memref<2x80xi32, #tpu.memory_space<vmem>>, vector<1x16xi32>,
      %get3A_1077 = arith.constant 8 : i32
      %get3A_1078 = arith.index_cast %get3A_1077 : i32 to index
      %get3A_1079 = arith.constant 48 : index
      %get3A_1080 = tpu.vector_load %arg6[%get3A_1078, %get3A_1079] {strides = array<i32>} : memref<10x80xi32, #tpu.memory_space<vmem>>, vector<1x16xi32>,
      %get3A_1081 = vector.shape_cast %get3A_1080 : vector<1x16xi32> to vector<16xi32>
      %mul3A_1082 = arith.constant 2 : i32
      %mul3A_1083 = vector.broadcast %mul3A_1082 : i32 to vector<16xi32>
      %mul3A_1084 = arith.muli %get3A_1081, %mul3A_1083 : vector<16xi32>
      %add3A_1085 = vector.broadcast %arg0 : i32 to vector<16xi32>
      %add3A_1086 = arith.addi %mul3A_1084, %add3A_1085 : vector<16xi32>
      %swap3A_1087 = arith.constant 0 : i32
      %swap3A_1088 = arith.index_cast %swap3A_1087 : i32 to index
      %swap3A_1089 = arith.constant 48 : index
      %swap3A_1090 = tpu.vector_load %arg8[%swap3A_1088, %swap3A_1089] {strides = array<i32>} : memref<2x80xi32, #tpu.memory_space<vmem>>, vector<1x16xi32>,
      %swap3A_1091 = vector.shape_cast %swap3A_1090 : vector<1x16xi32> to vector<16xi32>
      %swap3A_1092 = vector.shape_cast %add3A_1086 : vector<16xi32> to vector<1x16xi32>
      tpu.vector_store %arg8[%swap3A_1088, %swap3A_1089], %swap3A_1092 {strides = array<i32>} : memref<2x80xi32, #tpu.memory_space<vmem>>, vector<1x16xi32>,
      %get3A_1093 = arith.constant 8 : i32
      %get3A_1094 = arith.index_cast %get3A_1093 : i32 to index
      %get3A_1095 = arith.constant 64 : index
      %get3A_1096 = tpu.vector_load %arg6[%get3A_1094, %get3A_1095] {strides = array<i32>} : memref<10x80xi32, #tpu.memory_space<vmem>>, vector<1x16xi32>,
      %get3A_1097 = vector.shape_cast %get3A_1096 : vector<1x16xi32> to vector<16xi32>
      %mul3A_1098 = arith.constant 2 : i32
      %mul3A_1099 = vector.broadcast %mul3A_1098 : i32 to vector<16xi32>
      %mul3A_1100 = arith.muli %get3A_1097, %mul3A_1099 : vector<16xi32>
      %add3A_1101 = vector.broadcast %arg0 : i32 to vector<16xi32>
      %add3A_1102 = arith.addi %mul3A_1100, %add3A_1101 : vector<16xi32>
      %swap3A_1103 = arith.constant 0 : i32
      %swap3A_1104 = arith.index_cast %swap3A_1103 : i32 to index
      %swap3A_1105 = arith.constant 64 : index
      %swap3A_1106 = tpu.vector_load %arg8[%swap3A_1104, %swap3A_1105] {strides = array<i32>} : memref<2x80xi32, #tpu.memory_space<vmem>>, vector<1x16xi32>,
      %swap3A_1107 = vector.shape_cast %swap3A_1106 : vector<1x16xi32> to vector<16xi32>
      %swap3A_1108 = vector.shape_cast %add3A_1102 : vector<16xi32> to vector<1x16xi32>
      tpu.vector_store %arg8[%swap3A_1104, %swap3A_1105], %swap3A_1108 {strides = array<i32>} : memref<2x80xi32, #tpu.memory_space<vmem>>, vector<1x16xi32>,
      %dma_start3A_1109 = arith.constant 0 : i32
      %dma_start3A_1110 = arith.constant 0 : i32
      %dma_start3A_1111 = arith.constant 0 : i32
      %dma_start3A_1112 = arith.constant 0 : i32
      %dma_start3A_1113 = tpu.memref_slice %arg9[%dma_start3A_1110, %dma_start3A_1111, %dma_start3A_1112] : memref<2x80x128xf32, #tpu.memory_space<vmem>> -> memref<1x80x128xf32, #tpu.memory_space<vmem>>
      %dma_start3A_1114 = tpu.memref_squeeze %dma_start3A_1113 : memref<1x80x128xf32, #tpu.memory_space<vmem>> -> memref<80x128xf32, #tpu.memory_space<vmem>>
      %dma_start3A_1115 = arith.constant 0 : i32
      %dma_start3A_1116 = tpu.memref_slice %arg8[%dma_start3A_1109, %dma_start3A_1115] : memref<2x80xi32, #tpu.memory_space<vmem>> -> memref<1x80xi32, #tpu.memory_space<vmem>>
      %dma_start3A_1117 = tpu.memref_squeeze %dma_start3A_1116 : memref<1x80xi32, #tpu.memory_space<vmem>> -> memref<80xi32, #tpu.memory_space<vmem>>
      %dma_start3A_1118 = arith.constant 0 : i32
      %dma_start3A_1119 = arith.constant 0 : i32
      %dma_start3A_1120 = tpu.memref_slice %arg2[%dma_start3A_1118, %dma_start3A_1119] : memref<20000x128xf32, #tpu.memory_space<hbm>> -> memref<20000x128xf32, #tpu.memory_space<hbm>>
      tpu.enqueue_indirect_dma source(%dma_start3A_1120 : memref<20000x128xf32, #tpu.memory_space<hbm>>) target(%dma_start3A_1114 : memref<80x128xf32, #tpu.memory_space<vmem>>) offsets(%dma_start3A_1117 : memref<80xi32, #tpu.memory_space<vmem>>) semaphore(%arg11 : memref<!tpu.dma_semaphore, #tpu.memory_space<semaphore_mem>>)
      %dma_wait3A_1121 = arith.constant 0 : i32
      %dma_wait3A_1122 = arith.constant 0 : i32
      %dma_wait3A_1123 = arith.constant 0 : i32
      %dma_wait3A_1124 = arith.constant 0 : i32
      %dma_wait3A_1125 = tpu.memref_slice %arg9[%dma_wait3A_1122, %dma_wait3A_1123, %dma_wait3A_1124] : memref<2x80x128xf32, #tpu.memory_space<vmem>> -> memref<1x80x128xf32, #tpu.memory_space<vmem>>
      %dma_wait3A_1126 = tpu.memref_squeeze %dma_wait3A_1125 : memref<1x80x128xf32, #tpu.memory_space<vmem>> -> memref<80x128xf32, #tpu.memory_space<vmem>>
      %dma_wait3A_1127 = arith.constant 0 : i32
      %dma_wait3A_1128 = tpu.memref_slice %arg8[%dma_wait3A_1121, %dma_wait3A_1127] : memref<2x80xi32, #tpu.memory_space<vmem>> -> memref<1x80xi32, #tpu.memory_space<vmem>>
      %dma_wait3A_1129 = tpu.memref_squeeze %dma_wait3A_1128 : memref<1x80xi32, #tpu.memory_space<vmem>> -> memref<80xi32, #tpu.memory_space<vmem>>
      %dma_wait3A_1130 = arith.constant 0 : i32
      %dma_wait3A_1131 = arith.constant 0 : i32
      %dma_wait3A_1132 = tpu.memref_slice %arg2[%dma_wait3A_1130, %dma_wait3A_1131] : memref<20000x128xf32, #tpu.memory_space<hbm>> -> memref<20000x128xf32, #tpu.memory_space<hbm>>
      tpu.wait_indirect_dma semaphore(%arg11 : memref<!tpu.dma_semaphore, #tpu.memory_space<semaphore_mem>>) src(%dma_wait3A_1132 : memref<20000x128xf32, #tpu.memory_space<hbm>>) dst(%dma_wait3A_1126 : memref<80x128xf32, #tpu.memory_space<vmem>>)
      %dma_start3A_1133 = arith.constant 0 : i32
      %dma_start3A_1134 = arith.constant 8 : i32
      %dma_start3A_1135 = arith.constant 0 : i32
      %dma_start3A_1136 = arith.constant 0 : i32
      %dma_start3A_1137 = tpu.memref_slice %arg9[%dma_start3A_1133, %dma_start3A_1135, %dma_start3A_1136] : memref<2x80x128xf32, #tpu.memory_space<vmem>> -> memref<1x80x128xf32, #tpu.memory_space<vmem>>
      %dma_start3A_1138 = tpu.memref_squeeze %dma_start3A_1137 : memref<1x80x128xf32, #tpu.memory_space<vmem>> -> memref<80x128xf32, #tpu.memory_space<vmem>>
      %dma_start3A_1139 = arith.constant 0 : i32
      %dma_start3A_1140 = tpu.memref_slice %arg7[%dma_start3A_1134, %dma_start3A_1139] : memref<10x80xi32, #tpu.memory_space<vmem>> -> memref<1x80xi32, #tpu.memory_space<vmem>>
      %dma_start3A_1141 = tpu.memref_squeeze %dma_start3A_1140 : memref<1x80xi32, #tpu.memory_space<vmem>> -> memref<80xi32, #tpu.memory_space<vmem>>
      %dma_start3A_1142 = arith.constant 0 : i32
      %dma_start3A_1143 = arith.constant 0 : i32
      %dma_start3A_1144 = tpu.memref_slice %arg10[%dma_start3A_1142, %dma_start3A_1143] : memref<10240x128xf32, #tpu.memory_space<vmem_shared>> -> memref<10240x128xf32, #tpu.memory_space<vmem_shared>>
      tpu.enqueue_indirect_dma source(%dma_start3A_1138 : memref<80x128xf32, #tpu.memory_space<vmem>>) target(%dma_start3A_1144 : memref<10240x128xf32, #tpu.memory_space<vmem_shared>>) offsets(%dma_start3A_1141 : memref<80xi32, #tpu.memory_space<vmem>>) semaphore(%arg12 : memref<!tpu.dma_semaphore, #tpu.memory_space<semaphore_mem>>) {add = true}
      %dma_wait3A_1145 = arith.constant 1 : i32
      %dma_wait3A_1146 = arith.constant 7 : i32
      %dma_wait3A_1147 = arith.constant 0 : i32
      %dma_wait3A_1148 = arith.constant 0 : i32
      %dma_wait3A_1149 = tpu.memref_slice %arg9[%dma_wait3A_1145, %dma_wait3A_1147, %dma_wait3A_1148] : memref<2x80x128xf32, #tpu.memory_space<vmem>> -> memref<1x80x128xf32, #tpu.memory_space<vmem>>
      %dma_wait3A_1150 = tpu.memref_squeeze %dma_wait3A_1149 : memref<1x80x128xf32, #tpu.memory_space<vmem>> -> memref<80x128xf32, #tpu.memory_space<vmem>>
      %dma_wait3A_1151 = arith.constant 0 : i32
      %dma_wait3A_1152 = tpu.memref_slice %arg7[%dma_wait3A_1146, %dma_wait3A_1151] : memref<10x80xi32, #tpu.memory_space<vmem>> -> memref<1x80xi32, #tpu.memory_space<vmem>>
      %dma_wait3A_1153 = tpu.memref_squeeze %dma_wait3A_1152 : memref<1x80xi32, #tpu.memory_space<vmem>> -> memref<80xi32, #tpu.memory_space<vmem>>
      %dma_wait3A_1154 = arith.constant 0 : i32
      %dma_wait3A_1155 = arith.constant 0 : i32
      %dma_wait3A_1156 = tpu.memref_slice %arg10[%dma_wait3A_1154, %dma_wait3A_1155] : memref<10240x128xf32, #tpu.memory_space<vmem_shared>> -> memref<10240x128xf32, #tpu.memory_space<vmem_shared>>
      tpu.wait_indirect_dma semaphore(%arg12 : memref<!tpu.dma_semaphore, #tpu.memory_space<semaphore_mem>>) src(%dma_wait3A_1150 : memref<80x128xf32, #tpu.memory_space<vmem>>) dst(%dma_wait3A_1156 : memref<10240x128xf32, #tpu.memory_space<vmem_shared>>)
      %get3A_1157 = arith.constant 9 : i32
      %get3A_1158 = arith.index_cast %get3A_1157 : i32 to index
      %get3A_1159 = arith.constant 0 : index
      %get3A_1160 = tpu.vector_load %arg6[%get3A_1158, %get3A_1159] {strides = array<i32>} : memref<10x80xi32, #tpu.memory_space<vmem>>, vector<1x16xi32>,
      %get3A_1161 = vector.shape_cast %get3A_1160 : vector<1x16xi32> to vector<16xi32>
      %mul3A_1162 = arith.constant 2 : i32
      %mul3A_1163 = vector.broadcast %mul3A_1162 : i32 to vector<16xi32>
      %mul3A_1164 = arith.muli %get3A_1161, %mul3A_1163 : vector<16xi32>
      %add3A_1165 = vector.broadcast %arg0 : i32 to vector<16xi32>
      %add3A_1166 = arith.addi %mul3A_1164, %add3A_1165 : vector<16xi32>
      %swap3A_1167 = arith.constant 1 : i32
      %swap3A_1168 = arith.index_cast %swap3A_1167 : i32 to index
      %swap3A_1169 = arith.constant 0 : index
      %swap3A_1170 = tpu.vector_load %arg8[%swap3A_1168, %swap3A_1169] {strides = array<i32>} : memref<2x80xi32, #tpu.memory_space<vmem>>, vector<1x16xi32>,
      %swap3A_1171 = vector.shape_cast %swap3A_1170 : vector<1x16xi32> to vector<16xi32>
      %swap3A_1172 = vector.shape_cast %add3A_1166 : vector<16xi32> to vector<1x16xi32>
      tpu.vector_store %arg8[%swap3A_1168, %swap3A_1169], %swap3A_1172 {strides = array<i32>} : memref<2x80xi32, #tpu.memory_space<vmem>>, vector<1x16xi32>,
      %get3A_1173 = arith.constant 9 : i32
      %get3A_1174 = arith.index_cast %get3A_1173 : i32 to index
      %get3A_1175 = arith.constant 16 : index
      %get3A_1176 = tpu.vector_load %arg6[%get3A_1174, %get3A_1175] {strides = array<i32>} : memref<10x80xi32, #tpu.memory_space<vmem>>, vector<1x16xi32>,
      %get3A_1177 = vector.shape_cast %get3A_1176 : vector<1x16xi32> to vector<16xi32>
      %mul3A_1178 = arith.constant 2 : i32
      %mul3A_1179 = vector.broadcast %mul3A_1178 : i32 to vector<16xi32>
      %mul3A_1180 = arith.muli %get3A_1177, %mul3A_1179 : vector<16xi32>
      %add3A_1181 = vector.broadcast %arg0 : i32 to vector<16xi32>
      %add3A_1182 = arith.addi %mul3A_1180, %add3A_1181 : vector<16xi32>
      %swap3A_1183 = arith.constant 1 : i32
      %swap3A_1184 = arith.index_cast %swap3A_1183 : i32 to index
      %swap3A_1185 = arith.constant 16 : index
      %swap3A_1186 = tpu.vector_load %arg8[%swap3A_1184, %swap3A_1185] {strides = array<i32>} : memref<2x80xi32, #tpu.memory_space<vmem>>, vector<1x16xi32>,
      %swap3A_1187 = vector.shape_cast %swap3A_1186 : vector<1x16xi32> to vector<16xi32>
      %swap3A_1188 = vector.shape_cast %add3A_1182 : vector<16xi32> to vector<1x16xi32>
      tpu.vector_store %arg8[%swap3A_1184, %swap3A_1185], %swap3A_1188 {strides = array<i32>} : memref<2x80xi32, #tpu.memory_space<vmem>>, vector<1x16xi32>,
      %get3A_1189 = arith.constant 9 : i32
      %get3A_1190 = arith.index_cast %get3A_1189 : i32 to index
      %get3A_1191 = arith.constant 32 : index
      %get3A_1192 = tpu.vector_load %arg6[%get3A_1190, %get3A_1191] {strides = array<i32>} : memref<10x80xi32, #tpu.memory_space<vmem>>, vector<1x16xi32>,
      %get3A_1193 = vector.shape_cast %get3A_1192 : vector<1x16xi32> to vector<16xi32>
      %mul3A_1194 = arith.constant 2 : i32
      %mul3A_1195 = vector.broadcast %mul3A_1194 : i32 to vector<16xi32>
      %mul3A_1196 = arith.muli %get3A_1193, %mul3A_1195 : vector<16xi32>
      %add3A_1197 = vector.broadcast %arg0 : i32 to vector<16xi32>
      %add3A_1198 = arith.addi %mul3A_1196, %add3A_1197 : vector<16xi32>
      %swap3A_1199 = arith.constant 1 : i32
      %swap3A_1200 = arith.index_cast %swap3A_1199 : i32 to index
      %swap3A_1201 = arith.constant 32 : index
      %swap3A_1202 = tpu.vector_load %arg8[%swap3A_1200, %swap3A_1201] {strides = array<i32>} : memref<2x80xi32, #tpu.memory_space<vmem>>, vector<1x16xi32>,
      %swap3A_1203 = vector.shape_cast %swap3A_1202 : vector<1x16xi32> to vector<16xi32>
      %swap3A_1204 = vector.shape_cast %add3A_1198 : vector<16xi32> to vector<1x16xi32>
      tpu.vector_store %arg8[%swap3A_1200, %swap3A_1201], %swap3A_1204 {strides = array<i32>} : memref<2x80xi32, #tpu.memory_space<vmem>>, vector<1x16xi32>,
      %get3A_1205 = arith.constant 9 : i32
      %get3A_1206 = arith.index_cast %get3A_1205 : i32 to index
      %get3A_1207 = arith.constant 48 : index
      %get3A_1208 = tpu.vector_load %arg6[%get3A_1206, %get3A_1207] {strides = array<i32>} : memref<10x80xi32, #tpu.memory_space<vmem>>, vector<1x16xi32>,
      %get3A_1209 = vector.shape_cast %get3A_1208 : vector<1x16xi32> to vector<16xi32>
      %mul3A_1210 = arith.constant 2 : i32
      %mul3A_1211 = vector.broadcast %mul3A_1210 : i32 to vector<16xi32>
      %mul3A_1212 = arith.muli %get3A_1209, %mul3A_1211 : vector<16xi32>
      %add3A_1213 = vector.broadcast %arg0 : i32 to vector<16xi32>
      %add3A_1214 = arith.addi %mul3A_1212, %add3A_1213 : vector<16xi32>
      %swap3A_1215 = arith.constant 1 : i32
      %swap3A_1216 = arith.index_cast %swap3A_1215 : i32 to index
      %swap3A_1217 = arith.constant 48 : index
      %swap3A_1218 = tpu.vector_load %arg8[%swap3A_1216, %swap3A_1217] {strides = array<i32>} : memref<2x80xi32, #tpu.memory_space<vmem>>, vector<1x16xi32>,
      %swap3A_1219 = vector.shape_cast %swap3A_1218 : vector<1x16xi32> to vector<16xi32>
      %swap3A_1220 = vector.shape_cast %add3A_1214 : vector<16xi32> to vector<1x16xi32>
      tpu.vector_store %arg8[%swap3A_1216, %swap3A_1217], %swap3A_1220 {strides = array<i32>} : memref<2x80xi32, #tpu.memory_space<vmem>>, vector<1x16xi32>,
      %get3A_1221 = arith.constant 9 : i32
      %get3A_1222 = arith.index_cast %get3A_1221 : i32 to index
      %get3A_1223 = arith.constant 64 : index
      %get3A_1224 = tpu.vector_load %arg6[%get3A_1222, %get3A_1223] {strides = array<i32>} : memref<10x80xi32, #tpu.memory_space<vmem>>, vector<1x16xi32>,
      %get3A_1225 = vector.shape_cast %get3A_1224 : vector<1x16xi32> to vector<16xi32>
      %mul3A_1226 = arith.constant 2 : i32
      %mul3A_1227 = vector.broadcast %mul3A_1226 : i32 to vector<16xi32>
      %mul3A_1228 = arith.muli %get3A_1225, %mul3A_1227 : vector<16xi32>
      %add3A_1229 = vector.broadcast %arg0 : i32 to vector<16xi32>
      %add3A_1230 = arith.addi %mul3A_1228, %add3A_1229 : vector<16xi32>
      %swap3A_1231 = arith.constant 1 : i32
      %swap3A_1232 = arith.index_cast %swap3A_1231 : i32 to index
      %swap3A_1233 = arith.constant 64 : index
      %swap3A_1234 = tpu.vector_load %arg8[%swap3A_1232, %swap3A_1233] {strides = array<i32>} : memref<2x80xi32, #tpu.memory_space<vmem>>, vector<1x16xi32>,
      %swap3A_1235 = vector.shape_cast %swap3A_1234 : vector<1x16xi32> to vector<16xi32>
      %swap3A_1236 = vector.shape_cast %add3A_1230 : vector<16xi32> to vector<1x16xi32>
      tpu.vector_store %arg8[%swap3A_1232, %swap3A_1233], %swap3A_1236 {strides = array<i32>} : memref<2x80xi32, #tpu.memory_space<vmem>>, vector<1x16xi32>,
      %dma_start3A_1237 = arith.constant 1 : i32
      %dma_start3A_1238 = arith.constant 1 : i32
      %dma_start3A_1239 = arith.constant 0 : i32
      %dma_start3A_1240 = arith.constant 0 : i32
      %dma_start3A_1241 = tpu.memref_slice %arg9[%dma_start3A_1238, %dma_start3A_1239, %dma_start3A_1240] : memref<2x80x128xf32, #tpu.memory_space<vmem>> -> memref<1x80x128xf32, #tpu.memory_space<vmem>>
      %dma_start3A_1242 = tpu.memref_squeeze %dma_start3A_1241 : memref<1x80x128xf32, #tpu.memory_space<vmem>> -> memref<80x128xf32, #tpu.memory_space<vmem>>
      %dma_start3A_1243 = arith.constant 0 : i32
      %dma_start3A_1244 = tpu.memref_slice %arg8[%dma_start3A_1237, %dma_start3A_1243] : memref<2x80xi32, #tpu.memory_space<vmem>> -> memref<1x80xi32, #tpu.memory_space<vmem>>
      %dma_start3A_1245 = tpu.memref_squeeze %dma_start3A_1244 : memref<1x80xi32, #tpu.memory_space<vmem>> -> memref<80xi32, #tpu.memory_space<vmem>>
      %dma_start3A_1246 = arith.constant 0 : i32
      %dma_start3A_1247 = arith.constant 0 : i32
      %dma_start3A_1248 = tpu.memref_slice %arg2[%dma_start3A_1246, %dma_start3A_1247] : memref<20000x128xf32, #tpu.memory_space<hbm>> -> memref<20000x128xf32, #tpu.memory_space<hbm>>
      tpu.enqueue_indirect_dma source(%dma_start3A_1248 : memref<20000x128xf32, #tpu.memory_space<hbm>>) target(%dma_start3A_1242 : memref<80x128xf32, #tpu.memory_space<vmem>>) offsets(%dma_start3A_1245 : memref<80xi32, #tpu.memory_space<vmem>>) semaphore(%arg11 : memref<!tpu.dma_semaphore, #tpu.memory_space<semaphore_mem>>)
      %dma_wait3A_1249 = arith.constant 1 : i32
      %dma_wait3A_1250 = arith.constant 1 : i32
      %dma_wait3A_1251 = arith.constant 0 : i32
      %dma_wait3A_1252 = arith.constant 0 : i32
      %dma_wait3A_1253 = tpu.memref_slice %arg9[%dma_wait3A_1250, %dma_wait3A_1251, %dma_wait3A_1252] : memref<2x80x128xf32, #tpu.memory_space<vmem>> -> memref<1x80x128xf32, #tpu.memory_space<vmem>>
      %dma_wait3A_1254 = tpu.memref_squeeze %dma_wait3A_1253 : memref<1x80x128xf32, #tpu.memory_space<vmem>> -> memref<80x128xf32, #tpu.memory_space<vmem>>
      %dma_wait3A_1255 = arith.constant 0 : i32
      %dma_wait3A_1256 = tpu.memref_slice %arg8[%dma_wait3A_1249, %dma_wait3A_1255] : memref<2x80xi32, #tpu.memory_space<vmem>> -> memref<1x80xi32, #tpu.memory_space<vmem>>
      %dma_wait3A_1257 = tpu.memref_squeeze %dma_wait3A_1256 : memref<1x80xi32, #tpu.memory_space<vmem>> -> memref<80xi32, #tpu.memory_space<vmem>>
      %dma_wait3A_1258 = arith.constant 0 : i32
      %dma_wait3A_1259 = arith.constant 0 : i32
      %dma_wait3A_1260 = tpu.memref_slice %arg2[%dma_wait3A_1258, %dma_wait3A_1259] : memref<20000x128xf32, #tpu.memory_space<hbm>> -> memref<20000x128xf32, #tpu.memory_space<hbm>>
      tpu.wait_indirect_dma semaphore(%arg11 : memref<!tpu.dma_semaphore, #tpu.memory_space<semaphore_mem>>) src(%dma_wait3A_1260 : memref<20000x128xf32, #tpu.memory_space<hbm>>) dst(%dma_wait3A_1254 : memref<80x128xf32, #tpu.memory_space<vmem>>)
      %dma_start3A_1261 = arith.constant 1 : i32
      %dma_start3A_1262 = arith.constant 9 : i32
      %dma_start3A_1263 = arith.constant 0 : i32
      %dma_start3A_1264 = arith.constant 0 : i32
      %dma_start3A_1265 = tpu.memref_slice %arg9[%dma_start3A_1261, %dma_start3A_1263, %dma_start3A_1264] : memref<2x80x128xf32, #tpu.memory_space<vmem>> -> memref<1x80x128xf32, #tpu.memory_space<vmem>>
      %dma_start3A_1266 = tpu.memref_squeeze %dma_start3A_1265 : memref<1x80x128xf32, #tpu.memory_space<vmem>> -> memref<80x128xf32, #tpu.memory_space<vmem>>
      %dma_start3A_1267 = arith.constant 0 : i32
      %dma_start3A_1268 = tpu.memref_slice %arg7[%dma_start3A_1262, %dma_start3A_1267] : memref<10x80xi32, #tpu.memory_space<vmem>> -> memref<1x80xi32, #tpu.memory_space<vmem>>
      %dma_start3A_1269 = tpu.memref_squeeze %dma_start3A_1268 : memref<1x80xi32, #tpu.memory_space<vmem>> -> memref<80xi32, #tpu.memory_space<vmem>>
      %dma_start3A_1270 = arith.constant 0 : i32
      %dma_start3A_1271 = arith.constant 0 : i32
      %dma_start3A_1272 = tpu.memref_slice %arg10[%dma_start3A_1270, %dma_start3A_1271] : memref<10240x128xf32, #tpu.memory_space<vmem_shared>> -> memref<10240x128xf32, #tpu.memory_space<vmem_shared>>
      tpu.enqueue_indirect_dma source(%dma_start3A_1266 : memref<80x128xf32, #tpu.memory_space<vmem>>) target(%dma_start3A_1272 : memref<10240x128xf32, #tpu.memory_space<vmem_shared>>) offsets(%dma_start3A_1269 : memref<80xi32, #tpu.memory_space<vmem>>) semaphore(%arg12 : memref<!tpu.dma_semaphore, #tpu.memory_space<semaphore_mem>>) {add = true}
      %dma_wait3A_1273 = arith.constant 1 : i32
      %dma_wait3A_1274 = arith.constant 9 : i32
      %dma_wait3A_1275 = arith.constant 0 : i32
      %dma_wait3A_1276 = arith.constant 0 : i32
      %dma_wait3A_1277 = tpu.memref_slice %arg9[%dma_wait3A_1273, %dma_wait3A_1275, %dma_wait3A_1276] : memref<2x80x128xf32, #tpu.memory_space<vmem>> -> memref<1x80x128xf32, #tpu.memory_space<vmem>>
      %dma_wait3A_1278 = tpu.memref_squeeze %dma_wait3A_1277 : memref<1x80x128xf32, #tpu.memory_space<vmem>> -> memref<80x128xf32, #tpu.memory_space<vmem>>
      %dma_wait3A_1279 = arith.constant 0 : i32
      %dma_wait3A_1280 = tpu.memref_slice %arg7[%dma_wait3A_1274, %dma_wait3A_1279] : memref<10x80xi32, #tpu.memory_space<vmem>> -> memref<1x80xi32, #tpu.memory_space<vmem>>
      %dma_wait3A_1281 = tpu.memref_squeeze %dma_wait3A_1280 : memref<1x80xi32, #tpu.memory_space<vmem>> -> memref<80xi32, #tpu.memory_space<vmem>>
      %dma_wait3A_1282 = arith.constant 0 : i32
      %dma_wait3A_1283 = arith.constant 0 : i32
      %dma_wait3A_1284 = tpu.memref_slice %arg10[%dma_wait3A_1282, %dma_wait3A_1283] : memref<10240x128xf32, #tpu.memory_space<vmem_shared>> -> memref<10240x128xf32, #tpu.memory_space<vmem_shared>>
      tpu.wait_indirect_dma semaphore(%arg12 : memref<!tpu.dma_semaphore, #tpu.memory_space<semaphore_mem>>) src(%dma_wait3A_1278 : memref<80x128xf32, #tpu.memory_space<vmem>>) dst(%dma_wait3A_1284 : memref<10240x128xf32, #tpu.memory_space<vmem_shared>>)
    }
    %scan3A_15 = arith.constant 25 : i32
    %barrier3A_16 = arith.constant 0 : index
    tpu.barrier barrier_id(%barrier3A_16)
    "tpu.region"() ({
      %run_scoped3A = tpu.sem_alloc : memref<!tpu.dma_semaphore, #tpu.memory_space<semaphore_mem>>
      %dma_start3A = arith.constant 0 : i32
      %dma_start3A_17 = tpu.memref_slice %arg5[%arg0, %mul3A_5, %dma_start3A] : memref<2x10240x128xf32, #tpu.memory_space<hbm>> -> memref<1x640x128xf32, #tpu.memory_space<hbm>>
      %dma_start3A_18 = tpu.memref_squeeze %dma_start3A_17 : memref<1x640x128xf32, #tpu.memory_space<hbm>> -> memref<640x128xf32, #tpu.memory_space<hbm>>
      %dma_start3A_19 = arith.constant 0 : i32
      %dma_start3A_20 = tpu.memref_slice %arg10[%mul3A_5, %dma_start3A_19] : memref<10240x128xf32, #tpu.memory_space<vmem_shared>> -> memref<640x128xf32, #tpu.memory_space<vmem_shared>>
      tpu.enqueue_dma source(%dma_start3A_20 : memref<640x128xf32, #tpu.memory_space<vmem_shared>>) target(%dma_start3A_18 : memref<640x128xf32, #tpu.memory_space<hbm>>) target_semaphore(%run_scoped3A : memref<!tpu.dma_semaphore, #tpu.memory_space<semaphore_mem>>)
      %dma_wait3A = arith.constant 0 : i32
      %dma_wait3A_21 = tpu.memref_slice %arg5[%arg0, %mul3A_5, %dma_wait3A] : memref<2x10240x128xf32, #tpu.memory_space<hbm>> -> memref<1x640x128xf32, #tpu.memory_space<hbm>>
      %dma_wait3A_22 = tpu.memref_squeeze %dma_wait3A_21 : memref<1x640x128xf32, #tpu.memory_space<hbm>> -> memref<640x128xf32, #tpu.memory_space<hbm>>
      %dma_wait3A_23 = arith.constant 0 : i32
      %dma_wait3A_24 = tpu.memref_slice %arg10[%mul3A_5, %dma_wait3A_23] : memref<10240x128xf32, #tpu.memory_space<vmem_shared>> -> memref<640x128xf32, #tpu.memory_space<vmem_shared>>
      tpu.wait_dma2 semaphore(%run_scoped3A : memref<!tpu.dma_semaphore, #tpu.memory_space<semaphore_mem>>) src(%dma_wait3A_24 : memref<640x128xf32, #tpu.memory_space<vmem_shared>>) dst(%dma_wait3A_22 : memref<640x128xf32, #tpu.memory_space<hbm>>)
      tpu.yield
    }) : () -> ()
    return
  }
}

#map = affine_map<(d0, d1) -> (0, 0)>
#map1 = affine_map<(d0, d1) -> (0, 0, 0, 0)>
#map2 = affine_map<(d0, d1) -> (0, 0, 0)>
module attributes {stable_mosaic.version = 14 : i64} {
  func.func @k(%arg0: i32, %arg1: i32, %arg2: memref<10000x128xf32, #tpu.memory_space<hbm>>, %arg3: memref<32x25x5x80xi32, #tpu.memory_space<hbm>>, %arg4: memref<32x25x5x80xi32, #tpu.memory_space<hbm>>, %arg5: memref<2x10240x128xf32, #tpu.memory_space<hbm>>, %arg6: memref<5x80xi32, #tpu.memory_space<vmem>>, %arg7: memref<5x80xi32, #tpu.memory_space<vmem>>, %arg8: memref<2x80xi32, #tpu.memory_space<vmem>>, %arg9: memref<2x80x128xf32, #tpu.memory_space<vmem>>, %arg10: memref<10240x128xf32, #tpu.memory_space<vmem_shared>>, %arg11: memref<!tpu.dma_semaphore, #tpu.memory_space<semaphore_mem>>, %arg12: memref<!tpu.dma_semaphore, #tpu.memory_space<semaphore_mem>>) attributes {dimension_semantics = [#tpu.dimension_semantics<core_parallel>, #tpu.dimension_semantics<subcore_parallel>], iteration_bounds = array<i64: 2, 16>, scalar_prefetch = 0 : i64, scratch_operands = 7 : i64, tpu.core_type = #tpu.core_type<sc_vector_subcore>, window_params = [{transform_indices = #map}, {transform_indices = #map1}, {transform_indices = #map1}, {transform_indices = #map2}]} {
    %mul3A = arith.constant 16 : i32
    %mul3A_0 = arith.muli %arg0, %mul3A : i32
    %add3A = arith.addi %mul3A_0, %arg1 : i32
    %broadcast_in_dim3A = arith.constant 0.000000e+00 : f32
    %broadcast_in_dim3A_1 = vector.broadcast %broadcast_in_dim3A : f32 to vector<16xf32>
    %scan3A = arith.constant 0 : i32
    %scan3A_2 = arith.constant 80 : i32
    %scan3A_3 = arith.addi %scan3A, %scan3A_2 : i32
    %scan3A_4 = arith.constant 1 : i32
    scf.for %scan3A_19 = %scan3A to %scan3A_3 step %scan3A_4  : i32 {
      %mul3A_20 = arith.constant 1 : i32
      %mul3A_21 = arith.muli %scan3A_19, %mul3A_20 : i32
      %add3A_22 = arith.constant 0 : i32
      %add3A_23 = arith.addi %add3A_22, %mul3A_21 : i32
      %swap3A = arith.constant 0 : i32
      %swap3A_24 = arith.index_cast %swap3A : i32 to index
      %swap3A_25 = arith.index_cast %add3A_23 : i32 to index
      %swap3A_26 = arith.constant 0 : index
      %swap3A_27 = tpu.vector_load %arg9[%swap3A_24, %swap3A_25, %swap3A_26] {strides = array<i32>} : memref<2x80x128xf32, #tpu.memory_space<vmem>>, vector<1x1x16xf32>,
      %swap3A_28 = vector.shape_cast %swap3A_27 : vector<1x1x16xf32> to vector<16xf32>
      %swap3A_29 = vector.shape_cast %broadcast_in_dim3A_1 : vector<16xf32> to vector<1x1x16xf32>
      tpu.vector_store %arg9[%swap3A_24, %swap3A_25, %swap3A_26], %swap3A_29 {strides = array<i32>} : memref<2x80x128xf32, #tpu.memory_space<vmem>>, vector<1x1x16xf32>,
      %swap3A_30 = arith.constant 0 : i32
      %swap3A_31 = arith.index_cast %swap3A_30 : i32 to index
      %swap3A_32 = arith.index_cast %add3A_23 : i32 to index
      %swap3A_33 = arith.constant 16 : index
      %swap3A_34 = tpu.vector_load %arg9[%swap3A_31, %swap3A_32, %swap3A_33] {strides = array<i32>} : memref<2x80x128xf32, #tpu.memory_space<vmem>>, vector<1x1x16xf32>,
      %swap3A_35 = vector.shape_cast %swap3A_34 : vector<1x1x16xf32> to vector<16xf32>
      %swap3A_36 = vector.shape_cast %broadcast_in_dim3A_1 : vector<16xf32> to vector<1x1x16xf32>
      tpu.vector_store %arg9[%swap3A_31, %swap3A_32, %swap3A_33], %swap3A_36 {strides = array<i32>} : memref<2x80x128xf32, #tpu.memory_space<vmem>>, vector<1x1x16xf32>,
      %swap3A_37 = arith.constant 0 : i32
      %swap3A_38 = arith.index_cast %swap3A_37 : i32 to index
      %swap3A_39 = arith.index_cast %add3A_23 : i32 to index
      %swap3A_40 = arith.constant 32 : index
      %swap3A_41 = tpu.vector_load %arg9[%swap3A_38, %swap3A_39, %swap3A_40] {strides = array<i32>} : memref<2x80x128xf32, #tpu.memory_space<vmem>>, vector<1x1x16xf32>,
      %swap3A_42 = vector.shape_cast %swap3A_41 : vector<1x1x16xf32> to vector<16xf32>
      %swap3A_43 = vector.shape_cast %broadcast_in_dim3A_1 : vector<16xf32> to vector<1x1x16xf32>
      tpu.vector_store %arg9[%swap3A_38, %swap3A_39, %swap3A_40], %swap3A_43 {strides = array<i32>} : memref<2x80x128xf32, #tpu.memory_space<vmem>>, vector<1x1x16xf32>,
      %swap3A_44 = arith.constant 0 : i32
      %swap3A_45 = arith.index_cast %swap3A_44 : i32 to index
      %swap3A_46 = arith.index_cast %add3A_23 : i32 to index
      %swap3A_47 = arith.constant 48 : index
      %swap3A_48 = tpu.vector_load %arg9[%swap3A_45, %swap3A_46, %swap3A_47] {strides = array<i32>} : memref<2x80x128xf32, #tpu.memory_space<vmem>>, vector<1x1x16xf32>,
      %swap3A_49 = vector.shape_cast %swap3A_48 : vector<1x1x16xf32> to vector<16xf32>
      %swap3A_50 = vector.shape_cast %broadcast_in_dim3A_1 : vector<16xf32> to vector<1x1x16xf32>
      tpu.vector_store %arg9[%swap3A_45, %swap3A_46, %swap3A_47], %swap3A_50 {strides = array<i32>} : memref<2x80x128xf32, #tpu.memory_space<vmem>>, vector<1x1x16xf32>,
      %swap3A_51 = arith.constant 0 : i32
      %swap3A_52 = arith.index_cast %swap3A_51 : i32 to index
      %swap3A_53 = arith.index_cast %add3A_23 : i32 to index
      %swap3A_54 = arith.constant 64 : index
      %swap3A_55 = tpu.vector_load %arg9[%swap3A_52, %swap3A_53, %swap3A_54] {strides = array<i32>} : memref<2x80x128xf32, #tpu.memory_space<vmem>>, vector<1x1x16xf32>,
      %swap3A_56 = vector.shape_cast %swap3A_55 : vector<1x1x16xf32> to vector<16xf32>
      %swap3A_57 = vector.shape_cast %broadcast_in_dim3A_1 : vector<16xf32> to vector<1x1x16xf32>
      tpu.vector_store %arg9[%swap3A_52, %swap3A_53, %swap3A_54], %swap3A_57 {strides = array<i32>} : memref<2x80x128xf32, #tpu.memory_space<vmem>>, vector<1x1x16xf32>,
      %swap3A_58 = arith.constant 0 : i32
      %swap3A_59 = arith.index_cast %swap3A_58 : i32 to index
      %swap3A_60 = arith.index_cast %add3A_23 : i32 to index
      %swap3A_61 = arith.constant 80 : index
      %swap3A_62 = tpu.vector_load %arg9[%swap3A_59, %swap3A_60, %swap3A_61] {strides = array<i32>} : memref<2x80x128xf32, #tpu.memory_space<vmem>>, vector<1x1x16xf32>,
      %swap3A_63 = vector.shape_cast %swap3A_62 : vector<1x1x16xf32> to vector<16xf32>
      %swap3A_64 = vector.shape_cast %broadcast_in_dim3A_1 : vector<16xf32> to vector<1x1x16xf32>
      tpu.vector_store %arg9[%swap3A_59, %swap3A_60, %swap3A_61], %swap3A_64 {strides = array<i32>} : memref<2x80x128xf32, #tpu.memory_space<vmem>>, vector<1x1x16xf32>,
      %swap3A_65 = arith.constant 0 : i32
      %swap3A_66 = arith.index_cast %swap3A_65 : i32 to index
      %swap3A_67 = arith.index_cast %add3A_23 : i32 to index
      %swap3A_68 = arith.constant 96 : index
      %swap3A_69 = tpu.vector_load %arg9[%swap3A_66, %swap3A_67, %swap3A_68] {strides = array<i32>} : memref<2x80x128xf32, #tpu.memory_space<vmem>>, vector<1x1x16xf32>,
      %swap3A_70 = vector.shape_cast %swap3A_69 : vector<1x1x16xf32> to vector<16xf32>
      %swap3A_71 = vector.shape_cast %broadcast_in_dim3A_1 : vector<16xf32> to vector<1x1x16xf32>
      tpu.vector_store %arg9[%swap3A_66, %swap3A_67, %swap3A_68], %swap3A_71 {strides = array<i32>} : memref<2x80x128xf32, #tpu.memory_space<vmem>>, vector<1x1x16xf32>,
      %swap3A_72 = arith.constant 0 : i32
      %swap3A_73 = arith.index_cast %swap3A_72 : i32 to index
      %swap3A_74 = arith.index_cast %add3A_23 : i32 to index
      %swap3A_75 = arith.constant 112 : index
      %swap3A_76 = tpu.vector_load %arg9[%swap3A_73, %swap3A_74, %swap3A_75] {strides = array<i32>} : memref<2x80x128xf32, #tpu.memory_space<vmem>>, vector<1x1x16xf32>,
      %swap3A_77 = vector.shape_cast %swap3A_76 : vector<1x1x16xf32> to vector<16xf32>
      %swap3A_78 = vector.shape_cast %broadcast_in_dim3A_1 : vector<16xf32> to vector<1x1x16xf32>
      tpu.vector_store %arg9[%swap3A_73, %swap3A_74, %swap3A_75], %swap3A_78 {strides = array<i32>} : memref<2x80x128xf32, #tpu.memory_space<vmem>>, vector<1x1x16xf32>,
    }
    %scan3A_5 = arith.constant 80 : i32
    %mul3A_6 = arith.constant 640 : i32
    %mul3A_7 = arith.muli %arg1, %mul3A_6 : i32
    %scan3A_8 = arith.constant 0 : i32
    %scan3A_9 = arith.constant 8 : i32
    %scan3A_10 = arith.addi %scan3A_8, %scan3A_9 : i32
    %scan3A_11 = arith.constant 1 : i32
    scf.for %scan3A_19 = %scan3A_8 to %scan3A_10 step %scan3A_11  : i32 {
      %mul3A_20 = arith.constant 1 : i32
      %mul3A_21 = arith.muli %scan3A_19, %mul3A_20 : i32
      %add3A_22 = arith.constant 0 : i32
      %add3A_23 = arith.addi %add3A_22, %mul3A_21 : i32
      %mul3A_24 = arith.constant 80 : i32
      %mul3A_25 = arith.muli %add3A_23, %mul3A_24 : i32
      %add3A_26 = arith.addi %mul3A_7, %mul3A_25 : i32
      %run_scoped3A = arith.constant 0 : i32
      "tpu.region"() ({
        %run_scoped3A_27 = tpu.sem_alloc : memref<!tpu.dma_semaphore, #tpu.memory_space<semaphore_mem>>
        %dma_start3A = arith.constant 0 : i32
        %dma_start3A_28 = arith.constant 0 : i32
        %dma_start3A_29 = tpu.memref_slice %arg9[%run_scoped3A, %dma_start3A, %dma_start3A_28] : memref<2x80x128xf32, #tpu.memory_space<vmem>> -> memref<1x80x128xf32, #tpu.memory_space<vmem>>
        %dma_start3A_30 = tpu.memref_squeeze %dma_start3A_29 : memref<1x80x128xf32, #tpu.memory_space<vmem>> -> memref<80x128xf32, #tpu.memory_space<vmem>>
        %dma_start3A_31 = arith.constant 0 : i32
        %dma_start3A_32 = tpu.memref_slice %arg10[%add3A_26, %dma_start3A_31] : memref<10240x128xf32, #tpu.memory_space<vmem_shared>> -> memref<80x128xf32, #tpu.memory_space<vmem_shared>>
        %dma_start3A_33 = arith.constant 0 : i32
        %dma_start3A_34 = tpu.memref_slice %arg10[%add3A_26, %dma_start3A_33] : memref<10240x128xf32, #tpu.memory_space<vmem_shared>> -> memref<80x128xf32, #tpu.memory_space<vmem_shared>>
        %dma_start3A_35 = arith.constant 0 : i32
        %dma_start3A_36 = arith.constant 0 : i32
        %dma_start3A_37 = tpu.memref_slice %arg9[%run_scoped3A, %dma_start3A_35, %dma_start3A_36] : memref<2x80x128xf32, #tpu.memory_space<vmem>> -> memref<1x80x128xf32, #tpu.memory_space<vmem>>
        %dma_start3A_38 = tpu.memref_squeeze %dma_start3A_37 : memref<1x80x128xf32, #tpu.memory_space<vmem>> -> memref<80x128xf32, #tpu.memory_space<vmem>>
        tpu.enqueue_dma source(%dma_start3A_38 : memref<80x128xf32, #tpu.memory_space<vmem>>) target(%dma_start3A_34 : memref<80x128xf32, #tpu.memory_space<vmem_shared>>) target_semaphore(%run_scoped3A_27 : memref<!tpu.dma_semaphore, #tpu.memory_space<semaphore_mem>>)
        %dma_wait3A = arith.constant 0 : i32
        %dma_wait3A_39 = arith.constant 0 : i32
        %dma_wait3A_40 = tpu.memref_slice %arg9[%run_scoped3A, %dma_wait3A, %dma_wait3A_39] : memref<2x80x128xf32, #tpu.memory_space<vmem>> -> memref<1x80x128xf32, #tpu.memory_space<vmem>>
        %dma_wait3A_41 = tpu.memref_squeeze %dma_wait3A_40 : memref<1x80x128xf32, #tpu.memory_space<vmem>> -> memref<80x128xf32, #tpu.memory_space<vmem>>
        %dma_wait3A_42 = arith.constant 0 : i32
        %dma_wait3A_43 = tpu.memref_slice %arg10[%add3A_26, %dma_wait3A_42] : memref<10240x128xf32, #tpu.memory_space<vmem_shared>> -> memref<80x128xf32, #tpu.memory_space<vmem_shared>>
        %dma_wait3A_44 = arith.constant 0 : i32
        %dma_wait3A_45 = tpu.memref_slice %arg10[%add3A_26, %dma_wait3A_44] : memref<10240x128xf32, #tpu.memory_space<vmem_shared>> -> memref<80x128xf32, #tpu.memory_space<vmem_shared>>
        %dma_wait3A_46 = arith.constant 0 : i32
        %dma_wait3A_47 = arith.constant 0 : i32
        %dma_wait3A_48 = tpu.memref_slice %arg9[%run_scoped3A, %dma_wait3A_46, %dma_wait3A_47] : memref<2x80x128xf32, #tpu.memory_space<vmem>> -> memref<1x80x128xf32, #tpu.memory_space<vmem>>
        %dma_wait3A_49 = tpu.memref_squeeze %dma_wait3A_48 : memref<1x80x128xf32, #tpu.memory_space<vmem>> -> memref<80x128xf32, #tpu.memory_space<vmem>>
        tpu.wait_dma2 semaphore(%run_scoped3A_27 : memref<!tpu.dma_semaphore, #tpu.memory_space<semaphore_mem>>) src(%dma_wait3A_49 : memref<80x128xf32, #tpu.memory_space<vmem>>) dst(%dma_wait3A_45 : memref<80x128xf32, #tpu.memory_space<vmem_shared>>)
        tpu.yield
      }) : () -> ()
    }
    %scan3A_12 = arith.constant 8 : i32
    %barrier3A = arith.constant 0 : index
    tpu.barrier barrier_id(%barrier3A)
    %scan3A_13 = arith.constant 0 : i32
    %scan3A_14 = arith.constant 25 : i32
    %scan3A_15 = arith.addi %scan3A_13, %scan3A_14 : i32
    %scan3A_16 = arith.constant 1 : i32
    scf.for %scan3A_19 = %scan3A_13 to %scan3A_15 step %scan3A_16  : i32 {
      %mul3A_20 = arith.constant 1 : i32
      %mul3A_21 = arith.muli %scan3A_19, %mul3A_20 : i32
      %add3A_22 = arith.constant 0 : i32
      %add3A_23 = arith.addi %add3A_22, %mul3A_21 : i32
      "tpu.region"() ({
        %run_scoped3A = tpu.sem_alloc : memref<!tpu.dma_semaphore, #tpu.memory_space<semaphore_mem>>
        %dma_start3A_250 = arith.constant 0 : i32
        %dma_start3A_251 = arith.constant 0 : i32
        %dma_start3A_252 = tpu.memref_slice %arg3[%add3A, %add3A_23, %dma_start3A_250, %dma_start3A_251] : memref<32x25x5x80xi32, #tpu.memory_space<hbm>> -> memref<1x1x5x80xi32, #tpu.memory_space<hbm>>
        %dma_start3A_253 = tpu.memref_squeeze %dma_start3A_252 : memref<1x1x5x80xi32, #tpu.memory_space<hbm>> -> memref<5x80xi32, #tpu.memory_space<hbm>>
        %dma_start3A_254 = arith.constant 0 : i32
        %dma_start3A_255 = arith.constant 0 : i32
        %dma_start3A_256 = tpu.memref_slice %arg3[%add3A, %add3A_23, %dma_start3A_254, %dma_start3A_255] : memref<32x25x5x80xi32, #tpu.memory_space<hbm>> -> memref<1x1x5x80xi32, #tpu.memory_space<hbm>>
        %dma_start3A_257 = tpu.memref_squeeze %dma_start3A_256 : memref<1x1x5x80xi32, #tpu.memory_space<hbm>> -> memref<5x80xi32, #tpu.memory_space<hbm>>
        tpu.enqueue_dma source(%dma_start3A_257 : memref<5x80xi32, #tpu.memory_space<hbm>>) target(%arg6 : memref<5x80xi32, #tpu.memory_space<vmem>>) target_semaphore(%run_scoped3A : memref<!tpu.dma_semaphore, #tpu.memory_space<semaphore_mem>>)
        %dma_wait3A_258 = arith.constant 0 : i32
        %dma_wait3A_259 = arith.constant 0 : i32
        %dma_wait3A_260 = tpu.memref_slice %arg3[%add3A, %add3A_23, %dma_wait3A_258, %dma_wait3A_259] : memref<32x25x5x80xi32, #tpu.memory_space<hbm>> -> memref<1x1x5x80xi32, #tpu.memory_space<hbm>>
        %dma_wait3A_261 = tpu.memref_squeeze %dma_wait3A_260 : memref<1x1x5x80xi32, #tpu.memory_space<hbm>> -> memref<5x80xi32, #tpu.memory_space<hbm>>
        %dma_wait3A_262 = arith.constant 0 : i32
        %dma_wait3A_263 = arith.constant 0 : i32
        %dma_wait3A_264 = tpu.memref_slice %arg3[%add3A, %add3A_23, %dma_wait3A_262, %dma_wait3A_263] : memref<32x25x5x80xi32, #tpu.memory_space<hbm>> -> memref<1x1x5x80xi32, #tpu.memory_space<hbm>>
        %dma_wait3A_265 = tpu.memref_squeeze %dma_wait3A_264 : memref<1x1x5x80xi32, #tpu.memory_space<hbm>> -> memref<5x80xi32, #tpu.memory_space<hbm>>
        tpu.wait_dma2 semaphore(%run_scoped3A : memref<!tpu.dma_semaphore, #tpu.memory_space<semaphore_mem>>) src(%dma_wait3A_265 : memref<5x80xi32, #tpu.memory_space<hbm>>) dst(%arg6 : memref<5x80xi32, #tpu.memory_space<vmem>>)
        tpu.yield
      }) : () -> ()
      "tpu.region"() ({
        %run_scoped3A = tpu.sem_alloc : memref<!tpu.dma_semaphore, #tpu.memory_space<semaphore_mem>>
        %dma_start3A_250 = arith.constant 0 : i32
        %dma_start3A_251 = arith.constant 0 : i32
        %dma_start3A_252 = tpu.memref_slice %arg4[%add3A, %add3A_23, %dma_start3A_250, %dma_start3A_251] : memref<32x25x5x80xi32, #tpu.memory_space<hbm>> -> memref<1x1x5x80xi32, #tpu.memory_space<hbm>>
        %dma_start3A_253 = tpu.memref_squeeze %dma_start3A_252 : memref<1x1x5x80xi32, #tpu.memory_space<hbm>> -> memref<5x80xi32, #tpu.memory_space<hbm>>
        %dma_start3A_254 = arith.constant 0 : i32
        %dma_start3A_255 = arith.constant 0 : i32
        %dma_start3A_256 = tpu.memref_slice %arg4[%add3A, %add3A_23, %dma_start3A_254, %dma_start3A_255] : memref<32x25x5x80xi32, #tpu.memory_space<hbm>> -> memref<1x1x5x80xi32, #tpu.memory_space<hbm>>
        %dma_start3A_257 = tpu.memref_squeeze %dma_start3A_256 : memref<1x1x5x80xi32, #tpu.memory_space<hbm>> -> memref<5x80xi32, #tpu.memory_space<hbm>>
        tpu.enqueue_dma source(%dma_start3A_257 : memref<5x80xi32, #tpu.memory_space<hbm>>) target(%arg7 : memref<5x80xi32, #tpu.memory_space<vmem>>) target_semaphore(%run_scoped3A : memref<!tpu.dma_semaphore, #tpu.memory_space<semaphore_mem>>)
        %dma_wait3A_258 = arith.constant 0 : i32
        %dma_wait3A_259 = arith.constant 0 : i32
        %dma_wait3A_260 = tpu.memref_slice %arg4[%add3A, %add3A_23, %dma_wait3A_258, %dma_wait3A_259] : memref<32x25x5x80xi32, #tpu.memory_space<hbm>> -> memref<1x1x5x80xi32, #tpu.memory_space<hbm>>
        %dma_wait3A_261 = tpu.memref_squeeze %dma_wait3A_260 : memref<1x1x5x80xi32, #tpu.memory_space<hbm>> -> memref<5x80xi32, #tpu.memory_space<hbm>>
        %dma_wait3A_262 = arith.constant 0 : i32
        %dma_wait3A_263 = arith.constant 0 : i32
        %dma_wait3A_264 = tpu.memref_slice %arg4[%add3A, %add3A_23, %dma_wait3A_262, %dma_wait3A_263] : memref<32x25x5x80xi32, #tpu.memory_space<hbm>> -> memref<1x1x5x80xi32, #tpu.memory_space<hbm>>
        %dma_wait3A_265 = tpu.memref_squeeze %dma_wait3A_264 : memref<1x1x5x80xi32, #tpu.memory_space<hbm>> -> memref<5x80xi32, #tpu.memory_space<hbm>>
        tpu.wait_dma2 semaphore(%run_scoped3A : memref<!tpu.dma_semaphore, #tpu.memory_space<semaphore_mem>>) src(%dma_wait3A_265 : memref<5x80xi32, #tpu.memory_space<hbm>>) dst(%arg7 : memref<5x80xi32, #tpu.memory_space<vmem>>)
        tpu.yield
      }) : () -> ()
      %dma_start3A = arith.constant 0 : i32
      %dma_start3A_24 = arith.constant 0 : i32
      %dma_start3A_25 = arith.constant 0 : i32
      %dma_start3A_26 = arith.constant 0 : i32
      %dma_start3A_27 = tpu.memref_slice %arg9[%dma_start3A_24, %dma_start3A_25, %dma_start3A_26] : memref<2x80x128xf32, #tpu.memory_space<vmem>> -> memref<1x80x128xf32, #tpu.memory_space<vmem>>
      %dma_start3A_28 = tpu.memref_squeeze %dma_start3A_27 : memref<1x80x128xf32, #tpu.memory_space<vmem>> -> memref<80x128xf32, #tpu.memory_space<vmem>>
      %dma_start3A_29 = arith.constant 0 : i32
      %dma_start3A_30 = tpu.memref_slice %arg6[%dma_start3A, %dma_start3A_29] : memref<5x80xi32, #tpu.memory_space<vmem>> -> memref<1x80xi32, #tpu.memory_space<vmem>>
      %dma_start3A_31 = tpu.memref_squeeze %dma_start3A_30 : memref<1x80xi32, #tpu.memory_space<vmem>> -> memref<80xi32, #tpu.memory_space<vmem>>
      %dma_start3A_32 = arith.constant 0 : i32
      %dma_start3A_33 = arith.constant 0 : i32
      %dma_start3A_34 = tpu.memref_slice %arg2[%dma_start3A_32, %dma_start3A_33] : memref<10000x128xf32, #tpu.memory_space<hbm>> -> memref<10000x128xf32, #tpu.memory_space<hbm>>
      tpu.enqueue_indirect_dma source(%dma_start3A_34 : memref<10000x128xf32, #tpu.memory_space<hbm>>) target(%dma_start3A_28 : memref<80x128xf32, #tpu.memory_space<vmem>>) offsets(%dma_start3A_31 : memref<80xi32, #tpu.memory_space<vmem>>) semaphore(%arg11 : memref<!tpu.dma_semaphore, #tpu.memory_space<semaphore_mem>>)
      %dma_wait3A = arith.constant 0 : i32
      %dma_wait3A_35 = arith.constant 0 : i32
      %dma_wait3A_36 = arith.constant 0 : i32
      %dma_wait3A_37 = arith.constant 0 : i32
      %dma_wait3A_38 = tpu.memref_slice %arg9[%dma_wait3A_35, %dma_wait3A_36, %dma_wait3A_37] : memref<2x80x128xf32, #tpu.memory_space<vmem>> -> memref<1x80x128xf32, #tpu.memory_space<vmem>>
      %dma_wait3A_39 = tpu.memref_squeeze %dma_wait3A_38 : memref<1x80x128xf32, #tpu.memory_space<vmem>> -> memref<80x128xf32, #tpu.memory_space<vmem>>
      %dma_wait3A_40 = arith.constant 0 : i32
      %dma_wait3A_41 = tpu.memref_slice %arg6[%dma_wait3A, %dma_wait3A_40] : memref<5x80xi32, #tpu.memory_space<vmem>> -> memref<1x80xi32, #tpu.memory_space<vmem>>
      %dma_wait3A_42 = tpu.memref_squeeze %dma_wait3A_41 : memref<1x80xi32, #tpu.memory_space<vmem>> -> memref<80xi32, #tpu.memory_space<vmem>>
      %dma_wait3A_43 = arith.constant 0 : i32
      %dma_wait3A_44 = arith.constant 0 : i32
      %dma_wait3A_45 = tpu.memref_slice %arg2[%dma_wait3A_43, %dma_wait3A_44] : memref<10000x128xf32, #tpu.memory_space<hbm>> -> memref<10000x128xf32, #tpu.memory_space<hbm>>
      tpu.wait_indirect_dma semaphore(%arg11 : memref<!tpu.dma_semaphore, #tpu.memory_space<semaphore_mem>>) src(%dma_wait3A_45 : memref<10000x128xf32, #tpu.memory_space<hbm>>) dst(%dma_wait3A_39 : memref<80x128xf32, #tpu.memory_space<vmem>>)
      %dma_start3A_46 = arith.constant 0 : i32
      %dma_start3A_47 = arith.constant 0 : i32
      %dma_start3A_48 = arith.constant 0 : i32
      %dma_start3A_49 = arith.constant 0 : i32
      %dma_start3A_50 = tpu.memref_slice %arg9[%dma_start3A_46, %dma_start3A_48, %dma_start3A_49] : memref<2x80x128xf32, #tpu.memory_space<vmem>> -> memref<1x80x128xf32, #tpu.memory_space<vmem>>
      %dma_start3A_51 = tpu.memref_squeeze %dma_start3A_50 : memref<1x80x128xf32, #tpu.memory_space<vmem>> -> memref<80x128xf32, #tpu.memory_space<vmem>>
      %dma_start3A_52 = arith.constant 0 : i32
      %dma_start3A_53 = tpu.memref_slice %arg7[%dma_start3A_47, %dma_start3A_52] : memref<5x80xi32, #tpu.memory_space<vmem>> -> memref<1x80xi32, #tpu.memory_space<vmem>>
      %dma_start3A_54 = tpu.memref_squeeze %dma_start3A_53 : memref<1x80xi32, #tpu.memory_space<vmem>> -> memref<80xi32, #tpu.memory_space<vmem>>
      %dma_start3A_55 = arith.constant 0 : i32
      %dma_start3A_56 = arith.constant 0 : i32
      %dma_start3A_57 = tpu.memref_slice %arg10[%dma_start3A_55, %dma_start3A_56] : memref<10240x128xf32, #tpu.memory_space<vmem_shared>> -> memref<10240x128xf32, #tpu.memory_space<vmem_shared>>
      tpu.enqueue_indirect_dma source(%dma_start3A_51 : memref<80x128xf32, #tpu.memory_space<vmem>>) target(%dma_start3A_57 : memref<10240x128xf32, #tpu.memory_space<vmem_shared>>) offsets(%dma_start3A_54 : memref<80xi32, #tpu.memory_space<vmem>>) semaphore(%arg12 : memref<!tpu.dma_semaphore, #tpu.memory_space<semaphore_mem>>) {add = true}
      %dma_start3A_58 = arith.constant 1 : i32
      %dma_start3A_59 = arith.constant 1 : i32
      %dma_start3A_60 = arith.constant 0 : i32
      %dma_start3A_61 = arith.constant 0 : i32
      %dma_start3A_62 = tpu.memref_slice %arg9[%dma_start3A_59, %dma_start3A_60, %dma_start3A_61] : memref<2x80x128xf32, #tpu.memory_space<vmem>> -> memref<1x80x128xf32, #tpu.memory_space<vmem>>
      %dma_start3A_63 = tpu.memref_squeeze %dma_start3A_62 : memref<1x80x128xf32, #tpu.memory_space<vmem>> -> memref<80x128xf32, #tpu.memory_space<vmem>>
      %dma_start3A_64 = arith.constant 0 : i32
      %dma_start3A_65 = tpu.memref_slice %arg6[%dma_start3A_58, %dma_start3A_64] : memref<5x80xi32, #tpu.memory_space<vmem>> -> memref<1x80xi32, #tpu.memory_space<vmem>>
      %dma_start3A_66 = tpu.memref_squeeze %dma_start3A_65 : memref<1x80xi32, #tpu.memory_space<vmem>> -> memref<80xi32, #tpu.memory_space<vmem>>
      %dma_start3A_67 = arith.constant 0 : i32
      %dma_start3A_68 = arith.constant 0 : i32
      %dma_start3A_69 = tpu.memref_slice %arg2[%dma_start3A_67, %dma_start3A_68] : memref<10000x128xf32, #tpu.memory_space<hbm>> -> memref<10000x128xf32, #tpu.memory_space<hbm>>
      tpu.enqueue_indirect_dma source(%dma_start3A_69 : memref<10000x128xf32, #tpu.memory_space<hbm>>) target(%dma_start3A_63 : memref<80x128xf32, #tpu.memory_space<vmem>>) offsets(%dma_start3A_66 : memref<80xi32, #tpu.memory_space<vmem>>) semaphore(%arg11 : memref<!tpu.dma_semaphore, #tpu.memory_space<semaphore_mem>>)
      %dma_wait3A_70 = arith.constant 1 : i32
      %dma_wait3A_71 = arith.constant 1 : i32
      %dma_wait3A_72 = arith.constant 0 : i32
      %dma_wait3A_73 = arith.constant 0 : i32
      %dma_wait3A_74 = tpu.memref_slice %arg9[%dma_wait3A_71, %dma_wait3A_72, %dma_wait3A_73] : memref<2x80x128xf32, #tpu.memory_space<vmem>> -> memref<1x80x128xf32, #tpu.memory_space<vmem>>
      %dma_wait3A_75 = tpu.memref_squeeze %dma_wait3A_74 : memref<1x80x128xf32, #tpu.memory_space<vmem>> -> memref<80x128xf32, #tpu.memory_space<vmem>>
      %dma_wait3A_76 = arith.constant 0 : i32
      %dma_wait3A_77 = tpu.memref_slice %arg6[%dma_wait3A_70, %dma_wait3A_76] : memref<5x80xi32, #tpu.memory_space<vmem>> -> memref<1x80xi32, #tpu.memory_space<vmem>>
      %dma_wait3A_78 = tpu.memref_squeeze %dma_wait3A_77 : memref<1x80xi32, #tpu.memory_space<vmem>> -> memref<80xi32, #tpu.memory_space<vmem>>
      %dma_wait3A_79 = arith.constant 0 : i32
      %dma_wait3A_80 = arith.constant 0 : i32
      %dma_wait3A_81 = tpu.memref_slice %arg2[%dma_wait3A_79, %dma_wait3A_80] : memref<10000x128xf32, #tpu.memory_space<hbm>> -> memref<10000x128xf32, #tpu.memory_space<hbm>>
      tpu.wait_indirect_dma semaphore(%arg11 : memref<!tpu.dma_semaphore, #tpu.memory_space<semaphore_mem>>) src(%dma_wait3A_81 : memref<10000x128xf32, #tpu.memory_space<hbm>>) dst(%dma_wait3A_75 : memref<80x128xf32, #tpu.memory_space<vmem>>)
      %dma_start3A_82 = arith.constant 1 : i32
      %dma_start3A_83 = arith.constant 1 : i32
      %dma_start3A_84 = arith.constant 0 : i32
      %dma_start3A_85 = arith.constant 0 : i32
      %dma_start3A_86 = tpu.memref_slice %arg9[%dma_start3A_82, %dma_start3A_84, %dma_start3A_85] : memref<2x80x128xf32, #tpu.memory_space<vmem>> -> memref<1x80x128xf32, #tpu.memory_space<vmem>>
      %dma_start3A_87 = tpu.memref_squeeze %dma_start3A_86 : memref<1x80x128xf32, #tpu.memory_space<vmem>> -> memref<80x128xf32, #tpu.memory_space<vmem>>
      %dma_start3A_88 = arith.constant 0 : i32
      %dma_start3A_89 = tpu.memref_slice %arg7[%dma_start3A_83, %dma_start3A_88] : memref<5x80xi32, #tpu.memory_space<vmem>> -> memref<1x80xi32, #tpu.memory_space<vmem>>
      %dma_start3A_90 = tpu.memref_squeeze %dma_start3A_89 : memref<1x80xi32, #tpu.memory_space<vmem>> -> memref<80xi32, #tpu.memory_space<vmem>>
      %dma_start3A_91 = arith.constant 0 : i32
      %dma_start3A_92 = arith.constant 0 : i32
      %dma_start3A_93 = tpu.memref_slice %arg10[%dma_start3A_91, %dma_start3A_92] : memref<10240x128xf32, #tpu.memory_space<vmem_shared>> -> memref<10240x128xf32, #tpu.memory_space<vmem_shared>>
      tpu.enqueue_indirect_dma source(%dma_start3A_87 : memref<80x128xf32, #tpu.memory_space<vmem>>) target(%dma_start3A_93 : memref<10240x128xf32, #tpu.memory_space<vmem_shared>>) offsets(%dma_start3A_90 : memref<80xi32, #tpu.memory_space<vmem>>) semaphore(%arg12 : memref<!tpu.dma_semaphore, #tpu.memory_space<semaphore_mem>>) {add = true}
      %dma_wait3A_94 = arith.constant 0 : i32
      %dma_wait3A_95 = arith.constant 0 : i32
      %dma_wait3A_96 = arith.constant 0 : i32
      %dma_wait3A_97 = arith.constant 0 : i32
      %dma_wait3A_98 = tpu.memref_slice %arg9[%dma_wait3A_94, %dma_wait3A_96, %dma_wait3A_97] : memref<2x80x128xf32, #tpu.memory_space<vmem>> -> memref<1x80x128xf32, #tpu.memory_space<vmem>>
      %dma_wait3A_99 = tpu.memref_squeeze %dma_wait3A_98 : memref<1x80x128xf32, #tpu.memory_space<vmem>> -> memref<80x128xf32, #tpu.memory_space<vmem>>
      %dma_wait3A_100 = arith.constant 0 : i32
      %dma_wait3A_101 = tpu.memref_slice %arg7[%dma_wait3A_95, %dma_wait3A_100] : memref<5x80xi32, #tpu.memory_space<vmem>> -> memref<1x80xi32, #tpu.memory_space<vmem>>
      %dma_wait3A_102 = tpu.memref_squeeze %dma_wait3A_101 : memref<1x80xi32, #tpu.memory_space<vmem>> -> memref<80xi32, #tpu.memory_space<vmem>>
      %dma_wait3A_103 = arith.constant 0 : i32
      %dma_wait3A_104 = arith.constant 0 : i32
      %dma_wait3A_105 = tpu.memref_slice %arg10[%dma_wait3A_103, %dma_wait3A_104] : memref<10240x128xf32, #tpu.memory_space<vmem_shared>> -> memref<10240x128xf32, #tpu.memory_space<vmem_shared>>
      tpu.wait_indirect_dma semaphore(%arg12 : memref<!tpu.dma_semaphore, #tpu.memory_space<semaphore_mem>>) src(%dma_wait3A_99 : memref<80x128xf32, #tpu.memory_space<vmem>>) dst(%dma_wait3A_105 : memref<10240x128xf32, #tpu.memory_space<vmem_shared>>)
      %dma_start3A_106 = arith.constant 2 : i32
      %dma_start3A_107 = arith.constant 0 : i32
      %dma_start3A_108 = arith.constant 0 : i32
      %dma_start3A_109 = arith.constant 0 : i32
      %dma_start3A_110 = tpu.memref_slice %arg9[%dma_start3A_107, %dma_start3A_108, %dma_start3A_109] : memref<2x80x128xf32, #tpu.memory_space<vmem>> -> memref<1x80x128xf32, #tpu.memory_space<vmem>>
      %dma_start3A_111 = tpu.memref_squeeze %dma_start3A_110 : memref<1x80x128xf32, #tpu.memory_space<vmem>> -> memref<80x128xf32, #tpu.memory_space<vmem>>
      %dma_start3A_112 = arith.constant 0 : i32
      %dma_start3A_113 = tpu.memref_slice %arg6[%dma_start3A_106, %dma_start3A_112] : memref<5x80xi32, #tpu.memory_space<vmem>> -> memref<1x80xi32, #tpu.memory_space<vmem>>
      %dma_start3A_114 = tpu.memref_squeeze %dma_start3A_113 : memref<1x80xi32, #tpu.memory_space<vmem>> -> memref<80xi32, #tpu.memory_space<vmem>>
      %dma_start3A_115 = arith.constant 0 : i32
      %dma_start3A_116 = arith.constant 0 : i32
      %dma_start3A_117 = tpu.memref_slice %arg2[%dma_start3A_115, %dma_start3A_116] : memref<10000x128xf32, #tpu.memory_space<hbm>> -> memref<10000x128xf32, #tpu.memory_space<hbm>>
      tpu.enqueue_indirect_dma source(%dma_start3A_117 : memref<10000x128xf32, #tpu.memory_space<hbm>>) target(%dma_start3A_111 : memref<80x128xf32, #tpu.memory_space<vmem>>) offsets(%dma_start3A_114 : memref<80xi32, #tpu.memory_space<vmem>>) semaphore(%arg11 : memref<!tpu.dma_semaphore, #tpu.memory_space<semaphore_mem>>)
      %dma_wait3A_118 = arith.constant 2 : i32
      %dma_wait3A_119 = arith.constant 0 : i32
      %dma_wait3A_120 = arith.constant 0 : i32
      %dma_wait3A_121 = arith.constant 0 : i32
      %dma_wait3A_122 = tpu.memref_slice %arg9[%dma_wait3A_119, %dma_wait3A_120, %dma_wait3A_121] : memref<2x80x128xf32, #tpu.memory_space<vmem>> -> memref<1x80x128xf32, #tpu.memory_space<vmem>>
      %dma_wait3A_123 = tpu.memref_squeeze %dma_wait3A_122 : memref<1x80x128xf32, #tpu.memory_space<vmem>> -> memref<80x128xf32, #tpu.memory_space<vmem>>
      %dma_wait3A_124 = arith.constant 0 : i32
      %dma_wait3A_125 = tpu.memref_slice %arg6[%dma_wait3A_118, %dma_wait3A_124] : memref<5x80xi32, #tpu.memory_space<vmem>> -> memref<1x80xi32, #tpu.memory_space<vmem>>
      %dma_wait3A_126 = tpu.memref_squeeze %dma_wait3A_125 : memref<1x80xi32, #tpu.memory_space<vmem>> -> memref<80xi32, #tpu.memory_space<vmem>>
      %dma_wait3A_127 = arith.constant 0 : i32
      %dma_wait3A_128 = arith.constant 0 : i32
      %dma_wait3A_129 = tpu.memref_slice %arg2[%dma_wait3A_127, %dma_wait3A_128] : memref<10000x128xf32, #tpu.memory_space<hbm>> -> memref<10000x128xf32, #tpu.memory_space<hbm>>
      tpu.wait_indirect_dma semaphore(%arg11 : memref<!tpu.dma_semaphore, #tpu.memory_space<semaphore_mem>>) src(%dma_wait3A_129 : memref<10000x128xf32, #tpu.memory_space<hbm>>) dst(%dma_wait3A_123 : memref<80x128xf32, #tpu.memory_space<vmem>>)
      %dma_start3A_130 = arith.constant 0 : i32
      %dma_start3A_131 = arith.constant 2 : i32
      %dma_start3A_132 = arith.constant 0 : i32
      %dma_start3A_133 = arith.constant 0 : i32
      %dma_start3A_134 = tpu.memref_slice %arg9[%dma_start3A_130, %dma_start3A_132, %dma_start3A_133] : memref<2x80x128xf32, #tpu.memory_space<vmem>> -> memref<1x80x128xf32, #tpu.memory_space<vmem>>
      %dma_start3A_135 = tpu.memref_squeeze %dma_start3A_134 : memref<1x80x128xf32, #tpu.memory_space<vmem>> -> memref<80x128xf32, #tpu.memory_space<vmem>>
      %dma_start3A_136 = arith.constant 0 : i32
      %dma_start3A_137 = tpu.memref_slice %arg7[%dma_start3A_131, %dma_start3A_136] : memref<5x80xi32, #tpu.memory_space<vmem>> -> memref<1x80xi32, #tpu.memory_space<vmem>>
      %dma_start3A_138 = tpu.memref_squeeze %dma_start3A_137 : memref<1x80xi32, #tpu.memory_space<vmem>> -> memref<80xi32, #tpu.memory_space<vmem>>
      %dma_start3A_139 = arith.constant 0 : i32
      %dma_start3A_140 = arith.constant 0 : i32
      %dma_start3A_141 = tpu.memref_slice %arg10[%dma_start3A_139, %dma_start3A_140] : memref<10240x128xf32, #tpu.memory_space<vmem_shared>> -> memref<10240x128xf32, #tpu.memory_space<vmem_shared>>
      tpu.enqueue_indirect_dma source(%dma_start3A_135 : memref<80x128xf32, #tpu.memory_space<vmem>>) target(%dma_start3A_141 : memref<10240x128xf32, #tpu.memory_space<vmem_shared>>) offsets(%dma_start3A_138 : memref<80xi32, #tpu.memory_space<vmem>>) semaphore(%arg12 : memref<!tpu.dma_semaphore, #tpu.memory_space<semaphore_mem>>) {add = true}
      %dma_wait3A_142 = arith.constant 1 : i32
      %dma_wait3A_143 = arith.constant 1 : i32
      %dma_wait3A_144 = arith.constant 0 : i32
      %dma_wait3A_145 = arith.constant 0 : i32
      %dma_wait3A_146 = tpu.memref_slice %arg9[%dma_wait3A_142, %dma_wait3A_144, %dma_wait3A_145] : memref<2x80x128xf32, #tpu.memory_space<vmem>> -> memref<1x80x128xf32, #tpu.memory_space<vmem>>
      %dma_wait3A_147 = tpu.memref_squeeze %dma_wait3A_146 : memref<1x80x128xf32, #tpu.memory_space<vmem>> -> memref<80x128xf32, #tpu.memory_space<vmem>>
      %dma_wait3A_148 = arith.constant 0 : i32
      %dma_wait3A_149 = tpu.memref_slice %arg7[%dma_wait3A_143, %dma_wait3A_148] : memref<5x80xi32, #tpu.memory_space<vmem>> -> memref<1x80xi32, #tpu.memory_space<vmem>>
      %dma_wait3A_150 = tpu.memref_squeeze %dma_wait3A_149 : memref<1x80xi32, #tpu.memory_space<vmem>> -> memref<80xi32, #tpu.memory_space<vmem>>
      %dma_wait3A_151 = arith.constant 0 : i32
      %dma_wait3A_152 = arith.constant 0 : i32
      %dma_wait3A_153 = tpu.memref_slice %arg10[%dma_wait3A_151, %dma_wait3A_152] : memref<10240x128xf32, #tpu.memory_space<vmem_shared>> -> memref<10240x128xf32, #tpu.memory_space<vmem_shared>>
      tpu.wait_indirect_dma semaphore(%arg12 : memref<!tpu.dma_semaphore, #tpu.memory_space<semaphore_mem>>) src(%dma_wait3A_147 : memref<80x128xf32, #tpu.memory_space<vmem>>) dst(%dma_wait3A_153 : memref<10240x128xf32, #tpu.memory_space<vmem_shared>>)
      %dma_start3A_154 = arith.constant 3 : i32
      %dma_start3A_155 = arith.constant 1 : i32
      %dma_start3A_156 = arith.constant 0 : i32
      %dma_start3A_157 = arith.constant 0 : i32
      %dma_start3A_158 = tpu.memref_slice %arg9[%dma_start3A_155, %dma_start3A_156, %dma_start3A_157] : memref<2x80x128xf32, #tpu.memory_space<vmem>> -> memref<1x80x128xf32, #tpu.memory_space<vmem>>
      %dma_start3A_159 = tpu.memref_squeeze %dma_start3A_158 : memref<1x80x128xf32, #tpu.memory_space<vmem>> -> memref<80x128xf32, #tpu.memory_space<vmem>>
      %dma_start3A_160 = arith.constant 0 : i32
      %dma_start3A_161 = tpu.memref_slice %arg6[%dma_start3A_154, %dma_start3A_160] : memref<5x80xi32, #tpu.memory_space<vmem>> -> memref<1x80xi32, #tpu.memory_space<vmem>>
      %dma_start3A_162 = tpu.memref_squeeze %dma_start3A_161 : memref<1x80xi32, #tpu.memory_space<vmem>> -> memref<80xi32, #tpu.memory_space<vmem>>
      %dma_start3A_163 = arith.constant 0 : i32
      %dma_start3A_164 = arith.constant 0 : i32
      %dma_start3A_165 = tpu.memref_slice %arg2[%dma_start3A_163, %dma_start3A_164] : memref<10000x128xf32, #tpu.memory_space<hbm>> -> memref<10000x128xf32, #tpu.memory_space<hbm>>
      tpu.enqueue_indirect_dma source(%dma_start3A_165 : memref<10000x128xf32, #tpu.memory_space<hbm>>) target(%dma_start3A_159 : memref<80x128xf32, #tpu.memory_space<vmem>>) offsets(%dma_start3A_162 : memref<80xi32, #tpu.memory_space<vmem>>) semaphore(%arg11 : memref<!tpu.dma_semaphore, #tpu.memory_space<semaphore_mem>>)
      %dma_wait3A_166 = arith.constant 3 : i32
      %dma_wait3A_167 = arith.constant 1 : i32
      %dma_wait3A_168 = arith.constant 0 : i32
      %dma_wait3A_169 = arith.constant 0 : i32
      %dma_wait3A_170 = tpu.memref_slice %arg9[%dma_wait3A_167, %dma_wait3A_168, %dma_wait3A_169] : memref<2x80x128xf32, #tpu.memory_space<vmem>> -> memref<1x80x128xf32, #tpu.memory_space<vmem>>
      %dma_wait3A_171 = tpu.memref_squeeze %dma_wait3A_170 : memref<1x80x128xf32, #tpu.memory_space<vmem>> -> memref<80x128xf32, #tpu.memory_space<vmem>>
      %dma_wait3A_172 = arith.constant 0 : i32
      %dma_wait3A_173 = tpu.memref_slice %arg6[%dma_wait3A_166, %dma_wait3A_172] : memref<5x80xi32, #tpu.memory_space<vmem>> -> memref<1x80xi32, #tpu.memory_space<vmem>>
      %dma_wait3A_174 = tpu.memref_squeeze %dma_wait3A_173 : memref<1x80xi32, #tpu.memory_space<vmem>> -> memref<80xi32, #tpu.memory_space<vmem>>
      %dma_wait3A_175 = arith.constant 0 : i32
      %dma_wait3A_176 = arith.constant 0 : i32
      %dma_wait3A_177 = tpu.memref_slice %arg2[%dma_wait3A_175, %dma_wait3A_176] : memref<10000x128xf32, #tpu.memory_space<hbm>> -> memref<10000x128xf32, #tpu.memory_space<hbm>>
      tpu.wait_indirect_dma semaphore(%arg11 : memref<!tpu.dma_semaphore, #tpu.memory_space<semaphore_mem>>) src(%dma_wait3A_177 : memref<10000x128xf32, #tpu.memory_space<hbm>>) dst(%dma_wait3A_171 : memref<80x128xf32, #tpu.memory_space<vmem>>)
      %dma_start3A_178 = arith.constant 1 : i32
      %dma_start3A_179 = arith.constant 3 : i32
      %dma_start3A_180 = arith.constant 0 : i32
      %dma_start3A_181 = arith.constant 0 : i32
      %dma_start3A_182 = tpu.memref_slice %arg9[%dma_start3A_178, %dma_start3A_180, %dma_start3A_181] : memref<2x80x128xf32, #tpu.memory_space<vmem>> -> memref<1x80x128xf32, #tpu.memory_space<vmem>>
      %dma_start3A_183 = tpu.memref_squeeze %dma_start3A_182 : memref<1x80x128xf32, #tpu.memory_space<vmem>> -> memref<80x128xf32, #tpu.memory_space<vmem>>
      %dma_start3A_184 = arith.constant 0 : i32
      %dma_start3A_185 = tpu.memref_slice %arg7[%dma_start3A_179, %dma_start3A_184] : memref<5x80xi32, #tpu.memory_space<vmem>> -> memref<1x80xi32, #tpu.memory_space<vmem>>
      %dma_start3A_186 = tpu.memref_squeeze %dma_start3A_185 : memref<1x80xi32, #tpu.memory_space<vmem>> -> memref<80xi32, #tpu.memory_space<vmem>>
      %dma_start3A_187 = arith.constant 0 : i32
      %dma_start3A_188 = arith.constant 0 : i32
      %dma_start3A_189 = tpu.memref_slice %arg10[%dma_start3A_187, %dma_start3A_188] : memref<10240x128xf32, #tpu.memory_space<vmem_shared>> -> memref<10240x128xf32, #tpu.memory_space<vmem_shared>>
      tpu.enqueue_indirect_dma source(%dma_start3A_183 : memref<80x128xf32, #tpu.memory_space<vmem>>) target(%dma_start3A_189 : memref<10240x128xf32, #tpu.memory_space<vmem_shared>>) offsets(%dma_start3A_186 : memref<80xi32, #tpu.memory_space<vmem>>) semaphore(%arg12 : memref<!tpu.dma_semaphore, #tpu.memory_space<semaphore_mem>>) {add = true}
      %dma_wait3A_190 = arith.constant 0 : i32
      %dma_wait3A_191 = arith.constant 2 : i32
      %dma_wait3A_192 = arith.constant 0 : i32
      %dma_wait3A_193 = arith.constant 0 : i32
      %dma_wait3A_194 = tpu.memref_slice %arg9[%dma_wait3A_190, %dma_wait3A_192, %dma_wait3A_193] : memref<2x80x128xf32, #tpu.memory_space<vmem>> -> memref<1x80x128xf32, #tpu.memory_space<vmem>>
      %dma_wait3A_195 = tpu.memref_squeeze %dma_wait3A_194 : memref<1x80x128xf32, #tpu.memory_space<vmem>> -> memref<80x128xf32, #tpu.memory_space<vmem>>
      %dma_wait3A_196 = arith.constant 0 : i32
      %dma_wait3A_197 = tpu.memref_slice %arg7[%dma_wait3A_191, %dma_wait3A_196] : memref<5x80xi32, #tpu.memory_space<vmem>> -> memref<1x80xi32, #tpu.memory_space<vmem>>
      %dma_wait3A_198 = tpu.memref_squeeze %dma_wait3A_197 : memref<1x80xi32, #tpu.memory_space<vmem>> -> memref<80xi32, #tpu.memory_space<vmem>>
      %dma_wait3A_199 = arith.constant 0 : i32
      %dma_wait3A_200 = arith.constant 0 : i32
      %dma_wait3A_201 = tpu.memref_slice %arg10[%dma_wait3A_199, %dma_wait3A_200] : memref<10240x128xf32, #tpu.memory_space<vmem_shared>> -> memref<10240x128xf32, #tpu.memory_space<vmem_shared>>
      tpu.wait_indirect_dma semaphore(%arg12 : memref<!tpu.dma_semaphore, #tpu.memory_space<semaphore_mem>>) src(%dma_wait3A_195 : memref<80x128xf32, #tpu.memory_space<vmem>>) dst(%dma_wait3A_201 : memref<10240x128xf32, #tpu.memory_space<vmem_shared>>)
      %dma_start3A_202 = arith.constant 4 : i32
      %dma_start3A_203 = arith.constant 0 : i32
      %dma_start3A_204 = arith.constant 0 : i32
      %dma_start3A_205 = arith.constant 0 : i32
      %dma_start3A_206 = tpu.memref_slice %arg9[%dma_start3A_203, %dma_start3A_204, %dma_start3A_205] : memref<2x80x128xf32, #tpu.memory_space<vmem>> -> memref<1x80x128xf32, #tpu.memory_space<vmem>>
      %dma_start3A_207 = tpu.memref_squeeze %dma_start3A_206 : memref<1x80x128xf32, #tpu.memory_space<vmem>> -> memref<80x128xf32, #tpu.memory_space<vmem>>
      %dma_start3A_208 = arith.constant 0 : i32
      %dma_start3A_209 = tpu.memref_slice %arg6[%dma_start3A_202, %dma_start3A_208] : memref<5x80xi32, #tpu.memory_space<vmem>> -> memref<1x80xi32, #tpu.memory_space<vmem>>
      %dma_start3A_210 = tpu.memref_squeeze %dma_start3A_209 : memref<1x80xi32, #tpu.memory_space<vmem>> -> memref<80xi32, #tpu.memory_space<vmem>>
      %dma_start3A_211 = arith.constant 0 : i32
      %dma_start3A_212 = arith.constant 0 : i32
      %dma_start3A_213 = tpu.memref_slice %arg2[%dma_start3A_211, %dma_start3A_212] : memref<10000x128xf32, #tpu.memory_space<hbm>> -> memref<10000x128xf32, #tpu.memory_space<hbm>>
      tpu.enqueue_indirect_dma source(%dma_start3A_213 : memref<10000x128xf32, #tpu.memory_space<hbm>>) target(%dma_start3A_207 : memref<80x128xf32, #tpu.memory_space<vmem>>) offsets(%dma_start3A_210 : memref<80xi32, #tpu.memory_space<vmem>>) semaphore(%arg11 : memref<!tpu.dma_semaphore, #tpu.memory_space<semaphore_mem>>)
      %dma_wait3A_214 = arith.constant 4 : i32
      %dma_wait3A_215 = arith.constant 0 : i32
      %dma_wait3A_216 = arith.constant 0 : i32
      %dma_wait3A_217 = arith.constant 0 : i32
      %dma_wait3A_218 = tpu.memref_slice %arg9[%dma_wait3A_215, %dma_wait3A_216, %dma_wait3A_217] : memref<2x80x128xf32, #tpu.memory_space<vmem>> -> memref<1x80x128xf32, #tpu.memory_space<vmem>>
      %dma_wait3A_219 = tpu.memref_squeeze %dma_wait3A_218 : memref<1x80x128xf32, #tpu.memory_space<vmem>> -> memref<80x128xf32, #tpu.memory_space<vmem>>
      %dma_wait3A_220 = arith.constant 0 : i32
      %dma_wait3A_221 = tpu.memref_slice %arg6[%dma_wait3A_214, %dma_wait3A_220] : memref<5x80xi32, #tpu.memory_space<vmem>> -> memref<1x80xi32, #tpu.memory_space<vmem>>
      %dma_wait3A_222 = tpu.memref_squeeze %dma_wait3A_221 : memref<1x80xi32, #tpu.memory_space<vmem>> -> memref<80xi32, #tpu.memory_space<vmem>>
      %dma_wait3A_223 = arith.constant 0 : i32
      %dma_wait3A_224 = arith.constant 0 : i32
      %dma_wait3A_225 = tpu.memref_slice %arg2[%dma_wait3A_223, %dma_wait3A_224] : memref<10000x128xf32, #tpu.memory_space<hbm>> -> memref<10000x128xf32, #tpu.memory_space<hbm>>
      tpu.wait_indirect_dma semaphore(%arg11 : memref<!tpu.dma_semaphore, #tpu.memory_space<semaphore_mem>>) src(%dma_wait3A_225 : memref<10000x128xf32, #tpu.memory_space<hbm>>) dst(%dma_wait3A_219 : memref<80x128xf32, #tpu.memory_space<vmem>>)
      %dma_start3A_226 = arith.constant 0 : i32
      %dma_start3A_227 = arith.constant 4 : i32
      %dma_start3A_228 = arith.constant 0 : i32
      %dma_start3A_229 = arith.constant 0 : i32
      %dma_start3A_230 = tpu.memref_slice %arg9[%dma_start3A_226, %dma_start3A_228, %dma_start3A_229] : memref<2x80x128xf32, #tpu.memory_space<vmem>> -> memref<1x80x128xf32, #tpu.memory_space<vmem>>
      %dma_start3A_231 = tpu.memref_squeeze %dma_start3A_230 : memref<1x80x128xf32, #tpu.memory_space<vmem>> -> memref<80x128xf32, #tpu.memory_space<vmem>>
      %dma_start3A_232 = arith.constant 0 : i32
      %dma_start3A_233 = tpu.memref_slice %arg7[%dma_start3A_227, %dma_start3A_232] : memref<5x80xi32, #tpu.memory_space<vmem>> -> memref<1x80xi32, #tpu.memory_space<vmem>>
      %dma_start3A_234 = tpu.memref_squeeze %dma_start3A_233 : memref<1x80xi32, #tpu.memory_space<vmem>> -> memref<80xi32, #tpu.memory_space<vmem>>
      %dma_start3A_235 = arith.constant 0 : i32
      %dma_start3A_236 = arith.constant 0 : i32
      %dma_start3A_237 = tpu.memref_slice %arg10[%dma_start3A_235, %dma_start3A_236] : memref<10240x128xf32, #tpu.memory_space<vmem_shared>> -> memref<10240x128xf32, #tpu.memory_space<vmem_shared>>
      tpu.enqueue_indirect_dma source(%dma_start3A_231 : memref<80x128xf32, #tpu.memory_space<vmem>>) target(%dma_start3A_237 : memref<10240x128xf32, #tpu.memory_space<vmem_shared>>) offsets(%dma_start3A_234 : memref<80xi32, #tpu.memory_space<vmem>>) semaphore(%arg12 : memref<!tpu.dma_semaphore, #tpu.memory_space<semaphore_mem>>) {add = true}
      %dma_wait3A_238 = arith.constant 0 : i32
      %dma_wait3A_239 = arith.constant 4 : i32
      %dma_wait3A_240 = arith.constant 0 : i32
      %dma_wait3A_241 = arith.constant 0 : i32
      %dma_wait3A_242 = tpu.memref_slice %arg9[%dma_wait3A_238, %dma_wait3A_240, %dma_wait3A_241] : memref<2x80x128xf32, #tpu.memory_space<vmem>> -> memref<1x80x128xf32, #tpu.memory_space<vmem>>
      %dma_wait3A_243 = tpu.memref_squeeze %dma_wait3A_242 : memref<1x80x128xf32, #tpu.memory_space<vmem>> -> memref<80x128xf32, #tpu.memory_space<vmem>>
      %dma_wait3A_244 = arith.constant 0 : i32
      %dma_wait3A_245 = tpu.memref_slice %arg7[%dma_wait3A_239, %dma_wait3A_244] : memref<5x80xi32, #tpu.memory_space<vmem>> -> memref<1x80xi32, #tpu.memory_space<vmem>>
      %dma_wait3A_246 = tpu.memref_squeeze %dma_wait3A_245 : memref<1x80xi32, #tpu.memory_space<vmem>> -> memref<80xi32, #tpu.memory_space<vmem>>
      %dma_wait3A_247 = arith.constant 0 : i32
      %dma_wait3A_248 = arith.constant 0 : i32
      %dma_wait3A_249 = tpu.memref_slice %arg10[%dma_wait3A_247, %dma_wait3A_248] : memref<10240x128xf32, #tpu.memory_space<vmem_shared>> -> memref<10240x128xf32, #tpu.memory_space<vmem_shared>>
      tpu.wait_indirect_dma semaphore(%arg12 : memref<!tpu.dma_semaphore, #tpu.memory_space<semaphore_mem>>) src(%dma_wait3A_243 : memref<80x128xf32, #tpu.memory_space<vmem>>) dst(%dma_wait3A_249 : memref<10240x128xf32, #tpu.memory_space<vmem_shared>>)
    }
    %scan3A_17 = arith.constant 25 : i32
    %barrier3A_18 = arith.constant 0 : index
    tpu.barrier barrier_id(%barrier3A_18)
    "tpu.region"() ({
      %run_scoped3A = tpu.sem_alloc : memref<!tpu.dma_semaphore, #tpu.memory_space<semaphore_mem>>
      %dma_start3A = arith.constant 0 : i32
      %dma_start3A_19 = tpu.memref_slice %arg5[%arg0, %mul3A_7, %dma_start3A] : memref<2x10240x128xf32, #tpu.memory_space<hbm>> -> memref<1x640x128xf32, #tpu.memory_space<hbm>>
      %dma_start3A_20 = tpu.memref_squeeze %dma_start3A_19 : memref<1x640x128xf32, #tpu.memory_space<hbm>> -> memref<640x128xf32, #tpu.memory_space<hbm>>
      %dma_start3A_21 = arith.constant 0 : i32
      %dma_start3A_22 = tpu.memref_slice %arg10[%mul3A_7, %dma_start3A_21] : memref<10240x128xf32, #tpu.memory_space<vmem_shared>> -> memref<640x128xf32, #tpu.memory_space<vmem_shared>>
      tpu.enqueue_dma source(%dma_start3A_22 : memref<640x128xf32, #tpu.memory_space<vmem_shared>>) target(%dma_start3A_20 : memref<640x128xf32, #tpu.memory_space<hbm>>) target_semaphore(%run_scoped3A : memref<!tpu.dma_semaphore, #tpu.memory_space<semaphore_mem>>)
      %dma_wait3A = arith.constant 0 : i32
      %dma_wait3A_23 = tpu.memref_slice %arg5[%arg0, %mul3A_7, %dma_wait3A] : memref<2x10240x128xf32, #tpu.memory_space<hbm>> -> memref<1x640x128xf32, #tpu.memory_space<hbm>>
      %dma_wait3A_24 = tpu.memref_squeeze %dma_wait3A_23 : memref<1x640x128xf32, #tpu.memory_space<hbm>> -> memref<640x128xf32, #tpu.memory_space<hbm>>
      %dma_wait3A_25 = arith.constant 0 : i32
      %dma_wait3A_26 = tpu.memref_slice %arg10[%mul3A_7, %dma_wait3A_25] : memref<10240x128xf32, #tpu.memory_space<vmem_shared>> -> memref<640x128xf32, #tpu.memory_space<vmem_shared>>
      tpu.wait_dma2 semaphore(%run_scoped3A : memref<!tpu.dma_semaphore, #tpu.memory_space<semaphore_mem>>) src(%dma_wait3A_26 : memref<640x128xf32, #tpu.memory_space<vmem_shared>>) dst(%dma_wait3A_24 : memref<640x128xf32, #tpu.memory_space<hbm>>)
      tpu.yield
    }) : () -> ()
    return
  }
}

module attributes {stable_mosaic.version = 14 : i64} {
  func.func @_mlp_body_edge(%arg0: i32, %arg1: memref<1000x128xf32, #tpu.memory_space<vmem>>, %arg2: memref<2x1000x128xf32, #tpu.memory_space<vmem>>, %arg3: memref<128x256xf32, #tpu.memory_space<vmem>>, %arg4: memref<1x256xf32, #tpu.memory_space<vmem>>, %arg5: memref<256x256xf32, #tpu.memory_space<vmem>>, %arg6: memref<1x256xf32, #tpu.memory_space<vmem>>, %arg7: memref<1000x256xf32, #tpu.memory_space<vmem>>) attributes {dimension_semantics = [#tpu.dimension_semantics<arbitrary>], iteration_bounds = array<i64: 10>, scalar_prefetch = 0 : i64, scratch_operands = 0 : i64, tpu.core_type = #tpu.core_type<tc>, window_params = [{transform_indices = @transform_0, window_bounds = array<i64: 1000, 128>}, {transform_indices = @transform_1, window_bounds = array<i64: 2, 1000, 128>}, {pipeline_mode = #tpu.pipeline_mode<synchronous>, transform_indices = @transform_2, window_bounds = array<i64: 128, 256>}, {pipeline_mode = #tpu.pipeline_mode<synchronous>, transform_indices = @transform_3, window_bounds = array<i64: 1, 256>}, {pipeline_mode = #tpu.pipeline_mode<synchronous>, transform_indices = @transform_4, window_bounds = array<i64: 256, 256>}, {pipeline_mode = #tpu.pipeline_mode<synchronous>, transform_indices = @transform_5, window_bounds = array<i64: 1, 256>}, {transform_indices = @transform_6, window_bounds = array<i64: 1000, 256>}]} {
    %get3A = arith.constant 0 : index
    %get3A_0 = arith.constant 0 : index
    %get3A_1 = vector.load %arg1[%get3A, %get3A_0] : memref<1000x128xf32, #tpu.memory_space<vmem>>, vector<1000x128xf32>
    %get3A_2 = arith.constant 0 : index
    %get3A_3 = arith.constant 0 : index
    %get3A_4 = arith.constant 0 : index
    %get3A_5 = vector.load %arg2[%get3A_2, %get3A_3, %get3A_4] : memref<2x1000x128xf32, #tpu.memory_space<vmem>>, vector<1x1000x128xf32>
    %get3A_6 = vector.shape_cast %get3A_5 : vector<1x1000x128xf32> to vector<1000x128xf32>
    %add3A = arith.addf %get3A_1, %get3A_6 : vector<1000x128xf32>
    %get3A_7 = arith.constant 1 : index
    %get3A_8 = arith.constant 0 : index
    %get3A_9 = arith.constant 0 : index
    %get3A_10 = vector.load %arg2[%get3A_7, %get3A_8, %get3A_9] : memref<2x1000x128xf32, #tpu.memory_space<vmem>>, vector<1x1000x128xf32>
    %get3A_11 = vector.shape_cast %get3A_10 : vector<1x1000x128xf32> to vector<1000x128xf32>
    %add3A_12 = arith.addf %add3A, %get3A_11 : vector<1000x128xf32>
    %get3A_13 = arith.constant 0 : index
    %get3A_14 = arith.constant 0 : index
    %get3A_15 = vector.load %arg3[%get3A_13, %get3A_14] : memref<128x256xf32, #tpu.memory_space<vmem>>, vector<128x256xf32>
    %dot_general3A = arith.constant dense<0.000000e+00> : vector<1000x256xf32>
    %dot_general3A_16 = tpu.matmul %add3A_12, %get3A_15, %dot_general3A {dimension_numbers = #tpu.dot_dimension_numbers<[1], [0], [0], [1], [0, 0, 1, 1], [], []>, transpose_lhs_hint = false} : vector<1000x128xf32>, vector<128x256xf32>, vector<1000x256xf32> -> vector<1000x256xf32>
    %get3A_17 = arith.constant 0 : index
    %get3A_18 = arith.constant 0 : index
    %get3A_19 = vector.load %arg4[%get3A_17, %get3A_18] : memref<1x256xf32, #tpu.memory_space<vmem>>, vector<1x256xf32>
    %add3A_20 = vector.broadcast %get3A_19 : vector<1x256xf32> to vector<1000x256xf32>
    %add3A_21 = arith.addf %dot_general3A_16, %add3A_20 : vector<1000x256xf32>
    %max3A = arith.constant 0.000000e+00 : f32
    %max3A_22 = vector.broadcast %max3A : f32 to vector<1000x256xf32>
    %max3A_23 = arith.maximumf %add3A_21, %max3A_22 : vector<1000x256xf32>
    %get3A_24 = arith.constant 0 : index
    %get3A_25 = arith.constant 0 : index
    %get3A_26 = vector.load %arg5[%get3A_24, %get3A_25] : memref<256x256xf32, #tpu.memory_space<vmem>>, vector<256x256xf32>
    %dot_general3A_27 = arith.constant dense<0.000000e+00> : vector<1000x256xf32>
    %dot_general3A_28 = tpu.matmul %max3A_23, %get3A_26, %dot_general3A_27 {dimension_numbers = #tpu.dot_dimension_numbers<[1], [0], [0], [1], [0, 0, 1, 1], [], []>, transpose_lhs_hint = false} : vector<1000x256xf32>, vector<256x256xf32>, vector<1000x256xf32> -> vector<1000x256xf32>
    %get3A_29 = arith.constant 0 : index
    %get3A_30 = arith.constant 0 : index
    %get3A_31 = vector.load %arg6[%get3A_29, %get3A_30] : memref<1x256xf32, #tpu.memory_space<vmem>>, vector<1x256xf32>
    %add3A_32 = vector.broadcast %get3A_31 : vector<1x256xf32> to vector<1000x256xf32>
    %add3A_33 = arith.addf %dot_general3A_28, %add3A_32 : vector<1000x256xf32>
    %max3A_34 = arith.constant 0.000000e+00 : f32
    %max3A_35 = vector.broadcast %max3A_34 : f32 to vector<1000x256xf32>
    %max3A_36 = arith.maximumf %add3A_33, %max3A_35 : vector<1000x256xf32>
    %swap3A = arith.constant 0 : index
    %swap3A_37 = arith.constant 0 : index
    %swap3A_38 = vector.load %arg7[%swap3A, %swap3A_37] : memref<1000x256xf32, #tpu.memory_space<vmem>>, vector<1000x256xf32>
    tpu.vector_store %arg7[%swap3A, %swap3A_37], %max3A_36 {strides = array<i32>} : memref<1000x256xf32, #tpu.memory_space<vmem>>, vector<1000x256xf32>,
    return
  }
  func.func @transform_0(%arg0: i32) -> (i32, i32) {
    %c0_i32 = arith.constant 0 : i32
    %c0_i32_0 = arith.constant 0 : i32
    return %arg0, %c0_i32 : i32, i32
  }
  func.func @transform_1(%arg0: i32) -> (i32, i32, i32) {
    %c0_i32 = arith.constant 0 : i32
    %c0_i32_0 = arith.constant 0 : i32
    %c0_i32_1 = arith.constant 0 : i32
    return %c0_i32, %arg0, %c0_i32_0 : i32, i32, i32
  }
  func.func @transform_2(%arg0: i32) -> (i32, i32) {
    %c0_i32 = arith.constant 0 : i32
    %c0_i32_0 = arith.constant 0 : i32
    %c0_i32_1 = arith.constant 0 : i32
    return %c0_i32, %c0_i32_0 : i32, i32
  }
  func.func @transform_3(%arg0: i32) -> (i32, i32) {
    %c0_i32 = arith.constant 0 : i32
    %c0_i32_0 = arith.constant 0 : i32
    %c0_i32_1 = arith.constant 0 : i32
    return %c0_i32, %c0_i32_0 : i32, i32
  }
  func.func @transform_4(%arg0: i32) -> (i32, i32) {
    %c0_i32 = arith.constant 0 : i32
    %c0_i32_0 = arith.constant 0 : i32
    %c0_i32_1 = arith.constant 0 : i32
    return %c0_i32, %c0_i32_0 : i32, i32
  }
  func.func @transform_5(%arg0: i32) -> (i32, i32) {
    %c0_i32 = arith.constant 0 : i32
    %c0_i32_0 = arith.constant 0 : i32
    %c0_i32_1 = arith.constant 0 : i32
    return %c0_i32, %c0_i32_0 : i32, i32
  }
  func.func @transform_6(%arg0: i32) -> (i32, i32) {
    %c0_i32 = arith.constant 0 : i32
    %c0_i32_0 = arith.constant 0 : i32
    return %arg0, %c0_i32 : i32, i32
  }
}

module attributes {stable_mosaic.version = 14 : i64} {
  func.func @_mlp_body_col(%arg0: i32, %arg1: memref<1000x256xf32, #tpu.memory_space<vmem>>, %arg2: memref<2x1000x128xf32, #tpu.memory_space<vmem>>, %arg3: memref<256x256xf32, #tpu.memory_space<vmem>>, %arg4: memref<1x256xf32, #tpu.memory_space<vmem>>, %arg5: memref<256x256xf32, #tpu.memory_space<vmem>>, %arg6: memref<1x256xf32, #tpu.memory_space<vmem>>, %arg7: memref<1000x256xf32, #tpu.memory_space<vmem>>) attributes {dimension_semantics = [#tpu.dimension_semantics<arbitrary>], iteration_bounds = array<i64: 10>, scalar_prefetch = 0 : i64, scratch_operands = 0 : i64, tpu.core_type = #tpu.core_type<tc>, window_params = [{transform_indices = @transform_0, window_bounds = array<i64: 1000, 256>}, {transform_indices = @transform_1, window_bounds = array<i64: 2, 1000, 128>}, {pipeline_mode = #tpu.pipeline_mode<synchronous>, transform_indices = @transform_2, window_bounds = array<i64: 256, 256>}, {pipeline_mode = #tpu.pipeline_mode<synchronous>, transform_indices = @transform_3, window_bounds = array<i64: 1, 256>}, {pipeline_mode = #tpu.pipeline_mode<synchronous>, transform_indices = @transform_4, window_bounds = array<i64: 256, 256>}, {pipeline_mode = #tpu.pipeline_mode<synchronous>, transform_indices = @transform_5, window_bounds = array<i64: 1, 256>}, {transform_indices = @transform_6, window_bounds = array<i64: 1000, 256>}]} {
    %get3A = arith.constant 0 : index
    %get3A_0 = arith.constant 0 : index
    %get3A_1 = arith.constant 0 : index
    %get3A_2 = vector.load %arg2[%get3A, %get3A_0, %get3A_1] : memref<2x1000x128xf32, #tpu.memory_space<vmem>>, vector<1x1000x128xf32>
    %get3A_3 = vector.shape_cast %get3A_2 : vector<1x1000x128xf32> to vector<1000x128xf32>
    %get3A_4 = arith.constant 1 : index
    %get3A_5 = arith.constant 0 : index
    %get3A_6 = arith.constant 0 : index
    %get3A_7 = vector.load %arg2[%get3A_4, %get3A_5, %get3A_6] : memref<2x1000x128xf32, #tpu.memory_space<vmem>>, vector<1x1000x128xf32>
    %get3A_8 = vector.shape_cast %get3A_7 : vector<1x1000x128xf32> to vector<1000x128xf32>
    %concatenate3A = tpu.concatenate %get3A_3, %get3A_8 in 1 : vector<1000x128xf32>, vector<1000x128xf32> -> vector<1000x256xf32>
    %get3A_9 = arith.constant 0 : index
    %get3A_10 = arith.constant 0 : index
    %get3A_11 = vector.load %arg1[%get3A_9, %get3A_10] : memref<1000x256xf32, #tpu.memory_space<vmem>>, vector<1000x256xf32>
    %add3A = arith.addf %get3A_11, %concatenate3A : vector<1000x256xf32>
    %get3A_12 = arith.constant 0 : index
    %get3A_13 = arith.constant 0 : index
    %get3A_14 = vector.load %arg3[%get3A_12, %get3A_13] : memref<256x256xf32, #tpu.memory_space<vmem>>, vector<256x256xf32>
    %dot_general3A = arith.constant dense<0.000000e+00> : vector<1000x256xf32>
    %dot_general3A_15 = tpu.matmul %add3A, %get3A_14, %dot_general3A {dimension_numbers = #tpu.dot_dimension_numbers<[1], [0], [0], [1], [0, 0, 1, 1], [], []>, transpose_lhs_hint = false} : vector<1000x256xf32>, vector<256x256xf32>, vector<1000x256xf32> -> vector<1000x256xf32>
    %get3A_16 = arith.constant 0 : index
    %get3A_17 = arith.constant 0 : index
    %get3A_18 = vector.load %arg4[%get3A_16, %get3A_17] : memref<1x256xf32, #tpu.memory_space<vmem>>, vector<1x256xf32>
    %add3A_19 = vector.broadcast %get3A_18 : vector<1x256xf32> to vector<1000x256xf32>
    %add3A_20 = arith.addf %dot_general3A_15, %add3A_19 : vector<1000x256xf32>
    %max3A = arith.constant 0.000000e+00 : f32
    %max3A_21 = vector.broadcast %max3A : f32 to vector<1000x256xf32>
    %max3A_22 = arith.maximumf %add3A_20, %max3A_21 : vector<1000x256xf32>
    %get3A_23 = arith.constant 0 : index
    %get3A_24 = arith.constant 0 : index
    %get3A_25 = vector.load %arg5[%get3A_23, %get3A_24] : memref<256x256xf32, #tpu.memory_space<vmem>>, vector<256x256xf32>
    %dot_general3A_26 = arith.constant dense<0.000000e+00> : vector<1000x256xf32>
    %dot_general3A_27 = tpu.matmul %max3A_22, %get3A_25, %dot_general3A_26 {dimension_numbers = #tpu.dot_dimension_numbers<[1], [0], [0], [1], [0, 0, 1, 1], [], []>, transpose_lhs_hint = false} : vector<1000x256xf32>, vector<256x256xf32>, vector<1000x256xf32> -> vector<1000x256xf32>
    %get3A_28 = arith.constant 0 : index
    %get3A_29 = arith.constant 0 : index
    %get3A_30 = vector.load %arg6[%get3A_28, %get3A_29] : memref<1x256xf32, #tpu.memory_space<vmem>>, vector<1x256xf32>
    %add3A_31 = vector.broadcast %get3A_30 : vector<1x256xf32> to vector<1000x256xf32>
    %add3A_32 = arith.addf %dot_general3A_27, %add3A_31 : vector<1000x256xf32>
    %max3A_33 = arith.constant 0.000000e+00 : f32
    %max3A_34 = vector.broadcast %max3A_33 : f32 to vector<1000x256xf32>
    %max3A_35 = arith.maximumf %add3A_32, %max3A_34 : vector<1000x256xf32>
    %swap3A = arith.constant 0 : index
    %swap3A_36 = arith.constant 0 : index
    %swap3A_37 = vector.load %arg7[%swap3A, %swap3A_36] : memref<1000x256xf32, #tpu.memory_space<vmem>>, vector<1000x256xf32>
    tpu.vector_store %arg7[%swap3A, %swap3A_36], %max3A_35 {strides = array<i32>} : memref<1000x256xf32, #tpu.memory_space<vmem>>, vector<1000x256xf32>,
    return
  }
  func.func @transform_0(%arg0: i32) -> (i32, i32) {
    %c0_i32 = arith.constant 0 : i32
    %c0_i32_0 = arith.constant 0 : i32
    return %arg0, %c0_i32 : i32, i32
  }
  func.func @transform_1(%arg0: i32) -> (i32, i32, i32) {
    %c0_i32 = arith.constant 0 : i32
    %c0_i32_0 = arith.constant 0 : i32
    %c0_i32_1 = arith.constant 0 : i32
    return %c0_i32, %arg0, %c0_i32_0 : i32, i32, i32
  }
  func.func @transform_2(%arg0: i32) -> (i32, i32) {
    %c0_i32 = arith.constant 0 : i32
    %c0_i32_0 = arith.constant 0 : i32
    %c0_i32_1 = arith.constant 0 : i32
    return %c0_i32, %c0_i32_0 : i32, i32
  }
  func.func @transform_3(%arg0: i32) -> (i32, i32) {
    %c0_i32 = arith.constant 0 : i32
    %c0_i32_0 = arith.constant 0 : i32
    %c0_i32_1 = arith.constant 0 : i32
    return %c0_i32, %c0_i32_0 : i32, i32
  }
  func.func @transform_4(%arg0: i32) -> (i32, i32) {
    %c0_i32 = arith.constant 0 : i32
    %c0_i32_0 = arith.constant 0 : i32
    %c0_i32_1 = arith.constant 0 : i32
    return %c0_i32, %c0_i32_0 : i32, i32
  }
  func.func @transform_5(%arg0: i32) -> (i32, i32) {
    %c0_i32 = arith.constant 0 : i32
    %c0_i32_0 = arith.constant 0 : i32
    %c0_i32_1 = arith.constant 0 : i32
    return %c0_i32, %c0_i32_0 : i32, i32
  }
  func.func @transform_6(%arg0: i32) -> (i32, i32) {
    %c0_i32 = arith.constant 0 : i32
    %c0_i32_0 = arith.constant 0 : i32
    return %arg0, %c0_i32 : i32, i32
  }
}

module attributes {stable_mosaic.version = 14 : i64} {
  func.func @_pool_body(%arg0: i32, %arg1: memref<1x1x1000xi32, #tpu.memory_space<vmem>>, %arg2: memref<1000x256xf32, #tpu.memory_space<vmem>>, %arg3: memref<256x128xf32, #tpu.memory_space<vmem>>, %arg4: memref<1x128xf32, #tpu.memory_space<vmem>>, %arg5: memref<64x128xf32, #tpu.memory_space<vmem>>, %arg6: memref<64x256xf32, #tpu.memory_space<vmem>>, %arg7: memref<64x1xf32, #tpu.memory_space<vmem>>) attributes {dimension_semantics = [#tpu.dimension_semantics<arbitrary>], iteration_bounds = array<i64: 10>, scalar_prefetch = 0 : i64, scratch_operands = 2 : i64, tpu.core_type = #tpu.core_type<tc>, window_params = [{transform_indices = @transform_0, window_bounds = array<i64: 1, 1, 1000>}, {transform_indices = @transform_1, window_bounds = array<i64: 1000, 256>}, {pipeline_mode = #tpu.pipeline_mode<synchronous>, transform_indices = @transform_2, window_bounds = array<i64: 256, 128>}, {pipeline_mode = #tpu.pipeline_mode<synchronous>, transform_indices = @transform_3, window_bounds = array<i64: 1, 128>}, {pipeline_mode = #tpu.pipeline_mode<synchronous>, transform_indices = @transform_4, window_bounds = array<i64: 64, 128>}]} {
    %eq3A = arith.constant 0 : i32
    %eq3A_0 = arith.cmpi eq, %arg0, %eq3A : i32
    %convert_element_type3A = arith.extui %eq3A_0 : i1 to i32
    %cond3A = arith.constant 0 : i32
    %cond3A_1 = arith.cmpi ne, %convert_element_type3A, %cond3A : i32
    scf.if %cond3A_1 {
      %broadcast_in_dim3A_32 = arith.constant 0.000000e+00 : f32
      %broadcast_in_dim3A_33 = vector.broadcast %broadcast_in_dim3A_32 : f32 to vector<64x256xf32>
      %swap3A_34 = arith.constant 0 : index
      %swap3A_35 = arith.constant 0 : index
      %swap3A_36 = vector.load %arg6[%swap3A_34, %swap3A_35] : memref<64x256xf32, #tpu.memory_space<vmem>>, vector<64x256xf32>
      tpu.vector_store %arg6[%swap3A_34, %swap3A_35], %broadcast_in_dim3A_33 {strides = array<i32>} : memref<64x256xf32, #tpu.memory_space<vmem>>, vector<64x256xf32>,
      %broadcast_in_dim3A_37 = arith.constant 0.000000e+00 : f32
      %broadcast_in_dim3A_38 = vector.broadcast %broadcast_in_dim3A_37 : f32 to vector<64x1xf32>
      %swap3A_39 = arith.constant 0 : index
      %swap3A_40 = arith.constant 0 : index
      %swap3A_41 = vector.load %arg7[%swap3A_39, %swap3A_40] : memref<64x1xf32, #tpu.memory_space<vmem>>, vector<64x1xf32>
      tpu.vector_store %arg7[%swap3A_39, %swap3A_40], %broadcast_in_dim3A_38 {strides = array<i32>} : memref<64x1xf32, #tpu.memory_space<vmem>>, vector<64x1xf32>,
    } else {
    }
    %get3A = arith.constant 0 : index
    %get3A_2 = arith.constant 0 : index
    %get3A_3 = arith.constant 0 : index
    %get3A_4 = vector.load %arg1[%get3A, %get3A_2, %get3A_3] : memref<1x1x1000xi32, #tpu.memory_space<vmem>>, vector<1x1x1000xi32>
    %get3A_5 = vector.shape_cast %get3A_4 : vector<1x1x1000xi32> to vector<1x1000xi32>
    %iota3A = tpu.iota {dimensions = array<i32: 0>} : vector<64x1000xi32>
    %eq3A_6 = vector.broadcast %get3A_5 : vector<1x1000xi32> to vector<64x1000xi32>
    %eq3A_7 = arith.cmpi eq, %eq3A_6, %iota3A : vector<64x1000xi32>
    %convert_element_type3A_8 = arith.extui %eq3A_7 : vector<64x1000xi1> to vector<64x1000xi32>
    %convert_element_type3A_9 = arith.sitofp %convert_element_type3A_8 : vector<64x1000xi32> to vector<64x1000xf32>
    %get3A_10 = arith.constant 0 : index
    %get3A_11 = arith.constant 0 : index
    %get3A_12 = vector.load %arg6[%get3A_10, %get3A_11] : memref<64x256xf32, #tpu.memory_space<vmem>>, vector<64x256xf32>
    %get3A_13 = arith.constant 0 : index
    %get3A_14 = arith.constant 0 : index
    %get3A_15 = vector.load %arg2[%get3A_13, %get3A_14] : memref<1000x256xf32, #tpu.memory_space<vmem>>, vector<1000x256xf32>
    %dot_general3A = arith.constant dense<0.000000e+00> : vector<64x256xf32>
    %dot_general3A_16 = tpu.matmul %convert_element_type3A_9, %get3A_15, %dot_general3A {dimension_numbers = #tpu.dot_dimension_numbers<[1], [0], [0], [1], [0, 0, 1, 1], [], []>, transpose_lhs_hint = false} : vector<64x1000xf32>, vector<1000x256xf32>, vector<64x256xf32> -> vector<64x256xf32>
    %add3A = arith.addf %get3A_12, %dot_general3A_16 : vector<64x256xf32>
    %swap3A = arith.constant 0 : index
    %swap3A_17 = arith.constant 0 : index
    %swap3A_18 = vector.load %arg6[%swap3A, %swap3A_17] : memref<64x256xf32, #tpu.memory_space<vmem>>, vector<64x256xf32>
    tpu.vector_store %arg6[%swap3A, %swap3A_17], %add3A {strides = array<i32>} : memref<64x256xf32, #tpu.memory_space<vmem>>, vector<64x256xf32>,
    %get3A_19 = arith.constant 0 : index
    %get3A_20 = arith.constant 0 : index
    %get3A_21 = vector.load %arg7[%get3A_19, %get3A_20] : memref<64x1xf32, #tpu.memory_space<vmem>>, vector<64x1xf32>
    %reduce_sum3A = arith.constant dense<0.000000e+00> : vector<64xf32>
    %reduce_sum3A_22 = vector.multi_reduction <add>, %convert_element_type3A_9, %reduce_sum3A [1] : vector<64x1000xf32> to vector<64xf32>
    %broadcast_in_dim3A = vector.shape_cast %reduce_sum3A_22 : vector<64xf32> to vector<64x1xf32>
    %add3A_23 = arith.addf %get3A_21, %broadcast_in_dim3A : vector<64x1xf32>
    %swap3A_24 = arith.constant 0 : index
    %swap3A_25 = arith.constant 0 : index
    %swap3A_26 = vector.load %arg7[%swap3A_24, %swap3A_25] : memref<64x1xf32, #tpu.memory_space<vmem>>, vector<64x1xf32>
    tpu.vector_store %arg7[%swap3A_24, %swap3A_25], %add3A_23 {strides = array<i32>} : memref<64x1xf32, #tpu.memory_space<vmem>>, vector<64x1xf32>,
    %eq3A_27 = arith.constant 9 : i32
    %eq3A_28 = arith.cmpi eq, %arg0, %eq3A_27 : i32
    %convert_element_type3A_29 = arith.extui %eq3A_28 : i1 to i32
    %cond3A_30 = arith.constant 0 : i32
    %cond3A_31 = arith.cmpi ne, %convert_element_type3A_29, %cond3A_30 : i32
    scf.if %cond3A_31 {
      %get3A_32 = arith.constant 0 : index
      %get3A_33 = arith.constant 0 : index
      %get3A_34 = vector.load %arg6[%get3A_32, %get3A_33] : memref<64x256xf32, #tpu.memory_space<vmem>>, vector<64x256xf32>
      %get3A_35 = arith.constant 0 : index
      %get3A_36 = arith.constant 0 : index
      %get3A_37 = vector.load %arg7[%get3A_35, %get3A_36] : memref<64x1xf32, #tpu.memory_space<vmem>>, vector<64x1xf32>
      %max3A = arith.constant 1.000000e+00 : f32
      %max3A_38 = vector.broadcast %max3A : f32 to vector<64x1xf32>
      %max3A_39 = arith.maximumf %get3A_37, %max3A_38 : vector<64x1xf32>
      %div3A = vector.broadcast %max3A_39 : vector<64x1xf32> to vector<64x256xf32>
      %div3A_40 = arith.divf %get3A_34, %div3A : vector<64x256xf32>
      %get3A_41 = arith.constant 0 : index
      %get3A_42 = arith.constant 0 : index
      %get3A_43 = vector.load %arg3[%get3A_41, %get3A_42] : memref<256x128xf32, #tpu.memory_space<vmem>>, vector<256x128xf32>
      %dot_general3A_44 = arith.constant dense<0.000000e+00> : vector<64x128xf32>
      %dot_general3A_45 = tpu.matmul %div3A_40, %get3A_43, %dot_general3A_44 {dimension_numbers = #tpu.dot_dimension_numbers<[1], [0], [0], [1], [0, 0, 1, 1], [], []>, transpose_lhs_hint = false} : vector<64x256xf32>, vector<256x128xf32>, vector<64x128xf32> -> vector<64x128xf32>
      %get3A_46 = arith.constant 0 : index
      %get3A_47 = arith.constant 0 : index
      %get3A_48 = vector.load %arg4[%get3A_46, %get3A_47] : memref<1x128xf32, #tpu.memory_space<vmem>>, vector<1x128xf32>
      %add3A_49 = vector.broadcast %get3A_48 : vector<1x128xf32> to vector<64x128xf32>
      %add3A_50 = arith.addf %dot_general3A_45, %add3A_49 : vector<64x128xf32>
      %swap3A_51 = arith.constant 0 : index
      %swap3A_52 = arith.constant 0 : index
      %swap3A_53 = vector.load %arg5[%swap3A_51, %swap3A_52] : memref<64x128xf32, #tpu.memory_space<vmem>>, vector<64x128xf32>
      tpu.vector_store %arg5[%swap3A_51, %swap3A_52], %add3A_50 {strides = array<i32>} : memref<64x128xf32, #tpu.memory_space<vmem>>, vector<64x128xf32>,
    } else {
    }
    return
  }
  func.func @transform_0(%arg0: i32) -> (i32, i32, i32) {
    %c0_i32 = arith.constant 0 : i32
    %c0_i32_0 = arith.constant 0 : i32
    %c0_i32_1 = arith.constant 0 : i32
    return %arg0, %c0_i32, %c0_i32_0 : i32, i32, i32
  }
  func.func @transform_1(%arg0: i32) -> (i32, i32) {
    %c0_i32 = arith.constant 0 : i32
    %c0_i32_0 = arith.constant 0 : i32
    return %arg0, %c0_i32 : i32, i32
  }
  func.func @transform_2(%arg0: i32) -> (i32, i32) {
    %c0_i32 = arith.constant 0 : i32
    %c0_i32_0 = arith.constant 0 : i32
    %c0_i32_1 = arith.constant 0 : i32
    return %c0_i32, %c0_i32_0 : i32, i32
  }
  func.func @transform_3(%arg0: i32) -> (i32, i32) {
    %c0_i32 = arith.constant 0 : i32
    %c0_i32_0 = arith.constant 0 : i32
    %c0_i32_1 = arith.constant 0 : i32
    return %c0_i32, %c0_i32_0 : i32, i32
  }
  func.func @transform_4(%arg0: i32) -> (i32, i32) {
    %c0_i32 = arith.constant 0 : i32
    %c0_i32_0 = arith.constant 0 : i32
    %c0_i32_1 = arith.constant 0 : i32
    return %c0_i32, %c0_i32_0 : i32, i32
  }
}

</mosaic_0001>

<sc_bundles>
// kernel: kernel.12.cloned.1.call-start
scs
__scs_entry_jumppad:
0x0: {  	(pc) =	sbr.rel $0x88, $3  }
0x1: {  	(tag) =	ssettag $0x0;
	lr =	simm.s32 $0x1  }
0x2: {  	[smem:$0x3F90] =	sst lr;
	_ =	strace $0xD0000000  }
0x3: {  	_ = 	snop  }
0x4: {  	_ = 	snop  }
0x5: {  	_ = 	snop  }
0x6: {  	_ = 	snop  }
0x7: {  	_ = 	snop  }
__scs_overlays_trampoline_lowered:
0x8: {  	[smem:$0x3F9F] =	sst s0  }
0x9: {  	[smem:$0x3FA0] =	sst s1  }
0xa: {  	[smem:$0x3FA1] =	sst s2  }
0xb: {  	[smem:$0x3FA2] =	sst s3  }
0xc: {  	[smem:$0x3FA3] =	sst s4  }
0xd: {  	[smem:$0x3FA4] =	sst s5  }
0xe: {  	[smem:$0x3FA5] =	sst s6  }
0xf: {  	[smem:$0x3FA6] =	sst s7  }
0x10: {  	[smem:$0x3FA7] =	sst s8  }
0x11: {  	[smem:$0x3FA8] =	sst s9;
	s0 =	simm.s32 @!p0 $0x0  }
0x12: {  	s1 =	sld [smem:$0x3F8E];
	s0 =	simm.s32 @p0 $0x1  }
0x13: {  	[smem:$0x3FA9] =	sst s0;
	s0 =	simm.s32 @!p1 $0x0  }
0x14: {  	s2 =	sld [smem:$0x3F8D];
	s0 =	simm.s32 @p1 $0x1  }
0x15: {  	[smem:$0x3FAA] =	sst s0;
	s0 =	simm.s32 @!p2 $0x0  }
0x16: {  	s3 =	sld [smem:$0x3FDB];
	s0 =	simm.s32 @p2 $0x1  }
0x17: {  	s4 =	simm.s32 $0x1BF5;
	[smem:$0x3FAC] =	sst s0  }
0x18: {  	s0 =	sld [smem:$0x3F8F];
	_ =	swait.ge [sflag:s4], $0x0  }
0x19: {  	s7 =	sld [smem:$0x3F90]  }
0x1a: {  	s8 =	sadd.s32 $0xFFFFE003, lr  }
0x1b: {  	s9 =	sadd.s32 $0xFFFFFEF7, lr;
	s5 =	simm.s32 $0xFFFFFFFF;
	p2 =	slt.u32 s8, $0xFFFFF086  }
0x1c: {  	p1 =	slt.u32 s9, $0xF7A;
	s5 =	simm.s32 @!p2 $0x0  }
0x1d: {  	s5 =	simm.s32 @p1 $0x1;
	p0 =	seq.s32 s7, s2  }
0x1e: {  	s7 =	smul.u32 @!p0 $0xF7A, s2;
	p2 =	seq.s32 @!p0 s5, $0x0  }
0x1f: {  	s9 =	smul.u32 $0xF7A, s1;
	s8 =	simm.s32 @!p0 $0x1BF5;
	p2 =	por !p2, p0  }
0x20: {  	[sflag:s8] =	ssyncset.s32 @!p0 $0xFFFFF086;
	s6 =	sadd.s32 @!p0 s3, s7;
	s7 =	simm.s32 @!p0 $0x108  }
0x21: {  	s3 =	sadd.s32 s3, s9;
	s6 =	sadd.s32 @!p0 $0x88, s6;
	s7 =	simm.s32 @p2 $0x1082  }
0x22: {  	[simem:s7], [sflag:s8] =	dma.local @!p0 [hbm:s6], $0xF7A  }
0x23: {  	s9 =	sor.u32 $0xD0000000, s2;
	s6 =	simm.s32 $0x108;
	_ =	swait.ge @!p0 [sflag:s8], $0x0  }
0x24: {  	s3 =	sadd.s32 $0x88, s3;
	s6 =	simm.s32 @!p1 $0x1082;
	[sflag:s4] =	ssyncset.s32 $0xFFFFF086  }
0x25: {  	[simem:s6], [sflag:s4] =	dma.local [hbm:s3], $0xF7A  }
0x26: {  	[smem:$0x3F90] =	sst s1;
	(tag) =	ssettag s2;
	_ =	strace s9  }
0x27: {  	s1 =	sld [smem:$0x3FA0]  }
0x28: {  	s2 =	sld [smem:$0x3FA1]  }
0x29: {  	s4 =	sld [smem:$0x3FA3]  }
0x2a: {  	p0 =	seq.s32 s5, $0x0;
	s5 =	sld [smem:$0x3FA4]  }
0x2b: {  	s6 =	sld [smem:$0x3FA5]  }
0x2c: {  	s7 =	sld [smem:$0x3FA6]  }
0x2d: {  	s3 =	simm.s32 $0x108;
	s8 =	sld [smem:$0x3FA7]  }
0x2e: {  	s3 =	simm.s32 @!p0 $0x1082;
	s9 =	sld [smem:$0x3FA8]  }
0x2f: {  	lr =	sadd.s32 s0, s3;
	s0 =	sld [smem:$0x3F9F]  }
0x30: {  	s3 =	sld [smem:$0x3FA2]  }
0x31: {  	[smem:$0x3FAB] =	sst s10  }
0x32: {  	s10 =	sld [smem:$0x3FA9];
	_ =	sdelay $0x3  }
0x33: {  	p0 =	seq.s32 s10, $0x1;
	s10 =	sld [smem:$0x3FAB];
	_ =	sdelay $0x3  }
0x34: {  	[smem:$0x3FAB] =	sst s10  }
0x35: {  	s10 =	sld [smem:$0x3FAA];
	_ =	sdelay $0x3  }
0x36: {  	p1 =	seq.s32 s10, $0x1;
	s10 =	sld [smem:$0x3FAB];
	_ =	sdelay $0x3  }
0x37: {  	[smem:$0x3FAB] =	sst s10  }
0x38: {  	s10 =	sld [smem:$0x3FAC]  }
0x39: {  	_ = 	snop;
	(pc) =	sbr.ind lr, $3  }
0x3a: {  	_ = 	snop  }
0x3b: {  	_ = 	snop  }
0x3c: {  	p2 =	seq.s32 s10, $0x1;
	s10 =	sld [smem:$0x3FAB]  }
0x3d: {  	_ =	shalt  }
0x3e: {  	_ =	shalt  }
0x3f: {  	_ =	shalt  }
0x40: {  	_ =	shalt  }
0x41: {  	_ =	shalt  }
0x42: {  	_ =	shalt  }
0x43: {  	_ =	shalt  }
0x44: {  	_ =	shalt  }
0x45: {  	_ =	shalt  }
0x46: {  	_ =	shalt  }
0x47: {  	_ =	shalt  }
0x48: {  	_ =	shalt  }
0x49: {  	_ =	shalt  }
0x4a: {  	_ =	shalt  }
0x4b: {  	_ =	shalt  }
0x4c: {  	_ =	shalt  }
0x4d: {  	_ =	shalt  }
0x4e: {  	_ =	shalt  }
0x4f: {  	_ =	shalt  }
0x50: {  	_ =	shalt  }
0x51: {  	_ =	shalt  }
0x52: {  	_ =	shalt  }
0x53: {  	_ =	shalt  }
0x54: {  	_ =	shalt  }
0x55: {  	_ =	shalt  }
0x56: {  	_ =	shalt  }
0x57: {  	_ =	shalt  }
0x58: {  	_ =	shalt  }
0x59: {  	_ =	shalt  }
0x5a: {  	_ =	shalt  }
0x5b: {  	_ =	shalt  }
0x5c: {  	_ =	shalt  }
0x5d: {  	_ =	shalt  }
0x5e: {  	_ =	shalt  }
0x5f: {  	_ =	shalt  }
0x60: {  	_ =	shalt  }
0x61: {  	_ =	shalt  }
0x62: {  	_ =	shalt  }
0x63: {  	_ =	shalt  }
0x64: {  	_ =	shalt  }
0x65: {  	_ =	shalt  }
0x66: {  	_ =	shalt  }
0x67: {  	_ =	shalt  }
0x68: {  	_ =	shalt  }
0x69: {  	_ =	shalt  }
0x6a: {  	_ =	shalt  }
0x6b: {  	_ =	shalt  }
0x6c: {  	_ =	shalt  }
0x6d: {  	_ =	shalt  }
0x6e: {  	_ =	shalt  }
0x6f: {  	_ =	shalt  }
0x70: {  	_ =	shalt  }
0x71: {  	_ =	shalt  }
0x72: {  	_ =	shalt  }
0x73: {  	_ =	shalt  }
0x74: {  	_ =	shalt  }
0x75: {  	_ =	shalt  }
0x76: {  	_ =	shalt  }
0x77: {  	_ =	shalt  }
0x78: {  	_ =	shalt  }
0x79: {  	_ =	shalt  }
0x7a: {  	_ =	shalt  }
0x7b: {  	_ =	shalt  }
0x7c: {  	_ =	shalt  }
0x7d: {  	_ =	shalt  }
0x7e: {  	_ =	shalt  }
0x7f: {  	_ =	shalt  }
0x80: {  	_ =	shalt  }
0x81: {  	_ =	shalt  }
0x82: {  	_ =	shalt  }
0x83: {  	_ =	shalt  }
0x84: {  	_ =	shalt  }
0x85: {  	_ =	shalt  }
0x86: {  	_ =	shalt  }
0x87: {  	_ =	shalt  }
.Lfunc_end0:
.L_simem_size_0:
called_computation.1_lowered:
.L_overlay_start_0:
0x88: {  	s2 =	sld [smem:$0x3FD9]  }
0x89: {  	s3 =	sld [smem:$0x3FFE];
	_ =	sdelay $0x1  }
0x8a: {  	s1 =	srdreg.scid  }
0x8b: {  	s0 =	sand.u32 $0x1, s1  }
0x8c: {  	s16 =	sshll.u32 s0, $0xA;
	s2 =	sadd.s32 s3, s2  }
0x8d: {  	s2 =	sadd.s32 s2, s16  }
0x8e: {  	[smem:$0x3FB7] =	sst s2  }
0x8f: {  	_ = 	snop  }
0x90: {  	(tm) =	ssettm $0x1  }
0x91: {  	s17 =	sld [smem:$0x3FFB];
	_ =	sdelay $0x3  }
0x92: {  	_ =	strace s17  }
0x93: {  	s2 =	sld [smem:$0x3FFC];
	_ =	sdelay $0x3  }
0x94: {  	_ =	strace s2  }
0x95: {  	s2 =	sld [smem:$0x3FFD];
	_ =	sdelay $0x3  }
0x96: {  	_ =	strace s2  }
0x97: {  	_ =	strace $0x8FFFFFFF  }
0x98: {  	s18 =	sld [smem:$0x3FDB];
	_ =	sdelay $0x1  }
0x99: {  	s19 =	simm.s32 $_scs_section_size  }
0x9a: {  	s4 =	simm.s32 $_size__tile_overlayer_lowered;
	s5 =	simm.s32 $_tile_overlayer_lowered  }
0x9b: {  	s22 =	simm.s32 $0x1BFF;
	s21 =	sshll.u32 s5, $0x1;
	s2 =	sadd.s32 s19, s18  }
0x9c: {  	s6 =	simm.s32 $0x0;
	s20 =	sshll.u32 s4, $0x1;
	s4 =	sadd.s32 s21, s2  }
0x9d: {  	[timem:s6], [sflag:s22] =	dma.local [hbm:s4], s20  }
0x9e: {  	_ =	swait.ge [sflag:s22], s20  }
0x9f: {  	s3 =	ssub.s32 $0x0, s20;
	[sflag:s22] =	ssyncset.done $0x0  }
0xa0: {  	[sflag:s22] =	ssyncadd.s32 s3;
	_ =	sdelay $0x1  }
0xa1: {  	s23 =	simm.s32 $0x1B8B  }
0xa2: {  	_ =	swait.ge [sflag:s23], $0x1  }
0xa3: {  	[sflag:s23] =	ssyncset.done $0x0  }
0xa4: {  	s25 =	simm.s32 $0x1B8E;
	s24 =	sld [smem:$0x3FFE];
	[sflag:s23] =	ssyncadd.s32 $0xFFFFFFFF  }
0xa5: {  	s26 =	simm.s32 $execute0_lowered;
	[smem:$0x3FD2] =	sst s25  }
0xa6: {  	s4 =	sshll.u32 s26, $0x1;
	_ =	strace $0x80000049;
	[dreg:$0x1] =	wrdreg $0xFFFFFFFF  }
0xa7: {  	s28 =	simm.s32 $_size_execute0_lowered;
	s2 =	sadd.s32 s2, s4;
	[dreg:$0x0] =	wrdreg $0x0  }
0xa8: {  	s4 =	sshll.u32 s28, $0x1;
	[dreg:$0x2] =	wrdreg s2  }
0xa9: {  	[dreg:$0x3] =	wrdreg s4  }
0xaa: {  	[dreg:$0x4] =	wrdreg $0xC0  }
0xab: {  	_ =	task [dreg:s6], $0x5FFFF  }
0xac: {  	[dreg:$0x1] =	wrdreg $0xFFFFFFFF  }
0xad: {  	[dreg:$0x0] =	wrdreg $0x60  }
0xae: {  	[dreg:$0x2] =	wrdreg s24  }
0xaf: {  	[dreg:$0x3] =	wrdreg $0x61000  }
0xb0: {  	[dreg:$0x4] =	wrdreg $0x9  }
0xb1: {  	_ =	task.clear_ibuf [dreg:s6], $0x5FFFF;
	_ =	strace $0x90000049  }
0xb2: {  	s29 =	simm.s32 $0x9;
	_ =	strace $0x8000004B  }
0xb3: {  	_ =	swait.ge [sflag:s29], $0x1  }
0xb4: {  	[sflag:s29] =	ssyncadd.s32 $0xFFFFFFFF  }
0xb5: {  	_ =	strace $0x9000004B  }
0xb6: {  	_ =	sfence  }
0xb7: {  	s30 =	sld [smem:$0x0];
	_ =	sdelay $0x2  }
0xb8: {  	s31 =	sshll.u32 s1, $0xD;
	s1 =	sshrl.u32 s1, $0x2  }
0xb9: {  	s3 =	sand.u32 $0x4000, s31;
	s1 =	sadd.s32 s1, s30  }
0xba: {  	s0 =	sor.u32 s3, s0;
	s1 =	sshll.u32 s1, $0x11  }
0xbb: {  	s0 =	sor.u32 s1, s0  }
0xbc: {  	s0 =	sadd.s32 $0x8F2B, s0  }
0xbd: {  	[sflag:s0] =	ssyncadd.remote.s32 $0x1  }
0xbe: {  	_ =	sfence.sel $0xFFFF  }
0xbf: {  	[dreg:$0x0] =	wrdreg $0xFFFFFFFF;
	(pc) =	sbr.abs _section_cstart, $3  }
0xc0: {  	[dreg:$0x1] =	wrdreg $0xFFFFFFFF  }
0xc1: {  	_ =	task.clear_ibuf [dreg:s6], $0x2FFFF;
	_ =	strace $0x9FFFFFFF  }
0xc2: {  	(tm) =	ssettm $0x7FFFFFFF  }
0xc3: {  	_ =	shalt  }
tec
execute0_lowered:
.L_overlay_start_1:
0x0: {  	(tag) =	ssettag $0x1  }
0x1: {  	s0 =	rddreg [dreg:$0x0];
	s8 =	stileid.u32  }
0x2: {  	s1 =	srdreg.scid;
	s2 =	rddreg [dreg:$0x1]  }
0x3: {  	s3 =	simm.s32 $0x0;
	s17 =	simm.s32 $0x1100;
	s18 =	simm.s32 $0x3  }
0x4: {  	s28 =	simm.s32 $0x900;
	s29 =	simm.s32 $0x980;
	s5 =	smul.u32 $0x1900, s8  }
0x5: {  	s30 =	simm.s32 $0xA00;
	s31 =	simm.s32 $0xA80;
	s7 =	smul.u32 $0x14000, s8  }
0x6: {  	s6 =	sand.u32 $0x1, s1;
	[smem:$0x7FF] =	sst s3;
	s8 =	smul.u32 $0x50000, s8  }
0x7: {  	s4 =	sadd.s32 $0x2A00, s0;
	s1 =	smul.u32 $0x140000, s6;
	_ =	strace $0x8000004A  }
0x8: {  	s19 =	ssub.s32 $0x2, s6;
	v0 =	vmov s6;
	s6 =	simm.s32 $0xC00;
	s9 =	sadd.s32 s5, s0  }
0x9: {  	s20 =	sshrl.u32 s19, $0x1;
	s8 =	sshrl.u32 s8, $0x2;
	s1 =	sadd.s32 s7, s1  }
0xa: {  	s21 =	ssub.s32 s19, s20;
	s5 =	sadd.s32 s8, s2;
	s15 =	sadd.s32 $0x9DA00, s9  }
0xb: {  	s16 =	sadd.s32 $0x84A00, s9;
	s19 =	simm.s32 $0x800;
	s20 =	simm.s32 $0x50  }
0xc: {  	s7 =	simm.s32 $0xC80;
	s8 =	simm.s32 $0x0;
	s22 =	smax.u32 s21, $0x1  }
0xd: {  	s1 =	sshrl.u32 s1, $0x3;
	s23 =	sadd.s32 $0x2800, s5;
	[dreg:$0x4] =	wrdreg s22  }
0xe: {  	s24 =	sadd.s32 $0x5000, s5;
	s25 =	sadd.s32 $0x7800, s5;
	[dreg:$0x5] =	wrdreg s23  }
0xf: {  	s26 =	sadd.s32 $0xA000, s5;
	s12 =	sadd.s32 $0xC800, s5;
	[dreg:$0x6] =	wrdreg s24  }
0x10: {  	s13 =	sadd.s32 $0xF000, s5;
	s14 =	sadd.s32 $0x11800, s5;
	[dreg:$0x7] =	wrdreg s25  }
0x11: {  	s21 =	simm.s32 $0x1000;
	s0 =	sadd.s32 s1, s0;
	[dreg:$0x8] =	wrdreg s26  }
0x12: {  	s22 =	simm.s32 $0x1;
	s23 =	simm.s32 $0x1080;
	s24 =	simm.s32 $0x3900  }
0x13: {  	s25 =	simm.s32 $0x880;
	s26 =	simm.s32 $0x2;
	s0 =	sadd.s32 $0xB6A00, s0  }
0x14: {  	v1 =	vimm.f32 $0.0e+00;
	s1 =	simm.s32 $0xB00;
	[dreg:$0x3] =	wrdreg s0;
	s0 =	simm.s32 $0xB80  }
.LBB2_1:
0x15: {  	s9 =	simm.s32 $0x0;
	s10 =	simm.s32 $0x200  }
.LBB2_2:
0x16: {  	p0 =	sne.s32 s10, $0x9E00;
	[tilespmem:s9+$0x1170] =	vst v1  }
0x17: {  	[tilespmem:s9+$0x1100] =	vst v1  }
0x18: {  	[tilespmem:s9+$0x1110] =	vst v1  }
.Ltmp0:
0x19: {  	[tilespmem:s9+$0x1120] =	vst v1;
	(pc) =	sbr.rel @p0 .LBB2_2-.Ltmp0, $4  }
0x1a: {  	[tilespmem:s9+$0x1130] =	vst v1  }
0x1b: {  	[tilespmem:s9+$0x1140] =	vst v1  }
0x1c: {  	[tilespmem:s9+$0x1150] =	vst v1  }
0x1d: {  	[tilespmem:s9+$0x1160] =	vst v1;
	s9 =	sshra.s32 s10, $0x2;
	s10 =	sadd.s32 $0x200, s10  }
0x1e: {  	[tilespmem:s9+$0x1170] =	vst v1  }
0x1f: {  	[tilespmem:s9+$0x1100] =	vst v1  }
0x20: {  	[tilespmem:s9+$0x1110] =	vst v1  }
0x21: {  	[tilespmem:s9+$0x1120] =	vst v1  }
0x22: {  	[tilespmem:s9+$0x1130] =	vst v1  }
0x23: {  	[tilespmem:s9+$0x1140] =	vst v1  }
0x24: {  	[tilespmem:s9+$0x1150] =	vst v1  }
0x25: {  	[tilespmem:s9+$0x1160] =	vst v1  }
0x26: {  	[spmem:s5] =	stream.linear.scatter [tilespmem:s17], [sflag:$0x3], $0x2800, $0x38;
	[tilespmem:$0x1A100] =	vst v63  }
0x27: {  	_ =	swait.ge [sflag:s18], $0x2800  }
0x28: {  	[sflag:s18] =	ssyncset.done $0x0  }
0x29: {  	s10 =	rddreg [dreg:$0x5];
	[sflag:s18] =	ssyncadd.s32 $0xFFFFD800  }
0x2a: {  	[spmem:s10] =	stream.linear.scatter [tilespmem:s17], [sflag:$0x3], $0x2800, $0x38;
	[tilespmem:$0x1A100] =	vst v63  }
0x2b: {  	_ =	swait.ge [sflag:s18], $0x2800  }
0x2c: {  	[sflag:s18] =	ssyncset.done $0x0  }
0x2d: {  	s11 =	rddreg [dreg:$0x6];
	[sflag:s18] =	ssyncadd.s32 $0xFFFFD800  }
0x2e: {  	[spmem:s11] =	stream.linear.scatter [tilespmem:s17], [sflag:$0x3], $0x2800, $0x38;
	[tilespmem:$0x1A100] =	vst v63  }
0x2f: {  	_ =	swait.ge [sflag:s18], $0x2800  }
0x30: {  	[sflag:s18] =	ssyncset.done $0x0  }
0x31: {  	s10 =	rddreg [dreg:$0x7];
	[sflag:s18] =	ssyncadd.s32 $0xFFFFD800  }
0x32: {  	[spmem:s10] =	stream.linear.scatter [tilespmem:s17], [sflag:$0x3], $0x2800, $0x38;
	[tilespmem:$0x1A100] =	vst v63  }
0x33: {  	_ =	swait.ge [sflag:s18], $0x2800  }
0x34: {  	[sflag:s18] =	ssyncset.done $0x0  }
0x35: {  	s11 =	rddreg [dreg:$0x8];
	[sflag:s18] =	ssyncadd.s32 $0xFFFFD800  }
0x36: {  	[spmem:s11] =	stream.linear.scatter [tilespmem:s17], [sflag:$0x3], $0x2800, $0x38;
	[tilespmem:$0x1A100] =	vst v63  }
0x37: {  	_ =	swait.ge [sflag:s18], $0x2800  }
0x38: {  	[sflag:s18] =	ssyncset.done $0x0  }
0x39: {  	[sflag:s18] =	ssyncadd.s32 $0xFFFFD800  }
0x3a: {  	[spmem:s12] =	stream.linear.scatter [tilespmem:s17], [sflag:$0x3], $0x2800, $0x38;
	[tilespmem:$0x1A100] =	vst v63  }
0x3b: {  	_ =	swait.ge [sflag:s18], $0x2800  }
0x3c: {  	[sflag:s18] =	ssyncset.done $0x0  }
0x3d: {  	[sflag:s18] =	ssyncadd.s32 $0xFFFFD800  }
0x3e: {  	[spmem:s13] =	stream.linear.scatter [tilespmem:s17], [sflag:$0x3], $0x2800, $0x38;
	[tilespmem:$0x1A100] =	vst v63  }
0x3f: {  	_ =	swait.ge [sflag:s18], $0x2800  }
0x40: {  	[sflag:s18] =	ssyncset.done $0x0  }
0x41: {  	[sflag:s18] =	ssyncadd.s32 $0xFFFFD800  }
0x42: {  	[spmem:s14] =	stream.linear.scatter [tilespmem:s17], [sflag:$0x3], $0x2800, $0x38;
	[tilespmem:$0x1A100] =	vst v63  }
0x43: {  	_ =	swait.ge [sflag:s18], $0x2800  }
0x44: {  	[sflag:s18] =	ssyncset.done $0x0  }
0x45: {  	[sflag:s18] =	ssyncadd.s32 $0xFFFFD800  }
0x46: {  	s9 =	simm.s32 $0x0;
	[bflag:$0x0] =	sbarrier.arrive $0xFFFF  }
.LBB2_4:
0x47: {  	s10 =	sadd.s32 s9, s16  }
0x48: {  	[tilespmem:s3], [sflag:$0x3] =	stream.linear.gather [hbm4b:s10+s3], $0x500, $0x38;
	[tilespmem:$0x1A100] =	vst v63  }
0x49: {  	_ =	swait.ge [sflag:s18], $0x500  }
0x4a: {  	[sflag:s18] =	ssyncset.done $0x0  }
0x4b: {  	s11 =	sadd.s32 s9, s15;
	[sflag:s18] =	ssyncadd.s32 $0xFFFFFB00  }
0x4c: {  	[tilespmem:s19], [sflag:$0x3] =	stream.linear.gather [hbm4b:s11+s3], $0x500, $0x38;
	[tilespmem:$0x1A100] =	vst v63  }
0x4d: {  	_ =	swait.ge [sflag:s18], $0x500  }
0x4e: {  	[sflag:s18] =	ssyncset.done $0x0  }
0x4f: {  	[sflag:s18] =	ssyncadd.s32 $0xFFFFFB00  }
0x50: {  	v2 =	vld [tilespmem:$0x0]  }
0x51: {  	v3 =	vld [tilespmem:$0x10]  }
0x52: {  	v4 =	vld [tilespmem:$0x20]  }
0x53: {  	v5 =	vld [tilespmem:$0x30]  }
0x54: {  	v6 =	vld [tilespmem:$0x40]  }
0x55: {  	v2 =	vshll.u32 v2, $0x1  }
0x56: {  	v3 =	vshll.u32 v3, $0x1;
	v2 =	vor.u32 v0, v2  }
0x57: {  	[tilespmem:$0x1000] =	vst v2;
	v2 =	vor.u32 v0, v3;
	v3 =	vshll.u32 v4, $0x1  }
0x58: {  	[tilespmem:$0x1010] =	vst v2;
	v2 =	vor.u32 v0, v3;
	v3 =	vshll.u32 v5, $0x1  }
0x59: {  	[tilespmem:$0x1020] =	vst v2;
	v2 =	vor.u32 v0, v3;
	v3 =	vshll.u32 v6, $0x1  }
0x5a: {  	[tilespmem:$0x1030] =	vst v2;
	v2 =	vor.u32 v0, v3  }
0x5b: {  	[tilespmem:$0x1040] =	vst v2  }
0x5c: {  	[tilespmem:s17], [sflag:$0x1] =	stream.indirect.gather [hbm4b:s4+s20], $0x80, s21, s20, $0xb8;
	[tilespmem:$0x1A100] =	vst v63  }
0x5d: {  	_ =	swait.ge [sflag:s22], $0x2800  }
0x5e: {  	[sflag:s22] =	ssyncset.done $0x0  }
0x5f: {  	[sflag:s22] =	ssyncadd.s32 $0xFFFFD800  }
0x60: {  	[spmem:s2] =	stream.indirect.scatter.add.f32 [tilespmem:s17], [sflag:$0x2], $0x80, s19, s20, $0xb8;
	[tilespmem:$0x1A100] =	vst v63  }
0x61: {  	v2 =	vld [tilespmem:$0x80]  }
0x62: {  	v3 =	vld [tilespmem:$0x90]  }
0x63: {  	v37 =	vld [tilespmem:$0xA0]  }
0x64: {  	v38 =	vld [tilespmem:$0xB0]  }
0x65: {  	v39 =	vld [tilespmem:$0xC0]  }
0x66: {  	v2 =	vshll.u32 v2, $0x1  }
0x67: {  	v3 =	vshll.u32 v3, $0x1;
	v2 =	vor.u32 v0, v2  }
0x68: {  	[tilespmem:$0x1080] =	vst v2;
	v2 =	vor.u32 v0, v3;
	v3 =	vshll.u32 v37, $0x1  }
0x69: {  	[tilespmem:$0x1090] =	vst v2;
	v2 =	vor.u32 v0, v3;
	v3 =	vshll.u32 v38, $0x1  }
0x6a: {  	[tilespmem:$0x10A0] =	vst v2;
	v2 =	vor.u32 v0, v3;
	v3 =	vshll.u32 v39, $0x1  }
0x6b: {  	[tilespmem:$0x10B0] =	vst v2;
	v2 =	vor.u32 v0, v3  }
0x6c: {  	[tilespmem:$0x10C0] =	vst v2  }
0x6d: {  	[tilespmem:s24], [sflag:$0x1] =	stream.indirect.gather [hbm4b:s4+s20], $0x80, s23, s20, $0xb8;
	[tilespmem:$0x1A100] =	vst v63  }
0x6e: {  	_ =	swait.ge [sflag:s22], $0x2800  }
0x6f: {  	[sflag:s22] =	ssyncset.done $0x0  }
0x70: {  	[sflag:s22] =	ssyncadd.s32 $0xFFFFD800  }
0x71: {  	[spmem:s2] =	stream.indirect.scatter.add.f32 [tilespmem:s24], [sflag:$0x2], $0x80, s25, s20, $0xb8;
	[tilespmem:$0x1A100] =	vst v63  }
0x72: {  	_ =	swait.ge [sflag:s26], $0x2800  }
0x73: {  	[sflag:s26] =	ssyncset.done $0x0  }
0x74: {  	[sflag:s26] =	ssyncadd.s32 $0xFFFFD800  }
0x75: {  	v2 =	vld [tilespmem:$0x100]  }
0x76: {  	v3 =	vld [tilespmem:$0x110]  }
0x77: {  	v40 =	vld [tilespmem:$0x120]  }
0x78: {  	v41 =	vld [tilespmem:$0x130]  }
0x79: {  	v42 =	vld [tilespmem:$0x140]  }
0x7a: {  	v2 =	vshll.u32 v2, $0x1  }
0x7b: {  	v3 =	vshll.u32 v3, $0x1;
	v2 =	vor.u32 v0, v2  }
0x7c: {  	[tilespmem:$0x1000] =	vst v2;
	v2 =	vor.u32 v0, v3;
	v3 =	vshll.u32 v40, $0x1  }
0x7d: {  	[tilespmem:$0x1010] =	vst v2;
	v2 =	vor.u32 v0, v3;
	v3 =	vshll.u32 v41, $0x1  }
0x7e: {  	[tilespmem:$0x1020] =	vst v2;
	v2 =	vor.u32 v0, v3;
	v3 =	vshll.u32 v42, $0x1  }
0x7f: {  	[tilespmem:$0x1030] =	vst v2;
	v2 =	vor.u32 v0, v3  }
0x80: {  	[tilespmem:$0x1040] =	vst v2  }
0x81: {  	[tilespmem:s17], [sflag:$0x1] =	stream.indirect.gather [hbm4b:s4+s20], $0x80, s21, s20, $0xb8;
	[tilespmem:$0x1A100] =	vst v63  }
0x82: {  	_ =	swait.ge [sflag:s22], $0x2800  }
0x83: {  	[sflag:s22] =	ssyncset.done $0x0  }
0x84: {  	[sflag:s22] =	ssyncadd.s32 $0xFFFFD800  }
0x85: {  	[spmem:s2] =	stream.indirect.scatter.add.f32 [tilespmem:s17], [sflag:$0x2], $0x80, s28, s20, $0xb8;
	[tilespmem:$0x1A100] =	vst v63  }
0x86: {  	_ =	swait.ge [sflag:s26], $0x2800  }
0x87: {  	[sflag:s26] =	ssyncset.done $0x0  }
0x88: {  	[sflag:s26] =	ssyncadd.s32 $0xFFFFD800  }
0x89: {  	v2 =	vld [tilespmem:$0x180]  }
0x8a: {  	v3 =	vld [tilespmem:$0x190]  }
0x8b: {  	v43 =	vld [tilespmem:$0x1A0]  }
0x8c: {  	v44 =	vld [tilespmem:$0x1B0]  }
0x8d: {  	v45 =	vld [tilespmem:$0x1C0]  }
0x8e: {  	v2 =	vshll.u32 v2, $0x1  }
0x8f: {  	v3 =	vshll.u32 v3, $0x1;
	v2 =	vor.u32 v0, v2  }
0x90: {  	[tilespmem:$0x1080] =	vst v2;
	v2 =	vor.u32 v0, v3;
	v3 =	vshll.u32 v43, $0x1  }
0x91: {  	[tilespmem:$0x1090] =	vst v2;
	v2 =	vor.u32 v0, v3;
	v3 =	vshll.u32 v44, $0x1  }
0x92: {  	[tilespmem:$0x10A0] =	vst v2;
	v2 =	vor.u32 v0, v3;
	v3 =	vshll.u32 v45, $0x1  }
0x93: {  	[tilespmem:$0x10B0] =	vst v2;
	v2 =	vor.u32 v0, v3  }
0x94: {  	[tilespmem:$0x10C0] =	vst v2  }
0x95: {  	[tilespmem:s24], [sflag:$0x1] =	stream.indirect.gather [hbm4b:s4+s20], $0x80, s23, s20, $0xb8;
	[tilespmem:$0x1A100] =	vst v63  }
0x96: {  	_ =	swait.ge [sflag:s22], $0x2800  }
0x97: {  	[sflag:s22] =	ssyncset.done $0x0  }
0x98: {  	[sflag:s22] =	ssyncadd.s32 $0xFFFFD800  }
0x99: {  	[spmem:s2] =	stream.indirect.scatter.add.f32 [tilespmem:s24], [sflag:$0x2], $0x80, s29, s20, $0xb8;
	[tilespmem:$0x1A100] =	vst v63  }
0x9a: {  	_ =	swait.ge [sflag:s26], $0x2800  }
0x9b: {  	[sflag:s26] =	ssyncset.done $0x0  }
0x9c: {  	[sflag:s26] =	ssyncadd.s32 $0xFFFFD800  }
0x9d: {  	v2 =	vld [tilespmem:$0x200]  }
0x9e: {  	v3 =	vld [tilespmem:$0x210]  }
0x9f: {  	v46 =	vld [tilespmem:$0x220]  }
0xa0: {  	v47 =	vld [tilespmem:$0x230]  }
0xa1: {  	v48 =	vld [tilespmem:$0x240]  }
0xa2: {  	v2 =	vshll.u32 v2, $0x1  }
0xa3: {  	v3 =	vshll.u32 v3, $0x1;
	v2 =	vor.u32 v0, v2  }
0xa4: {  	[tilespmem:$0x1000] =	vst v2;
	v2 =	vor.u32 v0, v3;
	v3 =	vshll.u32 v46, $0x1  }
0xa5: {  	[tilespmem:$0x1010] =	vst v2;
	v2 =	vor.u32 v0, v3;
	v3 =	vshll.u32 v47, $0x1  }
0xa6: {  	[tilespmem:$0x1020] =	vst v2;
	v2 =	vor.u32 v0, v3;
	v3 =	vshll.u32 v48, $0x1  }
0xa7: {  	[tilespmem:$0x1030] =	vst v2;
	v2 =	vor.u32 v0, v3  }
0xa8: {  	[tilespmem:$0x1040] =	vst v2  }
0xa9: {  	[tilespmem:s17], [sflag:$0x1] =	stream.indirect.gather [hbm4b:s4+s20], $0x80, s21, s20, $0xb8;
	[tilespmem:$0x1A100] =	vst v63  }
0xaa: {  	_ =	swait.ge [sflag:s22], $0x2800  }
0xab: {  	[sflag:s22] =	ssyncset.done $0x0  }
0xac: {  	[sflag:s22] =	ssyncadd.s32 $0xFFFFD800  }
0xad: {  	[spmem:s2] =	stream.indirect.scatter.add.f32 [tilespmem:s17], [sflag:$0x2], $0x80, s30, s20, $0xb8;
	[tilespmem:$0x1A100] =	vst v63  }
0xae: {  	_ =	swait.ge [sflag:s26], $0x2800  }
0xaf: {  	[sflag:s26] =	ssyncset.done $0x0  }
0xb0: {  	[sflag:s26] =	ssyncadd.s32 $0xFFFFD800  }
0xb1: {  	v2 =	vld [tilespmem:$0x280]  }
0xb2: {  	v3 =	vld [tilespmem:$0x290]  }
0xb3: {  	v49 =	vld [tilespmem:$0x2A0]  }
0xb4: {  	v50 =	vld [tilespmem:$0x2B0]  }
0xb5: {  	v51 =	vld [tilespmem:$0x2C0]  }
0xb6: {  	v2 =	vshll.u32 v2, $0x1  }
0xb7: {  	v3 =	vshll.u32 v3, $0x1;
	v2 =	vor.u32 v0, v2  }
0xb8: {  	[tilespmem:$0x1080] =	vst v2;
	v2 =	vor.u32 v0, v3;
	v3 =	vshll.u32 v49, $0x1  }
0xb9: {  	[tilespmem:$0x1090] =	vst v2;
	v2 =	vor.u32 v0, v3;
	v3 =	vshll.u32 v50, $0x1  }
0xba: {  	[tilespmem:$0x10A0] =	vst v2;
	v2 =	vor.u32 v0, v3;
	v3 =	vshll.u32 v51, $0x1  }
0xbb: {  	[tilespmem:$0x10B0] =	vst v2;
	v2 =	vor.u32 v0, v3  }
0xbc: {  	[tilespmem:$0x10C0] =	vst v2  }
0xbd: {  	[tilespmem:s24], [sflag:$0x1] =	stream.indirect.gather [hbm4b:s4+s20], $0x80, s23, s20, $0xb8;
	[tilespmem:$0x1A100] =	vst v63  }
0xbe: {  	_ =	swait.ge [sflag:s22], $0x2800  }
0xbf: {  	[sflag:s22] =	ssyncset.done $0x0  }
0xc0: {  	[sflag:s22] =	ssyncadd.s32 $0xFFFFD800  }
0xc1: {  	[spmem:s2] =	stream.indirect.scatter.add.f32 [tilespmem:s24], [sflag:$0x2], $0x80, s31, s20, $0xb8;
	[tilespmem:$0x1A100] =	vst v63  }
0xc2: {  	_ =	swait.ge [sflag:s26], $0x2800  }
0xc3: {  	[sflag:s26] =	ssyncset.done $0x0  }
0xc4: {  	[sflag:s26] =	ssyncadd.s32 $0xFFFFD800  }
0xc5: {  	v2 =	vld [tilespmem:$0x300]  }
0xc6: {  	v3 =	vld [tilespmem:$0x310]  }
0xc7: {  	v52 =	vld [tilespmem:$0x320]  }
0xc8: {  	v53 =	vld [tilespmem:$0x330]  }
0xc9: {  	v54 =	vld [tilespmem:$0x340]  }
0xca: {  	v2 =	vshll.u32 v2, $0x1  }
0xcb: {  	v3 =	vshll.u32 v3, $0x1;
	v2 =	vor.u32 v0, v2  }
0xcc: {  	[tilespmem:$0x1000] =	vst v2;
	v2 =	vor.u32 v0, v3;
	v3 =	vshll.u32 v52, $0x1  }
0xcd: {  	[tilespmem:$0x1010] =	vst v2;
	v2 =	vor.u32 v0, v3;
	v3 =	vshll.u32 v53, $0x1  }
0xce: {  	[tilespmem:$0x1020] =	vst v2;
	v2 =	vor.u32 v0, v3;
	v3 =	vshll.u32 v54, $0x1  }
0xcf: {  	[tilespmem:$0x1030] =	vst v2;
	v2 =	vor.u32 v0, v3  }
0xd0: {  	[tilespmem:$0x1040] =	vst v2  }
0xd1: {  	[tilespmem:s17], [sflag:$0x1] =	stream.indirect.gather [hbm4b:s4+s20], $0x80, s21, s20, $0xb8;
	[tilespmem:$0x1A100] =	vst v63  }
0xd2: {  	_ =	swait.ge [sflag:s22], $0x2800  }
0xd3: {  	[sflag:s22] =	ssyncset.done $0x0  }
0xd4: {  	[sflag:s22] =	ssyncadd.s32 $0xFFFFD800  }
0xd5: {  	[spmem:s2] =	stream.indirect.scatter.add.f32 [tilespmem:s17], [sflag:$0x2], $0x80, s1, s20, $0xb8;
	[tilespmem:$0x1A100] =	vst v63  }
0xd6: {  	_ =	swait.ge [sflag:s26], $0x2800  }
0xd7: {  	[sflag:s26] =	ssyncset.done $0x0  }
0xd8: {  	[sflag:s26] =	ssyncadd.s32 $0xFFFFD800  }
0xd9: {  	v2 =	vld [tilespmem:$0x380]  }
0xda: {  	v3 =	vld [tilespmem:$0x390]  }
0xdb: {  	v55 =	vld [tilespmem:$0x3A0]  }
0xdc: {  	v56 =	vld [tilespmem:$0x3B0]  }
0xdd: {  	v57 =	vld [tilespmem:$0x3C0]  }
0xde: {  	v2 =	vshll.u32 v2, $0x1  }
0xdf: {  	v3 =	vshll.u32 v3, $0x1;
	v2 =	vor.u32 v0, v2  }
0xe0: {  	[tilespmem:$0x1080] =	vst v2;
	v2 =	vor.u32 v0, v3;
	v3 =	vshll.u32 v55, $0x1  }
0xe1: {  	[tilespmem:$0x1090] =	vst v2;
	v2 =	vor.u32 v0, v3;
	v3 =	vshll.u32 v56, $0x1  }
0xe2: {  	[tilespmem:$0x10A0] =	vst v2;
	v2 =	vor.u32 v0, v3;
	v3 =	vshll.u32 v57, $0x1  }
0xe3: {  	[tilespmem:$0x10B0] =	vst v2;
	v2 =	vor.u32 v0, v3  }
0xe4: {  	[tilespmem:$0x10C0] =	vst v2  }
0xe5: {  	[tilespmem:s24], [sflag:$0x1] =	stream.indirect.gather [hbm4b:s4+s20], $0x80, s23, s20, $0xb8;
	[tilespmem:$0x1A100] =	vst v63  }
0xe6: {  	_ =	swait.ge [sflag:s22], $0x2800  }
0xe7: {  	[sflag:s22] =	ssyncset.done $0x0  }
0xe8: {  	[sflag:s22] =	ssyncadd.s32 $0xFFFFD800  }
0xe9: {  	[spmem:s2] =	stream.indirect.scatter.add.f32 [tilespmem:s24], [sflag:$0x2], $0x80, s0, s20, $0xb8;
	[tilespmem:$0x1A100] =	vst v63  }
0xea: {  	_ =	swait.ge [sflag:s26], $0x2800  }
0xeb: {  	[sflag:s26] =	ssyncset.done $0x0  }
0xec: {  	[sflag:s26] =	ssyncadd.s32 $0xFFFFD800  }
0xed: {  	v2 =	vld [tilespmem:$0x400]  }
0xee: {  	v3 =	vld [tilespmem:$0x410]  }
0xef: {  	v58 =	vld [tilespmem:$0x420]  }
0xf0: {  	v59 =	vld [tilespmem:$0x430]  }
0xf1: {  	v60 =	vld [tilespmem:$0x440]  }
0xf2: {  	v2 =	vshll.u32 v2, $0x1  }
0xf3: {  	v3 =	vshll.u32 v3, $0x1;
	v2 =	vor.u32 v0, v2  }
0xf4: {  	[tilespmem:$0x1000] =	vst v2;
	v2 =	vor.u32 v0, v3;
	v3 =	vshll.u32 v58, $0x1  }
0xf5: {  	[tilespmem:$0x1010] =	vst v2;
	v2 =	vor.u32 v0, v3;
	v3 =	vshll.u32 v59, $0x1  }
0xf6: {  	[tilespmem:$0x1020] =	vst v2;
	v2 =	vor.u32 v0, v3;
	v3 =	vshll.u32 v60, $0x1  }
0xf7: {  	[tilespmem:$0x1030] =	vst v2;
	v2 =	vor.u32 v0, v3  }
0xf8: {  	[tilespmem:$0x1040] =	vst v2  }
0xf9: {  	[tilespmem:s17], [sflag:$0x1] =	stream.indirect.gather [hbm4b:s4+s20], $0x80, s21, s20, $0xb8;
	[tilespmem:$0x1A100] =	vst v63  }
0xfa: {  	_ =	swait.ge [sflag:s22], $0x2800  }
0xfb: {  	[sflag:s22] =	ssyncset.done $0x0  }
0xfc: {  	[sflag:s22] =	ssyncadd.s32 $0xFFFFD800  }
0xfd: {  	[spmem:s2] =	stream.indirect.scatter.add.f32 [tilespmem:s17], [sflag:$0x2], $0x80, s6, s20, $0xb8;
	[tilespmem:$0x1A100] =	vst v63  }
0xfe: {  	_ =	swait.ge [sflag:s26], $0x2800  }
0xff: {  	[sflag:s26] =	ssyncset.done $0x0  }
0x100: {  	[sflag:s26] =	ssyncadd.s32 $0xFFFFD800  }
0x101: {  	v2 =	vld [tilespmem:$0x480]  }
0x102: {  	v3 =	vld [tilespmem:$0x490]  }
0x103: {  	v61 =	vld [tilespmem:$0x4A0]  }
0x104: {  	v62 =	vld [tilespmem:$0x4B0]  }
0x105: {  	v63 =	vld [tilespmem:$0x4C0]  }
0x106: {  	v2 =	vshll.u32 v2, $0x1  }
0x107: {  	v3 =	vshll.u32 v3, $0x1;
	v2 =	vor.u32 v0, v2  }
0x108: {  	[tilespmem:$0x1080] =	vst v2;
	v2 =	vor.u32 v0, v3;
	v3 =	vshll.u32 v61, $0x1  }
0x109: {  	[tilespmem:$0x1090] =	vst v2;
	v2 =	vor.u32 v0, v3;
	v3 =	vshll.u32 v62, $0x1  }
0x10a: {  	[tilespmem:$0x10A0] =	vst v2;
	v2 =	vor.u32 v0, v3;
	v3 =	vshll.u32 v63, $0x1  }
0x10b: {  	[tilespmem:$0x10B0] =	vst v2;
	v2 =	vor.u32 v0, v3  }
0x10c: {  	[tilespmem:$0x10C0] =	vst v2  }
0x10d: {  	[tilespmem:s24], [sflag:$0x1] =	stream.indirect.gather [hbm4b:s4+s20], $0x80, s23, s20, $0xb8;
	[tilespmem:$0x1A100] =	vst v63  }
0x10e: {  	_ =	swait.ge [sflag:s22], $0x2800  }
0x10f: {  	p0 =	sne.s32 s9, $0x1800;
	[sflag:s22] =	ssyncset.done $0x0  }
.Ltmp1:
0x110: {  	[sflag:s22] =	ssyncadd.s32 $0xFFFFD800;
	(pc) =	sbr.rel @p0 .LBB2_4-.Ltmp1, $4  }
0x111: {  	[spmem:s2] =	stream.indirect.scatter.add.f32 [tilespmem:s24], [sflag:$0x2], $0x80, s7, s20, $0xb8;
	[tilespmem:$0x1A100] =	vst v63  }
0x112: {  	_ =	swait.ge [sflag:s26], $0x2800  }
0x113: {  	[sflag:s26] =	ssyncset.done $0x0  }
0x114: {  	s9 =	sadd.s32 $0x100, s9;
	[sflag:s26] =	ssyncadd.s32 $0xFFFFD800  }
0x115: {  	s9 =	stileid.u32  }
0x116: {  	[bflag:$0x0] =	sbarrier.arrive $0xFFFF;
	s9 =	sshll.u32 s9, $0x6  }
0x117: {  	s10 =	sshrl.u32 s5, $0x3;
	s11 =	rddreg [dreg:$0x3];
	s9 =	sor.u32 $0x1C03, s9  }
0x118: {  	[hbm:s11], [sflag:s9] =	dma.local [spmem:s10], $0x2800  }
0x119: {  	_ =	swait.ge [sflag:s18], $0x2800  }
0x11a: {  	s8 =	sadd.s32 $0x1, s8;
	s11 =	rddreg [dreg:$0x4]  }
0x11b: {  	p0 =	sne.s32 s8, s11  }
.Ltmp2:
0x11c: {  	_ = 	snop;
	(pc) =	sbr.rel @p0 .LBB2_1-.Ltmp2, $3  }
0x11d: {  	_ =	sdelay $0x1  }
0x11e: {  	[sflag:s18] =	ssyncset.done $0x0  }
0x11f: {  	[sflag:s18] =	ssyncadd.s32 $0xFFFFD800  }
0x120: {  	_ =	sfence.sel $0x180000  }
0x121: {  	[bflag:$0x0] =	sbarrier.arrive $0xFFFF  }
0x122: {  	_ =	strace $0x9000004A  }
0x123: {  	s0 =	stileid.u32;
	[bflag:$0x2] =	sbarrier.arrive $0xFFFF  }
0x124: {  	p0 =	sne.s32 s0, $0x0;
	s0 =	rddreg [dreg:$0x2]  }
0x125: {  	s0 =	sadd.s32 @!p0 $0x100000, s0  }
0x126: {  	[sflag:s0] =	ssyncadd.tile.s32 @!p0 $0x1;
	_ =	shalt  }
.Lfunc_end2:
_tile_overlayer_lowered:
.L_overlay_start_2:
0x127: {  	(tag) =	ssettag $0x2  }
0x128: {  	s0 =	rddreg [dreg:$0x0];
	s2 =	stileid.u32  }
0x129: {  	s1 =	rddreg [dreg:$0x1];
	p0 =	sne.s32 s2, $0x0  }
0x12a: {  	s3 =	rddreg [dreg:$0x2];
	[bflag:$0x3] =	sbarrier.arrive $0xFFFF;
	s2 =	simm.s32 @!p0 $0x1C03  }
0x12b: {  	[timem:s3], [sflag:s2] =	dma.local @!p0 [hbm:s0], s1  }
0x12c: {  	s0 =	simm.s32 @!p0 $0x3  }
0x12d: {  	_ =	swait.ge @!p0 [sflag:s0], s1  }
0x12e: {  	s1 =	ssub.s32 @!p0 $0x0, s1;
	[sflag:s0] =	ssyncset.done @!p0 $0x0  }
0x12f: {  	[sflag:s0] =	ssyncadd.s32 @!p0 s1  }
0x130: {  	[bflag:$0x3] =	sbarrier.arrive $0xFFFF  }
0x131: {  	_ =	shalt  }

// kernel: kernel.15.cloned.1.call-start
scs
__scs_entry_jumppad:
0x0: {  	(pc) =	sbr.rel $0x88, $3  }
0x1: {  	(tag) =	ssettag $0x0;
	lr =	simm.s32 $0x1  }
0x2: {  	[smem:$0x3F90] =	sst lr;
	_ =	strace $0xD0000000  }
0x3: {  	_ = 	snop  }
0x4: {  	_ = 	snop  }
0x5: {  	_ = 	snop  }
0x6: {  	_ = 	snop  }
0x7: {  	_ = 	snop  }
__scs_overlays_trampoline_lowered:
0x8: {  	[smem:$0x3F9F] =	sst s0  }
0x9: {  	[smem:$0x3FA0] =	sst s1  }
0xa: {  	[smem:$0x3FA1] =	sst s2  }
0xb: {  	[smem:$0x3FA2] =	sst s3  }
0xc: {  	[smem:$0x3FA3] =	sst s4  }
0xd: {  	[smem:$0x3FA4] =	sst s5  }
0xe: {  	[smem:$0x3FA5] =	sst s6  }
0xf: {  	[smem:$0x3FA6] =	sst s7  }
0x10: {  	[smem:$0x3FA7] =	sst s8  }
0x11: {  	[smem:$0x3FA8] =	sst s9;
	s0 =	simm.s32 @!p0 $0x0  }
0x12: {  	s1 =	sld [smem:$0x3F8E];
	s0 =	simm.s32 @p0 $0x1  }
0x13: {  	[smem:$0x3FA9] =	sst s0;
	s0 =	simm.s32 @!p1 $0x0  }
0x14: {  	s2 =	sld [smem:$0x3F8D];
	s0 =	simm.s32 @p1 $0x1  }
0x15: {  	[smem:$0x3FAA] =	sst s0;
	s0 =	simm.s32 @!p2 $0x0  }
0x16: {  	s3 =	sld [smem:$0x3FDB];
	s0 =	simm.s32 @p2 $0x1  }
0x17: {  	s4 =	simm.s32 $0x1BF5;
	[smem:$0x3FAC] =	sst s0  }
0x18: {  	s0 =	sld [smem:$0x3F8F];
	_ =	swait.ge [sflag:s4], $0x0  }
0x19: {  	s7 =	sld [smem:$0x3F90]  }
0x1a: {  	s8 =	sadd.s32 $0xFFFFE003, lr  }
0x1b: {  	s9 =	sadd.s32 $0xFFFFFEF7, lr;
	s5 =	simm.s32 $0xFFFFFFFF;
	p2 =	slt.u32 s8, $0xFFFFF086  }
0x1c: {  	p1 =	slt.u32 s9, $0xF7A;
	s5 =	simm.s32 @!p2 $0x0  }
0x1d: {  	s5 =	simm.s32 @p1 $0x1;
	p0 =	seq.s32 s7, s2  }
0x1e: {  	s7 =	smul.u32 @!p0 $0xF7A, s2;
	p2 =	seq.s32 @!p0 s5, $0x0  }
0x1f: {  	s9 =	smul.u32 $0xF7A, s1;
	s8 =	simm.s32 @!p0 $0x1BF5;
	p2 =	por !p2, p0  }
0x20: {  	[sflag:s8] =	ssyncset.s32 @!p0 $0xFFFFF086;
	s6 =	sadd.s32 @!p0 s3, s7;
	s7 =	simm.s32 @!p0 $0x108  }
0x21: {  	s3 =	sadd.s32 s3, s9;
	s6 =	sadd.s32 @!p0 $0x88, s6;
	s7 =	simm.s32 @p2 $0x1082  }
0x22: {  	[simem:s7], [sflag:s8] =	dma.local @!p0 [hbm:s6], $0xF7A  }
0x23: {  	s9 =	sor.u32 $0xD0000000, s2;
	s6 =	simm.s32 $0x108;
	_ =	swait.ge @!p0 [sflag:s8], $0x0  }
0x24: {  	s3 =	sadd.s32 $0x88, s3;
	s6 =	simm.s32 @!p1 $0x1082;
	[sflag:s4] =	ssyncset.s32 $0xFFFFF086  }
0x25: {  	[simem:s6], [sflag:s4] =	dma.local [hbm:s3], $0xF7A  }
0x26: {  	[smem:$0x3F90] =	sst s1;
	(tag) =	ssettag s2;
	_ =	strace s9  }
0x27: {  	s1 =	sld [smem:$0x3FA0]  }
0x28: {  	s2 =	sld [smem:$0x3FA1]  }
0x29: {  	s4 =	sld [smem:$0x3FA3]  }
0x2a: {  	p0 =	seq.s32 s5, $0x0;
	s5 =	sld [smem:$0x3FA4]  }
0x2b: {  	s6 =	sld [smem:$0x3FA5]  }
0x2c: {  	s7 =	sld [smem:$0x3FA6]  }
0x2d: {  	s3 =	simm.s32 $0x108;
	s8 =	sld [smem:$0x3FA7]  }
0x2e: {  	s3 =	simm.s32 @!p0 $0x1082;
	s9 =	sld [smem:$0x3FA8]  }
0x2f: {  	lr =	sadd.s32 s0, s3;
	s0 =	sld [smem:$0x3F9F]  }
0x30: {  	s3 =	sld [smem:$0x3FA2]  }
0x31: {  	[smem:$0x3FAB] =	sst s10  }
0x32: {  	s10 =	sld [smem:$0x3FA9];
	_ =	sdelay $0x3  }
0x33: {  	p0 =	seq.s32 s10, $0x1;
	s10 =	sld [smem:$0x3FAB];
	_ =	sdelay $0x3  }
0x34: {  	[smem:$0x3FAB] =	sst s10  }
0x35: {  	s10 =	sld [smem:$0x3FAA];
	_ =	sdelay $0x3  }
0x36: {  	p1 =	seq.s32 s10, $0x1;
	s10 =	sld [smem:$0x3FAB];
	_ =	sdelay $0x3  }
0x37: {  	[smem:$0x3FAB] =	sst s10  }
0x38: {  	s10 =	sld [smem:$0x3FAC]  }
0x39: {  	_ = 	snop;
	(pc) =	sbr.ind lr, $3  }
0x3a: {  	_ = 	snop  }
0x3b: {  	_ = 	snop  }
0x3c: {  	p2 =	seq.s32 s10, $0x1;
	s10 =	sld [smem:$0x3FAB]  }
0x3d: {  	_ =	shalt  }
0x3e: {  	_ =	shalt  }
0x3f: {  	_ =	shalt  }
0x40: {  	_ =	shalt  }
0x41: {  	_ =	shalt  }
0x42: {  	_ =	shalt  }
0x43: {  	_ =	shalt  }
0x44: {  	_ =	shalt  }
0x45: {  	_ =	shalt  }
0x46: {  	_ =	shalt  }
0x47: {  	_ =	shalt  }
0x48: {  	_ =	shalt  }
0x49: {  	_ =	shalt  }
0x4a: {  	_ =	shalt  }
0x4b: {  	_ =	shalt  }
0x4c: {  	_ =	shalt  }
0x4d: {  	_ =	shalt  }
0x4e: {  	_ =	shalt  }
0x4f: {  	_ =	shalt  }
0x50: {  	_ =	shalt  }
0x51: {  	_ =	shalt  }
0x52: {  	_ =	shalt  }
0x53: {  	_ =	shalt  }
0x54: {  	_ =	shalt  }
0x55: {  	_ =	shalt  }
0x56: {  	_ =	shalt  }
0x57: {  	_ =	shalt  }
0x58: {  	_ =	shalt  }
0x59: {  	_ =	shalt  }
0x5a: {  	_ =	shalt  }
0x5b: {  	_ =	shalt  }
0x5c: {  	_ =	shalt  }
0x5d: {  	_ =	shalt  }
0x5e: {  	_ =	shalt  }
0x5f: {  	_ =	shalt  }
0x60: {  	_ =	shalt  }
0x61: {  	_ =	shalt  }
0x62: {  	_ =	shalt  }
0x63: {  	_ =	shalt  }
0x64: {  	_ =	shalt  }
0x65: {  	_ =	shalt  }
0x66: {  	_ =	shalt  }
0x67: {  	_ =	shalt  }
0x68: {  	_ =	shalt  }
0x69: {  	_ =	shalt  }
0x6a: {  	_ =	shalt  }
0x6b: {  	_ =	shalt  }
0x6c: {  	_ =	shalt  }
0x6d: {  	_ =	shalt  }
0x6e: {  	_ =	shalt  }
0x6f: {  	_ =	shalt  }
0x70: {  	_ =	shalt  }
0x71: {  	_ =	shalt  }
0x72: {  	_ =	shalt  }
0x73: {  	_ =	shalt  }
0x74: {  	_ =	shalt  }
0x75: {  	_ =	shalt  }
0x76: {  	_ =	shalt  }
0x77: {  	_ =	shalt  }
0x78: {  	_ =	shalt  }
0x79: {  	_ =	shalt  }
0x7a: {  	_ =	shalt  }
0x7b: {  	_ =	shalt  }
0x7c: {  	_ =	shalt  }
0x7d: {  	_ =	shalt  }
0x7e: {  	_ =	shalt  }
0x7f: {  	_ =	shalt  }
0x80: {  	_ =	shalt  }
0x81: {  	_ =	shalt  }
0x82: {  	_ =	shalt  }
0x83: {  	_ =	shalt  }
0x84: {  	_ =	shalt  }
0x85: {  	_ =	shalt  }
0x86: {  	_ =	shalt  }
0x87: {  	_ =	shalt  }
.Lfunc_end0:
.L_simem_size_0:
called_computation.2_lowered:
.L_overlay_start_0:
0x88: {  	s2 =	sld [smem:$0x3FD9]  }
0x89: {  	s3 =	sld [smem:$0x3FFE];
	_ =	sdelay $0x1  }
0x8a: {  	s1 =	srdreg.scid  }
0x8b: {  	s0 =	sand.u32 $0x1, s1  }
0x8c: {  	s16 =	sshll.u32 s0, $0xA;
	s2 =	sadd.s32 s3, s2  }
0x8d: {  	s2 =	sadd.s32 s2, s16  }
0x8e: {  	[smem:$0x3FB7] =	sst s2  }
0x8f: {  	_ = 	snop  }
0x90: {  	(tm) =	ssettm $0x1  }
0x91: {  	s17 =	sld [smem:$0x3FFB];
	_ =	sdelay $0x3  }
0x92: {  	_ =	strace s17  }
0x93: {  	s2 =	sld [smem:$0x3FFC];
	_ =	sdelay $0x3  }
0x94: {  	_ =	strace s2  }
0x95: {  	s2 =	sld [smem:$0x3FFD];
	_ =	sdelay $0x3  }
0x96: {  	_ =	strace s2  }
0x97: {  	_ =	strace $0x8FFFFFFF  }
0x98: {  	s18 =	sld [smem:$0x3FDB];
	_ =	sdelay $0x1  }
0x99: {  	s19 =	simm.s32 $_scs_section_size  }
0x9a: {  	s4 =	simm.s32 $_size__tile_overlayer_lowered;
	s5 =	simm.s32 $_tile_overlayer_lowered  }
0x9b: {  	s22 =	simm.s32 $0x1BFF;
	s21 =	sshll.u32 s5, $0x1;
	s2 =	sadd.s32 s19, s18  }
0x9c: {  	s6 =	simm.s32 $0x0;
	s20 =	sshll.u32 s4, $0x1;
	s4 =	sadd.s32 s21, s2  }
0x9d: {  	[timem:s6], [sflag:s22] =	dma.local [hbm:s4], s20  }
0x9e: {  	_ =	swait.ge [sflag:s22], s20  }
0x9f: {  	s3 =	ssub.s32 $0x0, s20;
	[sflag:s22] =	ssyncset.done $0x0  }
0xa0: {  	[sflag:s22] =	ssyncadd.s32 s3;
	_ =	sdelay $0x1  }
0xa1: {  	s23 =	simm.s32 $0x1B8B  }
0xa2: {  	_ =	swait.ge [sflag:s23], $0x1  }
0xa3: {  	[sflag:s23] =	ssyncset.done $0x0  }
0xa4: {  	s25 =	simm.s32 $0x1B8E;
	s24 =	sld [smem:$0x3FFE];
	[sflag:s23] =	ssyncadd.s32 $0xFFFFFFFF  }
0xa5: {  	s26 =	simm.s32 $execute0_lowered;
	[smem:$0x3FD2] =	sst s25  }
0xa6: {  	s4 =	sshll.u32 s26, $0x1;
	_ =	strace $0x8000004C;
	[dreg:$0x1] =	wrdreg $0xFFFFFFFF  }
0xa7: {  	s28 =	simm.s32 $_size_execute0_lowered;
	s2 =	sadd.s32 s2, s4;
	[dreg:$0x0] =	wrdreg $0x0  }
0xa8: {  	s4 =	sshll.u32 s28, $0x1;
	[dreg:$0x2] =	wrdreg s2  }
0xa9: {  	[dreg:$0x3] =	wrdreg s4  }
0xaa: {  	[dreg:$0x4] =	wrdreg $0xC0  }
0xab: {  	_ =	task [dreg:s6], $0x5FFFF  }
0xac: {  	[dreg:$0x1] =	wrdreg $0xFFFFFFFF  }
0xad: {  	[dreg:$0x0] =	wrdreg $0x60  }
0xae: {  	[dreg:$0x2] =	wrdreg s24  }
0xaf: {  	[dreg:$0x3] =	wrdreg $0x61000  }
0xb0: {  	[dreg:$0x4] =	wrdreg $0x9  }
0xb1: {  	_ =	task.clear_ibuf [dreg:s6], $0x5FFFF;
	_ =	strace $0x9000004C  }
0xb2: {  	s29 =	simm.s32 $0x9;
	_ =	strace $0x8000004E  }
0xb3: {  	_ =	swait.ge [sflag:s29], $0x1  }
0xb4: {  	[sflag:s29] =	ssyncadd.s32 $0xFFFFFFFF  }
0xb5: {  	_ =	strace $0x9000004E  }
0xb6: {  	_ =	sfence  }
0xb7: {  	s30 =	sld [smem:$0x0];
	_ =	sdelay $0x2  }
0xb8: {  	s31 =	sshll.u32 s1, $0xD;
	s1 =	sshrl.u32 s1, $0x2  }
0xb9: {  	s3 =	sand.u32 $0x4000, s31;
	s1 =	sadd.s32 s1, s30  }
0xba: {  	s0 =	sor.u32 s3, s0;
	s1 =	sshll.u32 s1, $0x11  }
0xbb: {  	s0 =	sor.u32 s1, s0  }
0xbc: {  	s0 =	sadd.s32 $0x8F2B, s0  }
0xbd: {  	[sflag:s0] =	ssyncadd.remote.s32 $0x1  }
0xbe: {  	_ =	sfence.sel $0xFFFF  }
0xbf: {  	[dreg:$0x0] =	wrdreg $0xFFFFFFFF;
	(pc) =	sbr.abs _section_cstart, $3  }
0xc0: {  	[dreg:$0x1] =	wrdreg $0xFFFFFFFF  }
0xc1: {  	_ =	task.clear_ibuf [dreg:s6], $0x2FFFF;
	_ =	strace $0x9FFFFFFF  }
0xc2: {  	(tm) =	ssettm $0x7FFFFFFF  }
0xc3: {  	_ =	shalt  }
tec
execute0_lowered:
.L_overlay_start_1:
0x0: {  	(tag) =	ssettag $0x1  }
0x1: {  	s0 =	rddreg [dreg:$0x0];
	s8 =	stileid.u32  }
0x2: {  	s1 =	srdreg.scid;
	s2 =	rddreg [dreg:$0x1]  }
0x3: {  	s3 =	simm.s32 $0x0;
	s17 =	simm.s32 $0x1100;
	s18 =	simm.s32 $0x3  }
0x4: {  	s28 =	simm.s32 $0x900;
	s29 =	simm.s32 $0x980;
	s5 =	smul.u32 $0x1900, s8  }
0x5: {  	s30 =	simm.s32 $0xA00;
	s31 =	simm.s32 $0xA80;
	s7 =	smul.u32 $0x14000, s8  }
0x6: {  	s6 =	sand.u32 $0x1, s1;
	[smem:$0x7FF] =	sst s3;
	s8 =	smul.u32 $0x50000, s8  }
0x7: {  	s4 =	sadd.s32 $0x2A00, s0;
	s1 =	smul.u32 $0x140000, s6;
	_ =	strace $0x8000004D  }
0x8: {  	s19 =	ssub.s32 $0x2, s6;
	v0 =	vmov s6;
	s6 =	simm.s32 $0xC00;
	s9 =	sadd.s32 s5, s0  }
0x9: {  	s20 =	sshrl.u32 s19, $0x1;
	s8 =	sshrl.u32 s8, $0x2;
	s1 =	sadd.s32 s7, s1  }
0xa: {  	s21 =	ssub.s32 s19, s20;
	s5 =	sadd.s32 s8, s2;
	s15 =	sadd.s32 $0x9DA00, s9  }
0xb: {  	s16 =	sadd.s32 $0x84A00, s9;
	s19 =	simm.s32 $0x800;
	s20 =	simm.s32 $0x50  }
0xc: {  	s7 =	simm.s32 $0xC80;
	s8 =	simm.s32 $0x0;
	s22 =	smax.u32 s21, $0x1  }
0xd: {  	s1 =	sshrl.u32 s1, $0x3;
	s23 =	sadd.s32 $0x2800, s5;
	[dreg:$0x4] =	wrdreg s22  }
0xe: {  	s24 =	sadd.s32 $0x5000, s5;
	s25 =	sadd.s32 $0x7800, s5;
	[dreg:$0x5] =	wrdreg s23  }
0xf: {  	s26 =	sadd.s32 $0xA000, s5;
	s12 =	sadd.s32 $0xC800, s5;
	[dreg:$0x6] =	wrdreg s24  }
0x10: {  	s13 =	sadd.s32 $0xF000, s5;
	s14 =	sadd.s32 $0x11800, s5;
	[dreg:$0x7] =	wrdreg s25  }
0x11: {  	s21 =	simm.s32 $0x1000;
	s0 =	sadd.s32 s1, s0;
	[dreg:$0x8] =	wrdreg s26  }
0x12: {  	s22 =	simm.s32 $0x1;
	s23 =	simm.s32 $0x1080;
	s24 =	simm.s32 $0x3900  }
0x13: {  	s25 =	simm.s32 $0x880;
	s26 =	simm.s32 $0x2;
	s0 =	sadd.s32 $0xB6A00, s0  }
0x14: {  	v1 =	vimm.f32 $0.0e+00;
	s1 =	simm.s32 $0xB00;
	[dreg:$0x3] =	wrdreg s0;
	s0 =	simm.s32 $0xB80  }
.LBB2_1:
0x15: {  	s9 =	simm.s32 $0x0;
	s10 =	simm.s32 $0x200  }
.LBB2_2:
0x16: {  	p0 =	sne.s32 s10, $0x9E00;
	[tilespmem:s9+$0x1170] =	vst v1  }
0x17: {  	[tilespmem:s9+$0x1100] =	vst v1  }
0x18: {  	[tilespmem:s9+$0x1110] =	vst v1  }
.Ltmp0:
0x19: {  	[tilespmem:s9+$0x1120] =	vst v1;
	(pc) =	sbr.rel @p0 .LBB2_2-.Ltmp0, $4  }
0x1a: {  	[tilespmem:s9+$0x1130] =	vst v1  }
0x1b: {  	[tilespmem:s9+$0x1140] =	vst v1  }
0x1c: {  	[tilespmem:s9+$0x1150] =	vst v1  }
0x1d: {  	[tilespmem:s9+$0x1160] =	vst v1;
	s9 =	sshra.s32 s10, $0x2;
	s10 =	sadd.s32 $0x200, s10  }
0x1e: {  	[tilespmem:s9+$0x1170] =	vst v1  }
0x1f: {  	[tilespmem:s9+$0x1100] =	vst v1  }
0x20: {  	[tilespmem:s9+$0x1110] =	vst v1  }
0x21: {  	[tilespmem:s9+$0x1120] =	vst v1  }
0x22: {  	[tilespmem:s9+$0x1130] =	vst v1  }
0x23: {  	[tilespmem:s9+$0x1140] =	vst v1  }
0x24: {  	[tilespmem:s9+$0x1150] =	vst v1  }
0x25: {  	[tilespmem:s9+$0x1160] =	vst v1  }
0x26: {  	[spmem:s5] =	stream.linear.scatter [tilespmem:s17], [sflag:$0x3], $0x2800, $0x38;
	[tilespmem:$0x1A100] =	vst v63  }
0x27: {  	_ =	swait.ge [sflag:s18], $0x2800  }
0x28: {  	[sflag:s18] =	ssyncset.done $0x0  }
0x29: {  	s10 =	rddreg [dreg:$0x5];
	[sflag:s18] =	ssyncadd.s32 $0xFFFFD800  }
0x2a: {  	[spmem:s10] =	stream.linear.scatter [tilespmem:s17], [sflag:$0x3], $0x2800, $0x38;
	[tilespmem:$0x1A100] =	vst v63  }
0x2b: {  	_ =	swait.ge [sflag:s18], $0x2800  }
0x2c: {  	[sflag:s18] =	ssyncset.done $0x0  }
0x2d: {  	s11 =	rddreg [dreg:$0x6];
	[sflag:s18] =	ssyncadd.s32 $0xFFFFD800  }
0x2e: {  	[spmem:s11] =	stream.linear.scatter [tilespmem:s17], [sflag:$0x3], $0x2800, $0x38;
	[tilespmem:$0x1A100] =	vst v63  }
0x2f: {  	_ =	swait.ge [sflag:s18], $0x2800  }
0x30: {  	[sflag:s18] =	ssyncset.done $0x0  }
0x31: {  	s10 =	rddreg [dreg:$0x7];
	[sflag:s18] =	ssyncadd.s32 $0xFFFFD800  }
0x32: {  	[spmem:s10] =	stream.linear.scatter [tilespmem:s17], [sflag:$0x3], $0x2800, $0x38;
	[tilespmem:$0x1A100] =	vst v63  }
0x33: {  	_ =	swait.ge [sflag:s18], $0x2800  }
0x34: {  	[sflag:s18] =	ssyncset.done $0x0  }
0x35: {  	s11 =	rddreg [dreg:$0x8];
	[sflag:s18] =	ssyncadd.s32 $0xFFFFD800  }
0x36: {  	[spmem:s11] =	stream.linear.scatter [tilespmem:s17], [sflag:$0x3], $0x2800, $0x38;
	[tilespmem:$0x1A100] =	vst v63  }
0x37: {  	_ =	swait.ge [sflag:s18], $0x2800  }
0x38: {  	[sflag:s18] =	ssyncset.done $0x0  }
0x39: {  	[sflag:s18] =	ssyncadd.s32 $0xFFFFD800  }
0x3a: {  	[spmem:s12] =	stream.linear.scatter [tilespmem:s17], [sflag:$0x3], $0x2800, $0x38;
	[tilespmem:$0x1A100] =	vst v63  }
0x3b: {  	_ =	swait.ge [sflag:s18], $0x2800  }
0x3c: {  	[sflag:s18] =	ssyncset.done $0x0  }
0x3d: {  	[sflag:s18] =	ssyncadd.s32 $0xFFFFD800  }
0x3e: {  	[spmem:s13] =	stream.linear.scatter [tilespmem:s17], [sflag:$0x3], $0x2800, $0x38;
	[tilespmem:$0x1A100] =	vst v63  }
0x3f: {  	_ =	swait.ge [sflag:s18], $0x2800  }
0x40: {  	[sflag:s18] =	ssyncset.done $0x0  }
0x41: {  	[sflag:s18] =	ssyncadd.s32 $0xFFFFD800  }
0x42: {  	[spmem:s14] =	stream.linear.scatter [tilespmem:s17], [sflag:$0x3], $0x2800, $0x38;
	[tilespmem:$0x1A100] =	vst v63  }
0x43: {  	_ =	swait.ge [sflag:s18], $0x2800  }
0x44: {  	[sflag:s18] =	ssyncset.done $0x0  }
0x45: {  	[sflag:s18] =	ssyncadd.s32 $0xFFFFD800  }
0x46: {  	s9 =	simm.s32 $0x0;
	[bflag:$0x0] =	sbarrier.arrive $0xFFFF  }
.LBB2_4:
0x47: {  	s10 =	sadd.s32 s9, s16  }
0x48: {  	[tilespmem:s3], [sflag:$0x3] =	stream.linear.gather [hbm4b:s10+s3], $0x500, $0x38;
	[tilespmem:$0x1A100] =	vst v63  }
0x49: {  	_ =	swait.ge [sflag:s18], $0x500  }
0x4a: {  	[sflag:s18] =	ssyncset.done $0x0  }
0x4b: {  	s11 =	sadd.s32 s9, s15;
	[sflag:s18] =	ssyncadd.s32 $0xFFFFFB00  }
0x4c: {  	[tilespmem:s19], [sflag:$0x3] =	stream.linear.gather [hbm4b:s11+s3], $0x500, $0x38;
	[tilespmem:$0x1A100] =	vst v63  }
0x4d: {  	_ =	swait.ge [sflag:s18], $0x500  }
0x4e: {  	[sflag:s18] =	ssyncset.done $0x0  }
0x4f: {  	[sflag:s18] =	ssyncadd.s32 $0xFFFFFB00  }
0x50: {  	v2 =	vld [tilespmem:$0x0]  }
0x51: {  	v3 =	vld [tilespmem:$0x10]  }
0x52: {  	v4 =	vld [tilespmem:$0x20]  }
0x53: {  	v5 =	vld [tilespmem:$0x30]  }
0x54: {  	v6 =	vld [tilespmem:$0x40]  }
0x55: {  	v2 =	vshll.u32 v2, $0x1  }
0x56: {  	v3 =	vshll.u32 v3, $0x1;
	v2 =	vor.u32 v0, v2  }
0x57: {  	[tilespmem:$0x1000] =	vst v2;
	v2 =	vor.u32 v0, v3;
	v3 =	vshll.u32 v4, $0x1  }
0x58: {  	[tilespmem:$0x1010] =	vst v2;
	v2 =	vor.u32 v0, v3;
	v3 =	vshll.u32 v5, $0x1  }
0x59: {  	[tilespmem:$0x1020] =	vst v2;
	v2 =	vor.u32 v0, v3;
	v3 =	vshll.u32 v6, $0x1  }
0x5a: {  	[tilespmem:$0x1030] =	vst v2;
	v2 =	vor.u32 v0, v3  }
0x5b: {  	[tilespmem:$0x1040] =	vst v2  }
0x5c: {  	[tilespmem:s17], [sflag:$0x1] =	stream.indirect.gather [hbm4b:s4+s20], $0x80, s21, s20, $0xb8;
	[tilespmem:$0x1A100] =	vst v63  }
0x5d: {  	_ =	swait.ge [sflag:s22], $0x2800  }
0x5e: {  	[sflag:s22] =	ssyncset.done $0x0  }
0x5f: {  	[sflag:s22] =	ssyncadd.s32 $0xFFFFD800  }
0x60: {  	[spmem:s2] =	stream.indirect.scatter.add.f32 [tilespmem:s17], [sflag:$0x2], $0x80, s19, s20, $0xb8;
	[tilespmem:$0x1A100] =	vst v63  }
0x61: {  	v2 =	vld [tilespmem:$0x80]  }
0x62: {  	v3 =	vld [tilespmem:$0x90]  }
0x63: {  	v37 =	vld [tilespmem:$0xA0]  }
0x64: {  	v38 =	vld [tilespmem:$0xB0]  }
0x65: {  	v39 =	vld [tilespmem:$0xC0]  }
0x66: {  	v2 =	vshll.u32 v2, $0x1  }
0x67: {  	v3 =	vshll.u32 v3, $0x1;
	v2 =	vor.u32 v0, v2  }
0x68: {  	[tilespmem:$0x1080] =	vst v2;
	v2 =	vor.u32 v0, v3;
	v3 =	vshll.u32 v37, $0x1  }
0x69: {  	[tilespmem:$0x1090] =	vst v2;
	v2 =	vor.u32 v0, v3;
	v3 =	vshll.u32 v38, $0x1  }
0x6a: {  	[tilespmem:$0x10A0] =	vst v2;
	v2 =	vor.u32 v0, v3;
	v3 =	vshll.u32 v39, $0x1  }
0x6b: {  	[tilespmem:$0x10B0] =	vst v2;
	v2 =	vor.u32 v0, v3  }
0x6c: {  	[tilespmem:$0x10C0] =	vst v2  }
0x6d: {  	[tilespmem:s24], [sflag:$0x1] =	stream.indirect.gather [hbm4b:s4+s20], $0x80, s23, s20, $0xb8;
	[tilespmem:$0x1A100] =	vst v63  }
0x6e: {  	_ =	swait.ge [sflag:s22], $0x2800  }
0x6f: {  	[sflag:s22] =	ssyncset.done $0x0  }
0x70: {  	[sflag:s22] =	ssyncadd.s32 $0xFFFFD800  }
0x71: {  	[spmem:s2] =	stream.indirect.scatter.add.f32 [tilespmem:s24], [sflag:$0x2], $0x80, s25, s20, $0xb8;
	[tilespmem:$0x1A100] =	vst v63  }
0x72: {  	_ =	swait.ge [sflag:s26], $0x2800  }
0x73: {  	[sflag:s26] =	ssyncset.done $0x0  }
0x74: {  	[sflag:s26] =	ssyncadd.s32 $0xFFFFD800  }
0x75: {  	v2 =	vld [tilespmem:$0x100]  }
0x76: {  	v3 =	vld [tilespmem:$0x110]  }
0x77: {  	v40 =	vld [tilespmem:$0x120]  }
0x78: {  	v41 =	vld [tilespmem:$0x130]  }
0x79: {  	v42 =	vld [tilespmem:$0x140]  }
0x7a: {  	v2 =	vshll.u32 v2, $0x1  }
0x7b: {  	v3 =	vshll.u32 v3, $0x1;
	v2 =	vor.u32 v0, v2  }
0x7c: {  	[tilespmem:$0x1000] =	vst v2;
	v2 =	vor.u32 v0, v3;
	v3 =	vshll.u32 v40, $0x1  }
0x7d: {  	[tilespmem:$0x1010] =	vst v2;
	v2 =	vor.u32 v0, v3;
	v3 =	vshll.u32 v41, $0x1  }
0x7e: {  	[tilespmem:$0x1020] =	vst v2;
	v2 =	vor.u32 v0, v3;
	v3 =	vshll.u32 v42, $0x1  }
0x7f: {  	[tilespmem:$0x1030] =	vst v2;
	v2 =	vor.u32 v0, v3  }
0x80: {  	[tilespmem:$0x1040] =	vst v2  }
0x81: {  	[tilespmem:s17], [sflag:$0x1] =	stream.indirect.gather [hbm4b:s4+s20], $0x80, s21, s20, $0xb8;
	[tilespmem:$0x1A100] =	vst v63  }
0x82: {  	_ =	swait.ge [sflag:s22], $0x2800  }
0x83: {  	[sflag:s22] =	ssyncset.done $0x0  }
0x84: {  	[sflag:s22] =	ssyncadd.s32 $0xFFFFD800  }
0x85: {  	[spmem:s2] =	stream.indirect.scatter.add.f32 [tilespmem:s17], [sflag:$0x2], $0x80, s28, s20, $0xb8;
	[tilespmem:$0x1A100] =	vst v63  }
0x86: {  	_ =	swait.ge [sflag:s26], $0x2800  }
0x87: {  	[sflag:s26] =	ssyncset.done $0x0  }
0x88: {  	[sflag:s26] =	ssyncadd.s32 $0xFFFFD800  }
0x89: {  	v2 =	vld [tilespmem:$0x180]  }
0x8a: {  	v3 =	vld [tilespmem:$0x190]  }
0x8b: {  	v43 =	vld [tilespmem:$0x1A0]  }
0x8c: {  	v44 =	vld [tilespmem:$0x1B0]  }
0x8d: {  	v45 =	vld [tilespmem:$0x1C0]  }
0x8e: {  	v2 =	vshll.u32 v2, $0x1  }
0x8f: {  	v3 =	vshll.u32 v3, $0x1;
	v2 =	vor.u32 v0, v2  }
0x90: {  	[tilespmem:$0x1080] =	vst v2;
	v2 =	vor.u32 v0, v3;
	v3 =	vshll.u32 v43, $0x1  }
0x91: {  	[tilespmem:$0x1090] =	vst v2;
	v2 =	vor.u32 v0, v3;
	v3 =	vshll.u32 v44, $0x1  }
0x92: {  	[tilespmem:$0x10A0] =	vst v2;
	v2 =	vor.u32 v0, v3;
	v3 =	vshll.u32 v45, $0x1  }
0x93: {  	[tilespmem:$0x10B0] =	vst v2;
	v2 =	vor.u32 v0, v3  }
0x94: {  	[tilespmem:$0x10C0] =	vst v2  }
0x95: {  	[tilespmem:s24], [sflag:$0x1] =	stream.indirect.gather [hbm4b:s4+s20], $0x80, s23, s20, $0xb8;
	[tilespmem:$0x1A100] =	vst v63  }
0x96: {  	_ =	swait.ge [sflag:s22], $0x2800  }
0x97: {  	[sflag:s22] =	ssyncset.done $0x0  }
0x98: {  	[sflag:s22] =	ssyncadd.s32 $0xFFFFD800  }
0x99: {  	[spmem:s2] =	stream.indirect.scatter.add.f32 [tilespmem:s24], [sflag:$0x2], $0x80, s29, s20, $0xb8;
	[tilespmem:$0x1A100] =	vst v63  }
0x9a: {  	_ =	swait.ge [sflag:s26], $0x2800  }
0x9b: {  	[sflag:s26] =	ssyncset.done $0x0  }
0x9c: {  	[sflag:s26] =	ssyncadd.s32 $0xFFFFD800  }
0x9d: {  	v2 =	vld [tilespmem:$0x200]  }
0x9e: {  	v3 =	vld [tilespmem:$0x210]  }
0x9f: {  	v46 =	vld [tilespmem:$0x220]  }
0xa0: {  	v47 =	vld [tilespmem:$0x230]  }
0xa1: {  	v48 =	vld [tilespmem:$0x240]  }
0xa2: {  	v2 =	vshll.u32 v2, $0x1  }
0xa3: {  	v3 =	vshll.u32 v3, $0x1;
	v2 =	vor.u32 v0, v2  }
0xa4: {  	[tilespmem:$0x1000] =	vst v2;
	v2 =	vor.u32 v0, v3;
	v3 =	vshll.u32 v46, $0x1  }
0xa5: {  	[tilespmem:$0x1010] =	vst v2;
	v2 =	vor.u32 v0, v3;
	v3 =	vshll.u32 v47, $0x1  }
0xa6: {  	[tilespmem:$0x1020] =	vst v2;
	v2 =	vor.u32 v0, v3;
	v3 =	vshll.u32 v48, $0x1  }
0xa7: {  	[tilespmem:$0x1030] =	vst v2;
	v2 =	vor.u32 v0, v3  }
0xa8: {  	[tilespmem:$0x1040] =	vst v2  }
0xa9: {  	[tilespmem:s17], [sflag:$0x1] =	stream.indirect.gather [hbm4b:s4+s20], $0x80, s21, s20, $0xb8;
	[tilespmem:$0x1A100] =	vst v63  }
0xaa: {  	_ =	swait.ge [sflag:s22], $0x2800  }
0xab: {  	[sflag:s22] =	ssyncset.done $0x0  }
0xac: {  	[sflag:s22] =	ssyncadd.s32 $0xFFFFD800  }
0xad: {  	[spmem:s2] =	stream.indirect.scatter.add.f32 [tilespmem:s17], [sflag:$0x2], $0x80, s30, s20, $0xb8;
	[tilespmem:$0x1A100] =	vst v63  }
0xae: {  	_ =	swait.ge [sflag:s26], $0x2800  }
0xaf: {  	[sflag:s26] =	ssyncset.done $0x0  }
0xb0: {  	[sflag:s26] =	ssyncadd.s32 $0xFFFFD800  }
0xb1: {  	v2 =	vld [tilespmem:$0x280]  }
0xb2: {  	v3 =	vld [tilespmem:$0x290]  }
0xb3: {  	v49 =	vld [tilespmem:$0x2A0]  }
0xb4: {  	v50 =	vld [tilespmem:$0x2B0]  }
0xb5: {  	v51 =	vld [tilespmem:$0x2C0]  }
0xb6: {  	v2 =	vshll.u32 v2, $0x1  }
0xb7: {  	v3 =	vshll.u32 v3, $0x1;
	v2 =	vor.u32 v0, v2  }
0xb8: {  	[tilespmem:$0x1080] =	vst v2;
	v2 =	vor.u32 v0, v3;
	v3 =	vshll.u32 v49, $0x1  }
0xb9: {  	[tilespmem:$0x1090] =	vst v2;
	v2 =	vor.u32 v0, v3;
	v3 =	vshll.u32 v50, $0x1  }
0xba: {  	[tilespmem:$0x10A0] =	vst v2;
	v2 =	vor.u32 v0, v3;
	v3 =	vshll.u32 v51, $0x1  }
0xbb: {  	[tilespmem:$0x10B0] =	vst v2;
	v2 =	vor.u32 v0, v3  }
0xbc: {  	[tilespmem:$0x10C0] =	vst v2  }
0xbd: {  	[tilespmem:s24], [sflag:$0x1] =	stream.indirect.gather [hbm4b:s4+s20], $0x80, s23, s20, $0xb8;
	[tilespmem:$0x1A100] =	vst v63  }
0xbe: {  	_ =	swait.ge [sflag:s22], $0x2800  }
0xbf: {  	[sflag:s22] =	ssyncset.done $0x0  }
0xc0: {  	[sflag:s22] =	ssyncadd.s32 $0xFFFFD800  }
0xc1: {  	[spmem:s2] =	stream.indirect.scatter.add.f32 [tilespmem:s24], [sflag:$0x2], $0x80, s31, s20, $0xb8;
	[tilespmem:$0x1A100] =	vst v63  }
0xc2: {  	_ =	swait.ge [sflag:s26], $0x2800  }
0xc3: {  	[sflag:s26] =	ssyncset.done $0x0  }
0xc4: {  	[sflag:s26] =	ssyncadd.s32 $0xFFFFD800  }
0xc5: {  	v2 =	vld [tilespmem:$0x300]  }
0xc6: {  	v3 =	vld [tilespmem:$0x310]  }
0xc7: {  	v52 =	vld [tilespmem:$0x320]  }
0xc8: {  	v53 =	vld [tilespmem:$0x330]  }
0xc9: {  	v54 =	vld [tilespmem:$0x340]  }
0xca: {  	v2 =	vshll.u32 v2, $0x1  }
0xcb: {  	v3 =	vshll.u32 v3, $0x1;
	v2 =	vor.u32 v0, v2  }
0xcc: {  	[tilespmem:$0x1000] =	vst v2;
	v2 =	vor.u32 v0, v3;
	v3 =	vshll.u32 v52, $0x1  }
0xcd: {  	[tilespmem:$0x1010] =	vst v2;
	v2 =	vor.u32 v0, v3;
	v3 =	vshll.u32 v53, $0x1  }
0xce: {  	[tilespmem:$0x1020] =	vst v2;
	v2 =	vor.u32 v0, v3;
	v3 =	vshll.u32 v54, $0x1  }
0xcf: {  	[tilespmem:$0x1030] =	vst v2;
	v2 =	vor.u32 v0, v3  }
0xd0: {  	[tilespmem:$0x1040] =	vst v2  }
0xd1: {  	[tilespmem:s17], [sflag:$0x1] =	stream.indirect.gather [hbm4b:s4+s20], $0x80, s21, s20, $0xb8;
	[tilespmem:$0x1A100] =	vst v63  }
0xd2: {  	_ =	swait.ge [sflag:s22], $0x2800  }
0xd3: {  	[sflag:s22] =	ssyncset.done $0x0  }
0xd4: {  	[sflag:s22] =	ssyncadd.s32 $0xFFFFD800  }
0xd5: {  	[spmem:s2] =	stream.indirect.scatter.add.f32 [tilespmem:s17], [sflag:$0x2], $0x80, s1, s20, $0xb8;
	[tilespmem:$0x1A100] =	vst v63  }
0xd6: {  	_ =	swait.ge [sflag:s26], $0x2800  }
0xd7: {  	[sflag:s26] =	ssyncset.done $0x0  }
0xd8: {  	[sflag:s26] =	ssyncadd.s32 $0xFFFFD800  }
0xd9: {  	v2 =	vld [tilespmem:$0x380]  }
0xda: {  	v3 =	vld [tilespmem:$0x390]  }
0xdb: {  	v55 =	vld [tilespmem:$0x3A0]  }
0xdc: {  	v56 =	vld [tilespmem:$0x3B0]  }
0xdd: {  	v57 =	vld [tilespmem:$0x3C0]  }
0xde: {  	v2 =	vshll.u32 v2, $0x1  }
0xdf: {  	v3 =	vshll.u32 v3, $0x1;
	v2 =	vor.u32 v0, v2  }
0xe0: {  	[tilespmem:$0x1080] =	vst v2;
	v2 =	vor.u32 v0, v3;
	v3 =	vshll.u32 v55, $0x1  }
0xe1: {  	[tilespmem:$0x1090] =	vst v2;
	v2 =	vor.u32 v0, v3;
	v3 =	vshll.u32 v56, $0x1  }
0xe2: {  	[tilespmem:$0x10A0] =	vst v2;
	v2 =	vor.u32 v0, v3;
	v3 =	vshll.u32 v57, $0x1  }
0xe3: {  	[tilespmem:$0x10B0] =	vst v2;
	v2 =	vor.u32 v0, v3  }
0xe4: {  	[tilespmem:$0x10C0] =	vst v2  }
0xe5: {  	[tilespmem:s24], [sflag:$0x1] =	stream.indirect.gather [hbm4b:s4+s20], $0x80, s23, s20, $0xb8;
	[tilespmem:$0x1A100] =	vst v63  }
0xe6: {  	_ =	swait.ge [sflag:s22], $0x2800  }
0xe7: {  	[sflag:s22] =	ssyncset.done $0x0  }
0xe8: {  	[sflag:s22] =	ssyncadd.s32 $0xFFFFD800  }
0xe9: {  	[spmem:s2] =	stream.indirect.scatter.add.f32 [tilespmem:s24], [sflag:$0x2], $0x80, s0, s20, $0xb8;
	[tilespmem:$0x1A100] =	vst v63  }
0xea: {  	_ =	swait.ge [sflag:s26], $0x2800  }
0xeb: {  	[sflag:s26] =	ssyncset.done $0x0  }
0xec: {  	[sflag:s26] =	ssyncadd.s32 $0xFFFFD800  }
0xed: {  	v2 =	vld [tilespmem:$0x400]  }
0xee: {  	v3 =	vld [tilespmem:$0x410]  }
0xef: {  	v58 =	vld [tilespmem:$0x420]  }
0xf0: {  	v59 =	vld [tilespmem:$0x430]  }
0xf1: {  	v60 =	vld [tilespmem:$0x440]  }
0xf2: {  	v2 =	vshll.u32 v2, $0x1  }
0xf3: {  	v3 =	vshll.u32 v3, $0x1;
	v2 =	vor.u32 v0, v2  }
0xf4: {  	[tilespmem:$0x1000] =	vst v2;
	v2 =	vor.u32 v0, v3;
	v3 =	vshll.u32 v58, $0x1  }
0xf5: {  	[tilespmem:$0x1010] =	vst v2;
	v2 =	vor.u32 v0, v3;
	v3 =	vshll.u32 v59, $0x1  }
0xf6: {  	[tilespmem:$0x1020] =	vst v2;
	v2 =	vor.u32 v0, v3;
	v3 =	vshll.u32 v60, $0x1  }
0xf7: {  	[tilespmem:$0x1030] =	vst v2;
	v2 =	vor.u32 v0, v3  }
0xf8: {  	[tilespmem:$0x1040] =	vst v2  }
0xf9: {  	[tilespmem:s17], [sflag:$0x1] =	stream.indirect.gather [hbm4b:s4+s20], $0x80, s21, s20, $0xb8;
	[tilespmem:$0x1A100] =	vst v63  }
0xfa: {  	_ =	swait.ge [sflag:s22], $0x2800  }
0xfb: {  	[sflag:s22] =	ssyncset.done $0x0  }
0xfc: {  	[sflag:s22] =	ssyncadd.s32 $0xFFFFD800  }
0xfd: {  	[spmem:s2] =	stream.indirect.scatter.add.f32 [tilespmem:s17], [sflag:$0x2], $0x80, s6, s20, $0xb8;
	[tilespmem:$0x1A100] =	vst v63  }
0xfe: {  	_ =	swait.ge [sflag:s26], $0x2800  }
0xff: {  	[sflag:s26] =	ssyncset.done $0x0  }
0x100: {  	[sflag:s26] =	ssyncadd.s32 $0xFFFFD800  }
0x101: {  	v2 =	vld [tilespmem:$0x480]  }
0x102: {  	v3 =	vld [tilespmem:$0x490]  }
0x103: {  	v61 =	vld [tilespmem:$0x4A0]  }
0x104: {  	v62 =	vld [tilespmem:$0x4B0]  }
0x105: {  	v63 =	vld [tilespmem:$0x4C0]  }
0x106: {  	v2 =	vshll.u32 v2, $0x1  }
0x107: {  	v3 =	vshll.u32 v3, $0x1;
	v2 =	vor.u32 v0, v2  }
0x108: {  	[tilespmem:$0x1080] =	vst v2;
	v2 =	vor.u32 v0, v3;
	v3 =	vshll.u32 v61, $0x1  }
0x109: {  	[tilespmem:$0x1090] =	vst v2;
	v2 =	vor.u32 v0, v3;
	v3 =	vshll.u32 v62, $0x1  }
0x10a: {  	[tilespmem:$0x10A0] =	vst v2;
	v2 =	vor.u32 v0, v3;
	v3 =	vshll.u32 v63, $0x1  }
0x10b: {  	[tilespmem:$0x10B0] =	vst v2;
	v2 =	vor.u32 v0, v3  }
0x10c: {  	[tilespmem:$0x10C0] =	vst v2  }
0x10d: {  	[tilespmem:s24], [sflag:$0x1] =	stream.indirect.gather [hbm4b:s4+s20], $0x80, s23, s20, $0xb8;
	[tilespmem:$0x1A100] =	vst v63  }
0x10e: {  	_ =	swait.ge [sflag:s22], $0x2800  }
0x10f: {  	p0 =	sne.s32 s9, $0x1800;
	[sflag:s22] =	ssyncset.done $0x0  }
.Ltmp1:
0x110: {  	[sflag:s22] =	ssyncadd.s32 $0xFFFFD800;
	(pc) =	sbr.rel @p0 .LBB2_4-.Ltmp1, $4  }
0x111: {  	[spmem:s2] =	stream.indirect.scatter.add.f32 [tilespmem:s24], [sflag:$0x2], $0x80, s7, s20, $0xb8;
	[tilespmem:$0x1A100] =	vst v63  }
0x112: {  	_ =	swait.ge [sflag:s26], $0x2800  }
0x113: {  	[sflag:s26] =	ssyncset.done $0x0  }
0x114: {  	s9 =	sadd.s32 $0x100, s9;
	[sflag:s26] =	ssyncadd.s32 $0xFFFFD800  }
0x115: {  	s9 =	stileid.u32  }
0x116: {  	[bflag:$0x0] =	sbarrier.arrive $0xFFFF;
	s9 =	sshll.u32 s9, $0x6  }
0x117: {  	s10 =	sshrl.u32 s5, $0x3;
	s11 =	rddreg [dreg:$0x3];
	s9 =	sor.u32 $0x1C03, s9  }
0x118: {  	[hbm:s11], [sflag:s9] =	dma.local [spmem:s10], $0x2800  }
0x119: {  	_ =	swait.ge [sflag:s18], $0x2800  }
0x11a: {  	s8 =	sadd.s32 $0x1, s8;
	s11 =	rddreg [dreg:$0x4]  }
0x11b: {  	p0 =	sne.s32 s8, s11  }
.Ltmp2:
0x11c: {  	_ = 	snop;
	(pc) =	sbr.rel @p0 .LBB2_1-.Ltmp2, $3  }
0x11d: {  	_ =	sdelay $0x1  }
0x11e: {  	[sflag:s18] =	ssyncset.done $0x0  }
0x11f: {  	[sflag:s18] =	ssyncadd.s32 $0xFFFFD800  }
0x120: {  	_ =	sfence.sel $0x180000  }
0x121: {  	[bflag:$0x0] =	sbarrier.arrive $0xFFFF  }
0x122: {  	_ =	strace $0x9000004D  }
0x123: {  	s0 =	stileid.u32;
	[bflag:$0x2] =	sbarrier.arrive $0xFFFF  }
0x124: {  	p0 =	sne.s32 s0, $0x0;
	s0 =	rddreg [dreg:$0x2]  }
0x125: {  	s0 =	sadd.s32 @!p0 $0x100000, s0  }
0x126: {  	[sflag:s0] =	ssyncadd.tile.s32 @!p0 $0x1;
	_ =	shalt  }
.Lfunc_end2:
_tile_overlayer_lowered:
.L_overlay_start_2:
0x127: {  	(tag) =	ssettag $0x2  }
0x128: {  	s0 =	rddreg [dreg:$0x0];
	s2 =	stileid.u32  }
0x129: {  	s1 =	rddreg [dreg:$0x1];
	p0 =	sne.s32 s2, $0x0  }
0x12a: {  	s3 =	rddreg [dreg:$0x2];
	[bflag:$0x3] =	sbarrier.arrive $0xFFFF;
	s2 =	simm.s32 @!p0 $0x1C03  }
0x12b: {  	[timem:s3], [sflag:s2] =	dma.local @!p0 [hbm:s0], s1  }
0x12c: {  	s0 =	simm.s32 @!p0 $0x3  }
0x12d: {  	_ =	swait.ge @!p0 [sflag:s0], s1  }
0x12e: {  	s1 =	ssub.s32 @!p0 $0x0, s1;
	[sflag:s0] =	ssyncset.done @!p0 $0x0  }
0x12f: {  	[sflag:s0] =	ssyncadd.s32 @!p0 s1  }
0x130: {  	[bflag:$0x3] =	sbarrier.arrive $0xFFFF  }
0x131: {  	_ =	shalt  }

// kernel: kernel.9.cloned.1.call-start
scs
__scs_entry_jumppad:
0x0: {  	(pc) =	sbr.rel $0x88, $3  }
0x1: {  	(tag) =	ssettag $0x0;
	lr =	simm.s32 $0x1  }
0x2: {  	[smem:$0x3F90] =	sst lr;
	_ =	strace $0xD0000000  }
0x3: {  	_ = 	snop  }
0x4: {  	_ = 	snop  }
0x5: {  	_ = 	snop  }
0x6: {  	_ = 	snop  }
0x7: {  	_ = 	snop  }
__scs_overlays_trampoline_lowered:
0x8: {  	[smem:$0x3F9F] =	sst s0  }
0x9: {  	[smem:$0x3FA0] =	sst s1  }
0xa: {  	[smem:$0x3FA1] =	sst s2  }
0xb: {  	[smem:$0x3FA2] =	sst s3  }
0xc: {  	[smem:$0x3FA3] =	sst s4  }
0xd: {  	[smem:$0x3FA4] =	sst s5  }
0xe: {  	[smem:$0x3FA5] =	sst s6  }
0xf: {  	[smem:$0x3FA6] =	sst s7  }
0x10: {  	[smem:$0x3FA7] =	sst s8  }
0x11: {  	[smem:$0x3FA8] =	sst s9;
	s0 =	simm.s32 @!p0 $0x0  }
0x12: {  	s1 =	sld [smem:$0x3F8E];
	s0 =	simm.s32 @p0 $0x1  }
0x13: {  	[smem:$0x3FA9] =	sst s0;
	s0 =	simm.s32 @!p1 $0x0  }
0x14: {  	s2 =	sld [smem:$0x3F8D];
	s0 =	simm.s32 @p1 $0x1  }
0x15: {  	[smem:$0x3FAA] =	sst s0;
	s0 =	simm.s32 @!p2 $0x0  }
0x16: {  	s3 =	sld [smem:$0x3FDB];
	s0 =	simm.s32 @p2 $0x1  }
0x17: {  	s4 =	simm.s32 $0x1BF5;
	[smem:$0x3FAC] =	sst s0  }
0x18: {  	s0 =	sld [smem:$0x3F8F];
	_ =	swait.ge [sflag:s4], $0x0  }
0x19: {  	s7 =	sld [smem:$0x3F90]  }
0x1a: {  	s8 =	sadd.s32 $0xFFFFE003, lr  }
0x1b: {  	s9 =	sadd.s32 $0xFFFFFEF7, lr;
	s5 =	simm.s32 $0xFFFFFFFF;
	p2 =	slt.u32 s8, $0xFFFFF086  }
0x1c: {  	p1 =	slt.u32 s9, $0xF7A;
	s5 =	simm.s32 @!p2 $0x0  }
0x1d: {  	s5 =	simm.s32 @p1 $0x1;
	p0 =	seq.s32 s7, s2  }
0x1e: {  	s7 =	smul.u32 @!p0 $0xF7A, s2;
	p2 =	seq.s32 @!p0 s5, $0x0  }
0x1f: {  	s9 =	smul.u32 $0xF7A, s1;
	s8 =	simm.s32 @!p0 $0x1BF5;
	p2 =	por !p2, p0  }
0x20: {  	[sflag:s8] =	ssyncset.s32 @!p0 $0xFFFFF086;
	s6 =	sadd.s32 @!p0 s3, s7;
	s7 =	simm.s32 @!p0 $0x108  }
0x21: {  	s3 =	sadd.s32 s3, s9;
	s6 =	sadd.s32 @!p0 $0x88, s6;
	s7 =	simm.s32 @p2 $0x1082  }
0x22: {  	[simem:s7], [sflag:s8] =	dma.local @!p0 [hbm:s6], $0xF7A  }
0x23: {  	s9 =	sor.u32 $0xD0000000, s2;
	s6 =	simm.s32 $0x108;
	_ =	swait.ge @!p0 [sflag:s8], $0x0  }
0x24: {  	s3 =	sadd.s32 $0x88, s3;
	s6 =	simm.s32 @!p1 $0x1082;
	[sflag:s4] =	ssyncset.s32 $0xFFFFF086  }
0x25: {  	[simem:s6], [sflag:s4] =	dma.local [hbm:s3], $0xF7A  }
0x26: {  	[smem:$0x3F90] =	sst s1;
	(tag) =	ssettag s2;
	_ =	strace s9  }
0x27: {  	s1 =	sld [smem:$0x3FA0]  }
0x28: {  	s2 =	sld [smem:$0x3FA1]  }
0x29: {  	s4 =	sld [smem:$0x3FA3]  }
0x2a: {  	p0 =	seq.s32 s5, $0x0;
	s5 =	sld [smem:$0x3FA4]  }
0x2b: {  	s6 =	sld [smem:$0x3FA5]  }
0x2c: {  	s7 =	sld [smem:$0x3FA6]  }
0x2d: {  	s3 =	simm.s32 $0x108;
	s8 =	sld [smem:$0x3FA7]  }
0x2e: {  	s3 =	simm.s32 @!p0 $0x1082;
	s9 =	sld [smem:$0x3FA8]  }
0x2f: {  	lr =	sadd.s32 s0, s3;
	s0 =	sld [smem:$0x3F9F]  }
0x30: {  	s3 =	sld [smem:$0x3FA2]  }
0x31: {  	[smem:$0x3FAB] =	sst s10  }
0x32: {  	s10 =	sld [smem:$0x3FA9];
	_ =	sdelay $0x3  }
0x33: {  	p0 =	seq.s32 s10, $0x1;
	s10 =	sld [smem:$0x3FAB];
	_ =	sdelay $0x3  }
0x34: {  	[smem:$0x3FAB] =	sst s10  }
0x35: {  	s10 =	sld [smem:$0x3FAA];
	_ =	sdelay $0x3  }
0x36: {  	p1 =	seq.s32 s10, $0x1;
	s10 =	sld [smem:$0x3FAB];
	_ =	sdelay $0x3  }
0x37: {  	[smem:$0x3FAB] =	sst s10  }
0x38: {  	s10 =	sld [smem:$0x3FAC]  }
0x39: {  	_ = 	snop;
	(pc) =	sbr.ind lr, $3  }
0x3a: {  	_ = 	snop  }
0x3b: {  	_ = 	snop  }
0x3c: {  	p2 =	seq.s32 s10, $0x1;
	s10 =	sld [smem:$0x3FAB]  }
0x3d: {  	_ =	shalt  }
0x3e: {  	_ =	shalt  }
0x3f: {  	_ =	shalt  }
0x40: {  	_ =	shalt  }
0x41: {  	_ =	shalt  }
0x42: {  	_ =	shalt  }
0x43: {  	_ =	shalt  }
0x44: {  	_ =	shalt  }
0x45: {  	_ =	shalt  }
0x46: {  	_ =	shalt  }
0x47: {  	_ =	shalt  }
0x48: {  	_ =	shalt  }
0x49: {  	_ =	shalt  }
0x4a: {  	_ =	shalt  }
0x4b: {  	_ =	shalt  }
0x4c: {  	_ =	shalt  }
0x4d: {  	_ =	shalt  }
0x4e: {  	_ =	shalt  }
0x4f: {  	_ =	shalt  }
0x50: {  	_ =	shalt  }
0x51: {  	_ =	shalt  }
0x52: {  	_ =	shalt  }
0x53: {  	_ =	shalt  }
0x54: {  	_ =	shalt  }
0x55: {  	_ =	shalt  }
0x56: {  	_ =	shalt  }
0x57: {  	_ =	shalt  }
0x58: {  	_ =	shalt  }
0x59: {  	_ =	shalt  }
0x5a: {  	_ =	shalt  }
0x5b: {  	_ =	shalt  }
0x5c: {  	_ =	shalt  }
0x5d: {  	_ =	shalt  }
0x5e: {  	_ =	shalt  }
0x5f: {  	_ =	shalt  }
0x60: {  	_ =	shalt  }
0x61: {  	_ =	shalt  }
0x62: {  	_ =	shalt  }
0x63: {  	_ =	shalt  }
0x64: {  	_ =	shalt  }
0x65: {  	_ =	shalt  }
0x66: {  	_ =	shalt  }
0x67: {  	_ =	shalt  }
0x68: {  	_ =	shalt  }
0x69: {  	_ =	shalt  }
0x6a: {  	_ =	shalt  }
0x6b: {  	_ =	shalt  }
0x6c: {  	_ =	shalt  }
0x6d: {  	_ =	shalt  }
0x6e: {  	_ =	shalt  }
0x6f: {  	_ =	shalt  }
0x70: {  	_ =	shalt  }
0x71: {  	_ =	shalt  }
0x72: {  	_ =	shalt  }
0x73: {  	_ =	shalt  }
0x74: {  	_ =	shalt  }
0x75: {  	_ =	shalt  }
0x76: {  	_ =	shalt  }
0x77: {  	_ =	shalt  }
0x78: {  	_ =	shalt  }
0x79: {  	_ =	shalt  }
0x7a: {  	_ =	shalt  }
0x7b: {  	_ =	shalt  }
0x7c: {  	_ =	shalt  }
0x7d: {  	_ =	shalt  }
0x7e: {  	_ =	shalt  }
0x7f: {  	_ =	shalt  }
0x80: {  	_ =	shalt  }
0x81: {  	_ =	shalt  }
0x82: {  	_ =	shalt  }
0x83: {  	_ =	shalt  }
0x84: {  	_ =	shalt  }
0x85: {  	_ =	shalt  }
0x86: {  	_ =	shalt  }
0x87: {  	_ =	shalt  }
.Lfunc_end0:
.L_simem_size_0:
called_computation_lowered:
.L_overlay_start_0:
0x88: {  	s2 =	sld [smem:$0x3FD9]  }
0x89: {  	s3 =	sld [smem:$0x3FFE];
	_ =	sdelay $0x1  }
0x8a: {  	s1 =	srdreg.scid  }
0x8b: {  	s0 =	sand.u32 $0x1, s1  }
0x8c: {  	s17 =	sshll.u32 s0, $0xA;
	s2 =	sadd.s32 s3, s2  }
0x8d: {  	s2 =	sadd.s32 s2, s17  }
0x8e: {  	[smem:$0x3FB7] =	sst s2  }
0x8f: {  	_ = 	snop  }
0x90: {  	s2 =	sld [smem:$0x3FC9];
	(tm) =	ssettm $0x1  }
0x91: {  	s18 =	sld [smem:$0x3FFB];
	_ =	sdelay $0x3  }
0x92: {  	_ =	strace s18  }
0x93: {  	s3 =	sld [smem:$0x3FFC];
	_ =	sdelay $0x3  }
0x94: {  	_ =	strace s3  }
0x95: {  	s3 =	sld [smem:$0x3FFD];
	_ =	sdelay $0x3  }
0x96: {  	_ =	strace s3  }
0x97: {  	_ =	strace $0x8FFFFFFF  }
0x98: {  	s19 =	sld [smem:$0x3FDB];
	_ =	sdelay $0x1  }
0x99: {  	s4 =	simm.s32 $_scs_section_size  }
0x9a: {  	s5 =	simm.s32 $_size__tile_overlayer_lowered;
	s6 =	simm.s32 $_tile_overlayer_lowered  }
0x9b: {  	s22 =	simm.s32 $0x1BFF;
	s21 =	sshll.u32 s6, $0x1;
	s3 =	sadd.s32 s4, s19  }
0x9c: {  	s7 =	simm.s32 $0x0;
	s20 =	sshll.u32 s5, $0x1;
	s5 =	sadd.s32 s21, s3  }
0x9d: {  	[timem:s7], [sflag:s22] =	dma.local [hbm:s5], s20  }
0x9e: {  	_ =	swait.ge [sflag:s22], s20  }
0x9f: {  	s4 =	ssub.s32 $0x0, s20;
	[sflag:s22] =	ssyncset.done $0x0  }
0xa0: {  	[sflag:s22] =	ssyncadd.s32 s4;
	_ =	sdelay $0x1  }
0xa1: {  	s23 =	simm.s32 $0x1B8B  }
0xa2: {  	_ =	swait.ge [sflag:s23], $0x1  }
0xa3: {  	[sflag:s23] =	ssyncset.done $0x0  }
0xa4: {  	s25 =	simm.s32 $0x1B8E;
	s24 =	sld [smem:$0x3FFE];
	[sflag:s23] =	ssyncadd.s32 $0xFFFFFFFF  }
0xa5: {  	s26 =	simm.s32 $execute0_lowered;
	[smem:$0x3FD2] =	sst s25  }
0xa6: {  	s5 =	sshll.u32 s26, $0x1;
	_ =	strace $0x80000046;
	[dreg:$0x1] =	wrdreg $0xFFFFFFFF  }
0xa7: {  	s28 =	simm.s32 $_size_execute0_lowered;
	s3 =	sadd.s32 s3, s5;
	[dreg:$0x0] =	wrdreg $0x0  }
0xa8: {  	s5 =	sshll.u32 s28, $0x1;
	[dreg:$0x2] =	wrdreg s3  }
0xa9: {  	[dreg:$0x3] =	wrdreg s5  }
0xaa: {  	[dreg:$0x4] =	wrdreg $0xC0  }
0xab: {  	_ =	task [dreg:s7], $0x5FFFF  }
0xac: {  	[dreg:$0x1] =	wrdreg $0xFFFFFFFF  }
0xad: {  	[dreg:$0x0] =	wrdreg $0x60  }
0xae: {  	[dreg:$0x2] =	wrdreg s2  }
0xaf: {  	[dreg:$0x3] =	wrdreg s24  }
0xb0: {  	[dreg:$0x4] =	wrdreg $0x58000  }
0xb1: {  	[dreg:$0x5] =	wrdreg $0x9  }
0xb2: {  	_ =	task.clear_ibuf [dreg:s7], $0x6FFFF;
	_ =	strace $0x90000046  }
0xb3: {  	s29 =	simm.s32 $0x9;
	_ =	strace $0x80000048  }
0xb4: {  	_ =	swait.ge [sflag:s29], $0x1  }
0xb5: {  	[sflag:s29] =	ssyncadd.s32 $0xFFFFFFFF  }
0xb6: {  	_ =	strace $0x90000048  }
0xb7: {  	_ =	sfence  }
0xb8: {  	s30 =	sld [smem:$0x0];
	_ =	sdelay $0x2  }
0xb9: {  	s31 =	sshll.u32 s1, $0xD;
	s1 =	sshrl.u32 s1, $0x2  }
0xba: {  	s3 =	sand.u32 $0x4000, s31;
	s1 =	sadd.s32 s1, s30  }
0xbb: {  	s0 =	sor.u32 s3, s0;
	s1 =	sshll.u32 s1, $0x11  }
0xbc: {  	s0 =	sor.u32 s1, s0  }
0xbd: {  	s0 =	sadd.s32 $0x8F2B, s0  }
0xbe: {  	[sflag:s0] =	ssyncadd.remote.s32 $0x1  }
0xbf: {  	_ =	sfence.sel $0xFFFF  }
0xc0: {  	[dreg:$0x0] =	wrdreg $0xFFFFFFFF;
	(pc) =	sbr.abs _section_cstart, $3  }
0xc1: {  	[dreg:$0x1] =	wrdreg $0xFFFFFFFF  }
0xc2: {  	_ =	task.clear_ibuf [dreg:s7], $0x2FFFF;
	_ =	strace $0x9FFFFFFF  }
0xc3: {  	(tm) =	ssettm $0x7FFFFFFF  }
tec
execute0_lowered:
.L_overlay_start_1:
0x0: {  	(tag) =	ssettag $0x1  }
0x1: {  	s1 =	rddreg [dreg:$0x0]  }
0x2: {  	s0 =	srdreg.scid;
	s2 =	rddreg [dreg:$0x1]  }
0x3: {  	s8 =	stileid.u32;
	s3 =	rddreg [dreg:$0x2];
	s4 =	simm.s32 $0x0  }
0x4: {  	s17 =	simm.s32 $0x800;
	s18 =	simm.s32 $0x3;
	s6 =	smul.u32 $0x6400, s8  }
0x5: {  	s19 =	simm.s32 $0x400;
	s28 =	simm.s32 $0x500;
	s20 =	smul.u32 $0x14000, s8  }
0x6: {  	s29 =	simm.s32 $0x180;
	s0 =	sand.u32 $0x1, s0;
	s8 =	smul.u32 $0x50000, s8  }
0x7: {  	s30 =	simm.s32 $0x580;
	s31 =	simm.s32 $0x200;
	s5 =	smul.u32 $0x64000, s0  }
0x8: {  	[smem:$0x7FF] =	sst s4;
	s7 =	smul.u32 $0x140000, s0;
	s0 =	ssub.s32 $0x2, s0  }
0x9: {  	_ =	strace $0x80000047;
	s22 =	sshrl.u32 s0, $0x1;
	s23 =	sshrl.u32 s8, $0x2  }
0xa: {  	s5 =	sadd.s32 s6, s5;
	s21 =	sadd.s32 s20, s7;
	s0 =	ssub.s32 s0, s22  }
0xb: {  	s20 =	simm.s32 $0x50;
	s22 =	simm.s32 $0x80;
	s5 =	sshrl.u32 s5, $0x3  }
0xc: {  	s0 =	smax.u32 s0, $0x1;
	s16 =	sadd.s32 s5, s2;
	s5 =	sshrl.u32 s21, $0x3  }
0xd: {  	[dreg:$0x5] =	wrdreg s0;
	s21 =	simm.s32 $0x1;
	s0 =	simm.s32 $0x0  }
0xe: {  	s2 =	sadd.s32 s5, s2;
	s5 =	sadd.s32 s23, s3;
	s15 =	sadd.s32 $0x1BA00, s16  }
0xf: {  	s16 =	sadd.s32 $0x2A00, s16;
	s23 =	simm.s32 $0x3000;
	s2 =	sadd.s32 $0x34A00, s2  }
0x10: {  	s24 =	sadd.s32 $0x2800, s5;
	s25 =	sadd.s32 $0x5000, s5;
	[dreg:$0x4] =	wrdreg s2  }
0x11: {  	s26 =	sadd.s32 $0x7800, s5;
	s11 =	sadd.s32 $0xA000, s5;
	[dreg:$0x6] =	wrdreg s24  }
0x12: {  	s12 =	sadd.s32 $0xC800, s5;
	s13 =	sadd.s32 $0xF000, s5;
	[dreg:$0x7] =	wrdreg s25  }
0x13: {  	s14 =	sadd.s32 $0x11800, s5;
	[dreg:$0x8] =	wrdreg s26;
	s24 =	simm.s32 $0x480  }
0x14: {  	v0 =	vimm.f32 $0.0e+00;
	s25 =	simm.s32 $0x2;
	s26 =	simm.s32 $0x100;
	s2 =	simm.s32 $0x600  }
.LBB2_1:
0x15: {  	s6 =	simm.s32 $0x0;
	s7 =	simm.s32 $0x200  }
.LBB2_2:
0x16: {  	p0 =	sne.s32 s7, $0x9E00;
	[tilespmem:s6+$0x870] =	vst v0  }
0x17: {  	[tilespmem:s6+$0x800] =	vst v0  }
0x18: {  	[tilespmem:s6+$0x810] =	vst v0  }
.Ltmp0:
0x19: {  	[tilespmem:s6+$0x820] =	vst v0;
	(pc) =	sbr.rel @p0 .LBB2_2-.Ltmp0, $4  }
0x1a: {  	[tilespmem:s6+$0x830] =	vst v0  }
0x1b: {  	[tilespmem:s6+$0x840] =	vst v0  }
0x1c: {  	[tilespmem:s6+$0x850] =	vst v0  }
0x1d: {  	[tilespmem:s6+$0x860] =	vst v0;
	s6 =	sshra.s32 s7, $0x2;
	s7 =	sadd.s32 $0x200, s7  }
0x1e: {  	[tilespmem:s6+$0x870] =	vst v0  }
0x1f: {  	[tilespmem:s6+$0x800] =	vst v0  }
0x20: {  	[tilespmem:s6+$0x810] =	vst v0  }
0x21: {  	[tilespmem:s6+$0x820] =	vst v0  }
0x22: {  	[tilespmem:s6+$0x830] =	vst v0  }
0x23: {  	[tilespmem:s6+$0x840] =	vst v0  }
0x24: {  	[tilespmem:s6+$0x850] =	vst v0  }
0x25: {  	[tilespmem:s6+$0x860] =	vst v0  }
0x26: {  	[spmem:s5] =	stream.linear.scatter [tilespmem:s17], [sflag:$0x3], $0x2800, $0x38;
	[tilespmem:$0x19800] =	vst v63  }
0x27: {  	_ =	swait.ge [sflag:s18], $0x2800  }
0x28: {  	[sflag:s18] =	ssyncset.done $0x0  }
0x29: {  	s10 =	rddreg [dreg:$0x6];
	[sflag:s18] =	ssyncadd.s32 $0xFFFFD800  }
0x2a: {  	[spmem:s10] =	stream.linear.scatter [tilespmem:s17], [sflag:$0x3], $0x2800, $0x38;
	[tilespmem:$0x19800] =	vst v63  }
0x2b: {  	_ =	swait.ge [sflag:s18], $0x2800  }
0x2c: {  	[sflag:s18] =	ssyncset.done $0x0  }
0x2d: {  	s7 =	rddreg [dreg:$0x7];
	[sflag:s18] =	ssyncadd.s32 $0xFFFFD800  }
0x2e: {  	[spmem:s7] =	stream.linear.scatter [tilespmem:s17], [sflag:$0x3], $0x2800, $0x38;
	[tilespmem:$0x19800] =	vst v63  }
0x2f: {  	_ =	swait.ge [sflag:s18], $0x2800  }
0x30: {  	[sflag:s18] =	ssyncset.done $0x0  }
0x31: {  	s8 =	rddreg [dreg:$0x8];
	[sflag:s18] =	ssyncadd.s32 $0xFFFFD800  }
0x32: {  	[spmem:s8] =	stream.linear.scatter [tilespmem:s17], [sflag:$0x3], $0x2800, $0x38;
	[tilespmem:$0x19800] =	vst v63  }
0x33: {  	_ =	swait.ge [sflag:s18], $0x2800  }
0x34: {  	[sflag:s18] =	ssyncset.done $0x0  }
0x35: {  	[sflag:s18] =	ssyncadd.s32 $0xFFFFD800  }
0x36: {  	[spmem:s11] =	stream.linear.scatter [tilespmem:s17], [sflag:$0x3], $0x2800, $0x38;
	[tilespmem:$0x19800] =	vst v63  }
0x37: {  	_ =	swait.ge [sflag:s18], $0x2800  }
0x38: {  	[sflag:s18] =	ssyncset.done $0x0  }
0x39: {  	[sflag:s18] =	ssyncadd.s32 $0xFFFFD800  }
0x3a: {  	[spmem:s12] =	stream.linear.scatter [tilespmem:s17], [sflag:$0x3], $0x2800, $0x38;
	[tilespmem:$0x19800] =	vst v63  }
0x3b: {  	_ =	swait.ge [sflag:s18], $0x2800  }
0x3c: {  	[sflag:s18] =	ssyncset.done $0x0  }
0x3d: {  	[sflag:s18] =	ssyncadd.s32 $0xFFFFD800  }
0x3e: {  	[spmem:s13] =	stream.linear.scatter [tilespmem:s17], [sflag:$0x3], $0x2800, $0x38;
	[tilespmem:$0x19800] =	vst v63  }
0x3f: {  	_ =	swait.ge [sflag:s18], $0x2800  }
0x40: {  	[sflag:s18] =	ssyncset.done $0x0  }
0x41: {  	[sflag:s18] =	ssyncadd.s32 $0xFFFFD800  }
0x42: {  	[spmem:s14] =	stream.linear.scatter [tilespmem:s17], [sflag:$0x3], $0x2800, $0x38;
	[tilespmem:$0x19800] =	vst v63  }
0x43: {  	_ =	swait.ge [sflag:s18], $0x2800  }
0x44: {  	[sflag:s18] =	ssyncset.done $0x0  }
0x45: {  	[sflag:s18] =	ssyncadd.s32 $0xFFFFD800  }
0x46: {  	s9 =	sadd.s32 $0x0, s16;
	[bflag:$0x0] =	sbarrier.arrive $0xFFFF  }
0x47: {  	[tilespmem:s4], [sflag:$0x3] =	stream.linear.gather [hbm4b:s9+s4], $0x280, $0x38;
	[tilespmem:$0x19800] =	vst v63  }
0x48: {  	_ =	swait.ge [sflag:s18], $0x280  }
0x49: {  	[sflag:s18] =	ssyncset.done $0x0  }
0x4a: {  	s10 =	sadd.s32 $0x0, s15;
	[sflag:s18] =	ssyncadd.s32 $0xFFFFFD80  }
0x4b: {  	[tilespmem:s19], [sflag:$0x3] =	stream.linear.gather [hbm4b:s10+s4], $0x280, $0x38;
	[tilespmem:$0x19800] =	vst v63  }
0x4c: {  	_ =	swait.ge [sflag:s18], $0x280  }
0x4d: {  	[sflag:s18] =	ssyncset.done $0x0  }
0x4e: {  	[sflag:s18] =	ssyncadd.s32 $0xFFFFFD80  }
0x4f: {  	[tilespmem:s17], [sflag:$0x1] =	stream.indirect.gather [hbm4b:s1+s20], $0x80, s4, s20, $0xb8;
	[tilespmem:$0x19800] =	vst v63  }
0x50: {  	_ =	swait.ge [sflag:s21], $0x2800  }
0x51: {  	[sflag:s21] =	ssyncset.done $0x0  }
0x52: {  	[sflag:s21] =	ssyncadd.s32 $0xFFFFD800  }
0x53: {  	[spmem:s3] =	stream.indirect.scatter.add.f32 [tilespmem:s17], [sflag:$0x2], $0x80, s19, s20, $0xb8;
	[tilespmem:$0x19800] =	vst v63  }
0x54: {  	_ = 	snop  }
0x55: {  	[tilespmem:s23], [sflag:$0x1] =	stream.indirect.gather [hbm4b:s1+s20], $0x80, s22, s20, $0xb8;
	[tilespmem:$0x19800] =	vst v63  }
0x56: {  	_ =	swait.ge [sflag:s21], $0x2800  }
0x57: {  	[sflag:s21] =	ssyncset.done $0x0  }
0x58: {  	[sflag:s21] =	ssyncadd.s32 $0xFFFFD800  }
0x59: {  	[spmem:s3] =	stream.indirect.scatter.add.f32 [tilespmem:s23], [sflag:$0x2], $0x80, s24, s20, $0xb8;
	[tilespmem:$0x19800] =	vst v63  }
0x5a: {  	_ =	swait.ge [sflag:s25], $0x2800  }
0x5b: {  	[sflag:s25] =	ssyncset.done $0x0  }
0x5c: {  	[sflag:s25] =	ssyncadd.s32 $0xFFFFD800  }
0x5d: {  	[tilespmem:s17], [sflag:$0x1] =	stream.indirect.gather [hbm4b:s1+s20], $0x80, s26, s20, $0xb8;
	[tilespmem:$0x19800] =	vst v63  }
0x5e: {  	_ =	swait.ge [sflag:s21], $0x2800  }
0x5f: {  	[sflag:s21] =	ssyncset.done $0x0  }
0x60: {  	[sflag:s21] =	ssyncadd.s32 $0xFFFFD800  }
0x61: {  	[spmem:s3] =	stream.indirect.scatter.add.f32 [tilespmem:s17], [sflag:$0x2], $0x80, s28, s20, $0xb8;
	[tilespmem:$0x19800] =	vst v63  }
0x62: {  	_ =	swait.ge [sflag:s25], $0x2800  }
0x63: {  	[sflag:s25] =	ssyncset.done $0x0  }
0x64: {  	[sflag:s25] =	ssyncadd.s32 $0xFFFFD800  }
0x65: {  	[tilespmem:s23], [sflag:$0x1] =	stream.indirect.gather [hbm4b:s1+s20], $0x80, s29, s20, $0xb8;
	[tilespmem:$0x19800] =	vst v63  }
0x66: {  	_ =	swait.ge [sflag:s21], $0x2800  }
0x67: {  	[sflag:s21] =	ssyncset.done $0x0  }
0x68: {  	[sflag:s21] =	ssyncadd.s32 $0xFFFFD800  }
0x69: {  	[spmem:s3] =	stream.indirect.scatter.add.f32 [tilespmem:s23], [sflag:$0x2], $0x80, s30, s20, $0xb8;
	[tilespmem:$0x19800] =	vst v63  }
0x6a: {  	_ =	swait.ge [sflag:s25], $0x2800  }
0x6b: {  	[sflag:s25] =	ssyncset.done $0x0  }
0x6c: {  	[sflag:s25] =	ssyncadd.s32 $0xFFFFD800  }
0x6d: {  	[tilespmem:s17], [sflag:$0x1] =	stream.indirect.gather [hbm4b:s1+s20], $0x80, s31, s20, $0xb8;
	[tilespmem:$0x19800] =	vst v63  }
0x6e: {  	_ =	swait.ge [sflag:s21], $0x2800  }
0x6f: {  	[sflag:s21] =	ssyncset.done $0x0  }
0x70: {  	[sflag:s21] =	ssyncadd.s32 $0xFFFFD800  }
0x71: {  	[spmem:s3] =	stream.indirect.scatter.add.f32 [tilespmem:s17], [sflag:$0x2], $0x80, s2, s20, $0xb8;
	[tilespmem:$0x19800] =	vst v63  }
0x72: {  	_ =	swait.ge [sflag:s25], $0x2800  }
0x73: {  	s6 =	simm.s32 $0x80;
	s7 =	simm.s32 $0x100;
	[sflag:s25] =	ssyncset.done $0x0  }
.LBB2_4:
0x74: {  	s9 =	sadd.s32 s6, s16  }
0x75: {  	[sflag:s25] =	ssyncadd.s32 $0xFFFFD800;
	s10 =	smov.u32 s7;
	s8 =	sadd.s32 $0x80, s7  }
0x76: {  	[tilespmem:s4], [sflag:$0x3] =	stream.linear.gather [hbm4b:s9+s4], $0x280, $0x38;
	[tilespmem:$0x19800] =	vst v63  }
0x77: {  	p0 =	sne.s32 s7, $0xC00;
	_ =	swait.ge [sflag:s18], $0x280  }
0x78: {  	[sflag:s18] =	ssyncset.done $0x0  }
0x79: {  	s7 =	sadd.s32 s6, s15;
	s6 =	smov.u32 s10;
	[sflag:s18] =	ssyncadd.s32 $0xFFFFFD80  }
0x7a: {  	[tilespmem:s19], [sflag:$0x3] =	stream.linear.gather [hbm4b:s7+s4], $0x280, $0x38;
	[tilespmem:$0x19800] =	vst v63  }
0x7b: {  	_ =	swait.ge [sflag:s18], $0x280  }
0x7c: {  	[sflag:s18] =	ssyncset.done $0x0  }
0x7d: {  	[sflag:s18] =	ssyncadd.s32 $0xFFFFFD80  }
0x7e: {  	[tilespmem:s17], [sflag:$0x1] =	stream.indirect.gather [hbm4b:s1+s20], $0x80, s4, s20, $0xb8;
	[tilespmem:$0x19800] =	vst v63  }
0x7f: {  	_ =	swait.ge [sflag:s21], $0x2800  }
0x80: {  	[sflag:s21] =	ssyncset.done $0x0  }
0x81: {  	[sflag:s21] =	ssyncadd.s32 $0xFFFFD800  }
0x82: {  	[spmem:s3] =	stream.indirect.scatter.add.f32 [tilespmem:s17], [sflag:$0x2], $0x80, s19, s20, $0xb8;
	[tilespmem:$0x19800] =	vst v63  }
0x83: {  	_ = 	snop  }
0x84: {  	[tilespmem:s23], [sflag:$0x1] =	stream.indirect.gather [hbm4b:s1+s20], $0x80, s22, s20, $0xb8;
	[tilespmem:$0x19800] =	vst v63  }
0x85: {  	_ =	swait.ge [sflag:s21], $0x2800  }
0x86: {  	[sflag:s21] =	ssyncset.done $0x0  }
0x87: {  	[sflag:s21] =	ssyncadd.s32 $0xFFFFD800  }
0x88: {  	[spmem:s3] =	stream.indirect.scatter.add.f32 [tilespmem:s23], [sflag:$0x2], $0x80, s24, s20, $0xb8;
	[tilespmem:$0x19800] =	vst v63  }
0x89: {  	_ =	swait.ge [sflag:s25], $0x2800  }
0x8a: {  	[sflag:s25] =	ssyncset.done $0x0  }
0x8b: {  	[sflag:s25] =	ssyncadd.s32 $0xFFFFD800  }
0x8c: {  	[tilespmem:s17], [sflag:$0x1] =	stream.indirect.gather [hbm4b:s1+s20], $0x80, s26, s20, $0xb8;
	[tilespmem:$0x19800] =	vst v63  }
0x8d: {  	_ =	swait.ge [sflag:s21], $0x2800  }
0x8e: {  	[sflag:s21] =	ssyncset.done $0x0  }
0x8f: {  	[sflag:s21] =	ssyncadd.s32 $0xFFFFD800  }
0x90: {  	[spmem:s3] =	stream.indirect.scatter.add.f32 [tilespmem:s17], [sflag:$0x2], $0x80, s28, s20, $0xb8;
	[tilespmem:$0x19800] =	vst v63  }
0x91: {  	_ =	swait.ge [sflag:s25], $0x2800  }
0x92: {  	[sflag:s25] =	ssyncset.done $0x0  }
0x93: {  	[sflag:s25] =	ssyncadd.s32 $0xFFFFD800  }
0x94: {  	[tilespmem:s23], [sflag:$0x1] =	stream.indirect.gather [hbm4b:s1+s20], $0x80, s29, s20, $0xb8;
	[tilespmem:$0x19800] =	vst v63  }
0x95: {  	_ =	swait.ge [sflag:s21], $0x2800  }
0x96: {  	[sflag:s21] =	ssyncset.done $0x0  }
0x97: {  	[sflag:s21] =	ssyncadd.s32 $0xFFFFD800  }
0x98: {  	[spmem:s3] =	stream.indirect.scatter.add.f32 [tilespmem:s23], [sflag:$0x2], $0x80, s30, s20, $0xb8;
	[tilespmem:$0x19800] =	vst v63  }
0x99: {  	_ =	swait.ge [sflag:s25], $0x2800  }
0x9a: {  	[sflag:s25] =	ssyncset.done $0x0  }
0x9b: {  	[sflag:s25] =	ssyncadd.s32 $0xFFFFD800  }
0x9c: {  	[tilespmem:s17], [sflag:$0x1] =	stream.indirect.gather [hbm4b:s1+s20], $0x80, s31, s20, $0xb8;
	[tilespmem:$0x19800] =	vst v63  }
0x9d: {  	_ =	swait.ge [sflag:s21], $0x2800  }
.Ltmp1:
0x9e: {  	[sflag:s21] =	ssyncset.done $0x0;
	(pc) =	sbr.rel @p0 .LBB2_4-.Ltmp1, $4  }
0x9f: {  	[sflag:s21] =	ssyncadd.s32 $0xFFFFD800  }
0xa0: {  	[spmem:s3] =	stream.indirect.scatter.add.f32 [tilespmem:s17], [sflag:$0x2], $0x80, s2, s20, $0xb8;
	[tilespmem:$0x19800] =	vst v63  }
0xa1: {  	_ =	swait.ge [sflag:s25], $0x2800  }
0xa2: {  	s7 =	smov.u32 s8;
	[sflag:s25] =	ssyncset.done $0x0  }
0xa3: {  	s7 =	sadd.s32 s6, s16;
	[sflag:s25] =	ssyncadd.s32 $0xFFFFD800  }
0xa4: {  	[tilespmem:s4], [sflag:$0x3] =	stream.linear.gather [hbm4b:s7+s4], $0x280, $0x38;
	[tilespmem:$0x19800] =	vst v63  }
0xa5: {  	_ =	swait.ge [sflag:s18], $0x280  }
0xa6: {  	[sflag:s18] =	ssyncset.done $0x0  }
0xa7: {  	s7 =	sadd.s32 s6, s15;
	[sflag:s18] =	ssyncadd.s32 $0xFFFFFD80  }
0xa8: {  	[tilespmem:s19], [sflag:$0x3] =	stream.linear.gather [hbm4b:s7+s4], $0x280, $0x38;
	[tilespmem:$0x19800] =	vst v63  }
0xa9: {  	_ =	swait.ge [sflag:s18], $0x280  }
0xaa: {  	[sflag:s18] =	ssyncset.done $0x0  }
0xab: {  	[sflag:s18] =	ssyncadd.s32 $0xFFFFFD80  }
0xac: {  	[tilespmem:s17], [sflag:$0x1] =	stream.indirect.gather [hbm4b:s1+s20], $0x80, s4, s20, $0xb8;
	[tilespmem:$0x19800] =	vst v63  }
0xad: {  	_ =	swait.ge [sflag:s21], $0x2800  }
0xae: {  	[sflag:s21] =	ssyncset.done $0x0  }
0xaf: {  	[sflag:s21] =	ssyncadd.s32 $0xFFFFD800  }
0xb0: {  	[spmem:s3] =	stream.indirect.scatter.add.f32 [tilespmem:s17], [sflag:$0x2], $0x80, s19, s20, $0xb8;
	[tilespmem:$0x19800] =	vst v63  }
0xb1: {  	_ = 	snop  }
0xb2: {  	[tilespmem:s23], [sflag:$0x1] =	stream.indirect.gather [hbm4b:s1+s20], $0x80, s22, s20, $0xb8;
	[tilespmem:$0x19800] =	vst v63  }
0xb3: {  	_ =	swait.ge [sflag:s21], $0x2800  }
0xb4: {  	[sflag:s21] =	ssyncset.done $0x0  }
0xb5: {  	[sflag:s21] =	ssyncadd.s32 $0xFFFFD800  }
0xb6: {  	[spmem:s3] =	stream.indirect.scatter.add.f32 [tilespmem:s23], [sflag:$0x2], $0x80, s24, s20, $0xb8;
	[tilespmem:$0x19800] =	vst v63  }
0xb7: {  	_ =	swait.ge [sflag:s25], $0x2800  }
0xb8: {  	[sflag:s25] =	ssyncset.done $0x0  }
0xb9: {  	[sflag:s25] =	ssyncadd.s32 $0xFFFFD800  }
0xba: {  	[tilespmem:s17], [sflag:$0x1] =	stream.indirect.gather [hbm4b:s1+s20], $0x80, s26, s20, $0xb8;
	[tilespmem:$0x19800] =	vst v63  }
0xbb: {  	_ =	swait.ge [sflag:s21], $0x2800  }
0xbc: {  	[sflag:s21] =	ssyncset.done $0x0  }
0xbd: {  	[sflag:s21] =	ssyncadd.s32 $0xFFFFD800  }
0xbe: {  	[spmem:s3] =	stream.indirect.scatter.add.f32 [tilespmem:s17], [sflag:$0x2], $0x80, s28, s20, $0xb8;
	[tilespmem:$0x19800] =	vst v63  }
0xbf: {  	_ =	swait.ge [sflag:s25], $0x2800  }
0xc0: {  	[sflag:s25] =	ssyncset.done $0x0  }
0xc1: {  	[sflag:s25] =	ssyncadd.s32 $0xFFFFD800  }
0xc2: {  	[tilespmem:s23], [sflag:$0x1] =	stream.indirect.gather [hbm4b:s1+s20], $0x80, s29, s20, $0xb8;
	[tilespmem:$0x19800] =	vst v63  }
0xc3: {  	_ =	swait.ge [sflag:s21], $0x2800  }
0xc4: {  	[sflag:s21] =	ssyncset.done $0x0  }
0xc5: {  	[sflag:s21] =	ssyncadd.s32 $0xFFFFD800  }
0xc6: {  	[spmem:s3] =	stream.indirect.scatter.add.f32 [tilespmem:s23], [sflag:$0x2], $0x80, s30, s20, $0xb8;
	[tilespmem:$0x19800] =	vst v63  }
0xc7: {  	_ =	swait.ge [sflag:s25], $0x2800  }
0xc8: {  	[sflag:s25] =	ssyncset.done $0x0  }
0xc9: {  	[sflag:s25] =	ssyncadd.s32 $0xFFFFD800  }
0xca: {  	[tilespmem:s17], [sflag:$0x1] =	stream.indirect.gather [hbm4b:s1+s20], $0x80, s31, s20, $0xb8;
	[tilespmem:$0x19800] =	vst v63  }
0xcb: {  	_ =	swait.ge [sflag:s21], $0x2800  }
0xcc: {  	[sflag:s21] =	ssyncset.done $0x0  }
0xcd: {  	[sflag:s21] =	ssyncadd.s32 $0xFFFFD800  }
0xce: {  	[spmem:s3] =	stream.indirect.scatter.add.f32 [tilespmem:s17], [sflag:$0x2], $0x80, s2, s20, $0xb8;
	[tilespmem:$0x19800] =	vst v63  }
0xcf: {  	_ =	swait.ge [sflag:s25], $0x2800  }
0xd0: {  	[sflag:s25] =	ssyncset.done $0x0  }
0xd1: {  	s8 =	stileid.u32;
	[sflag:s25] =	ssyncadd.s32 $0xFFFFD800  }
0xd2: {  	s6 =	sshll.u32 s8, $0x6;
	[bflag:$0x0] =	sbarrier.arrive $0xFFFF  }
0xd3: {  	s9 =	sshrl.u32 s5, $0x3;
	s6 =	sor.u32 $0x1C03, s6;
	s8 =	rddreg [dreg:$0x4]  }
0xd4: {  	[hbm:s8], [sflag:s6] =	dma.local [spmem:s9], $0x2800  }
0xd5: {  	_ =	swait.ge [sflag:s18], $0x2800  }
0xd6: {  	s0 =	sadd.s32 $0x1, s0;
	s10 =	rddreg [dreg:$0x5]  }
0xd7: {  	p0 =	sne.s32 s0, s10  }
.Ltmp2:
0xd8: {  	_ = 	snop;
	(pc) =	sbr.rel @p0 .LBB2_1-.Ltmp2, $3  }
0xd9: {  	_ =	sdelay $0x1  }
0xda: {  	[sflag:s18] =	ssyncset.done $0x0  }
0xdb: {  	[sflag:s18] =	ssyncadd.s32 $0xFFFFD800  }
0xdc: {  	_ =	sfence.sel $0x180000  }
0xdd: {  	[bflag:$0x0] =	sbarrier.arrive $0xFFFF  }
0xde: {  	_ =	strace $0x90000047  }
0xdf: {  	s0 =	stileid.u32;
	[bflag:$0x2] =	sbarrier.arrive $0xFFFF  }
0xe0: {  	p0 =	sne.s32 s0, $0x0;
	s0 =	rddreg [dreg:$0x3]  }
0xe1: {  	s0 =	sadd.s32 @!p0 $0x100000, s0  }
0xe2: {  	[sflag:s0] =	ssyncadd.tile.s32 @!p0 $0x1;
	_ =	shalt  }
.Lfunc_end2:
_tile_overlayer_lowered:
.L_overlay_start_2:
0xe3: {  	(tag) =	ssettag $0x2  }
0xe4: {  	s0 =	rddreg [dreg:$0x0];
	s2 =	stileid.u32  }
0xe5: {  	s1 =	rddreg [dreg:$0x1];
	p0 =	sne.s32 s2, $0x0  }
0xe6: {  	s3 =	rddreg [dreg:$0x2];
	[bflag:$0x3] =	sbarrier.arrive $0xFFFF;
	s2 =	simm.s32 @!p0 $0x1C03  }
0xe7: {  	[timem:s3], [sflag:s2] =	dma.local @!p0 [hbm:s0], s1  }
0xe8: {  	s0 =	simm.s32 @!p0 $0x3  }
0xe9: {  	_ =	swait.ge @!p0 [sflag:s0], s1  }
0xea: {  	s1 =	ssub.s32 @!p0 $0x0, s1;
	[sflag:s0] =	ssyncset.done @!p0 $0x0  }
0xeb: {  	[sflag:s0] =	ssyncadd.s32 @!p0 s1  }
0xec: {  	[bflag:$0x3] =	sbarrier.arrive $0xFFFF  }
0xed: {  	_ =	shalt  }

</sc_bundles>
